<compile_context>
chip_gen: v7x
topology: tpu7x:2x2x1
jax: 0.10.2.dev20260603
libtpu: 0.0.44.dev20260713+nightly
codegen_flags: <defaults>
</compile_context>

<pallas_src>
import functools

import jax
import jax.numpy as jnp
from jax import lax
from jax.experimental import pallas as pl
from jax.experimental.pallas import tpu as pltpu
from jax.experimental.pallas import tpu_sc as plsc

C, H, W = 3, 512, 512
GH = GW = 8
TH = TW = 64
NB = 256
PIXELS = TH * TW
CLIP_VAL = 640.0
BAND = TH * W
LANES = 16
TROW = GW * NB
TYL = 5
N_BAND_CORE = C * TYL
QUARTER = BAND // 8
CHUNK_ROWS = 16
CHUNK_PX = CHUNK_ROWS * W

_mesh = plsc.VectorSubcoreMesh(
    core_axis_name="c", subcore_axis_name="s", num_cores=2, num_subcores=16
)
_params = pltpu.CompilerParams(needs_layout_passes=False)


def _floor_pos(x):
    return x.astype(jnp.int32).astype(jnp.float32)


def _lanes_f32():
    return lax.iota(jnp.int32, LANES).astype(jnp.float32)


def _lanes_i32():
    return lax.iota(jnp.int32, LANES)


@functools.partial(
    pl.kernel,
    out_type=jax.ShapeDtypeStruct((C * H * W,), jnp.float32),
    mesh=_mesh,
    compiler_params=_params,
    scratch_types=[
        pltpu.VMEM((BAND,), jnp.float32),
        pltpu.VMEM((2 * TROW,), jnp.float32),
        pltpu.VMEM((TROW,), jnp.float32),
        pltpu.VMEM((TROW,), jnp.float32),
        pltpu.VMEM_SHARED((N_BAND_CORE * TROW,), jnp.float32),
        pltpu.VMEM((C * 3 * TROW,), jnp.float32),
        pltpu.VMEM((CHUNK_PX,), jnp.float32),
        pltpu.VMEM((CHUNK_PX,), jnp.float32),
        pltpu.VMEM((CHUNK_PX,), jnp.float32),
        pltpu.VMEM((CHUNK_PX,), jnp.float32),
        pltpu.VMEM((CHUNK_PX,), jnp.float32),
        pltpu.VMEM((W,), jnp.int32),
        pltpu.VMEM((W,), jnp.float32),
        pltpu.SemaphoreType.DMA,
        pltpu.SemaphoreType.DMA,
        pltpu.SemaphoreType.DMA,
        pltpu.SemaphoreType.DMA,
        pltpu.SemaphoreType.DMA,
        pltpu.SemaphoreType.DMA,
        pltpu.SemaphoreType.DMA,
        pltpu.SemaphoreType.DMA,
        pltpu.SemaphoreType.DMA,
        pltpu.SemaphoreType.DMA,
        pltpu.SemaphoreType.DMA,
        pltpu.SemaphoreType.DMA,
        pltpu.SemaphoreType.DMA,
        pltpu.SemaphoreType.DMA,
    ],
)
def _clahe_kernel(img_hbm, mask_hbm, out_hbm,
                  band_v, hsub_v, hist_v, lut_v, lut_sh, lsl_v,
                  in_v0, in_v1, mask_v, out_v0, out_v1, xo_v, wx_v,
                  s0, s1, s2, s3, s4, s5, s6, s7, sm, si0, si1, sl, so0, so1):
    core = lax.axis_index("c")
    sid = lax.axis_index("s")
    in_b = [in_v0, in_v1]
    isems = [si0, si1]
    out_b = [out_v0, out_v1]
    osems = [so0, so1]

    g = sid + 16 * core

    mask_cp = pltpu.async_copy(
        mask_hbm.at[pl.ds(g * CHUNK_PX, CHUNK_PX)], mask_v, sm)
    img_cp0 = pltpu.async_copy(
        img_hbm.at[pl.ds(g * CHUNK_PX, CHUNK_PX)], in_v0, isems[0])

    @pl.when(sid < N_BAND_CORE)
    def _():
        cch = sid // TYL
        tyl = lax.rem(sid, TYL)
        ty = tyl + 3 * core
        band = cch * GH + ty
        sems = [s0, s1, s2, s3, s4, s5, s6, s7]
        copies = [
            pltpu.async_copy(
                img_hbm.at[pl.ds(band * BAND + q * QUARTER, QUARTER)],
                band_v.at[pl.ds(q * QUARTER, QUARTER)],
                sems[q],
            )
            for q in range(8)
        ]

        zeros = jnp.zeros((LANES,), jnp.float32)
        ones = jnp.ones((LANES,), jnp.float32)
        il = _lanes_i32()
        pix_patt = (il & 7) * TW + (il >> 3)
        hist_patt = (il >> 3) * TROW + (il & 7) * NB

        @plsc.parallel_loop(0, 2 * TROW // LANES, unroll=8)
        def zero_body(i):
            hsub_v[pl.ds(i * LANES, LANES)] = zeros

        for q in range(8):
            copies[q].wait()

            @plsc.parallel_loop(q * (QUARTER // LANES), (q + 1) * (QUARTER // LANES),
                                unroll=8)
            def hist_body(p):
                r = p >> 5
                j2 = p & 31
                base = r * W + j2 * 2
                px = plsc.load_gather(band_v, [pix_patt + jnp.full((LANES,), base, jnp.int32)])
                b = jnp.clip(px, 0.0, 255.0).astype(jnp.int32)
                plsc.addupdate_scatter(hsub_v, [hist_patt + b], ones)

        @plsc.parallel_loop(0, TROW // LANES, unroll=4)
        def merge_body(i):
            a = hsub_v[pl.ds(i * LANES, LANES)]
            b = hsub_v[pl.ds(TROW + i * LANES, LANES)]
            hist_v[pl.ds(i * LANES, LANES)] = jnp.minimum(a + b, CLIP_VAL)

        def tile_body(tx, carry):
            def sum_body(j, acc):
                return acc + hist_v[pl.ds(tx * NB + j * LANES, LANES)]

            sum_v = lax.fori_loop(0, NB // LANES, sum_body, zeros, unroll=4)
            total = jnp.full((LANES,), jnp.sum(sum_v))
            excess = jnp.float32(PIXELS) - total
            redist = _floor_pos(excess * jnp.float32(1.0 / NB))
            residual = excess - redist * jnp.float32(NB)

            def cum_body(j, carry_v):
                h = hist_v[pl.ds(tx * NB + j * LANES, LANES)]
                rng = _lanes_f32() + jnp.full((LANES,), j * LANES, jnp.float32)
                h2 = h + redist + jnp.where(rng < residual, 1.0, 0.0)
                cs = jnp.cumsum(h2) + carry_v
                lut_chunk = _floor_pos(
                    jnp.clip(cs * jnp.float32((NB - 1) / PIXELS), 0.0, jnp.float32(NB - 1))
                )
                lut_v[pl.ds(tx * NB + j * LANES, LANES)] = lut_chunk
                return carry_v + jnp.full((LANES,), jnp.sum(h2))

            lax.fori_loop(0, NB // LANES, cum_body, zeros, unroll=4)
            return carry

        lax.fori_loop(0, GW, tile_body, 0)
        pltpu.sync_copy(lut_v, lut_sh.at[pl.ds((cch * TYL + tyl) * TROW, TROW)])

    @plsc.parallel_loop(0, W // LANES, unroll=4)
    def xtab_body(xc):
        x = _lanes_f32() + jnp.full((LANES,), xc * LANES, jnp.float32)
        xx = (x + 0.5) * jnp.float32(1.0 / TW) - 0.5
        x0i = (xx + 8.0).astype(jnp.int32) - 8
        wx = xx - x0i.astype(jnp.float32)
        x0c = jnp.clip(x0i, 0, GW - 1)
        x1c = jnp.clip(x0i + 1, 0, GW - 1)
        xo_v[pl.ds(xc * LANES, LANES)] = x0c * NB | (x1c * NB) << 16
        wx_v[pl.ds(xc * LANES, LANES)] = wx

    plsc.subcore_barrier()

    num = 32 * g - 63
    a0 = jnp.where(num < 0, -1, num // 128)
    s_start = jnp.clip(a0, 3 * core, 3 * core + 2)
    sloc = s_start - 3 * core

    lut_cps = [
        pltpu.async_copy(
            lut_sh.at[pl.ds((k * TYL + sloc) * TROW, 3 * TROW)],
            lsl_v.at[pl.ds(k * 3 * TROW, 3 * TROW)],
            sl,
        )
        for k in range(C)
    ]
    for cp in lut_cps:
        cp.wait()
    mask_cp.wait()

    out_cps = [None, None, None]
    for k in range(C):
        buf = k % 2
        cid = k * 32 + g
        if k == 0:
            img_cp0.wait()
        if k == 2:
            out_cps[0].wait()
        out_v = out_b[buf]
        if k + 1 < C:
            ncp = pltpu.async_copy(
                img_hbm.at[pl.ds((cid + 32) * CHUNK_PX, CHUNK_PX)],
                in_b[1 - buf], isems[1 - buf])
        lim_v = in_b[buf]

        def row_body(r, carry_r):
            y = g * CHUNK_ROWS + r
            y_f = jnp.full((LANES,), y, jnp.int32).astype(jnp.float32)
            yy = (y_f + 0.5) * jnp.float32(1.0 / TH) - 0.5
            y0i = (yy + 8.0).astype(jnp.int32) - 8
            wy = yy - y0i.astype(jnp.float32)
            wyc = 1.0 - wy
            ks = jnp.full((LANES,), 3 * k - s_start, jnp.int32)
            base0 = (jnp.clip(y0i, 0, GH - 1) + ks) * TROW
            base1 = (jnp.clip(y0i + 1, 0, GH - 1) + ks) * TROW

            @plsc.parallel_loop(0, W // LANES, unroll=8)
            def x_body(xc):
                off = r * W + xc * LANES
                px = lim_v[pl.ds(off, LANES)]
                m = mask_v[pl.ds(off, LANES)]
                b = jnp.clip(px, 0.0, 255.0).astype(jnp.int32)
                xo = xo_v[pl.ds(xc * LANES, LANES)]
                wx = wx_v[pl.ds(xc * LANES, LANES)]
                a0x = b + (xo & 65535)
                a1x = b + (xo >> 16)
                v00 = plsc.load_gather(lsl_v, [base0 + a0x])
                v01 = plsc.load_gather(lsl_v, [base0 + a1x])
                v10 = plsc.load_gather(lsl_v, [base1 + a0x])
                v11 = plsc.load_gather(lsl_v, [base1 + a1x])
                wxc = 1.0 - wx
                interp = wyc * (wxc * v00 + wx * v01) + wy * (wxc * v10 + wx * v11)
                eq = interp / jnp.float32(255.0)
                res = _floor_pos(jnp.clip(eq * jnp.float32(255.0), 0.0, 255.0)) * m
                out_v[pl.ds(off, LANES)] = res

            return carry_r

        lax.fori_loop(0, CHUNK_ROWS, row_body, 0)
        if k + 1 < C:
            ncp.wait()
        out_cps[k] = pltpu.async_copy(
            out_v, out_hbm.at[pl.ds(cid * CHUNK_PX, CHUNK_PX)], osems[buf])

    out_cps[1].wait()
    out_cps[2].wait()


def kernel(image, label, keypoints, mask, probe):
    img_flat = image.reshape(-1)
    mask_flat = mask.reshape(-1)
    out_flat = _clahe_kernel(img_flat, mask_flat)
    new_image = out_flat.reshape(C, H, W)
    return (new_image, label, keypoints, mask, probe)

# --- scband reference (transcript-rebuilt; emitter-appended) ---
"""Pipeline reference for scband-clahetransform-23914377904404 (READ-ONLY COPY).

The authoritative reference and input builder live on the scoring server;
editing this copy changes nothing except your own understanding.
"""

import jax, jax.numpy as jnp
import numpy as np

GRID = (8, 8)
NUM_BINS = 256
CLIP_LIMIT = 40.0  # deterministic midpoint of uniform(30, 50) from the torch module


def _clahe(x, clip_limit, grid):
    # x: (C, H, W) in [0, 1]
    C, H, W = x.shape
    GH, GW = grid
    TH, TW = H // GH, W // GW
    pixels = TH * TW
    v = jnp.clip(jnp.floor(x * 255.0), 0.0, 255.0)
    bins = v.astype(jnp.int32)  # (C, H, W)
    # per-pixel tile id
    ty = jnp.arange(H) // TH
    tx = jnp.arange(W) // TW
    tile_id = ty[:, None] * GW + tx[None, :]  # (H, W)
    chan_id = jnp.arange(C)[:, None, None]  # (C,1,1)
    flat_id = (chan_id * (GH * GW) + tile_id[None]) * NUM_BINS + bins  # (C,H,W)
    hist = jnp.zeros((C * GH * GW * NUM_BINS,), jnp.float32).at[flat_id.reshape(-1)].add(1.0)
    hist = hist.reshape(C, GH * GW, NUM_BINS)
    # clip histogram and redistribute excess uniformly (CLAHE)
    clip_val = max(float(np.floor(clip_limit * pixels / NUM_BINS)), 1.0)
    clipped = jnp.minimum(hist, clip_val)
    excess = pixels - clipped.sum(-1, keepdims=True)  # (C, T, 1)
    residual = jnp.mod(excess, NUM_BINS)
    redist = (excess - residual) / NUM_BINS
    hist2 = clipped + redist
    rng = jnp.arange(NUM_BINS)[None, None, :]
    hist2 = hist2 + (rng < residual).astype(jnp.float32)
    # per-tile LUT from clipped CDF
    lut = jnp.floor(jnp.clip(jnp.cumsum(hist2, -1) * ((NUM_BINS - 1) / pixels), 0.0, NUM_BINS - 1))
    lut = lut.reshape(C, GH, GW, NUM_BINS)
    # bilinear interpolation between the 4 nearest tile LUTs
    yy = (jnp.arange(H) + 0.5) / TH - 0.5
    xx = (jnp.arange(W) + 0.5) / TW - 0.5
    y0 = jnp.floor(yy)
    x0 = jnp.floor(xx)
    wy = (yy - y0)[None, :, None]
    wx = (xx - x0)[None, None, :]
    y0i = jnp.clip(y0.astype(jnp.int32), 0, GH - 1)
    y1i = jnp.clip(y0.astype(jnp.int32) + 1, 0, GH - 1)
    x0i = jnp.clip(x0.astype(jnp.int32), 0, GW - 1)
    x1i = jnp.clip(x0.astype(jnp.int32) + 1, 0, GW - 1)
    c = jnp.arange(C)[:, None, None]
    Y0 = y0i[None, :, None]
    Y1 = y1i[None, :, None]
    X0 = x0i[None, None, :]
    X1 = x1i[None, None, :]
    v00 = lut[c, Y0, X0, bins]
    v01 = lut[c, Y0, X1, bins]
    v10 = lut[c, Y1, X0, bins]
    v11 = lut[c, Y1, X1, bins]
    out = (1.0 - wy) * ((1.0 - wx) * v00 + wx * v01) + wy * ((1.0 - wx) * v10 + wx * v11)
    return out / 255.0


def setup_inputs(seed: int = 0) -> dict:
    key = jax.random.key(seed)
    k1, k2, k3, k4, k5 = jax.random.split(key, 5)
    image = jax.random.randint(k1, (3, 512, 512), 0, 256).astype(jnp.float32)
    label = jax.random.randint(k2, (1,), 0, 1000)
    keypoints = jax.random.uniform(k3, (8,), dtype=jnp.float32) * 512.0
    mask = jax.random.randint(k4, (1, 512, 512), 0, 2).astype(jnp.float32)
    probe = jax.random.randint(k5, (1,), 0, 4)
    return {"image": image, "label": label, "keypoints": keypoints, "mask": mask, "probe": probe}


def reference(image, label, keypoints, mask, probe):
    x = image / 255.0
    eq = _clahe(x, CLIP_LIMIT, GRID)
    # emulate (eq * 255).to(torch.uint8): truncation, kept as float32
    new_image = jnp.floor(jnp.clip(eq * 255.0, 0.0, 255.0))
    new_image = new_image * mask
    return (new_image, label, keypoints, mask, probe)

if __name__ == "__main__":
    import jax
    _d = setup_inputs()
    print(jax.jit(kernel)(*tuple(_d.values())))

</pallas_src>

<mosaic_0001>
#map = affine_map<(d0, d1) -> (0)>
module attributes {stable_mosaic.version = 14 : i64} {
  func.func @_clahe_kernel(%arg0: i32, %arg1: i32, %arg2: memref<786432xf32, #tpu.memory_space<hbm>>, %arg3: memref<262144xf32, #tpu.memory_space<hbm>>, %arg4: memref<786432xf32, #tpu.memory_space<hbm>>, %arg5: memref<32768xf32, #tpu.memory_space<vmem>>, %arg6: memref<4096xf32, #tpu.memory_space<vmem>>, %arg7: memref<2048xf32, #tpu.memory_space<vmem>>, %arg8: memref<2048xf32, #tpu.memory_space<vmem>>, %arg9: memref<30720xf32, #tpu.memory_space<vmem_shared>>, %arg10: memref<18432xf32, #tpu.memory_space<vmem>>, %arg11: memref<8192xf32, #tpu.memory_space<vmem>>, %arg12: memref<8192xf32, #tpu.memory_space<vmem>>, %arg13: memref<8192xf32, #tpu.memory_space<vmem>>, %arg14: memref<8192xf32, #tpu.memory_space<vmem>>, %arg15: memref<8192xf32, #tpu.memory_space<vmem>>, %arg16: memref<512xi32, #tpu.memory_space<vmem>>, %arg17: memref<512xf32, #tpu.memory_space<vmem>>, %arg18: memref<!tpu.dma_semaphore, #tpu.memory_space<semaphore_mem>>, %arg19: memref<!tpu.dma_semaphore, #tpu.memory_space<semaphore_mem>>, %arg20: memref<!tpu.dma_semaphore, #tpu.memory_space<semaphore_mem>>, %arg21: memref<!tpu.dma_semaphore, #tpu.memory_space<semaphore_mem>>, %arg22: memref<!tpu.dma_semaphore, #tpu.memory_space<semaphore_mem>>, %arg23: memref<!tpu.dma_semaphore, #tpu.memory_space<semaphore_mem>>, %arg24: memref<!tpu.dma_semaphore, #tpu.memory_space<semaphore_mem>>, %arg25: memref<!tpu.dma_semaphore, #tpu.memory_space<semaphore_mem>>, %arg26: memref<!tpu.dma_semaphore, #tpu.memory_space<semaphore_mem>>, %arg27: memref<!tpu.dma_semaphore, #tpu.memory_space<semaphore_mem>>, %arg28: memref<!tpu.dma_semaphore, #tpu.memory_space<semaphore_mem>>, %arg29: memref<!tpu.dma_semaphore, #tpu.memory_space<semaphore_mem>>, %arg30: memref<!tpu.dma_semaphore, #tpu.memory_space<semaphore_mem>>, %arg31: memref<!tpu.dma_semaphore, #tpu.memory_space<semaphore_mem>>) attributes {dimension_semantics = [#tpu.dimension_semantics<core_parallel>, #tpu.dimension_semantics<subcore_parallel>], iteration_bounds = array<i64: 2, 16>, scalar_prefetch = 0 : i64, scratch_operands = 27 : i64, tpu.core_type = #tpu.core_type<sc_vector_subcore>, window_params = [{transform_indices = #map}, {transform_indices = #map}, {transform_indices = #map}]} {
    %mul3A = arith.constant 16 : i32
    %mul3A_0 = arith.muli %mul3A, %arg0 : i32
    %add3A = arith.addi %arg1, %mul3A_0 : i32
    %mul3A_1 = arith.constant 8192 : i32
    %mul3A_2 = arith.muli %add3A, %mul3A_1 : i32
    %dma_start3A = tpu.memref_slice %arg3[%mul3A_2] : memref<262144xf32, #tpu.memory_space<hbm>> -> memref<8192xf32, #tpu.memory_space<hbm>>
    %dma_start3A_3 = tpu.memref_slice %arg3[%mul3A_2] : memref<262144xf32, #tpu.memory_space<hbm>> -> memref<8192xf32, #tpu.memory_space<hbm>>
    tpu.enqueue_dma source(%dma_start3A_3 : memref<8192xf32, #tpu.memory_space<hbm>>) target(%arg13 : memref<8192xf32, #tpu.memory_space<vmem>>) target_semaphore(%arg26 : memref<!tpu.dma_semaphore, #tpu.memory_space<semaphore_mem>>)
    %mul3A_4 = arith.constant 8192 : i32
    %mul3A_5 = arith.muli %add3A, %mul3A_4 : i32
    %dma_start3A_6 = tpu.memref_slice %arg2[%mul3A_5] : memref<786432xf32, #tpu.memory_space<hbm>> -> memref<8192xf32, #tpu.memory_space<hbm>>
    %dma_start3A_7 = tpu.memref_slice %arg2[%mul3A_5] : memref<786432xf32, #tpu.memory_space<hbm>> -> memref<8192xf32, #tpu.memory_space<hbm>>
    tpu.enqueue_dma source(%dma_start3A_7 : memref<8192xf32, #tpu.memory_space<hbm>>) target(%arg11 : memref<8192xf32, #tpu.memory_space<vmem>>) target_semaphore(%arg27 : memref<!tpu.dma_semaphore, #tpu.memory_space<semaphore_mem>>)
    %lt3A = arith.constant 15 : i32
    %lt3A_8 = arith.cmpi slt, %arg1, %lt3A : i32
    %convert_element_type3A = arith.extui %lt3A_8 : i1 to i32
    %cond3A = arith.constant 0 : i32
    %cond3A_9 = arith.cmpi ne, %convert_element_type3A, %cond3A : i32
    scf.if %cond3A_9 {
      %jit3A_153 = arith.constant 5 : i32
      %div3A_154 = arith.divsi %arg1, %jit3A_153 : i32
      %sign3A_155 = arith.constant 0 : i32
      %sign3A_156 = arith.cmpi sgt, %arg1, %sign3A_155 : i32
      %sign3A_157 = arith.extui %sign3A_156 : i1 to i32
      %sign3A_158 = arith.constant 0 : i32
      %sign3A_159 = arith.cmpi slt, %arg1, %sign3A_158 : i32
      %sign3A_160 = arith.extui %sign3A_159 : i1 to i32
      %sign3A_161 = arith.subi %sign3A_157, %sign3A_160 : i32
      %sign3A_162 = arith.constant 0 : i32
      %sign3A_163 = arith.cmpi sgt, %jit3A_153, %sign3A_162 : i32
      %sign3A_164 = arith.extui %sign3A_163 : i1 to i32
      %sign3A_165 = arith.constant 0 : i32
      %sign3A_166 = arith.cmpi slt, %jit3A_153, %sign3A_165 : i32
      %sign3A_167 = arith.extui %sign3A_166 : i1 to i32
      %sign3A_168 = arith.subi %sign3A_164, %sign3A_167 : i32
      %ne3A_169 = arith.cmpi ne, %sign3A_161, %sign3A_168 : i32
      %rem3A_170 = arith.remsi %arg1, %jit3A_153 : i32
      %ne3A_171 = arith.constant 0 : i32
      %ne3A_172 = arith.cmpi ne, %rem3A_170, %ne3A_171 : i32
      %and3A_173 = arith.andi %ne3A_169, %ne3A_172 : i1
      %sub3A_174 = arith.constant 1 : i32
      %sub3A_175 = arith.subi %div3A_154, %sub3A_174 : i32
      %select_n3A_176 = arith.select %and3A_173, %sub3A_175, %div3A_154 : i32
      %rem3A_177 = arith.constant 5 : i32
      %rem3A_178 = arith.remsi %arg1, %rem3A_177 : i32
      %mul3A_179 = arith.constant 3 : i32
      %mul3A_180 = arith.muli %mul3A_179, %arg0 : i32
      %add3A_181 = arith.addi %rem3A_178, %mul3A_180 : i32
      %mul3A_182 = arith.constant 8 : i32
      %mul3A_183 = arith.muli %select_n3A_176, %mul3A_182 : i32
      %add3A_184 = arith.addi %mul3A_183, %add3A_181 : i32
      %mul3A_185 = arith.constant 32768 : i32
      %mul3A_186 = arith.muli %add3A_184, %mul3A_185 : i32
      %add3A_187 = arith.constant 0 : i32
      %add3A_188 = arith.addi %mul3A_186, %add3A_187 : i32
      %dma_start3A_189 = arith.constant 0 : i32
      %dma_start3A_190 = tpu.memref_slice %arg5[%dma_start3A_189] : memref<32768xf32, #tpu.memory_space<vmem>> -> memref<4096xf32, #tpu.memory_space<vmem>>
      %dma_start3A_191 = tpu.memref_slice %arg2[%add3A_188] : memref<786432xf32, #tpu.memory_space<hbm>> -> memref<4096xf32, #tpu.memory_space<hbm>>
      %dma_start3A_192 = arith.constant 0 : i32
      %dma_start3A_193 = tpu.memref_slice %arg5[%dma_start3A_192] : memref<32768xf32, #tpu.memory_space<vmem>> -> memref<4096xf32, #tpu.memory_space<vmem>>
      %dma_start3A_194 = tpu.memref_slice %arg2[%add3A_188] : memref<786432xf32, #tpu.memory_space<hbm>> -> memref<4096xf32, #tpu.memory_space<hbm>>
      tpu.enqueue_dma source(%dma_start3A_194 : memref<4096xf32, #tpu.memory_space<hbm>>) target(%dma_start3A_193 : memref<4096xf32, #tpu.memory_space<vmem>>) target_semaphore(%arg18 : memref<!tpu.dma_semaphore, #tpu.memory_space<semaphore_mem>>)
      %mul3A_195 = arith.constant 32768 : i32
      %mul3A_196 = arith.muli %add3A_184, %mul3A_195 : i32
      %add3A_197 = arith.constant 4096 : i32
      %add3A_198 = arith.addi %mul3A_196, %add3A_197 : i32
      %dma_start3A_199 = arith.constant 4096 : i32
      %dma_start3A_200 = tpu.memref_slice %arg5[%dma_start3A_199] : memref<32768xf32, #tpu.memory_space<vmem>> -> memref<4096xf32, #tpu.memory_space<vmem>>
      %dma_start3A_201 = tpu.memref_slice %arg2[%add3A_198] : memref<786432xf32, #tpu.memory_space<hbm>> -> memref<4096xf32, #tpu.memory_space<hbm>>
      %dma_start3A_202 = arith.constant 4096 : i32
      %dma_start3A_203 = tpu.memref_slice %arg5[%dma_start3A_202] : memref<32768xf32, #tpu.memory_space<vmem>> -> memref<4096xf32, #tpu.memory_space<vmem>>
      %dma_start3A_204 = tpu.memref_slice %arg2[%add3A_198] : memref<786432xf32, #tpu.memory_space<hbm>> -> memref<4096xf32, #tpu.memory_space<hbm>>
      tpu.enqueue_dma source(%dma_start3A_204 : memref<4096xf32, #tpu.memory_space<hbm>>) target(%dma_start3A_203 : memref<4096xf32, #tpu.memory_space<vmem>>) target_semaphore(%arg19 : memref<!tpu.dma_semaphore, #tpu.memory_space<semaphore_mem>>)
      %mul3A_205 = arith.constant 32768 : i32
      %mul3A_206 = arith.muli %add3A_184, %mul3A_205 : i32
      %add3A_207 = arith.constant 8192 : i32
      %add3A_208 = arith.addi %mul3A_206, %add3A_207 : i32
      %dma_start3A_209 = arith.constant 8192 : i32
      %dma_start3A_210 = tpu.memref_slice %arg5[%dma_start3A_209] : memref<32768xf32, #tpu.memory_space<vmem>> -> memref<4096xf32, #tpu.memory_space<vmem>>
      %dma_start3A_211 = tpu.memref_slice %arg2[%add3A_208] : memref<786432xf32, #tpu.memory_space<hbm>> -> memref<4096xf32, #tpu.memory_space<hbm>>
      %dma_start3A_212 = arith.constant 8192 : i32
      %dma_start3A_213 = tpu.memref_slice %arg5[%dma_start3A_212] : memref<32768xf32, #tpu.memory_space<vmem>> -> memref<4096xf32, #tpu.memory_space<vmem>>
      %dma_start3A_214 = tpu.memref_slice %arg2[%add3A_208] : memref<786432xf32, #tpu.memory_space<hbm>> -> memref<4096xf32, #tpu.memory_space<hbm>>
      tpu.enqueue_dma source(%dma_start3A_214 : memref<4096xf32, #tpu.memory_space<hbm>>) target(%dma_start3A_213 : memref<4096xf32, #tpu.memory_space<vmem>>) target_semaphore(%arg20 : memref<!tpu.dma_semaphore, #tpu.memory_space<semaphore_mem>>)
      %mul3A_215 = arith.constant 32768 : i32
      %mul3A_216 = arith.muli %add3A_184, %mul3A_215 : i32
      %add3A_217 = arith.constant 12288 : i32
      %add3A_218 = arith.addi %mul3A_216, %add3A_217 : i32
      %dma_start3A_219 = arith.constant 12288 : i32
      %dma_start3A_220 = tpu.memref_slice %arg5[%dma_start3A_219] : memref<32768xf32, #tpu.memory_space<vmem>> -> memref<4096xf32, #tpu.memory_space<vmem>>
      %dma_start3A_221 = tpu.memref_slice %arg2[%add3A_218] : memref<786432xf32, #tpu.memory_space<hbm>> -> memref<4096xf32, #tpu.memory_space<hbm>>
      %dma_start3A_222 = arith.constant 12288 : i32
      %dma_start3A_223 = tpu.memref_slice %arg5[%dma_start3A_222] : memref<32768xf32, #tpu.memory_space<vmem>> -> memref<4096xf32, #tpu.memory_space<vmem>>
      %dma_start3A_224 = tpu.memref_slice %arg2[%add3A_218] : memref<786432xf32, #tpu.memory_space<hbm>> -> memref<4096xf32, #tpu.memory_space<hbm>>
      tpu.enqueue_dma source(%dma_start3A_224 : memref<4096xf32, #tpu.memory_space<hbm>>) target(%dma_start3A_223 : memref<4096xf32, #tpu.memory_space<vmem>>) target_semaphore(%arg21 : memref<!tpu.dma_semaphore, #tpu.memory_space<semaphore_mem>>)
      %mul3A_225 = arith.constant 32768 : i32
      %mul3A_226 = arith.muli %add3A_184, %mul3A_225 : i32
      %add3A_227 = arith.constant 16384 : i32
      %add3A_228 = arith.addi %mul3A_226, %add3A_227 : i32
      %dma_start3A_229 = arith.constant 16384 : i32
      %dma_start3A_230 = tpu.memref_slice %arg5[%dma_start3A_229] : memref<32768xf32, #tpu.memory_space<vmem>> -> memref<4096xf32, #tpu.memory_space<vmem>>
      %dma_start3A_231 = tpu.memref_slice %arg2[%add3A_228] : memref<786432xf32, #tpu.memory_space<hbm>> -> memref<4096xf32, #tpu.memory_space<hbm>>
      %dma_start3A_232 = arith.constant 16384 : i32
      %dma_start3A_233 = tpu.memref_slice %arg5[%dma_start3A_232] : memref<32768xf32, #tpu.memory_space<vmem>> -> memref<4096xf32, #tpu.memory_space<vmem>>
      %dma_start3A_234 = tpu.memref_slice %arg2[%add3A_228] : memref<786432xf32, #tpu.memory_space<hbm>> -> memref<4096xf32, #tpu.memory_space<hbm>>
      tpu.enqueue_dma source(%dma_start3A_234 : memref<4096xf32, #tpu.memory_space<hbm>>) target(%dma_start3A_233 : memref<4096xf32, #tpu.memory_space<vmem>>) target_semaphore(%arg22 : memref<!tpu.dma_semaphore, #tpu.memory_space<semaphore_mem>>)
      %mul3A_235 = arith.constant 32768 : i32
      %mul3A_236 = arith.muli %add3A_184, %mul3A_235 : i32
      %add3A_237 = arith.constant 20480 : i32
      %add3A_238 = arith.addi %mul3A_236, %add3A_237 : i32
      %dma_start3A_239 = arith.constant 20480 : i32
      %dma_start3A_240 = tpu.memref_slice %arg5[%dma_start3A_239] : memref<32768xf32, #tpu.memory_space<vmem>> -> memref<4096xf32, #tpu.memory_space<vmem>>
      %dma_start3A_241 = tpu.memref_slice %arg2[%add3A_238] : memref<786432xf32, #tpu.memory_space<hbm>> -> memref<4096xf32, #tpu.memory_space<hbm>>
      %dma_start3A_242 = arith.constant 20480 : i32
      %dma_start3A_243 = tpu.memref_slice %arg5[%dma_start3A_242] : memref<32768xf32, #tpu.memory_space<vmem>> -> memref<4096xf32, #tpu.memory_space<vmem>>
      %dma_start3A_244 = tpu.memref_slice %arg2[%add3A_238] : memref<786432xf32, #tpu.memory_space<hbm>> -> memref<4096xf32, #tpu.memory_space<hbm>>
      tpu.enqueue_dma source(%dma_start3A_244 : memref<4096xf32, #tpu.memory_space<hbm>>) target(%dma_start3A_243 : memref<4096xf32, #tpu.memory_space<vmem>>) target_semaphore(%arg23 : memref<!tpu.dma_semaphore, #tpu.memory_space<semaphore_mem>>)
      %mul3A_245 = arith.constant 32768 : i32
      %mul3A_246 = arith.muli %add3A_184, %mul3A_245 : i32
      %add3A_247 = arith.constant 24576 : i32
      %add3A_248 = arith.addi %mul3A_246, %add3A_247 : i32
      %dma_start3A_249 = arith.constant 24576 : i32
      %dma_start3A_250 = tpu.memref_slice %arg5[%dma_start3A_249] : memref<32768xf32, #tpu.memory_space<vmem>> -> memref<4096xf32, #tpu.memory_space<vmem>>
      %dma_start3A_251 = tpu.memref_slice %arg2[%add3A_248] : memref<786432xf32, #tpu.memory_space<hbm>> -> memref<4096xf32, #tpu.memory_space<hbm>>
      %dma_start3A_252 = arith.constant 24576 : i32
      %dma_start3A_253 = tpu.memref_slice %arg5[%dma_start3A_252] : memref<32768xf32, #tpu.memory_space<vmem>> -> memref<4096xf32, #tpu.memory_space<vmem>>
      %dma_start3A_254 = tpu.memref_slice %arg2[%add3A_248] : memref<786432xf32, #tpu.memory_space<hbm>> -> memref<4096xf32, #tpu.memory_space<hbm>>
      tpu.enqueue_dma source(%dma_start3A_254 : memref<4096xf32, #tpu.memory_space<hbm>>) target(%dma_start3A_253 : memref<4096xf32, #tpu.memory_space<vmem>>) target_semaphore(%arg24 : memref<!tpu.dma_semaphore, #tpu.memory_space<semaphore_mem>>)
      %mul3A_255 = arith.constant 32768 : i32
      %mul3A_256 = arith.muli %add3A_184, %mul3A_255 : i32
      %add3A_257 = arith.constant 28672 : i32
      %add3A_258 = arith.addi %mul3A_256, %add3A_257 : i32
      %dma_start3A_259 = arith.constant 28672 : i32
      %dma_start3A_260 = tpu.memref_slice %arg5[%dma_start3A_259] : memref<32768xf32, #tpu.memory_space<vmem>> -> memref<4096xf32, #tpu.memory_space<vmem>>
      %dma_start3A_261 = tpu.memref_slice %arg2[%add3A_258] : memref<786432xf32, #tpu.memory_space<hbm>> -> memref<4096xf32, #tpu.memory_space<hbm>>
      %dma_start3A_262 = arith.constant 28672 : i32
      %dma_start3A_263 = tpu.memref_slice %arg5[%dma_start3A_262] : memref<32768xf32, #tpu.memory_space<vmem>> -> memref<4096xf32, #tpu.memory_space<vmem>>
      %dma_start3A_264 = tpu.memref_slice %arg2[%add3A_258] : memref<786432xf32, #tpu.memory_space<hbm>> -> memref<4096xf32, #tpu.memory_space<hbm>>
      tpu.enqueue_dma source(%dma_start3A_264 : memref<4096xf32, #tpu.memory_space<hbm>>) target(%dma_start3A_263 : memref<4096xf32, #tpu.memory_space<vmem>>) target_semaphore(%arg25 : memref<!tpu.dma_semaphore, #tpu.memory_space<semaphore_mem>>)
      %broadcast_in_dim3A = arith.constant 0.000000e+00 : f32
      %broadcast_in_dim3A_265 = vector.broadcast %broadcast_in_dim3A : f32 to vector<16xf32>
      %broadcast_in_dim3A_266 = arith.constant 1.000000e+00 : f32
      %broadcast_in_dim3A_267 = vector.broadcast %broadcast_in_dim3A_266 : f32 to vector<16xf32>
      %iota3A = tpu.iota {dimensions = array<i32: 0>} : vector<16xi32>
      %and3A_268 = arith.constant 7 : i32
      %and3A_269 = vector.broadcast %and3A_268 : i32 to vector<16xi32>
      %and3A_270 = arith.andi %iota3A, %and3A_269 : vector<16xi32>
      %mul3A_271 = arith.constant 64 : i32
      %mul3A_272 = vector.broadcast %mul3A_271 : i32 to vector<16xi32>
      %mul3A_273 = arith.muli %and3A_270, %mul3A_272 : vector<16xi32>
      %shift_right_arithmetic3A = arith.constant 3 : i32
      %shift_right_arithmetic3A_274 = vector.broadcast %shift_right_arithmetic3A : i32 to vector<16xi32>
      %shift_right_arithmetic3A_275 = arith.shrsi %iota3A, %shift_right_arithmetic3A_274 : vector<16xi32>
      %add3A_276 = arith.addi %mul3A_273, %shift_right_arithmetic3A_275 : vector<16xi32>
      %shift_right_arithmetic3A_277 = arith.constant 3 : i32
      %shift_right_arithmetic3A_278 = vector.broadcast %shift_right_arithmetic3A_277 : i32 to vector<16xi32>
      %shift_right_arithmetic3A_279 = arith.shrsi %iota3A, %shift_right_arithmetic3A_278 : vector<16xi32>
      %mul3A_280 = arith.constant 2048 : i32
      %mul3A_281 = vector.broadcast %mul3A_280 : i32 to vector<16xi32>
      %mul3A_282 = arith.muli %shift_right_arithmetic3A_279, %mul3A_281 : vector<16xi32>
      %and3A_283 = arith.constant 7 : i32
      %and3A_284 = vector.broadcast %and3A_283 : i32 to vector<16xi32>
      %and3A_285 = arith.andi %iota3A, %and3A_284 : vector<16xi32>
      %mul3A_286 = arith.constant 256 : i32
      %mul3A_287 = vector.broadcast %mul3A_286 : i32 to vector<16xi32>
      %mul3A_288 = arith.muli %and3A_285, %mul3A_287 : vector<16xi32>
      %add3A_289 = arith.addi %mul3A_282, %mul3A_288 : vector<16xi32>
      %parallel_loop3A_290 = arith.constant 0 : i32
      %parallel_loop3A_291 = arith.constant 256 : i32
      %parallel_loop3A_292 = arith.constant 1 : i32
      scf.for %parallel_loop3A_379 = %parallel_loop3A_290 to %parallel_loop3A_291 step %parallel_loop3A_292  : i32 {
        %parallel_loop3A_380 = arith.constant 16 : i32
        %parallel_loop3A_381 = arith.muli %parallel_loop3A_379, %parallel_loop3A_380 : i32
        %parallel_loop3A_382 = arith.index_cast %parallel_loop3A_381 : i32 to index
        %parallel_loop3A_383 = tpu.vector_load %arg6[%parallel_loop3A_382] {strides = array<i32>} : memref<4096xf32, #tpu.memory_space<vmem>>, vector<16xf32>,
        tpu.vector_store %arg6[%parallel_loop3A_382], %broadcast_in_dim3A_265 {strides = array<i32>} : memref<4096xf32, #tpu.memory_space<vmem>>, vector<16xf32>,
      } {sc.loop_unroll_factor = 8 : i64, sc.parallel_access}
      %dma_wait3A_293 = arith.constant 0 : i32
      %dma_wait3A_294 = tpu.memref_slice %arg5[%dma_wait3A_293] : memref<32768xf32, #tpu.memory_space<vmem>> -> memref<4096xf32, #tpu.memory_space<vmem>>
      %dma_wait3A_295 = tpu.memref_slice %arg2[%add3A_188] : memref<786432xf32, #tpu.memory_space<hbm>> -> memref<4096xf32, #tpu.memory_space<hbm>>
      %dma_wait3A_296 = arith.constant 0 : i32
      %dma_wait3A_297 = tpu.memref_slice %arg5[%dma_wait3A_296] : memref<32768xf32, #tpu.memory_space<vmem>> -> memref<4096xf32, #tpu.memory_space<vmem>>
      %dma_wait3A_298 = tpu.memref_slice %arg2[%add3A_188] : memref<786432xf32, #tpu.memory_space<hbm>> -> memref<4096xf32, #tpu.memory_space<hbm>>
      tpu.wait_dma2 semaphore(%arg18 : memref<!tpu.dma_semaphore, #tpu.memory_space<semaphore_mem>>) src(%dma_wait3A_298 : memref<4096xf32, #tpu.memory_space<hbm>>) dst(%dma_wait3A_297 : memref<4096xf32, #tpu.memory_space<vmem>>)
      %parallel_loop3A_299 = arith.constant 0 : i32
      %parallel_loop3A_300 = arith.constant 256 : i32
      %parallel_loop3A_301 = arith.constant 1 : i32
      scf.for %parallel_loop3A_379 = %parallel_loop3A_299 to %parallel_loop3A_300 step %parallel_loop3A_301  : i32 {
        %parallel_loop3A_380 = arith.constant 5 : i32
        %parallel_loop3A_381 = arith.shrsi %parallel_loop3A_379, %parallel_loop3A_380 : i32
        %parallel_loop3A_382 = arith.constant 31 : i32
        %parallel_loop3A_383 = arith.andi %parallel_loop3A_379, %parallel_loop3A_382 : i32
        %parallel_loop3A_384 = arith.constant 512 : i32
        %parallel_loop3A_385 = arith.muli %parallel_loop3A_381, %parallel_loop3A_384 : i32
        %parallel_loop3A_386 = arith.constant 2 : i32
        %parallel_loop3A_387 = arith.muli %parallel_loop3A_383, %parallel_loop3A_386 : i32
        %parallel_loop3A_388 = arith.addi %parallel_loop3A_385, %parallel_loop3A_387 : i32
        %parallel_loop3A_389 = vector.broadcast %parallel_loop3A_388 : i32 to vector<16xi32>
        %parallel_loop3A_390 = arith.addi %add3A_276, %parallel_loop3A_389 : vector<16xi32>
        %parallel_loop3A_391 = tpu.vector_load_idx %arg5[%parallel_loop3A_390] : memref<32768xf32, #tpu.memory_space<vmem>>[vector<16xi32>], vector<16xf32>,
        %parallel_loop3A_392 = arith.constant 0.000000e+00 : f32
        %parallel_loop3A_393 = arith.constant 2.550000e+02 : f32
        %parallel_loop3A_394 = vector.broadcast %parallel_loop3A_392 : f32 to vector<16xf32>
        %parallel_loop3A_395 = arith.maximumf %parallel_loop3A_394, %parallel_loop3A_391 : vector<16xf32>
        %parallel_loop3A_396 = vector.broadcast %parallel_loop3A_393 : f32 to vector<16xf32>
        %parallel_loop3A_397 = arith.minimumf %parallel_loop3A_396, %parallel_loop3A_395 : vector<16xf32>
        %parallel_loop3A_398 = arith.fptosi %parallel_loop3A_397 : vector<16xf32> to vector<16xi32>
        %parallel_loop3A_399 = arith.addi %add3A_289, %parallel_loop3A_398 : vector<16xi32>
        tpu.vector_store_idx %arg6[%parallel_loop3A_399], %broadcast_in_dim3A_267 {add = true} : memref<4096xf32, #tpu.memory_space<vmem>>[vector<16xi32>], vector<16xf32>,
      } {sc.loop_unroll_factor = 8 : i64, sc.parallel_access}
      %dma_wait3A_302 = arith.constant 4096 : i32
      %dma_wait3A_303 = tpu.memref_slice %arg5[%dma_wait3A_302] : memref<32768xf32, #tpu.memory_space<vmem>> -> memref<4096xf32, #tpu.memory_space<vmem>>
      %dma_wait3A_304 = tpu.memref_slice %arg2[%add3A_198] : memref<786432xf32, #tpu.memory_space<hbm>> -> memref<4096xf32, #tpu.memory_space<hbm>>
      %dma_wait3A_305 = arith.constant 4096 : i32
      %dma_wait3A_306 = tpu.memref_slice %arg5[%dma_wait3A_305] : memref<32768xf32, #tpu.memory_space<vmem>> -> memref<4096xf32, #tpu.memory_space<vmem>>
      %dma_wait3A_307 = tpu.memref_slice %arg2[%add3A_198] : memref<786432xf32, #tpu.memory_space<hbm>> -> memref<4096xf32, #tpu.memory_space<hbm>>
      tpu.wait_dma2 semaphore(%arg19 : memref<!tpu.dma_semaphore, #tpu.memory_space<semaphore_mem>>) src(%dma_wait3A_307 : memref<4096xf32, #tpu.memory_space<hbm>>) dst(%dma_wait3A_306 : memref<4096xf32, #tpu.memory_space<vmem>>)
      %parallel_loop3A_308 = arith.constant 256 : i32
      %parallel_loop3A_309 = arith.constant 512 : i32
      %parallel_loop3A_310 = arith.constant 1 : i32
      scf.for %parallel_loop3A_379 = %parallel_loop3A_308 to %parallel_loop3A_309 step %parallel_loop3A_310  : i32 {
        %parallel_loop3A_380 = arith.constant 5 : i32
        %parallel_loop3A_381 = arith.shrsi %parallel_loop3A_379, %parallel_loop3A_380 : i32
        %parallel_loop3A_382 = arith.constant 31 : i32
        %parallel_loop3A_383 = arith.andi %parallel_loop3A_379, %parallel_loop3A_382 : i32
        %parallel_loop3A_384 = arith.constant 512 : i32
        %parallel_loop3A_385 = arith.muli %parallel_loop3A_381, %parallel_loop3A_384 : i32
        %parallel_loop3A_386 = arith.constant 2 : i32
        %parallel_loop3A_387 = arith.muli %parallel_loop3A_383, %parallel_loop3A_386 : i32
        %parallel_loop3A_388 = arith.addi %parallel_loop3A_385, %parallel_loop3A_387 : i32
        %parallel_loop3A_389 = vector.broadcast %parallel_loop3A_388 : i32 to vector<16xi32>
        %parallel_loop3A_390 = arith.addi %add3A_276, %parallel_loop3A_389 : vector<16xi32>
        %parallel_loop3A_391 = tpu.vector_load_idx %arg5[%parallel_loop3A_390] : memref<32768xf32, #tpu.memory_space<vmem>>[vector<16xi32>], vector<16xf32>,
        %parallel_loop3A_392 = arith.constant 0.000000e+00 : f32
        %parallel_loop3A_393 = arith.constant 2.550000e+02 : f32
        %parallel_loop3A_394 = vector.broadcast %parallel_loop3A_392 : f32 to vector<16xf32>
        %parallel_loop3A_395 = arith.maximumf %parallel_loop3A_394, %parallel_loop3A_391 : vector<16xf32>
        %parallel_loop3A_396 = vector.broadcast %parallel_loop3A_393 : f32 to vector<16xf32>
        %parallel_loop3A_397 = arith.minimumf %parallel_loop3A_396, %parallel_loop3A_395 : vector<16xf32>
        %parallel_loop3A_398 = arith.fptosi %parallel_loop3A_397 : vector<16xf32> to vector<16xi32>
        %parallel_loop3A_399 = arith.addi %add3A_289, %parallel_loop3A_398 : vector<16xi32>
        tpu.vector_store_idx %arg6[%parallel_loop3A_399], %broadcast_in_dim3A_267 {add = true} : memref<4096xf32, #tpu.memory_space<vmem>>[vector<16xi32>], vector<16xf32>,
      } {sc.loop_unroll_factor = 8 : i64, sc.parallel_access}
      %dma_wait3A_311 = arith.constant 8192 : i32
      %dma_wait3A_312 = tpu.memref_slice %arg5[%dma_wait3A_311] : memref<32768xf32, #tpu.memory_space<vmem>> -> memref<4096xf32, #tpu.memory_space<vmem>>
      %dma_wait3A_313 = tpu.memref_slice %arg2[%add3A_208] : memref<786432xf32, #tpu.memory_space<hbm>> -> memref<4096xf32, #tpu.memory_space<hbm>>
      %dma_wait3A_314 = arith.constant 8192 : i32
      %dma_wait3A_315 = tpu.memref_slice %arg5[%dma_wait3A_314] : memref<32768xf32, #tpu.memory_space<vmem>> -> memref<4096xf32, #tpu.memory_space<vmem>>
      %dma_wait3A_316 = tpu.memref_slice %arg2[%add3A_208] : memref<786432xf32, #tpu.memory_space<hbm>> -> memref<4096xf32, #tpu.memory_space<hbm>>
      tpu.wait_dma2 semaphore(%arg20 : memref<!tpu.dma_semaphore, #tpu.memory_space<semaphore_mem>>) src(%dma_wait3A_316 : memref<4096xf32, #tpu.memory_space<hbm>>) dst(%dma_wait3A_315 : memref<4096xf32, #tpu.memory_space<vmem>>)
      %parallel_loop3A_317 = arith.constant 512 : i32
      %parallel_loop3A_318 = arith.constant 768 : i32
      %parallel_loop3A_319 = arith.constant 1 : i32
      scf.for %parallel_loop3A_379 = %parallel_loop3A_317 to %parallel_loop3A_318 step %parallel_loop3A_319  : i32 {
        %parallel_loop3A_380 = arith.constant 5 : i32
        %parallel_loop3A_381 = arith.shrsi %parallel_loop3A_379, %parallel_loop3A_380 : i32
        %parallel_loop3A_382 = arith.constant 31 : i32
        %parallel_loop3A_383 = arith.andi %parallel_loop3A_379, %parallel_loop3A_382 : i32
        %parallel_loop3A_384 = arith.constant 512 : i32
        %parallel_loop3A_385 = arith.muli %parallel_loop3A_381, %parallel_loop3A_384 : i32
        %parallel_loop3A_386 = arith.constant 2 : i32
        %parallel_loop3A_387 = arith.muli %parallel_loop3A_383, %parallel_loop3A_386 : i32
        %parallel_loop3A_388 = arith.addi %parallel_loop3A_385, %parallel_loop3A_387 : i32
        %parallel_loop3A_389 = vector.broadcast %parallel_loop3A_388 : i32 to vector<16xi32>
        %parallel_loop3A_390 = arith.addi %add3A_276, %parallel_loop3A_389 : vector<16xi32>
        %parallel_loop3A_391 = tpu.vector_load_idx %arg5[%parallel_loop3A_390] : memref<32768xf32, #tpu.memory_space<vmem>>[vector<16xi32>], vector<16xf32>,
        %parallel_loop3A_392 = arith.constant 0.000000e+00 : f32
        %parallel_loop3A_393 = arith.constant 2.550000e+02 : f32
        %parallel_loop3A_394 = vector.broadcast %parallel_loop3A_392 : f32 to vector<16xf32>
        %parallel_loop3A_395 = arith.maximumf %parallel_loop3A_394, %parallel_loop3A_391 : vector<16xf32>
        %parallel_loop3A_396 = vector.broadcast %parallel_loop3A_393 : f32 to vector<16xf32>
        %parallel_loop3A_397 = arith.minimumf %parallel_loop3A_396, %parallel_loop3A_395 : vector<16xf32>
        %parallel_loop3A_398 = arith.fptosi %parallel_loop3A_397 : vector<16xf32> to vector<16xi32>
        %parallel_loop3A_399 = arith.addi %add3A_289, %parallel_loop3A_398 : vector<16xi32>
        tpu.vector_store_idx %arg6[%parallel_loop3A_399], %broadcast_in_dim3A_267 {add = true} : memref<4096xf32, #tpu.memory_space<vmem>>[vector<16xi32>], vector<16xf32>,
      } {sc.loop_unroll_factor = 8 : i64, sc.parallel_access}
      %dma_wait3A_320 = arith.constant 12288 : i32
      %dma_wait3A_321 = tpu.memref_slice %arg5[%dma_wait3A_320] : memref<32768xf32, #tpu.memory_space<vmem>> -> memref<4096xf32, #tpu.memory_space<vmem>>
      %dma_wait3A_322 = tpu.memref_slice %arg2[%add3A_218] : memref<786432xf32, #tpu.memory_space<hbm>> -> memref<4096xf32, #tpu.memory_space<hbm>>
      %dma_wait3A_323 = arith.constant 12288 : i32
      %dma_wait3A_324 = tpu.memref_slice %arg5[%dma_wait3A_323] : memref<32768xf32, #tpu.memory_space<vmem>> -> memref<4096xf32, #tpu.memory_space<vmem>>
      %dma_wait3A_325 = tpu.memref_slice %arg2[%add3A_218] : memref<786432xf32, #tpu.memory_space<hbm>> -> memref<4096xf32, #tpu.memory_space<hbm>>
      tpu.wait_dma2 semaphore(%arg21 : memref<!tpu.dma_semaphore, #tpu.memory_space<semaphore_mem>>) src(%dma_wait3A_325 : memref<4096xf32, #tpu.memory_space<hbm>>) dst(%dma_wait3A_324 : memref<4096xf32, #tpu.memory_space<vmem>>)
      %parallel_loop3A_326 = arith.constant 768 : i32
      %parallel_loop3A_327 = arith.constant 1024 : i32
      %parallel_loop3A_328 = arith.constant 1 : i32
      scf.for %parallel_loop3A_379 = %parallel_loop3A_326 to %parallel_loop3A_327 step %parallel_loop3A_328  : i32 {
        %parallel_loop3A_380 = arith.constant 5 : i32
        %parallel_loop3A_381 = arith.shrsi %parallel_loop3A_379, %parallel_loop3A_380 : i32
        %parallel_loop3A_382 = arith.constant 31 : i32
        %parallel_loop3A_383 = arith.andi %parallel_loop3A_379, %parallel_loop3A_382 : i32
        %parallel_loop3A_384 = arith.constant 512 : i32
        %parallel_loop3A_385 = arith.muli %parallel_loop3A_381, %parallel_loop3A_384 : i32
        %parallel_loop3A_386 = arith.constant 2 : i32
        %parallel_loop3A_387 = arith.muli %parallel_loop3A_383, %parallel_loop3A_386 : i32
        %parallel_loop3A_388 = arith.addi %parallel_loop3A_385, %parallel_loop3A_387 : i32
        %parallel_loop3A_389 = vector.broadcast %parallel_loop3A_388 : i32 to vector<16xi32>
        %parallel_loop3A_390 = arith.addi %add3A_276, %parallel_loop3A_389 : vector<16xi32>
        %parallel_loop3A_391 = tpu.vector_load_idx %arg5[%parallel_loop3A_390] : memref<32768xf32, #tpu.memory_space<vmem>>[vector<16xi32>], vector<16xf32>,
        %parallel_loop3A_392 = arith.constant 0.000000e+00 : f32
        %parallel_loop3A_393 = arith.constant 2.550000e+02 : f32
        %parallel_loop3A_394 = vector.broadcast %parallel_loop3A_392 : f32 to vector<16xf32>
        %parallel_loop3A_395 = arith.maximumf %parallel_loop3A_394, %parallel_loop3A_391 : vector<16xf32>
        %parallel_loop3A_396 = vector.broadcast %parallel_loop3A_393 : f32 to vector<16xf32>
        %parallel_loop3A_397 = arith.minimumf %parallel_loop3A_396, %parallel_loop3A_395 : vector<16xf32>
        %parallel_loop3A_398 = arith.fptosi %parallel_loop3A_397 : vector<16xf32> to vector<16xi32>
        %parallel_loop3A_399 = arith.addi %add3A_289, %parallel_loop3A_398 : vector<16xi32>
        tpu.vector_store_idx %arg6[%parallel_loop3A_399], %broadcast_in_dim3A_267 {add = true} : memref<4096xf32, #tpu.memory_space<vmem>>[vector<16xi32>], vector<16xf32>,
      } {sc.loop_unroll_factor = 8 : i64, sc.parallel_access}
      %dma_wait3A_329 = arith.constant 16384 : i32
      %dma_wait3A_330 = tpu.memref_slice %arg5[%dma_wait3A_329] : memref<32768xf32, #tpu.memory_space<vmem>> -> memref<4096xf32, #tpu.memory_space<vmem>>
      %dma_wait3A_331 = tpu.memref_slice %arg2[%add3A_228] : memref<786432xf32, #tpu.memory_space<hbm>> -> memref<4096xf32, #tpu.memory_space<hbm>>
      %dma_wait3A_332 = arith.constant 16384 : i32
      %dma_wait3A_333 = tpu.memref_slice %arg5[%dma_wait3A_332] : memref<32768xf32, #tpu.memory_space<vmem>> -> memref<4096xf32, #tpu.memory_space<vmem>>
      %dma_wait3A_334 = tpu.memref_slice %arg2[%add3A_228] : memref<786432xf32, #tpu.memory_space<hbm>> -> memref<4096xf32, #tpu.memory_space<hbm>>
      tpu.wait_dma2 semaphore(%arg22 : memref<!tpu.dma_semaphore, #tpu.memory_space<semaphore_mem>>) src(%dma_wait3A_334 : memref<4096xf32, #tpu.memory_space<hbm>>) dst(%dma_wait3A_333 : memref<4096xf32, #tpu.memory_space<vmem>>)
      %parallel_loop3A_335 = arith.constant 1024 : i32
      %parallel_loop3A_336 = arith.constant 1280 : i32
      %parallel_loop3A_337 = arith.constant 1 : i32
      scf.for %parallel_loop3A_379 = %parallel_loop3A_335 to %parallel_loop3A_336 step %parallel_loop3A_337  : i32 {
        %parallel_loop3A_380 = arith.constant 5 : i32
        %parallel_loop3A_381 = arith.shrsi %parallel_loop3A_379, %parallel_loop3A_380 : i32
        %parallel_loop3A_382 = arith.constant 31 : i32
        %parallel_loop3A_383 = arith.andi %parallel_loop3A_379, %parallel_loop3A_382 : i32
        %parallel_loop3A_384 = arith.constant 512 : i32
        %parallel_loop3A_385 = arith.muli %parallel_loop3A_381, %parallel_loop3A_384 : i32
        %parallel_loop3A_386 = arith.constant 2 : i32
        %parallel_loop3A_387 = arith.muli %parallel_loop3A_383, %parallel_loop3A_386 : i32
        %parallel_loop3A_388 = arith.addi %parallel_loop3A_385, %parallel_loop3A_387 : i32
        %parallel_loop3A_389 = vector.broadcast %parallel_loop3A_388 : i32 to vector<16xi32>
        %parallel_loop3A_390 = arith.addi %add3A_276, %parallel_loop3A_389 : vector<16xi32>
        %parallel_loop3A_391 = tpu.vector_load_idx %arg5[%parallel_loop3A_390] : memref<32768xf32, #tpu.memory_space<vmem>>[vector<16xi32>], vector<16xf32>,
        %parallel_loop3A_392 = arith.constant 0.000000e+00 : f32
        %parallel_loop3A_393 = arith.constant 2.550000e+02 : f32
        %parallel_loop3A_394 = vector.broadcast %parallel_loop3A_392 : f32 to vector<16xf32>
        %parallel_loop3A_395 = arith.maximumf %parallel_loop3A_394, %parallel_loop3A_391 : vector<16xf32>
        %parallel_loop3A_396 = vector.broadcast %parallel_loop3A_393 : f32 to vector<16xf32>
        %parallel_loop3A_397 = arith.minimumf %parallel_loop3A_396, %parallel_loop3A_395 : vector<16xf32>
        %parallel_loop3A_398 = arith.fptosi %parallel_loop3A_397 : vector<16xf32> to vector<16xi32>
        %parallel_loop3A_399 = arith.addi %add3A_289, %parallel_loop3A_398 : vector<16xi32>
        tpu.vector_store_idx %arg6[%parallel_loop3A_399], %broadcast_in_dim3A_267 {add = true} : memref<4096xf32, #tpu.memory_space<vmem>>[vector<16xi32>], vector<16xf32>,
      } {sc.loop_unroll_factor = 8 : i64, sc.parallel_access}
      %dma_wait3A_338 = arith.constant 20480 : i32
      %dma_wait3A_339 = tpu.memref_slice %arg5[%dma_wait3A_338] : memref<32768xf32, #tpu.memory_space<vmem>> -> memref<4096xf32, #tpu.memory_space<vmem>>
      %dma_wait3A_340 = tpu.memref_slice %arg2[%add3A_238] : memref<786432xf32, #tpu.memory_space<hbm>> -> memref<4096xf32, #tpu.memory_space<hbm>>
      %dma_wait3A_341 = arith.constant 20480 : i32
      %dma_wait3A_342 = tpu.memref_slice %arg5[%dma_wait3A_341] : memref<32768xf32, #tpu.memory_space<vmem>> -> memref<4096xf32, #tpu.memory_space<vmem>>
      %dma_wait3A_343 = tpu.memref_slice %arg2[%add3A_238] : memref<786432xf32, #tpu.memory_space<hbm>> -> memref<4096xf32, #tpu.memory_space<hbm>>
      tpu.wait_dma2 semaphore(%arg23 : memref<!tpu.dma_semaphore, #tpu.memory_space<semaphore_mem>>) src(%dma_wait3A_343 : memref<4096xf32, #tpu.memory_space<hbm>>) dst(%dma_wait3A_342 : memref<4096xf32, #tpu.memory_space<vmem>>)
      %parallel_loop3A_344 = arith.constant 1280 : i32
      %parallel_loop3A_345 = arith.constant 1536 : i32
      %parallel_loop3A_346 = arith.constant 1 : i32
      scf.for %parallel_loop3A_379 = %parallel_loop3A_344 to %parallel_loop3A_345 step %parallel_loop3A_346  : i32 {
        %parallel_loop3A_380 = arith.constant 5 : i32
        %parallel_loop3A_381 = arith.shrsi %parallel_loop3A_379, %parallel_loop3A_380 : i32
        %parallel_loop3A_382 = arith.constant 31 : i32
        %parallel_loop3A_383 = arith.andi %parallel_loop3A_379, %parallel_loop3A_382 : i32
        %parallel_loop3A_384 = arith.constant 512 : i32
        %parallel_loop3A_385 = arith.muli %parallel_loop3A_381, %parallel_loop3A_384 : i32
        %parallel_loop3A_386 = arith.constant 2 : i32
        %parallel_loop3A_387 = arith.muli %parallel_loop3A_383, %parallel_loop3A_386 : i32
        %parallel_loop3A_388 = arith.addi %parallel_loop3A_385, %parallel_loop3A_387 : i32
        %parallel_loop3A_389 = vector.broadcast %parallel_loop3A_388 : i32 to vector<16xi32>
        %parallel_loop3A_390 = arith.addi %add3A_276, %parallel_loop3A_389 : vector<16xi32>
        %parallel_loop3A_391 = tpu.vector_load_idx %arg5[%parallel_loop3A_390] : memref<32768xf32, #tpu.memory_space<vmem>>[vector<16xi32>], vector<16xf32>,
        %parallel_loop3A_392 = arith.constant 0.000000e+00 : f32
        %parallel_loop3A_393 = arith.constant 2.550000e+02 : f32
        %parallel_loop3A_394 = vector.broadcast %parallel_loop3A_392 : f32 to vector<16xf32>
        %parallel_loop3A_395 = arith.maximumf %parallel_loop3A_394, %parallel_loop3A_391 : vector<16xf32>
        %parallel_loop3A_396 = vector.broadcast %parallel_loop3A_393 : f32 to vector<16xf32>
        %parallel_loop3A_397 = arith.minimumf %parallel_loop3A_396, %parallel_loop3A_395 : vector<16xf32>
        %parallel_loop3A_398 = arith.fptosi %parallel_loop3A_397 : vector<16xf32> to vector<16xi32>
        %parallel_loop3A_399 = arith.addi %add3A_289, %parallel_loop3A_398 : vector<16xi32>
        tpu.vector_store_idx %arg6[%parallel_loop3A_399], %broadcast_in_dim3A_267 {add = true} : memref<4096xf32, #tpu.memory_space<vmem>>[vector<16xi32>], vector<16xf32>,
      } {sc.loop_unroll_factor = 8 : i64, sc.parallel_access}
      %dma_wait3A_347 = arith.constant 24576 : i32
      %dma_wait3A_348 = tpu.memref_slice %arg5[%dma_wait3A_347] : memref<32768xf32, #tpu.memory_space<vmem>> -> memref<4096xf32, #tpu.memory_space<vmem>>
      %dma_wait3A_349 = tpu.memref_slice %arg2[%add3A_248] : memref<786432xf32, #tpu.memory_space<hbm>> -> memref<4096xf32, #tpu.memory_space<hbm>>
      %dma_wait3A_350 = arith.constant 24576 : i32
      %dma_wait3A_351 = tpu.memref_slice %arg5[%dma_wait3A_350] : memref<32768xf32, #tpu.memory_space<vmem>> -> memref<4096xf32, #tpu.memory_space<vmem>>
      %dma_wait3A_352 = tpu.memref_slice %arg2[%add3A_248] : memref<786432xf32, #tpu.memory_space<hbm>> -> memref<4096xf32, #tpu.memory_space<hbm>>
      tpu.wait_dma2 semaphore(%arg24 : memref<!tpu.dma_semaphore, #tpu.memory_space<semaphore_mem>>) src(%dma_wait3A_352 : memref<4096xf32, #tpu.memory_space<hbm>>) dst(%dma_wait3A_351 : memref<4096xf32, #tpu.memory_space<vmem>>)
      %parallel_loop3A_353 = arith.constant 1536 : i32
      %parallel_loop3A_354 = arith.constant 1792 : i32
      %parallel_loop3A_355 = arith.constant 1 : i32
      scf.for %parallel_loop3A_379 = %parallel_loop3A_353 to %parallel_loop3A_354 step %parallel_loop3A_355  : i32 {
        %parallel_loop3A_380 = arith.constant 5 : i32
        %parallel_loop3A_381 = arith.shrsi %parallel_loop3A_379, %parallel_loop3A_380 : i32
        %parallel_loop3A_382 = arith.constant 31 : i32
        %parallel_loop3A_383 = arith.andi %parallel_loop3A_379, %parallel_loop3A_382 : i32
        %parallel_loop3A_384 = arith.constant 512 : i32
        %parallel_loop3A_385 = arith.muli %parallel_loop3A_381, %parallel_loop3A_384 : i32
        %parallel_loop3A_386 = arith.constant 2 : i32
        %parallel_loop3A_387 = arith.muli %parallel_loop3A_383, %parallel_loop3A_386 : i32
        %parallel_loop3A_388 = arith.addi %parallel_loop3A_385, %parallel_loop3A_387 : i32
        %parallel_loop3A_389 = vector.broadcast %parallel_loop3A_388 : i32 to vector<16xi32>
        %parallel_loop3A_390 = arith.addi %add3A_276, %parallel_loop3A_389 : vector<16xi32>
        %parallel_loop3A_391 = tpu.vector_load_idx %arg5[%parallel_loop3A_390] : memref<32768xf32, #tpu.memory_space<vmem>>[vector<16xi32>], vector<16xf32>,
        %parallel_loop3A_392 = arith.constant 0.000000e+00 : f32
        %parallel_loop3A_393 = arith.constant 2.550000e+02 : f32
        %parallel_loop3A_394 = vector.broadcast %parallel_loop3A_392 : f32 to vector<16xf32>
        %parallel_loop3A_395 = arith.maximumf %parallel_loop3A_394, %parallel_loop3A_391 : vector<16xf32>
        %parallel_loop3A_396 = vector.broadcast %parallel_loop3A_393 : f32 to vector<16xf32>
        %parallel_loop3A_397 = arith.minimumf %parallel_loop3A_396, %parallel_loop3A_395 : vector<16xf32>
        %parallel_loop3A_398 = arith.fptosi %parallel_loop3A_397 : vector<16xf32> to vector<16xi32>
        %parallel_loop3A_399 = arith.addi %add3A_289, %parallel_loop3A_398 : vector<16xi32>
        tpu.vector_store_idx %arg6[%parallel_loop3A_399], %broadcast_in_dim3A_267 {add = true} : memref<4096xf32, #tpu.memory_space<vmem>>[vector<16xi32>], vector<16xf32>,
      } {sc.loop_unroll_factor = 8 : i64, sc.parallel_access}
      %dma_wait3A_356 = arith.constant 28672 : i32
      %dma_wait3A_357 = tpu.memref_slice %arg5[%dma_wait3A_356] : memref<32768xf32, #tpu.memory_space<vmem>> -> memref<4096xf32, #tpu.memory_space<vmem>>
      %dma_wait3A_358 = tpu.memref_slice %arg2[%add3A_258] : memref<786432xf32, #tpu.memory_space<hbm>> -> memref<4096xf32, #tpu.memory_space<hbm>>
      %dma_wait3A_359 = arith.constant 28672 : i32
      %dma_wait3A_360 = tpu.memref_slice %arg5[%dma_wait3A_359] : memref<32768xf32, #tpu.memory_space<vmem>> -> memref<4096xf32, #tpu.memory_space<vmem>>
      %dma_wait3A_361 = tpu.memref_slice %arg2[%add3A_258] : memref<786432xf32, #tpu.memory_space<hbm>> -> memref<4096xf32, #tpu.memory_space<hbm>>
      tpu.wait_dma2 semaphore(%arg25 : memref<!tpu.dma_semaphore, #tpu.memory_space<semaphore_mem>>) src(%dma_wait3A_361 : memref<4096xf32, #tpu.memory_space<hbm>>) dst(%dma_wait3A_360 : memref<4096xf32, #tpu.memory_space<vmem>>)
      %parallel_loop3A_362 = arith.constant 1792 : i32
      %parallel_loop3A_363 = arith.constant 2048 : i32
      %parallel_loop3A_364 = arith.constant 1 : i32
      scf.for %parallel_loop3A_379 = %parallel_loop3A_362 to %parallel_loop3A_363 step %parallel_loop3A_364  : i32 {
        %parallel_loop3A_380 = arith.constant 5 : i32
        %parallel_loop3A_381 = arith.shrsi %parallel_loop3A_379, %parallel_loop3A_380 : i32
        %parallel_loop3A_382 = arith.constant 31 : i32
        %parallel_loop3A_383 = arith.andi %parallel_loop3A_379, %parallel_loop3A_382 : i32
        %parallel_loop3A_384 = arith.constant 512 : i32
        %parallel_loop3A_385 = arith.muli %parallel_loop3A_381, %parallel_loop3A_384 : i32
        %parallel_loop3A_386 = arith.constant 2 : i32
        %parallel_loop3A_387 = arith.muli %parallel_loop3A_383, %parallel_loop3A_386 : i32
        %parallel_loop3A_388 = arith.addi %parallel_loop3A_385, %parallel_loop3A_387 : i32
        %parallel_loop3A_389 = vector.broadcast %parallel_loop3A_388 : i32 to vector<16xi32>
        %parallel_loop3A_390 = arith.addi %add3A_276, %parallel_loop3A_389 : vector<16xi32>
        %parallel_loop3A_391 = tpu.vector_load_idx %arg5[%parallel_loop3A_390] : memref<32768xf32, #tpu.memory_space<vmem>>[vector<16xi32>], vector<16xf32>,
        %parallel_loop3A_392 = arith.constant 0.000000e+00 : f32
        %parallel_loop3A_393 = arith.constant 2.550000e+02 : f32
        %parallel_loop3A_394 = vector.broadcast %parallel_loop3A_392 : f32 to vector<16xf32>
        %parallel_loop3A_395 = arith.maximumf %parallel_loop3A_394, %parallel_loop3A_391 : vector<16xf32>
        %parallel_loop3A_396 = vector.broadcast %parallel_loop3A_393 : f32 to vector<16xf32>
        %parallel_loop3A_397 = arith.minimumf %parallel_loop3A_396, %parallel_loop3A_395 : vector<16xf32>
        %parallel_loop3A_398 = arith.fptosi %parallel_loop3A_397 : vector<16xf32> to vector<16xi32>
        %parallel_loop3A_399 = arith.addi %add3A_289, %parallel_loop3A_398 : vector<16xi32>
        tpu.vector_store_idx %arg6[%parallel_loop3A_399], %broadcast_in_dim3A_267 {add = true} : memref<4096xf32, #tpu.memory_space<vmem>>[vector<16xi32>], vector<16xf32>,
      } {sc.loop_unroll_factor = 8 : i64, sc.parallel_access}
      %parallel_loop3A_365 = arith.constant 0 : i32
      %parallel_loop3A_366 = arith.constant 128 : i32
      %parallel_loop3A_367 = arith.constant 1 : i32
      scf.for %parallel_loop3A_379 = %parallel_loop3A_365 to %parallel_loop3A_366 step %parallel_loop3A_367  : i32 {
        %parallel_loop3A_380 = arith.constant 16 : i32
        %parallel_loop3A_381 = arith.muli %parallel_loop3A_379, %parallel_loop3A_380 : i32
        %parallel_loop3A_382 = arith.index_cast %parallel_loop3A_381 : i32 to index
        %parallel_loop3A_383 = tpu.vector_load %arg6[%parallel_loop3A_382] {strides = array<i32>} : memref<4096xf32, #tpu.memory_space<vmem>>, vector<16xf32>,
        %parallel_loop3A_384 = arith.constant 16 : i32
        %parallel_loop3A_385 = arith.muli %parallel_loop3A_379, %parallel_loop3A_384 : i32
        %parallel_loop3A_386 = arith.constant 2048 : i32
        %parallel_loop3A_387 = arith.addi %parallel_loop3A_386, %parallel_loop3A_385 : i32
        %parallel_loop3A_388 = arith.index_cast %parallel_loop3A_387 : i32 to index
        %parallel_loop3A_389 = tpu.vector_load %arg6[%parallel_loop3A_388] {strides = array<i32>} : memref<4096xf32, #tpu.memory_space<vmem>>, vector<16xf32>,
        %parallel_loop3A_390 = arith.addf %parallel_loop3A_383, %parallel_loop3A_389 : vector<16xf32>
        %parallel_loop3A_391 = arith.constant 6.400000e+02 : f32
        %parallel_loop3A_392 = vector.broadcast %parallel_loop3A_391 : f32 to vector<16xf32>
        %parallel_loop3A_393 = arith.minimumf %parallel_loop3A_390, %parallel_loop3A_392 : vector<16xf32>
        %parallel_loop3A_394 = arith.constant 16 : i32
        %parallel_loop3A_395 = arith.muli %parallel_loop3A_379, %parallel_loop3A_394 : i32
        %parallel_loop3A_396 = arith.index_cast %parallel_loop3A_395 : i32 to index
        %parallel_loop3A_397 = tpu.vector_load %arg7[%parallel_loop3A_396] {strides = array<i32>} : memref<2048xf32, #tpu.memory_space<vmem>>, vector<16xf32>,
        tpu.vector_store %arg7[%parallel_loop3A_396], %parallel_loop3A_393 {strides = array<i32>} : memref<2048xf32, #tpu.memory_space<vmem>>, vector<16xf32>,
      } {sc.loop_unroll_factor = 4 : i64, sc.parallel_access}
      %scan3A_368 = arith.constant 0 : i32
      %scan3A_369 = arith.constant 0 : i32
      %scan3A_370 = arith.constant 8 : i32
      %scan3A_371 = arith.addi %scan3A_369, %scan3A_370 : i32
      %scan3A_372 = arith.constant 1 : i32
      scf.for %scan3A_379 = %scan3A_369 to %scan3A_371 step %scan3A_372  : i32 {
        %scan3A_380 = arith.constant 0 : i32
        %scan3A_381 = arith.constant 16 : i32
        %scan3A_382 = arith.addi %scan3A_380, %scan3A_381 : i32
        %scan3A_383 = arith.constant 4 : i32
        %scan3A_384 = scf.for %scan3A_408 = %scan3A_380 to %scan3A_382 step %scan3A_383 iter_args(%scan3A_409 = %broadcast_in_dim3A_265) -> (vector<16xf32>)  : i32 {
          %mul3A_410 = arith.constant 256 : i32
          %mul3A_411 = arith.muli %scan3A_379, %mul3A_410 : i32
          %mul3A_412 = arith.constant 16 : i32
          %mul3A_413 = arith.muli %scan3A_408, %mul3A_412 : i32
          %add3A_414 = arith.addi %mul3A_411, %mul3A_413 : i32
          %get3A = arith.index_cast %add3A_414 : i32 to index
          %get3A_415 = tpu.vector_load %arg7[%get3A] {strides = array<i32>} : memref<2048xf32, #tpu.memory_space<vmem>>, vector<16xf32>,
          %add3A_416 = arith.addf %scan3A_409, %get3A_415 : vector<16xf32>
          %scan3A_417 = arith.constant 1 : i32
          %scan3A_418 = arith.addi %scan3A_408, %scan3A_417 : i32
          %mul3A_419 = arith.constant 256 : i32
          %mul3A_420 = arith.muli %scan3A_379, %mul3A_419 : i32
          %mul3A_421 = arith.constant 16 : i32
          %mul3A_422 = arith.muli %scan3A_418, %mul3A_421 : i32
          %add3A_423 = arith.addi %mul3A_420, %mul3A_422 : i32
          %get3A_424 = arith.index_cast %add3A_423 : i32 to index
          %get3A_425 = tpu.vector_load %arg7[%get3A_424] {strides = array<i32>} : memref<2048xf32, #tpu.memory_space<vmem>>, vector<16xf32>,
          %add3A_426 = arith.addf %add3A_416, %get3A_425 : vector<16xf32>
          %scan3A_427 = arith.constant 2 : i32
          %scan3A_428 = arith.addi %scan3A_408, %scan3A_427 : i32
          %mul3A_429 = arith.constant 256 : i32
          %mul3A_430 = arith.muli %scan3A_379, %mul3A_429 : i32
          %mul3A_431 = arith.constant 16 : i32
          %mul3A_432 = arith.muli %scan3A_428, %mul3A_431 : i32
          %add3A_433 = arith.addi %mul3A_430, %mul3A_432 : i32
          %get3A_434 = arith.index_cast %add3A_433 : i32 to index
          %get3A_435 = tpu.vector_load %arg7[%get3A_434] {strides = array<i32>} : memref<2048xf32, #tpu.memory_space<vmem>>, vector<16xf32>,
          %add3A_436 = arith.addf %add3A_426, %get3A_435 : vector<16xf32>
          %scan3A_437 = arith.constant 3 : i32
          %scan3A_438 = arith.addi %scan3A_408, %scan3A_437 : i32
          %mul3A_439 = arith.constant 256 : i32
          %mul3A_440 = arith.muli %scan3A_379, %mul3A_439 : i32
          %mul3A_441 = arith.constant 16 : i32
          %mul3A_442 = arith.muli %scan3A_438, %mul3A_441 : i32
          %add3A_443 = arith.addi %mul3A_440, %mul3A_442 : i32
          %get3A_444 = arith.index_cast %add3A_443 : i32 to index
          %get3A_445 = tpu.vector_load %arg7[%get3A_444] {strides = array<i32>} : memref<2048xf32, #tpu.memory_space<vmem>>, vector<16xf32>,
          %add3A_446 = arith.addf %add3A_436, %get3A_445 : vector<16xf32>
          scf.yield %add3A_446 : vector<16xf32>
        }
        %scan3A_385 = arith.constant 16 : i32
        %reduce_sum3A = arith.constant true
        %reduce_sum3A_386 = vector.broadcast %reduce_sum3A : i1 to vector<16xi1>
        %reduce_sum3A_387 = tpu.scan <sum>, %scan3A_384 masked %reduce_sum3A_386 : vector<16xf32>, vector<16xi1> -> vector<16xf32>
        %reduce_sum3A_388 = vector.extract %reduce_sum3A_387[15] : f32 from vector<16xf32>
        %broadcast_in_dim3A_389 = vector.broadcast %reduce_sum3A_388 : f32 to vector<16xf32>
        %sub3A_390 = arith.constant 4.096000e+03 : f32
        %sub3A_391 = vector.broadcast %sub3A_390 : f32 to vector<16xf32>
        %sub3A_392 = arith.subf %sub3A_391, %broadcast_in_dim3A_389 : vector<16xf32>
        %mul3A_393 = arith.constant 3.906250e-03 : f32
        %mul3A_394 = vector.broadcast %mul3A_393 : f32 to vector<16xf32>
        %mul3A_395 = arith.mulf %sub3A_392, %mul3A_394 : vector<16xf32>
        %convert_element_type3A_396 = arith.fptosi %mul3A_395 : vector<16xf32> to vector<16xi32>
        %convert_element_type3A_397 = arith.sitofp %convert_element_type3A_396 : vector<16xi32> to vector<16xf32>
        %mul3A_398 = arith.constant 2.560000e+02 : f32
        %mul3A_399 = vector.broadcast %mul3A_398 : f32 to vector<16xf32>
        %mul3A_400 = arith.mulf %convert_element_type3A_397, %mul3A_399 : vector<16xf32>
        %sub3A_401 = arith.subf %sub3A_392, %mul3A_400 : vector<16xf32>
        %scan3A_402 = arith.constant 0 : i32
        %scan3A_403 = arith.constant 16 : i32
        %scan3A_404 = arith.addi %scan3A_402, %scan3A_403 : i32
        %scan3A_405 = arith.constant 4 : i32
        %scan3A_406 = scf.for %scan3A_408 = %scan3A_402 to %scan3A_404 step %scan3A_405 iter_args(%scan3A_409 = %broadcast_in_dim3A_265) -> (vector<16xf32>)  : i32 {
          %mul3A_410 = arith.constant 256 : i32
          %mul3A_411 = arith.muli %scan3A_379, %mul3A_410 : i32
          %mul3A_412 = arith.constant 16 : i32
          %mul3A_413 = arith.muli %scan3A_408, %mul3A_412 : i32
          %add3A_414 = arith.addi %mul3A_411, %mul3A_413 : i32
          %get3A = arith.index_cast %add3A_414 : i32 to index
          %get3A_415 = tpu.vector_load %arg7[%get3A] {strides = array<i32>} : memref<2048xf32, #tpu.memory_space<vmem>>, vector<16xf32>,
          %iota3A_416 = tpu.iota {dimensions = array<i32: 0>} : vector<16xi32>
          %convert_element_type3A_417 = arith.sitofp %iota3A_416 : vector<16xi32> to vector<16xf32>
          %mul3A_418 = arith.constant 16 : i32
          %mul3A_419 = arith.muli %scan3A_408, %mul3A_418 : i32
          %convert_element_type3A_420 = arith.sitofp %mul3A_419 : i32 to f32
          %broadcast_in_dim3A_421 = vector.broadcast %convert_element_type3A_420 : f32 to vector<16xf32>
          %add3A_422 = arith.addf %convert_element_type3A_417, %broadcast_in_dim3A_421 : vector<16xf32>
          %add3A_423 = arith.addf %get3A_415, %convert_element_type3A_397 : vector<16xf32>
          %lt3A_424 = arith.cmpf olt, %add3A_422, %sub3A_401 : vector<16xf32>
          %jit3A_425 = arith.constant 1.000000e+00 : f32
          %jit3A_426 = arith.constant 0.000000e+00 : f32
          %broadcast_in_dim3A_427 = vector.broadcast %jit3A_425 : f32 to vector<16xf32>
          %broadcast_in_dim3A_428 = vector.broadcast %jit3A_426 : f32 to vector<16xf32>
          %select_n3A_429 = arith.select %lt3A_424, %broadcast_in_dim3A_427, %broadcast_in_dim3A_428 : vector<16xi1>, vector<16xf32>
          %add3A_430 = arith.addf %add3A_423, %select_n3A_429 : vector<16xf32>
          %cumsum3A = arith.constant true
          %cumsum3A_431 = vector.broadcast %cumsum3A : i1 to vector<16xi1>
          %cumsum3A_432 = tpu.scan <sum>, %add3A_430 masked %cumsum3A_431 : vector<16xf32>, vector<16xi1> -> vector<16xf32>
          %add3A_433 = arith.addf %cumsum3A_432, %scan3A_409 : vector<16xf32>
          %mul3A_434 = arith.constant 0.0622558594 : f32
          %mul3A_435 = vector.broadcast %mul3A_434 : f32 to vector<16xf32>
          %mul3A_436 = arith.mulf %add3A_433, %mul3A_435 : vector<16xf32>
          %jit3A_437 = arith.constant 0.000000e+00 : f32
          %jit3A_438 = arith.constant 2.550000e+02 : f32
          %max3A_439 = vector.broadcast %jit3A_437 : f32 to vector<16xf32>
          %max3A_440 = arith.maximumf %max3A_439, %mul3A_436 : vector<16xf32>
          %min3A_441 = vector.broadcast %jit3A_438 : f32 to vector<16xf32>
          %min3A_442 = arith.minimumf %min3A_441, %max3A_440 : vector<16xf32>
          %convert_element_type3A_443 = arith.fptosi %min3A_442 : vector<16xf32> to vector<16xi32>
          %convert_element_type3A_444 = arith.sitofp %convert_element_type3A_443 : vector<16xi32> to vector<16xf32>
          %mul3A_445 = arith.constant 256 : i32
          %mul3A_446 = arith.muli %scan3A_379, %mul3A_445 : i32
          %mul3A_447 = arith.constant 16 : i32
          %mul3A_448 = arith.muli %scan3A_408, %mul3A_447 : i32
          %add3A_449 = arith.addi %mul3A_446, %mul3A_448 : i32
          %swap3A = arith.index_cast %add3A_449 : i32 to index
          %swap3A_450 = tpu.vector_load %arg8[%swap3A] {strides = array<i32>} : memref<2048xf32, #tpu.memory_space<vmem>>, vector<16xf32>,
          tpu.vector_store %arg8[%swap3A], %convert_element_type3A_444 {strides = array<i32>} : memref<2048xf32, #tpu.memory_space<vmem>>, vector<16xf32>,
          %reduce_sum3A_451 = arith.constant true
          %reduce_sum3A_452 = vector.broadcast %reduce_sum3A_451 : i1 to vector<16xi1>
          %reduce_sum3A_453 = tpu.scan <sum>, %add3A_430 masked %reduce_sum3A_452 : vector<16xf32>, vector<16xi1> -> vector<16xf32>
          %reduce_sum3A_454 = vector.extract %reduce_sum3A_453[15] : f32 from vector<16xf32>
          %broadcast_in_dim3A_455 = vector.broadcast %reduce_sum3A_454 : f32 to vector<16xf32>
          %add3A_456 = arith.addf %scan3A_409, %broadcast_in_dim3A_455 : vector<16xf32>
          %scan3A_457 = arith.constant 1 : i32
          %scan3A_458 = arith.addi %scan3A_408, %scan3A_457 : i32
          %mul3A_459 = arith.constant 256 : i32
          %mul3A_460 = arith.muli %scan3A_379, %mul3A_459 : i32
          %mul3A_461 = arith.constant 16 : i32
          %mul3A_462 = arith.muli %scan3A_458, %mul3A_461 : i32
          %add3A_463 = arith.addi %mul3A_460, %mul3A_462 : i32
          %get3A_464 = arith.index_cast %add3A_463 : i32 to index
          %get3A_465 = tpu.vector_load %arg7[%get3A_464] {strides = array<i32>} : memref<2048xf32, #tpu.memory_space<vmem>>, vector<16xf32>,
          %iota3A_466 = tpu.iota {dimensions = array<i32: 0>} : vector<16xi32>
          %convert_element_type3A_467 = arith.sitofp %iota3A_466 : vector<16xi32> to vector<16xf32>
          %mul3A_468 = arith.constant 16 : i32
          %mul3A_469 = arith.muli %scan3A_458, %mul3A_468 : i32
          %convert_element_type3A_470 = arith.sitofp %mul3A_469 : i32 to f32
          %broadcast_in_dim3A_471 = vector.broadcast %convert_element_type3A_470 : f32 to vector<16xf32>
          %add3A_472 = arith.addf %convert_element_type3A_467, %broadcast_in_dim3A_471 : vector<16xf32>
          %add3A_473 = arith.addf %get3A_465, %convert_element_type3A_397 : vector<16xf32>
          %lt3A_474 = arith.cmpf olt, %add3A_472, %sub3A_401 : vector<16xf32>
          %jit3A_475 = arith.constant 1.000000e+00 : f32
          %jit3A_476 = arith.constant 0.000000e+00 : f32
          %broadcast_in_dim3A_477 = vector.broadcast %jit3A_475 : f32 to vector<16xf32>
          %broadcast_in_dim3A_478 = vector.broadcast %jit3A_476 : f32 to vector<16xf32>
          %select_n3A_479 = arith.select %lt3A_474, %broadcast_in_dim3A_477, %broadcast_in_dim3A_478 : vector<16xi1>, vector<16xf32>
          %add3A_480 = arith.addf %add3A_473, %select_n3A_479 : vector<16xf32>
          %cumsum3A_481 = arith.constant true
          %cumsum3A_482 = vector.broadcast %cumsum3A_481 : i1 to vector<16xi1>
          %cumsum3A_483 = tpu.scan <sum>, %add3A_480 masked %cumsum3A_482 : vector<16xf32>, vector<16xi1> -> vector<16xf32>
          %add3A_484 = arith.addf %cumsum3A_483, %add3A_456 : vector<16xf32>
          %mul3A_485 = arith.constant 0.0622558594 : f32
          %mul3A_486 = vector.broadcast %mul3A_485 : f32 to vector<16xf32>
          %mul3A_487 = arith.mulf %add3A_484, %mul3A_486 : vector<16xf32>
          %jit3A_488 = arith.constant 0.000000e+00 : f32
          %jit3A_489 = arith.constant 2.550000e+02 : f32
          %max3A_490 = vector.broadcast %jit3A_488 : f32 to vector<16xf32>
          %max3A_491 = arith.maximumf %max3A_490, %mul3A_487 : vector<16xf32>
          %min3A_492 = vector.broadcast %jit3A_489 : f32 to vector<16xf32>
          %min3A_493 = arith.minimumf %min3A_492, %max3A_491 : vector<16xf32>
          %convert_element_type3A_494 = arith.fptosi %min3A_493 : vector<16xf32> to vector<16xi32>
          %convert_element_type3A_495 = arith.sitofp %convert_element_type3A_494 : vector<16xi32> to vector<16xf32>
          %mul3A_496 = arith.constant 256 : i32
          %mul3A_497 = arith.muli %scan3A_379, %mul3A_496 : i32
          %mul3A_498 = arith.constant 16 : i32
          %mul3A_499 = arith.muli %scan3A_458, %mul3A_498 : i32
          %add3A_500 = arith.addi %mul3A_497, %mul3A_499 : i32
          %swap3A_501 = arith.index_cast %add3A_500 : i32 to index
          %swap3A_502 = tpu.vector_load %arg8[%swap3A_501] {strides = array<i32>} : memref<2048xf32, #tpu.memory_space<vmem>>, vector<16xf32>,
          tpu.vector_store %arg8[%swap3A_501], %convert_element_type3A_495 {strides = array<i32>} : memref<2048xf32, #tpu.memory_space<vmem>>, vector<16xf32>,
          %reduce_sum3A_503 = arith.constant true
          %reduce_sum3A_504 = vector.broadcast %reduce_sum3A_503 : i1 to vector<16xi1>
          %reduce_sum3A_505 = tpu.scan <sum>, %add3A_480 masked %reduce_sum3A_504 : vector<16xf32>, vector<16xi1> -> vector<16xf32>
          %reduce_sum3A_506 = vector.extract %reduce_sum3A_505[15] : f32 from vector<16xf32>
          %broadcast_in_dim3A_507 = vector.broadcast %reduce_sum3A_506 : f32 to vector<16xf32>
          %add3A_508 = arith.addf %add3A_456, %broadcast_in_dim3A_507 : vector<16xf32>
          %scan3A_509 = arith.constant 2 : i32
          %scan3A_510 = arith.addi %scan3A_408, %scan3A_509 : i32
          %mul3A_511 = arith.constant 256 : i32
          %mul3A_512 = arith.muli %scan3A_379, %mul3A_511 : i32
          %mul3A_513 = arith.constant 16 : i32
          %mul3A_514 = arith.muli %scan3A_510, %mul3A_513 : i32
          %add3A_515 = arith.addi %mul3A_512, %mul3A_514 : i32
          %get3A_516 = arith.index_cast %add3A_515 : i32 to index
          %get3A_517 = tpu.vector_load %arg7[%get3A_516] {strides = array<i32>} : memref<2048xf32, #tpu.memory_space<vmem>>, vector<16xf32>,
          %iota3A_518 = tpu.iota {dimensions = array<i32: 0>} : vector<16xi32>
          %convert_element_type3A_519 = arith.sitofp %iota3A_518 : vector<16xi32> to vector<16xf32>
          %mul3A_520 = arith.constant 16 : i32
          %mul3A_521 = arith.muli %scan3A_510, %mul3A_520 : i32
          %convert_element_type3A_522 = arith.sitofp %mul3A_521 : i32 to f32
          %broadcast_in_dim3A_523 = vector.broadcast %convert_element_type3A_522 : f32 to vector<16xf32>
          %add3A_524 = arith.addf %convert_element_type3A_519, %broadcast_in_dim3A_523 : vector<16xf32>
          %add3A_525 = arith.addf %get3A_517, %convert_element_type3A_397 : vector<16xf32>
          %lt3A_526 = arith.cmpf olt, %add3A_524, %sub3A_401 : vector<16xf32>
          %jit3A_527 = arith.constant 1.000000e+00 : f32
          %jit3A_528 = arith.constant 0.000000e+00 : f32
          %broadcast_in_dim3A_529 = vector.broadcast %jit3A_527 : f32 to vector<16xf32>
          %broadcast_in_dim3A_530 = vector.broadcast %jit3A_528 : f32 to vector<16xf32>
          %select_n3A_531 = arith.select %lt3A_526, %broadcast_in_dim3A_529, %broadcast_in_dim3A_530 : vector<16xi1>, vector<16xf32>
          %add3A_532 = arith.addf %add3A_525, %select_n3A_531 : vector<16xf32>
          %cumsum3A_533 = arith.constant true
          %cumsum3A_534 = vector.broadcast %cumsum3A_533 : i1 to vector<16xi1>
          %cumsum3A_535 = tpu.scan <sum>, %add3A_532 masked %cumsum3A_534 : vector<16xf32>, vector<16xi1> -> vector<16xf32>
          %add3A_536 = arith.addf %cumsum3A_535, %add3A_508 : vector<16xf32>
          %mul3A_537 = arith.constant 0.0622558594 : f32
          %mul3A_538 = vector.broadcast %mul3A_537 : f32 to vector<16xf32>
          %mul3A_539 = arith.mulf %add3A_536, %mul3A_538 : vector<16xf32>
          %jit3A_540 = arith.constant 0.000000e+00 : f32
          %jit3A_541 = arith.constant 2.550000e+02 : f32
          %max3A_542 = vector.broadcast %jit3A_540 : f32 to vector<16xf32>
          %max3A_543 = arith.maximumf %max3A_542, %mul3A_539 : vector<16xf32>
          %min3A_544 = vector.broadcast %jit3A_541 : f32 to vector<16xf32>
          %min3A_545 = arith.minimumf %min3A_544, %max3A_543 : vector<16xf32>
          %convert_element_type3A_546 = arith.fptosi %min3A_545 : vector<16xf32> to vector<16xi32>
          %convert_element_type3A_547 = arith.sitofp %convert_element_type3A_546 : vector<16xi32> to vector<16xf32>
          %mul3A_548 = arith.constant 256 : i32
          %mul3A_549 = arith.muli %scan3A_379, %mul3A_548 : i32
          %mul3A_550 = arith.constant 16 : i32
          %mul3A_551 = arith.muli %scan3A_510, %mul3A_550 : i32
          %add3A_552 = arith.addi %mul3A_549, %mul3A_551 : i32
          %swap3A_553 = arith.index_cast %add3A_552 : i32 to index
          %swap3A_554 = tpu.vector_load %arg8[%swap3A_553] {strides = array<i32>} : memref<2048xf32, #tpu.memory_space<vmem>>, vector<16xf32>,
          tpu.vector_store %arg8[%swap3A_553], %convert_element_type3A_547 {strides = array<i32>} : memref<2048xf32, #tpu.memory_space<vmem>>, vector<16xf32>,
          %reduce_sum3A_555 = arith.constant true
          %reduce_sum3A_556 = vector.broadcast %reduce_sum3A_555 : i1 to vector<16xi1>
          %reduce_sum3A_557 = tpu.scan <sum>, %add3A_532 masked %reduce_sum3A_556 : vector<16xf32>, vector<16xi1> -> vector<16xf32>
          %reduce_sum3A_558 = vector.extract %reduce_sum3A_557[15] : f32 from vector<16xf32>
          %broadcast_in_dim3A_559 = vector.broadcast %reduce_sum3A_558 : f32 to vector<16xf32>
          %add3A_560 = arith.addf %add3A_508, %broadcast_in_dim3A_559 : vector<16xf32>
          %scan3A_561 = arith.constant 3 : i32
          %scan3A_562 = arith.addi %scan3A_408, %scan3A_561 : i32
          %mul3A_563 = arith.constant 256 : i32
          %mul3A_564 = arith.muli %scan3A_379, %mul3A_563 : i32
          %mul3A_565 = arith.constant 16 : i32
          %mul3A_566 = arith.muli %scan3A_562, %mul3A_565 : i32
          %add3A_567 = arith.addi %mul3A_564, %mul3A_566 : i32
          %get3A_568 = arith.index_cast %add3A_567 : i32 to index
          %get3A_569 = tpu.vector_load %arg7[%get3A_568] {strides = array<i32>} : memref<2048xf32, #tpu.memory_space<vmem>>, vector<16xf32>,
          %iota3A_570 = tpu.iota {dimensions = array<i32: 0>} : vector<16xi32>
          %convert_element_type3A_571 = arith.sitofp %iota3A_570 : vector<16xi32> to vector<16xf32>
          %mul3A_572 = arith.constant 16 : i32
          %mul3A_573 = arith.muli %scan3A_562, %mul3A_572 : i32
          %convert_element_type3A_574 = arith.sitofp %mul3A_573 : i32 to f32
          %broadcast_in_dim3A_575 = vector.broadcast %convert_element_type3A_574 : f32 to vector<16xf32>
          %add3A_576 = arith.addf %convert_element_type3A_571, %broadcast_in_dim3A_575 : vector<16xf32>
          %add3A_577 = arith.addf %get3A_569, %convert_element_type3A_397 : vector<16xf32>
          %lt3A_578 = arith.cmpf olt, %add3A_576, %sub3A_401 : vector<16xf32>
          %jit3A_579 = arith.constant 1.000000e+00 : f32
          %jit3A_580 = arith.constant 0.000000e+00 : f32
          %broadcast_in_dim3A_581 = vector.broadcast %jit3A_579 : f32 to vector<16xf32>
          %broadcast_in_dim3A_582 = vector.broadcast %jit3A_580 : f32 to vector<16xf32>
          %select_n3A_583 = arith.select %lt3A_578, %broadcast_in_dim3A_581, %broadcast_in_dim3A_582 : vector<16xi1>, vector<16xf32>
          %add3A_584 = arith.addf %add3A_577, %select_n3A_583 : vector<16xf32>
          %cumsum3A_585 = arith.constant true
          %cumsum3A_586 = vector.broadcast %cumsum3A_585 : i1 to vector<16xi1>
          %cumsum3A_587 = tpu.scan <sum>, %add3A_584 masked %cumsum3A_586 : vector<16xf32>, vector<16xi1> -> vector<16xf32>
          %add3A_588 = arith.addf %cumsum3A_587, %add3A_560 : vector<16xf32>
          %mul3A_589 = arith.constant 0.0622558594 : f32
          %mul3A_590 = vector.broadcast %mul3A_589 : f32 to vector<16xf32>
          %mul3A_591 = arith.mulf %add3A_588, %mul3A_590 : vector<16xf32>
          %jit3A_592 = arith.constant 0.000000e+00 : f32
          %jit3A_593 = arith.constant 2.550000e+02 : f32
          %max3A_594 = vector.broadcast %jit3A_592 : f32 to vector<16xf32>
          %max3A_595 = arith.maximumf %max3A_594, %mul3A_591 : vector<16xf32>
          %min3A_596 = vector.broadcast %jit3A_593 : f32 to vector<16xf32>
          %min3A_597 = arith.minimumf %min3A_596, %max3A_595 : vector<16xf32>
          %convert_element_type3A_598 = arith.fptosi %min3A_597 : vector<16xf32> to vector<16xi32>
          %convert_element_type3A_599 = arith.sitofp %convert_element_type3A_598 : vector<16xi32> to vector<16xf32>
          %mul3A_600 = arith.constant 256 : i32
          %mul3A_601 = arith.muli %scan3A_379, %mul3A_600 : i32
          %mul3A_602 = arith.constant 16 : i32
          %mul3A_603 = arith.muli %scan3A_562, %mul3A_602 : i32
          %add3A_604 = arith.addi %mul3A_601, %mul3A_603 : i32
          %swap3A_605 = arith.index_cast %add3A_604 : i32 to index
          %swap3A_606 = tpu.vector_load %arg8[%swap3A_605] {strides = array<i32>} : memref<2048xf32, #tpu.memory_space<vmem>>, vector<16xf32>,
          tpu.vector_store %arg8[%swap3A_605], %convert_element_type3A_599 {strides = array<i32>} : memref<2048xf32, #tpu.memory_space<vmem>>, vector<16xf32>,
          %reduce_sum3A_607 = arith.constant true
          %reduce_sum3A_608 = vector.broadcast %reduce_sum3A_607 : i1 to vector<16xi1>
          %reduce_sum3A_609 = tpu.scan <sum>, %add3A_584 masked %reduce_sum3A_608 : vector<16xf32>, vector<16xi1> -> vector<16xf32>
          %reduce_sum3A_610 = vector.extract %reduce_sum3A_609[15] : f32 from vector<16xf32>
          %broadcast_in_dim3A_611 = vector.broadcast %reduce_sum3A_610 : f32 to vector<16xf32>
          %add3A_612 = arith.addf %add3A_560, %broadcast_in_dim3A_611 : vector<16xf32>
          scf.yield %add3A_612 : vector<16xf32>
        }
        %scan3A_407 = arith.constant 16 : i32
      }
      %scan3A_373 = arith.constant 8 : i32
      %mul3A_374 = arith.constant 5 : i32
      %mul3A_375 = arith.muli %select_n3A_176, %mul3A_374 : i32
      %add3A_376 = arith.addi %mul3A_375, %rem3A_178 : i32
      %mul3A_377 = arith.constant 2048 : i32
      %mul3A_378 = arith.muli %add3A_376, %mul3A_377 : i32
      "tpu.region"() ({
        %run_scoped3A = tpu.sem_alloc : memref<!tpu.dma_semaphore, #tpu.memory_space<semaphore_mem>>
        %dma_start3A_379 = tpu.memref_slice %arg9[%mul3A_378] : memref<30720xf32, #tpu.memory_space<vmem_shared>> -> memref<2048xf32, #tpu.memory_space<vmem_shared>>
        %dma_start3A_380 = tpu.memref_slice %arg9[%mul3A_378] : memref<30720xf32, #tpu.memory_space<vmem_shared>> -> memref<2048xf32, #tpu.memory_space<vmem_shared>>
        tpu.enqueue_dma source(%arg8 : memref<2048xf32, #tpu.memory_space<vmem>>) target(%dma_start3A_380 : memref<2048xf32, #tpu.memory_space<vmem_shared>>) target_semaphore(%run_scoped3A : memref<!tpu.dma_semaphore, #tpu.memory_space<semaphore_mem>>)
        %dma_wait3A_381 = tpu.memref_slice %arg9[%mul3A_378] : memref<30720xf32, #tpu.memory_space<vmem_shared>> -> memref<2048xf32, #tpu.memory_space<vmem_shared>>
        %dma_wait3A_382 = tpu.memref_slice %arg9[%mul3A_378] : memref<30720xf32, #tpu.memory_space<vmem_shared>> -> memref<2048xf32, #tpu.memory_space<vmem_shared>>
        tpu.wait_dma2 semaphore(%run_scoped3A : memref<!tpu.dma_semaphore, #tpu.memory_space<semaphore_mem>>) src(%arg8 : memref<2048xf32, #tpu.memory_space<vmem>>) dst(%dma_wait3A_382 : memref<2048xf32, #tpu.memory_space<vmem_shared>>)
        tpu.yield
      }) : () -> ()
    } else {
    }
    %parallel_loop3A = arith.constant 0 : i32
    %parallel_loop3A_10 = arith.constant 32 : i32
    %parallel_loop3A_11 = arith.constant 1 : i32
    scf.for %parallel_loop3A_153 = %parallel_loop3A to %parallel_loop3A_10 step %parallel_loop3A_11  : i32 {
      %parallel_loop3A_154 = tpu.iota {dimensions = array<i32: 0>} : vector<16xi32>
      %parallel_loop3A_155 = arith.sitofp %parallel_loop3A_154 : vector<16xi32> to vector<16xf32>
      %parallel_loop3A_156 = arith.constant 16 : i32
      %parallel_loop3A_157 = arith.muli %parallel_loop3A_153, %parallel_loop3A_156 : i32
      %parallel_loop3A_158 = arith.sitofp %parallel_loop3A_157 : i32 to f32
      %parallel_loop3A_159 = vector.broadcast %parallel_loop3A_158 : f32 to vector<16xf32>
      %parallel_loop3A_160 = arith.addf %parallel_loop3A_155, %parallel_loop3A_159 : vector<16xf32>
      %parallel_loop3A_161 = arith.constant 5.000000e-01 : f32
      %parallel_loop3A_162 = vector.broadcast %parallel_loop3A_161 : f32 to vector<16xf32>
      %parallel_loop3A_163 = arith.addf %parallel_loop3A_160, %parallel_loop3A_162 : vector<16xf32>
      %parallel_loop3A_164 = arith.constant 1.562500e-02 : f32
      %parallel_loop3A_165 = vector.broadcast %parallel_loop3A_164 : f32 to vector<16xf32>
      %parallel_loop3A_166 = arith.mulf %parallel_loop3A_163, %parallel_loop3A_165 : vector<16xf32>
      %parallel_loop3A_167 = arith.constant 5.000000e-01 : f32
      %parallel_loop3A_168 = vector.broadcast %parallel_loop3A_167 : f32 to vector<16xf32>
      %parallel_loop3A_169 = arith.subf %parallel_loop3A_166, %parallel_loop3A_168 : vector<16xf32>
      %parallel_loop3A_170 = arith.constant 8.000000e+00 : f32
      %parallel_loop3A_171 = vector.broadcast %parallel_loop3A_170 : f32 to vector<16xf32>
      %parallel_loop3A_172 = arith.addf %parallel_loop3A_169, %parallel_loop3A_171 : vector<16xf32>
      %parallel_loop3A_173 = arith.fptosi %parallel_loop3A_172 : vector<16xf32> to vector<16xi32>
      %parallel_loop3A_174 = arith.constant 8 : i32
      %parallel_loop3A_175 = vector.broadcast %parallel_loop3A_174 : i32 to vector<16xi32>
      %parallel_loop3A_176 = arith.subi %parallel_loop3A_173, %parallel_loop3A_175 : vector<16xi32>
      %parallel_loop3A_177 = arith.sitofp %parallel_loop3A_176 : vector<16xi32> to vector<16xf32>
      %parallel_loop3A_178 = arith.subf %parallel_loop3A_169, %parallel_loop3A_177 : vector<16xf32>
      %parallel_loop3A_179 = arith.constant 0 : i32
      %parallel_loop3A_180 = arith.constant 7 : i32
      %parallel_loop3A_181 = vector.broadcast %parallel_loop3A_179 : i32 to vector<16xi32>
      %parallel_loop3A_182 = arith.maxsi %parallel_loop3A_181, %parallel_loop3A_176 : vector<16xi32>
      %parallel_loop3A_183 = vector.broadcast %parallel_loop3A_180 : i32 to vector<16xi32>
      %parallel_loop3A_184 = arith.minsi %parallel_loop3A_183, %parallel_loop3A_182 : vector<16xi32>
      %parallel_loop3A_185 = arith.constant 1 : i32
      %parallel_loop3A_186 = vector.broadcast %parallel_loop3A_185 : i32 to vector<16xi32>
      %parallel_loop3A_187 = arith.addi %parallel_loop3A_176, %parallel_loop3A_186 : vector<16xi32>
      %parallel_loop3A_188 = arith.constant 0 : i32
      %parallel_loop3A_189 = arith.constant 7 : i32
      %parallel_loop3A_190 = vector.broadcast %parallel_loop3A_188 : i32 to vector<16xi32>
      %parallel_loop3A_191 = arith.maxsi %parallel_loop3A_190, %parallel_loop3A_187 : vector<16xi32>
      %parallel_loop3A_192 = vector.broadcast %parallel_loop3A_189 : i32 to vector<16xi32>
      %parallel_loop3A_193 = arith.minsi %parallel_loop3A_192, %parallel_loop3A_191 : vector<16xi32>
      %parallel_loop3A_194 = arith.constant 256 : i32
      %parallel_loop3A_195 = vector.broadcast %parallel_loop3A_194 : i32 to vector<16xi32>
      %parallel_loop3A_196 = arith.muli %parallel_loop3A_184, %parallel_loop3A_195 : vector<16xi32>
      %parallel_loop3A_197 = arith.constant 256 : i32
      %parallel_loop3A_198 = vector.broadcast %parallel_loop3A_197 : i32 to vector<16xi32>
      %parallel_loop3A_199 = arith.muli %parallel_loop3A_193, %parallel_loop3A_198 : vector<16xi32>
      %parallel_loop3A_200 = arith.constant 16 : i32
      %parallel_loop3A_201 = vector.broadcast %parallel_loop3A_200 : i32 to vector<16xi32>
      %parallel_loop3A_202 = arith.shli %parallel_loop3A_199, %parallel_loop3A_201 : vector<16xi32>
      %parallel_loop3A_203 = arith.ori %parallel_loop3A_196, %parallel_loop3A_202 : vector<16xi32>
      %parallel_loop3A_204 = arith.constant 16 : i32
      %parallel_loop3A_205 = arith.muli %parallel_loop3A_153, %parallel_loop3A_204 : i32
      %parallel_loop3A_206 = arith.index_cast %parallel_loop3A_205 : i32 to index
      %parallel_loop3A_207 = tpu.vector_load %arg16[%parallel_loop3A_206] {strides = array<i32>} : memref<512xi32, #tpu.memory_space<vmem>>, vector<16xi32>,
      tpu.vector_store %arg16[%parallel_loop3A_206], %parallel_loop3A_203 {strides = array<i32>} : memref<512xi32, #tpu.memory_space<vmem>>, vector<16xi32>,
      %parallel_loop3A_208 = arith.constant 16 : i32
      %parallel_loop3A_209 = arith.muli %parallel_loop3A_153, %parallel_loop3A_208 : i32
      %parallel_loop3A_210 = arith.index_cast %parallel_loop3A_209 : i32 to index
      %parallel_loop3A_211 = tpu.vector_load %arg17[%parallel_loop3A_210] {strides = array<i32>} : memref<512xf32, #tpu.memory_space<vmem>>, vector<16xf32>,
      tpu.vector_store %arg17[%parallel_loop3A_210], %parallel_loop3A_178 {strides = array<i32>} : memref<512xf32, #tpu.memory_space<vmem>>, vector<16xf32>,
    } {sc.loop_unroll_factor = 4 : i64, sc.parallel_access}
    %barrier3A = arith.constant 0 : index
    tpu.barrier barrier_id(%barrier3A)
    %mul3A_12 = arith.constant 32 : i32
    %mul3A_13 = arith.muli %mul3A_12, %add3A : i32
    %sub3A = arith.constant 63 : i32
    %sub3A_14 = arith.subi %mul3A_13, %sub3A : i32
    %lt3A_15 = arith.constant 0 : i32
    %lt3A_16 = arith.cmpi slt, %sub3A_14, %lt3A_15 : i32
    %jit3A = arith.constant 128 : i32
    %div3A = arith.divsi %sub3A_14, %jit3A : i32
    %sign3A = arith.constant 0 : i32
    %sign3A_17 = arith.cmpi sgt, %sub3A_14, %sign3A : i32
    %sign3A_18 = arith.extui %sign3A_17 : i1 to i32
    %sign3A_19 = arith.constant 0 : i32
    %sign3A_20 = arith.cmpi slt, %sub3A_14, %sign3A_19 : i32
    %sign3A_21 = arith.extui %sign3A_20 : i1 to i32
    %sign3A_22 = arith.subi %sign3A_18, %sign3A_21 : i32
    %sign3A_23 = arith.constant 0 : i32
    %sign3A_24 = arith.cmpi sgt, %jit3A, %sign3A_23 : i32
    %sign3A_25 = arith.extui %sign3A_24 : i1 to i32
    %sign3A_26 = arith.constant 0 : i32
    %sign3A_27 = arith.cmpi slt, %jit3A, %sign3A_26 : i32
    %sign3A_28 = arith.extui %sign3A_27 : i1 to i32
    %sign3A_29 = arith.subi %sign3A_25, %sign3A_28 : i32
    %ne3A = arith.cmpi ne, %sign3A_22, %sign3A_29 : i32
    %rem3A = arith.remsi %sub3A_14, %jit3A : i32
    %ne3A_30 = arith.constant 0 : i32
    %ne3A_31 = arith.cmpi ne, %rem3A, %ne3A_30 : i32
    %and3A = arith.andi %ne3A, %ne3A_31 : i1
    %sub3A_32 = arith.constant 1 : i32
    %sub3A_33 = arith.subi %div3A, %sub3A_32 : i32
    %select_n3A = arith.select %and3A, %sub3A_33, %div3A : i32
    %jit3A_34 = arith.constant -1 : i32
    %select_n3A_35 = arith.select %lt3A_16, %jit3A_34, %select_n3A : i32
    %mul3A_36 = arith.constant 3 : i32
    %mul3A_37 = arith.muli %mul3A_36, %arg0 : i32
    %mul3A_38 = arith.constant 3 : i32
    %mul3A_39 = arith.muli %mul3A_38, %arg0 : i32
    %add3A_40 = arith.constant 2 : i32
    %add3A_41 = arith.addi %mul3A_39, %add3A_40 : i32
    %max3A = arith.maxsi %mul3A_37, %select_n3A_35 : i32
    %min3A = arith.minsi %add3A_41, %max3A : i32
    %mul3A_42 = arith.constant 3 : i32
    %mul3A_43 = arith.muli %mul3A_42, %arg0 : i32
    %sub3A_44 = arith.subi %min3A, %mul3A_43 : i32
    %add3A_45 = arith.constant 0 : i32
    %add3A_46 = arith.addi %add3A_45, %sub3A_44 : i32
    %mul3A_47 = arith.constant 2048 : i32
    %mul3A_48 = arith.muli %add3A_46, %mul3A_47 : i32
    %dma_start3A_49 = arith.constant 0 : i32
    %dma_start3A_50 = tpu.memref_slice %arg10[%dma_start3A_49] : memref<18432xf32, #tpu.memory_space<vmem>> -> memref<6144xf32, #tpu.memory_space<vmem>>
    %dma_start3A_51 = tpu.memref_slice %arg9[%mul3A_48] : memref<30720xf32, #tpu.memory_space<vmem_shared>> -> memref<6144xf32, #tpu.memory_space<vmem_shared>>
    %dma_start3A_52 = arith.constant 0 : i32
    %dma_start3A_53 = tpu.memref_slice %arg10[%dma_start3A_52] : memref<18432xf32, #tpu.memory_space<vmem>> -> memref<6144xf32, #tpu.memory_space<vmem>>
    %dma_start3A_54 = tpu.memref_slice %arg9[%mul3A_48] : memref<30720xf32, #tpu.memory_space<vmem_shared>> -> memref<6144xf32, #tpu.memory_space<vmem_shared>>
    tpu.enqueue_dma source(%dma_start3A_54 : memref<6144xf32, #tpu.memory_space<vmem_shared>>) target(%dma_start3A_53 : memref<6144xf32, #tpu.memory_space<vmem>>) target_semaphore(%arg29 : memref<!tpu.dma_semaphore, #tpu.memory_space<semaphore_mem>>)
    %add3A_55 = arith.constant 5 : i32
    %add3A_56 = arith.addi %add3A_55, %sub3A_44 : i32
    %mul3A_57 = arith.constant 2048 : i32
    %mul3A_58 = arith.muli %add3A_56, %mul3A_57 : i32
    %dma_start3A_59 = arith.constant 6144 : i32
    %dma_start3A_60 = tpu.memref_slice %arg10[%dma_start3A_59] : memref<18432xf32, #tpu.memory_space<vmem>> -> memref<6144xf32, #tpu.memory_space<vmem>>
    %dma_start3A_61 = tpu.memref_slice %arg9[%mul3A_58] : memref<30720xf32, #tpu.memory_space<vmem_shared>> -> memref<6144xf32, #tpu.memory_space<vmem_shared>>
    %dma_start3A_62 = arith.constant 6144 : i32
    %dma_start3A_63 = tpu.memref_slice %arg10[%dma_start3A_62] : memref<18432xf32, #tpu.memory_space<vmem>> -> memref<6144xf32, #tpu.memory_space<vmem>>
    %dma_start3A_64 = tpu.memref_slice %arg9[%mul3A_58] : memref<30720xf32, #tpu.memory_space<vmem_shared>> -> memref<6144xf32, #tpu.memory_space<vmem_shared>>
    tpu.enqueue_dma source(%dma_start3A_64 : memref<6144xf32, #tpu.memory_space<vmem_shared>>) target(%dma_start3A_63 : memref<6144xf32, #tpu.memory_space<vmem>>) target_semaphore(%arg29 : memref<!tpu.dma_semaphore, #tpu.memory_space<semaphore_mem>>)
    %add3A_65 = arith.constant 10 : i32
    %add3A_66 = arith.addi %add3A_65, %sub3A_44 : i32
    %mul3A_67 = arith.constant 2048 : i32
    %mul3A_68 = arith.muli %add3A_66, %mul3A_67 : i32
    %dma_start3A_69 = arith.constant 12288 : i32
    %dma_start3A_70 = tpu.memref_slice %arg10[%dma_start3A_69] : memref<18432xf32, #tpu.memory_space<vmem>> -> memref<6144xf32, #tpu.memory_space<vmem>>
    %dma_start3A_71 = tpu.memref_slice %arg9[%mul3A_68] : memref<30720xf32, #tpu.memory_space<vmem_shared>> -> memref<6144xf32, #tpu.memory_space<vmem_shared>>
    %dma_start3A_72 = arith.constant 12288 : i32
    %dma_start3A_73 = tpu.memref_slice %arg10[%dma_start3A_72] : memref<18432xf32, #tpu.memory_space<vmem>> -> memref<6144xf32, #tpu.memory_space<vmem>>
    %dma_start3A_74 = tpu.memref_slice %arg9[%mul3A_68] : memref<30720xf32, #tpu.memory_space<vmem_shared>> -> memref<6144xf32, #tpu.memory_space<vmem_shared>>
    tpu.enqueue_dma source(%dma_start3A_74 : memref<6144xf32, #tpu.memory_space<vmem_shared>>) target(%dma_start3A_73 : memref<6144xf32, #tpu.memory_space<vmem>>) target_semaphore(%arg29 : memref<!tpu.dma_semaphore, #tpu.memory_space<semaphore_mem>>)
    %dma_wait3A = arith.constant 0 : i32
    %dma_wait3A_75 = tpu.memref_slice %arg10[%dma_wait3A] : memref<18432xf32, #tpu.memory_space<vmem>> -> memref<6144xf32, #tpu.memory_space<vmem>>
    %dma_wait3A_76 = tpu.memref_slice %arg9[%mul3A_48] : memref<30720xf32, #tpu.memory_space<vmem_shared>> -> memref<6144xf32, #tpu.memory_space<vmem_shared>>
    %dma_wait3A_77 = arith.constant 0 : i32
    %dma_wait3A_78 = tpu.memref_slice %arg10[%dma_wait3A_77] : memref<18432xf32, #tpu.memory_space<vmem>> -> memref<6144xf32, #tpu.memory_space<vmem>>
    %dma_wait3A_79 = tpu.memref_slice %arg9[%mul3A_48] : memref<30720xf32, #tpu.memory_space<vmem_shared>> -> memref<6144xf32, #tpu.memory_space<vmem_shared>>
    tpu.wait_dma2 semaphore(%arg29 : memref<!tpu.dma_semaphore, #tpu.memory_space<semaphore_mem>>) src(%dma_wait3A_79 : memref<6144xf32, #tpu.memory_space<vmem_shared>>) dst(%dma_wait3A_78 : memref<6144xf32, #tpu.memory_space<vmem>>)
    %dma_wait3A_80 = arith.constant 6144 : i32
    %dma_wait3A_81 = tpu.memref_slice %arg10[%dma_wait3A_80] : memref<18432xf32, #tpu.memory_space<vmem>> -> memref<6144xf32, #tpu.memory_space<vmem>>
    %dma_wait3A_82 = tpu.memref_slice %arg9[%mul3A_58] : memref<30720xf32, #tpu.memory_space<vmem_shared>> -> memref<6144xf32, #tpu.memory_space<vmem_shared>>
    %dma_wait3A_83 = arith.constant 6144 : i32
    %dma_wait3A_84 = tpu.memref_slice %arg10[%dma_wait3A_83] : memref<18432xf32, #tpu.memory_space<vmem>> -> memref<6144xf32, #tpu.memory_space<vmem>>
    %dma_wait3A_85 = tpu.memref_slice %arg9[%mul3A_58] : memref<30720xf32, #tpu.memory_space<vmem_shared>> -> memref<6144xf32, #tpu.memory_space<vmem_shared>>
    tpu.wait_dma2 semaphore(%arg29 : memref<!tpu.dma_semaphore, #tpu.memory_space<semaphore_mem>>) src(%dma_wait3A_85 : memref<6144xf32, #tpu.memory_space<vmem_shared>>) dst(%dma_wait3A_84 : memref<6144xf32, #tpu.memory_space<vmem>>)
    %dma_wait3A_86 = arith.constant 12288 : i32
    %dma_wait3A_87 = tpu.memref_slice %arg10[%dma_wait3A_86] : memref<18432xf32, #tpu.memory_space<vmem>> -> memref<6144xf32, #tpu.memory_space<vmem>>
    %dma_wait3A_88 = tpu.memref_slice %arg9[%mul3A_68] : memref<30720xf32, #tpu.memory_space<vmem_shared>> -> memref<6144xf32, #tpu.memory_space<vmem_shared>>
    %dma_wait3A_89 = arith.constant 12288 : i32
    %dma_wait3A_90 = tpu.memref_slice %arg10[%dma_wait3A_89] : memref<18432xf32, #tpu.memory_space<vmem>> -> memref<6144xf32, #tpu.memory_space<vmem>>
    %dma_wait3A_91 = tpu.memref_slice %arg9[%mul3A_68] : memref<30720xf32, #tpu.memory_space<vmem_shared>> -> memref<6144xf32, #tpu.memory_space<vmem_shared>>
    tpu.wait_dma2 semaphore(%arg29 : memref<!tpu.dma_semaphore, #tpu.memory_space<semaphore_mem>>) src(%dma_wait3A_91 : memref<6144xf32, #tpu.memory_space<vmem_shared>>) dst(%dma_wait3A_90 : memref<6144xf32, #tpu.memory_space<vmem>>)
    %dma_wait3A_92 = tpu.memref_slice %arg3[%mul3A_2] : memref<262144xf32, #tpu.memory_space<hbm>> -> memref<8192xf32, #tpu.memory_space<hbm>>
    %dma_wait3A_93 = tpu.memref_slice %arg3[%mul3A_2] : memref<262144xf32, #tpu.memory_space<hbm>> -> memref<8192xf32, #tpu.memory_space<hbm>>
    tpu.wait_dma2 semaphore(%arg26 : memref<!tpu.dma_semaphore, #tpu.memory_space<semaphore_mem>>) src(%dma_wait3A_93 : memref<8192xf32, #tpu.memory_space<hbm>>) dst(%arg13 : memref<8192xf32, #tpu.memory_space<vmem>>)
    %add3A_94 = arith.constant 0 : i32
    %add3A_95 = arith.addi %add3A_94, %add3A : i32
    %dma_wait3A_96 = tpu.memref_slice %arg2[%mul3A_5] : memref<786432xf32, #tpu.memory_space<hbm>> -> memref<8192xf32, #tpu.memory_space<hbm>>
    %dma_wait3A_97 = tpu.memref_slice %arg2[%mul3A_5] : memref<786432xf32, #tpu.memory_space<hbm>> -> memref<8192xf32, #tpu.memory_space<hbm>>
    tpu.wait_dma2 semaphore(%arg27 : memref<!tpu.dma_semaphore, #tpu.memory_space<semaphore_mem>>) src(%dma_wait3A_97 : memref<8192xf32, #tpu.memory_space<hbm>>) dst(%arg11 : memref<8192xf32, #tpu.memory_space<vmem>>)
    %add3A_98 = arith.constant 32 : i32
    %add3A_99 = arith.addi %add3A_95, %add3A_98 : i32
    %mul3A_100 = arith.constant 8192 : i32
    %mul3A_101 = arith.muli %add3A_99, %mul3A_100 : i32
    %dma_start3A_102 = tpu.memref_slice %arg2[%mul3A_101] : memref<786432xf32, #tpu.memory_space<hbm>> -> memref<8192xf32, #tpu.memory_space<hbm>>
    %dma_start3A_103 = tpu.memref_slice %arg2[%mul3A_101] : memref<786432xf32, #tpu.memory_space<hbm>> -> memref<8192xf32, #tpu.memory_space<hbm>>
    tpu.enqueue_dma source(%dma_start3A_103 : memref<8192xf32, #tpu.memory_space<hbm>>) target(%arg12 : memref<8192xf32, #tpu.memory_space<vmem>>) target_semaphore(%arg28 : memref<!tpu.dma_semaphore, #tpu.memory_space<semaphore_mem>>)
    %scan3A = arith.constant 0 : i32
    %scan3A_104 = arith.constant 0 : i32
    %scan3A_105 = arith.constant 16 : i32
    %scan3A_106 = arith.addi %scan3A_104, %scan3A_105 : i32
    %scan3A_107 = arith.constant 1 : i32
    scf.for %scan3A_153 = %scan3A_104 to %scan3A_106 step %scan3A_107  : i32 {
      %mul3A_154 = arith.constant 16 : i32
      %mul3A_155 = arith.muli %add3A, %mul3A_154 : i32
      %add3A_156 = arith.addi %mul3A_155, %scan3A_153 : i32
      %broadcast_in_dim3A = vector.broadcast %add3A_156 : i32 to vector<16xi32>
      %convert_element_type3A_157 = arith.sitofp %broadcast_in_dim3A : vector<16xi32> to vector<16xf32>
      %add3A_158 = arith.constant 5.000000e-01 : f32
      %add3A_159 = vector.broadcast %add3A_158 : f32 to vector<16xf32>
      %add3A_160 = arith.addf %convert_element_type3A_157, %add3A_159 : vector<16xf32>
      %mul3A_161 = arith.constant 1.562500e-02 : f32
      %mul3A_162 = vector.broadcast %mul3A_161 : f32 to vector<16xf32>
      %mul3A_163 = arith.mulf %add3A_160, %mul3A_162 : vector<16xf32>
      %sub3A_164 = arith.constant 5.000000e-01 : f32
      %sub3A_165 = vector.broadcast %sub3A_164 : f32 to vector<16xf32>
      %sub3A_166 = arith.subf %mul3A_163, %sub3A_165 : vector<16xf32>
      %add3A_167 = arith.constant 8.000000e+00 : f32
      %add3A_168 = vector.broadcast %add3A_167 : f32 to vector<16xf32>
      %add3A_169 = arith.addf %sub3A_166, %add3A_168 : vector<16xf32>
      %convert_element_type3A_170 = arith.fptosi %add3A_169 : vector<16xf32> to vector<16xi32>
      %sub3A_171 = arith.constant 8 : i32
      %sub3A_172 = vector.broadcast %sub3A_171 : i32 to vector<16xi32>
      %sub3A_173 = arith.subi %convert_element_type3A_170, %sub3A_172 : vector<16xi32>
      %convert_element_type3A_174 = arith.sitofp %sub3A_173 : vector<16xi32> to vector<16xf32>
      %sub3A_175 = arith.subf %sub3A_166, %convert_element_type3A_174 : vector<16xf32>
      %sub3A_176 = arith.constant 1.000000e+00 : f32
      %sub3A_177 = vector.broadcast %sub3A_176 : f32 to vector<16xf32>
      %sub3A_178 = arith.subf %sub3A_177, %sub3A_175 : vector<16xf32>
      %sub3A_179 = arith.constant 0 : i32
      %sub3A_180 = arith.subi %sub3A_179, %min3A : i32
      %broadcast_in_dim3A_181 = vector.broadcast %sub3A_180 : i32 to vector<16xi32>
      %jit3A_182 = arith.constant 0 : i32
      %jit3A_183 = arith.constant 7 : i32
      %max3A_184 = vector.broadcast %jit3A_182 : i32 to vector<16xi32>
      %max3A_185 = arith.maxsi %max3A_184, %sub3A_173 : vector<16xi32>
      %min3A_186 = vector.broadcast %jit3A_183 : i32 to vector<16xi32>
      %min3A_187 = arith.minsi %min3A_186, %max3A_185 : vector<16xi32>
      %add3A_188 = arith.addi %min3A_187, %broadcast_in_dim3A_181 : vector<16xi32>
      %mul3A_189 = arith.constant 2048 : i32
      %mul3A_190 = vector.broadcast %mul3A_189 : i32 to vector<16xi32>
      %mul3A_191 = arith.muli %add3A_188, %mul3A_190 : vector<16xi32>
      %add3A_192 = arith.constant 1 : i32
      %add3A_193 = vector.broadcast %add3A_192 : i32 to vector<16xi32>
      %add3A_194 = arith.addi %sub3A_173, %add3A_193 : vector<16xi32>
      %jit3A_195 = arith.constant 0 : i32
      %jit3A_196 = arith.constant 7 : i32
      %max3A_197 = vector.broadcast %jit3A_195 : i32 to vector<16xi32>
      %max3A_198 = arith.maxsi %max3A_197, %add3A_194 : vector<16xi32>
      %min3A_199 = vector.broadcast %jit3A_196 : i32 to vector<16xi32>
      %min3A_200 = arith.minsi %min3A_199, %max3A_198 : vector<16xi32>
      %add3A_201 = arith.addi %min3A_200, %broadcast_in_dim3A_181 : vector<16xi32>
      %mul3A_202 = arith.constant 2048 : i32
      %mul3A_203 = vector.broadcast %mul3A_202 : i32 to vector<16xi32>
      %mul3A_204 = arith.muli %add3A_201, %mul3A_203 : vector<16xi32>
      %parallel_loop3A_205 = arith.constant 0 : i32
      %parallel_loop3A_206 = arith.constant 32 : i32
      %parallel_loop3A_207 = arith.constant 1 : i32
      scf.for %parallel_loop3A_208 = %parallel_loop3A_205 to %parallel_loop3A_206 step %parallel_loop3A_207  : i32 {
        %parallel_loop3A_209 = arith.constant 512 : i32
        %parallel_loop3A_210 = arith.muli %scan3A_153, %parallel_loop3A_209 : i32
        %parallel_loop3A_211 = arith.constant 16 : i32
        %parallel_loop3A_212 = arith.muli %parallel_loop3A_208, %parallel_loop3A_211 : i32
        %parallel_loop3A_213 = arith.addi %parallel_loop3A_210, %parallel_loop3A_212 : i32
        %parallel_loop3A_214 = arith.index_cast %parallel_loop3A_213 : i32 to index
        %parallel_loop3A_215 = tpu.vector_load %arg11[%parallel_loop3A_214] {strides = array<i32>} : memref<8192xf32, #tpu.memory_space<vmem>>, vector<16xf32>,
        %parallel_loop3A_216 = arith.index_cast %parallel_loop3A_213 : i32 to index
        %parallel_loop3A_217 = tpu.vector_load %arg13[%parallel_loop3A_216] {strides = array<i32>} : memref<8192xf32, #tpu.memory_space<vmem>>, vector<16xf32>,
        %parallel_loop3A_218 = arith.constant 0.000000e+00 : f32
        %parallel_loop3A_219 = arith.constant 2.550000e+02 : f32
        %parallel_loop3A_220 = vector.broadcast %parallel_loop3A_218 : f32 to vector<16xf32>
        %parallel_loop3A_221 = arith.maximumf %parallel_loop3A_220, %parallel_loop3A_215 : vector<16xf32>
        %parallel_loop3A_222 = vector.broadcast %parallel_loop3A_219 : f32 to vector<16xf32>
        %parallel_loop3A_223 = arith.minimumf %parallel_loop3A_222, %parallel_loop3A_221 : vector<16xf32>
        %parallel_loop3A_224 = arith.fptosi %parallel_loop3A_223 : vector<16xf32> to vector<16xi32>
        %parallel_loop3A_225 = arith.constant 16 : i32
        %parallel_loop3A_226 = arith.muli %parallel_loop3A_208, %parallel_loop3A_225 : i32
        %parallel_loop3A_227 = arith.index_cast %parallel_loop3A_226 : i32 to index
        %parallel_loop3A_228 = tpu.vector_load %arg16[%parallel_loop3A_227] {strides = array<i32>} : memref<512xi32, #tpu.memory_space<vmem>>, vector<16xi32>,
        %parallel_loop3A_229 = arith.constant 16 : i32
        %parallel_loop3A_230 = arith.muli %parallel_loop3A_208, %parallel_loop3A_229 : i32
        %parallel_loop3A_231 = arith.index_cast %parallel_loop3A_230 : i32 to index
        %parallel_loop3A_232 = tpu.vector_load %arg17[%parallel_loop3A_231] {strides = array<i32>} : memref<512xf32, #tpu.memory_space<vmem>>, vector<16xf32>,
        %parallel_loop3A_233 = arith.constant 65535 : i32
        %parallel_loop3A_234 = vector.broadcast %parallel_loop3A_233 : i32 to vector<16xi32>
        %parallel_loop3A_235 = arith.andi %parallel_loop3A_228, %parallel_loop3A_234 : vector<16xi32>
        %parallel_loop3A_236 = arith.addi %parallel_loop3A_224, %parallel_loop3A_235 : vector<16xi32>
        %parallel_loop3A_237 = arith.constant 16 : i32
        %parallel_loop3A_238 = vector.broadcast %parallel_loop3A_237 : i32 to vector<16xi32>
        %parallel_loop3A_239 = arith.shrsi %parallel_loop3A_228, %parallel_loop3A_238 : vector<16xi32>
        %parallel_loop3A_240 = arith.addi %parallel_loop3A_224, %parallel_loop3A_239 : vector<16xi32>
        %parallel_loop3A_241 = arith.addi %mul3A_191, %parallel_loop3A_236 : vector<16xi32>
        %parallel_loop3A_242 = tpu.vector_load_idx %arg10[%parallel_loop3A_241] : memref<18432xf32, #tpu.memory_space<vmem>>[vector<16xi32>], vector<16xf32>,
        %parallel_loop3A_243 = arith.addi %mul3A_191, %parallel_loop3A_240 : vector<16xi32>
        %parallel_loop3A_244 = tpu.vector_load_idx %arg10[%parallel_loop3A_243] : memref<18432xf32, #tpu.memory_space<vmem>>[vector<16xi32>], vector<16xf32>,
        %parallel_loop3A_245 = arith.addi %mul3A_204, %parallel_loop3A_236 : vector<16xi32>
        %parallel_loop3A_246 = tpu.vector_load_idx %arg10[%parallel_loop3A_245] : memref<18432xf32, #tpu.memory_space<vmem>>[vector<16xi32>], vector<16xf32>,
        %parallel_loop3A_247 = arith.addi %mul3A_204, %parallel_loop3A_240 : vector<16xi32>
        %parallel_loop3A_248 = tpu.vector_load_idx %arg10[%parallel_loop3A_247] : memref<18432xf32, #tpu.memory_space<vmem>>[vector<16xi32>], vector<16xf32>,
        %parallel_loop3A_249 = arith.constant 1.000000e+00 : f32
        %parallel_loop3A_250 = vector.broadcast %parallel_loop3A_249 : f32 to vector<16xf32>
        %parallel_loop3A_251 = arith.subf %parallel_loop3A_250, %parallel_loop3A_232 : vector<16xf32>
        %parallel_loop3A_252 = arith.mulf %parallel_loop3A_251, %parallel_loop3A_242 : vector<16xf32>
        %parallel_loop3A_253 = arith.mulf %parallel_loop3A_232, %parallel_loop3A_244 : vector<16xf32>
        %parallel_loop3A_254 = arith.addf %parallel_loop3A_252, %parallel_loop3A_253 : vector<16xf32>
        %parallel_loop3A_255 = arith.mulf %sub3A_178, %parallel_loop3A_254 : vector<16xf32>
        %parallel_loop3A_256 = arith.mulf %parallel_loop3A_251, %parallel_loop3A_246 : vector<16xf32>
        %parallel_loop3A_257 = arith.mulf %parallel_loop3A_232, %parallel_loop3A_248 : vector<16xf32>
        %parallel_loop3A_258 = arith.addf %parallel_loop3A_256, %parallel_loop3A_257 : vector<16xf32>
        %parallel_loop3A_259 = arith.mulf %sub3A_175, %parallel_loop3A_258 : vector<16xf32>
        %parallel_loop3A_260 = arith.addf %parallel_loop3A_255, %parallel_loop3A_259 : vector<16xf32>
        %parallel_loop3A_261 = arith.constant 2.550000e+02 : f32
        %parallel_loop3A_262 = vector.broadcast %parallel_loop3A_261 : f32 to vector<16xf32>
        %parallel_loop3A_263 = arith.divf %parallel_loop3A_260, %parallel_loop3A_262 : vector<16xf32>
        %parallel_loop3A_264 = arith.constant 2.550000e+02 : f32
        %parallel_loop3A_265 = vector.broadcast %parallel_loop3A_264 : f32 to vector<16xf32>
        %parallel_loop3A_266 = arith.mulf %parallel_loop3A_263, %parallel_loop3A_265 : vector<16xf32>
        %parallel_loop3A_267 = arith.constant 0.000000e+00 : f32
        %parallel_loop3A_268 = arith.constant 2.550000e+02 : f32
        %parallel_loop3A_269 = vector.broadcast %parallel_loop3A_267 : f32 to vector<16xf32>
        %parallel_loop3A_270 = arith.maximumf %parallel_loop3A_269, %parallel_loop3A_266 : vector<16xf32>
        %parallel_loop3A_271 = vector.broadcast %parallel_loop3A_268 : f32 to vector<16xf32>
        %parallel_loop3A_272 = arith.minimumf %parallel_loop3A_271, %parallel_loop3A_270 : vector<16xf32>
        %parallel_loop3A_273 = arith.fptosi %parallel_loop3A_272 : vector<16xf32> to vector<16xi32>
        %parallel_loop3A_274 = arith.sitofp %parallel_loop3A_273 : vector<16xi32> to vector<16xf32>
        %parallel_loop3A_275 = arith.mulf %parallel_loop3A_274, %parallel_loop3A_217 : vector<16xf32>
        %parallel_loop3A_276 = arith.index_cast %parallel_loop3A_213 : i32 to index
        %parallel_loop3A_277 = tpu.vector_load %arg14[%parallel_loop3A_276] {strides = array<i32>} : memref<8192xf32, #tpu.memory_space<vmem>>, vector<16xf32>,
        tpu.vector_store %arg14[%parallel_loop3A_276], %parallel_loop3A_275 {strides = array<i32>} : memref<8192xf32, #tpu.memory_space<vmem>>, vector<16xf32>,
      } {sc.loop_unroll_factor = 8 : i64, sc.parallel_access}
    }
    %scan3A_108 = arith.constant 16 : i32
    %dma_wait3A_109 = tpu.memref_slice %arg2[%mul3A_101] : memref<786432xf32, #tpu.memory_space<hbm>> -> memref<8192xf32, #tpu.memory_space<hbm>>
    %dma_wait3A_110 = tpu.memref_slice %arg2[%mul3A_101] : memref<786432xf32, #tpu.memory_space<hbm>> -> memref<8192xf32, #tpu.memory_space<hbm>>
    tpu.wait_dma2 semaphore(%arg28 : memref<!tpu.dma_semaphore, #tpu.memory_space<semaphore_mem>>) src(%dma_wait3A_110 : memref<8192xf32, #tpu.memory_space<hbm>>) dst(%arg12 : memref<8192xf32, #tpu.memory_space<vmem>>)
    %mul3A_111 = arith.constant 8192 : i32
    %mul3A_112 = arith.muli %add3A_95, %mul3A_111 : i32
    %dma_start3A_113 = tpu.memref_slice %arg4[%mul3A_112] : memref<786432xf32, #tpu.memory_space<hbm>> -> memref<8192xf32, #tpu.memory_space<hbm>>
    %dma_start3A_114 = tpu.memref_slice %arg4[%mul3A_112] : memref<786432xf32, #tpu.memory_space<hbm>> -> memref<8192xf32, #tpu.memory_space<hbm>>
    tpu.enqueue_dma source(%arg14 : memref<8192xf32, #tpu.memory_space<vmem>>) target(%dma_start3A_114 : memref<8192xf32, #tpu.memory_space<hbm>>) target_semaphore(%arg30 : memref<!tpu.dma_semaphore, #tpu.memory_space<semaphore_mem>>)
    %add3A_115 = arith.constant 32 : i32
    %add3A_116 = arith.addi %add3A_115, %add3A : i32
    %add3A_117 = arith.constant 32 : i32
    %add3A_118 = arith.addi %add3A_116, %add3A_117 : i32
    %mul3A_119 = arith.constant 8192 : i32
    %mul3A_120 = arith.muli %add3A_118, %mul3A_119 : i32
    %dma_start3A_121 = tpu.memref_slice %arg2[%mul3A_120] : memref<786432xf32, #tpu.memory_space<hbm>> -> memref<8192xf32, #tpu.memory_space<hbm>>
    %dma_start3A_122 = tpu.memref_slice %arg2[%mul3A_120] : memref<786432xf32, #tpu.memory_space<hbm>> -> memref<8192xf32, #tpu.memory_space<hbm>>
    tpu.enqueue_dma source(%dma_start3A_122 : memref<8192xf32, #tpu.memory_space<hbm>>) target(%arg11 : memref<8192xf32, #tpu.memory_space<vmem>>) target_semaphore(%arg27 : memref<!tpu.dma_semaphore, #tpu.memory_space<semaphore_mem>>)
    %scan3A_123 = arith.constant 0 : i32
    %scan3A_124 = arith.constant 0 : i32
    %scan3A_125 = arith.constant 16 : i32
    %scan3A_126 = arith.addi %scan3A_124, %scan3A_125 : i32
    %scan3A_127 = arith.constant 1 : i32
    scf.for %scan3A_153 = %scan3A_124 to %scan3A_126 step %scan3A_127  : i32 {
      %mul3A_154 = arith.constant 16 : i32
      %mul3A_155 = arith.muli %add3A, %mul3A_154 : i32
      %add3A_156 = arith.addi %mul3A_155, %scan3A_153 : i32
      %broadcast_in_dim3A = vector.broadcast %add3A_156 : i32 to vector<16xi32>
      %convert_element_type3A_157 = arith.sitofp %broadcast_in_dim3A : vector<16xi32> to vector<16xf32>
      %add3A_158 = arith.constant 5.000000e-01 : f32
      %add3A_159 = vector.broadcast %add3A_158 : f32 to vector<16xf32>
      %add3A_160 = arith.addf %convert_element_type3A_157, %add3A_159 : vector<16xf32>
      %mul3A_161 = arith.constant 1.562500e-02 : f32
      %mul3A_162 = vector.broadcast %mul3A_161 : f32 to vector<16xf32>
      %mul3A_163 = arith.mulf %add3A_160, %mul3A_162 : vector<16xf32>
      %sub3A_164 = arith.constant 5.000000e-01 : f32
      %sub3A_165 = vector.broadcast %sub3A_164 : f32 to vector<16xf32>
      %sub3A_166 = arith.subf %mul3A_163, %sub3A_165 : vector<16xf32>
      %add3A_167 = arith.constant 8.000000e+00 : f32
      %add3A_168 = vector.broadcast %add3A_167 : f32 to vector<16xf32>
      %add3A_169 = arith.addf %sub3A_166, %add3A_168 : vector<16xf32>
      %convert_element_type3A_170 = arith.fptosi %add3A_169 : vector<16xf32> to vector<16xi32>
      %sub3A_171 = arith.constant 8 : i32
      %sub3A_172 = vector.broadcast %sub3A_171 : i32 to vector<16xi32>
      %sub3A_173 = arith.subi %convert_element_type3A_170, %sub3A_172 : vector<16xi32>
      %convert_element_type3A_174 = arith.sitofp %sub3A_173 : vector<16xi32> to vector<16xf32>
      %sub3A_175 = arith.subf %sub3A_166, %convert_element_type3A_174 : vector<16xf32>
      %sub3A_176 = arith.constant 1.000000e+00 : f32
      %sub3A_177 = vector.broadcast %sub3A_176 : f32 to vector<16xf32>
      %sub3A_178 = arith.subf %sub3A_177, %sub3A_175 : vector<16xf32>
      %sub3A_179 = arith.constant 3 : i32
      %sub3A_180 = arith.subi %sub3A_179, %min3A : i32
      %broadcast_in_dim3A_181 = vector.broadcast %sub3A_180 : i32 to vector<16xi32>
      %jit3A_182 = arith.constant 0 : i32
      %jit3A_183 = arith.constant 7 : i32
      %max3A_184 = vector.broadcast %jit3A_182 : i32 to vector<16xi32>
      %max3A_185 = arith.maxsi %max3A_184, %sub3A_173 : vector<16xi32>
      %min3A_186 = vector.broadcast %jit3A_183 : i32 to vector<16xi32>
      %min3A_187 = arith.minsi %min3A_186, %max3A_185 : vector<16xi32>
      %add3A_188 = arith.addi %min3A_187, %broadcast_in_dim3A_181 : vector<16xi32>
      %mul3A_189 = arith.constant 2048 : i32
      %mul3A_190 = vector.broadcast %mul3A_189 : i32 to vector<16xi32>
      %mul3A_191 = arith.muli %add3A_188, %mul3A_190 : vector<16xi32>
      %add3A_192 = arith.constant 1 : i32
      %add3A_193 = vector.broadcast %add3A_192 : i32 to vector<16xi32>
      %add3A_194 = arith.addi %sub3A_173, %add3A_193 : vector<16xi32>
      %jit3A_195 = arith.constant 0 : i32
      %jit3A_196 = arith.constant 7 : i32
      %max3A_197 = vector.broadcast %jit3A_195 : i32 to vector<16xi32>
      %max3A_198 = arith.maxsi %max3A_197, %add3A_194 : vector<16xi32>
      %min3A_199 = vector.broadcast %jit3A_196 : i32 to vector<16xi32>
      %min3A_200 = arith.minsi %min3A_199, %max3A_198 : vector<16xi32>
      %add3A_201 = arith.addi %min3A_200, %broadcast_in_dim3A_181 : vector<16xi32>
      %mul3A_202 = arith.constant 2048 : i32
      %mul3A_203 = vector.broadcast %mul3A_202 : i32 to vector<16xi32>
      %mul3A_204 = arith.muli %add3A_201, %mul3A_203 : vector<16xi32>
      %parallel_loop3A_205 = arith.constant 0 : i32
      %parallel_loop3A_206 = arith.constant 32 : i32
      %parallel_loop3A_207 = arith.constant 1 : i32
      scf.for %parallel_loop3A_208 = %parallel_loop3A_205 to %parallel_loop3A_206 step %parallel_loop3A_207  : i32 {
        %parallel_loop3A_209 = arith.constant 512 : i32
        %parallel_loop3A_210 = arith.muli %scan3A_153, %parallel_loop3A_209 : i32
        %parallel_loop3A_211 = arith.constant 16 : i32
        %parallel_loop3A_212 = arith.muli %parallel_loop3A_208, %parallel_loop3A_211 : i32
        %parallel_loop3A_213 = arith.addi %parallel_loop3A_210, %parallel_loop3A_212 : i32
        %parallel_loop3A_214 = arith.index_cast %parallel_loop3A_213 : i32 to index
        %parallel_loop3A_215 = tpu.vector_load %arg12[%parallel_loop3A_214] {strides = array<i32>} : memref<8192xf32, #tpu.memory_space<vmem>>, vector<16xf32>,
        %parallel_loop3A_216 = arith.index_cast %parallel_loop3A_213 : i32 to index
        %parallel_loop3A_217 = tpu.vector_load %arg13[%parallel_loop3A_216] {strides = array<i32>} : memref<8192xf32, #tpu.memory_space<vmem>>, vector<16xf32>,
        %parallel_loop3A_218 = arith.constant 0.000000e+00 : f32
        %parallel_loop3A_219 = arith.constant 2.550000e+02 : f32
        %parallel_loop3A_220 = vector.broadcast %parallel_loop3A_218 : f32 to vector<16xf32>
        %parallel_loop3A_221 = arith.maximumf %parallel_loop3A_220, %parallel_loop3A_215 : vector<16xf32>
        %parallel_loop3A_222 = vector.broadcast %parallel_loop3A_219 : f32 to vector<16xf32>
        %parallel_loop3A_223 = arith.minimumf %parallel_loop3A_222, %parallel_loop3A_221 : vector<16xf32>
        %parallel_loop3A_224 = arith.fptosi %parallel_loop3A_223 : vector<16xf32> to vector<16xi32>
        %parallel_loop3A_225 = arith.constant 16 : i32
        %parallel_loop3A_226 = arith.muli %parallel_loop3A_208, %parallel_loop3A_225 : i32
        %parallel_loop3A_227 = arith.index_cast %parallel_loop3A_226 : i32 to index
        %parallel_loop3A_228 = tpu.vector_load %arg16[%parallel_loop3A_227] {strides = array<i32>} : memref<512xi32, #tpu.memory_space<vmem>>, vector<16xi32>,
        %parallel_loop3A_229 = arith.constant 16 : i32
        %parallel_loop3A_230 = arith.muli %parallel_loop3A_208, %parallel_loop3A_229 : i32
        %parallel_loop3A_231 = arith.index_cast %parallel_loop3A_230 : i32 to index
        %parallel_loop3A_232 = tpu.vector_load %arg17[%parallel_loop3A_231] {strides = array<i32>} : memref<512xf32, #tpu.memory_space<vmem>>, vector<16xf32>,
        %parallel_loop3A_233 = arith.constant 65535 : i32
        %parallel_loop3A_234 = vector.broadcast %parallel_loop3A_233 : i32 to vector<16xi32>
        %parallel_loop3A_235 = arith.andi %parallel_loop3A_228, %parallel_loop3A_234 : vector<16xi32>
        %parallel_loop3A_236 = arith.addi %parallel_loop3A_224, %parallel_loop3A_235 : vector<16xi32>
        %parallel_loop3A_237 = arith.constant 16 : i32
        %parallel_loop3A_238 = vector.broadcast %parallel_loop3A_237 : i32 to vector<16xi32>
        %parallel_loop3A_239 = arith.shrsi %parallel_loop3A_228, %parallel_loop3A_238 : vector<16xi32>
        %parallel_loop3A_240 = arith.addi %parallel_loop3A_224, %parallel_loop3A_239 : vector<16xi32>
        %parallel_loop3A_241 = arith.addi %mul3A_191, %parallel_loop3A_236 : vector<16xi32>
        %parallel_loop3A_242 = tpu.vector_load_idx %arg10[%parallel_loop3A_241] : memref<18432xf32, #tpu.memory_space<vmem>>[vector<16xi32>], vector<16xf32>,
        %parallel_loop3A_243 = arith.addi %mul3A_191, %parallel_loop3A_240 : vector<16xi32>
        %parallel_loop3A_244 = tpu.vector_load_idx %arg10[%parallel_loop3A_243] : memref<18432xf32, #tpu.memory_space<vmem>>[vector<16xi32>], vector<16xf32>,
        %parallel_loop3A_245 = arith.addi %mul3A_204, %parallel_loop3A_236 : vector<16xi32>
        %parallel_loop3A_246 = tpu.vector_load_idx %arg10[%parallel_loop3A_245] : memref<18432xf32, #tpu.memory_space<vmem>>[vector<16xi32>], vector<16xf32>,
        %parallel_loop3A_247 = arith.addi %mul3A_204, %parallel_loop3A_240 : vector<16xi32>
        %parallel_loop3A_248 = tpu.vector_load_idx %arg10[%parallel_loop3A_247] : memref<18432xf32, #tpu.memory_space<vmem>>[vector<16xi32>], vector<16xf32>,
        %parallel_loop3A_249 = arith.constant 1.000000e+00 : f32
        %parallel_loop3A_250 = vector.broadcast %parallel_loop3A_249 : f32 to vector<16xf32>
        %parallel_loop3A_251 = arith.subf %parallel_loop3A_250, %parallel_loop3A_232 : vector<16xf32>
        %parallel_loop3A_252 = arith.mulf %parallel_loop3A_251, %parallel_loop3A_242 : vector<16xf32>
        %parallel_loop3A_253 = arith.mulf %parallel_loop3A_232, %parallel_loop3A_244 : vector<16xf32>
        %parallel_loop3A_254 = arith.addf %parallel_loop3A_252, %parallel_loop3A_253 : vector<16xf32>
        %parallel_loop3A_255 = arith.mulf %sub3A_178, %parallel_loop3A_254 : vector<16xf32>
        %parallel_loop3A_256 = arith.mulf %parallel_loop3A_251, %parallel_loop3A_246 : vector<16xf32>
        %parallel_loop3A_257 = arith.mulf %parallel_loop3A_232, %parallel_loop3A_248 : vector<16xf32>
        %parallel_loop3A_258 = arith.addf %parallel_loop3A_256, %parallel_loop3A_257 : vector<16xf32>
        %parallel_loop3A_259 = arith.mulf %sub3A_175, %parallel_loop3A_258 : vector<16xf32>
        %parallel_loop3A_260 = arith.addf %parallel_loop3A_255, %parallel_loop3A_259 : vector<16xf32>
        %parallel_loop3A_261 = arith.constant 2.550000e+02 : f32
        %parallel_loop3A_262 = vector.broadcast %parallel_loop3A_261 : f32 to vector<16xf32>
        %parallel_loop3A_263 = arith.divf %parallel_loop3A_260, %parallel_loop3A_262 : vector<16xf32>
        %parallel_loop3A_264 = arith.constant 2.550000e+02 : f32
        %parallel_loop3A_265 = vector.broadcast %parallel_loop3A_264 : f32 to vector<16xf32>
        %parallel_loop3A_266 = arith.mulf %parallel_loop3A_263, %parallel_loop3A_265 : vector<16xf32>
        %parallel_loop3A_267 = arith.constant 0.000000e+00 : f32
        %parallel_loop3A_268 = arith.constant 2.550000e+02 : f32
        %parallel_loop3A_269 = vector.broadcast %parallel_loop3A_267 : f32 to vector<16xf32>
        %parallel_loop3A_270 = arith.maximumf %parallel_loop3A_269, %parallel_loop3A_266 : vector<16xf32>
        %parallel_loop3A_271 = vector.broadcast %parallel_loop3A_268 : f32 to vector<16xf32>
        %parallel_loop3A_272 = arith.minimumf %parallel_loop3A_271, %parallel_loop3A_270 : vector<16xf32>
        %parallel_loop3A_273 = arith.fptosi %parallel_loop3A_272 : vector<16xf32> to vector<16xi32>
        %parallel_loop3A_274 = arith.sitofp %parallel_loop3A_273 : vector<16xi32> to vector<16xf32>
        %parallel_loop3A_275 = arith.mulf %parallel_loop3A_274, %parallel_loop3A_217 : vector<16xf32>
        %parallel_loop3A_276 = arith.index_cast %parallel_loop3A_213 : i32 to index
        %parallel_loop3A_277 = tpu.vector_load %arg15[%parallel_loop3A_276] {strides = array<i32>} : memref<8192xf32, #tpu.memory_space<vmem>>, vector<16xf32>,
        tpu.vector_store %arg15[%parallel_loop3A_276], %parallel_loop3A_275 {strides = array<i32>} : memref<8192xf32, #tpu.memory_space<vmem>>, vector<16xf32>,
      } {sc.loop_unroll_factor = 8 : i64, sc.parallel_access}
    }
    %scan3A_128 = arith.constant 16 : i32
    %dma_wait3A_129 = tpu.memref_slice %arg2[%mul3A_120] : memref<786432xf32, #tpu.memory_space<hbm>> -> memref<8192xf32, #tpu.memory_space<hbm>>
    %dma_wait3A_130 = tpu.memref_slice %arg2[%mul3A_120] : memref<786432xf32, #tpu.memory_space<hbm>> -> memref<8192xf32, #tpu.memory_space<hbm>>
    tpu.wait_dma2 semaphore(%arg27 : memref<!tpu.dma_semaphore, #tpu.memory_space<semaphore_mem>>) src(%dma_wait3A_130 : memref<8192xf32, #tpu.memory_space<hbm>>) dst(%arg11 : memref<8192xf32, #tpu.memory_space<vmem>>)
    %mul3A_131 = arith.constant 8192 : i32
    %mul3A_132 = arith.muli %add3A_116, %mul3A_131 : i32
    %dma_start3A_133 = tpu.memref_slice %arg4[%mul3A_132] : memref<786432xf32, #tpu.memory_space<hbm>> -> memref<8192xf32, #tpu.memory_space<hbm>>
    %dma_start3A_134 = tpu.memref_slice %arg4[%mul3A_132] : memref<786432xf32, #tpu.memory_space<hbm>> -> memref<8192xf32, #tpu.memory_space<hbm>>
    tpu.enqueue_dma source(%arg15 : memref<8192xf32, #tpu.memory_space<vmem>>) target(%dma_start3A_134 : memref<8192xf32, #tpu.memory_space<hbm>>) target_semaphore(%arg31 : memref<!tpu.dma_semaphore, #tpu.memory_space<semaphore_mem>>)
    %add3A_135 = arith.constant 64 : i32
    %add3A_136 = arith.addi %add3A_135, %add3A : i32
    %dma_wait3A_137 = tpu.memref_slice %arg4[%mul3A_112] : memref<786432xf32, #tpu.memory_space<hbm>> -> memref<8192xf32, #tpu.memory_space<hbm>>
    %dma_wait3A_138 = tpu.memref_slice %arg4[%mul3A_112] : memref<786432xf32, #tpu.memory_space<hbm>> -> memref<8192xf32, #tpu.memory_space<hbm>>
    tpu.wait_dma2 semaphore(%arg30 : memref<!tpu.dma_semaphore, #tpu.memory_space<semaphore_mem>>) src(%arg14 : memref<8192xf32, #tpu.memory_space<vmem>>) dst(%dma_wait3A_138 : memref<8192xf32, #tpu.memory_space<hbm>>)
    %scan3A_139 = arith.constant 0 : i32
    %scan3A_140 = arith.constant 0 : i32
    %scan3A_141 = arith.constant 16 : i32
    %scan3A_142 = arith.addi %scan3A_140, %scan3A_141 : i32
    %scan3A_143 = arith.constant 1 : i32
    scf.for %scan3A_153 = %scan3A_140 to %scan3A_142 step %scan3A_143  : i32 {
      %mul3A_154 = arith.constant 16 : i32
      %mul3A_155 = arith.muli %add3A, %mul3A_154 : i32
      %add3A_156 = arith.addi %mul3A_155, %scan3A_153 : i32
      %broadcast_in_dim3A = vector.broadcast %add3A_156 : i32 to vector<16xi32>
      %convert_element_type3A_157 = arith.sitofp %broadcast_in_dim3A : vector<16xi32> to vector<16xf32>
      %add3A_158 = arith.constant 5.000000e-01 : f32
      %add3A_159 = vector.broadcast %add3A_158 : f32 to vector<16xf32>
      %add3A_160 = arith.addf %convert_element_type3A_157, %add3A_159 : vector<16xf32>
      %mul3A_161 = arith.constant 1.562500e-02 : f32
      %mul3A_162 = vector.broadcast %mul3A_161 : f32 to vector<16xf32>
      %mul3A_163 = arith.mulf %add3A_160, %mul3A_162 : vector<16xf32>
      %sub3A_164 = arith.constant 5.000000e-01 : f32
      %sub3A_165 = vector.broadcast %sub3A_164 : f32 to vector<16xf32>
      %sub3A_166 = arith.subf %mul3A_163, %sub3A_165 : vector<16xf32>
      %add3A_167 = arith.constant 8.000000e+00 : f32
      %add3A_168 = vector.broadcast %add3A_167 : f32 to vector<16xf32>
      %add3A_169 = arith.addf %sub3A_166, %add3A_168 : vector<16xf32>
      %convert_element_type3A_170 = arith.fptosi %add3A_169 : vector<16xf32> to vector<16xi32>
      %sub3A_171 = arith.constant 8 : i32
      %sub3A_172 = vector.broadcast %sub3A_171 : i32 to vector<16xi32>
      %sub3A_173 = arith.subi %convert_element_type3A_170, %sub3A_172 : vector<16xi32>
      %convert_element_type3A_174 = arith.sitofp %sub3A_173 : vector<16xi32> to vector<16xf32>
      %sub3A_175 = arith.subf %sub3A_166, %convert_element_type3A_174 : vector<16xf32>
      %sub3A_176 = arith.constant 1.000000e+00 : f32
      %sub3A_177 = vector.broadcast %sub3A_176 : f32 to vector<16xf32>
      %sub3A_178 = arith.subf %sub3A_177, %sub3A_175 : vector<16xf32>
      %sub3A_179 = arith.constant 6 : i32
      %sub3A_180 = arith.subi %sub3A_179, %min3A : i32
      %broadcast_in_dim3A_181 = vector.broadcast %sub3A_180 : i32 to vector<16xi32>
      %jit3A_182 = arith.constant 0 : i32
      %jit3A_183 = arith.constant 7 : i32
      %max3A_184 = vector.broadcast %jit3A_182 : i32 to vector<16xi32>
      %max3A_185 = arith.maxsi %max3A_184, %sub3A_173 : vector<16xi32>
      %min3A_186 = vector.broadcast %jit3A_183 : i32 to vector<16xi32>
      %min3A_187 = arith.minsi %min3A_186, %max3A_185 : vector<16xi32>
      %add3A_188 = arith.addi %min3A_187, %broadcast_in_dim3A_181 : vector<16xi32>
      %mul3A_189 = arith.constant 2048 : i32
      %mul3A_190 = vector.broadcast %mul3A_189 : i32 to vector<16xi32>
      %mul3A_191 = arith.muli %add3A_188, %mul3A_190 : vector<16xi32>
      %add3A_192 = arith.constant 1 : i32
      %add3A_193 = vector.broadcast %add3A_192 : i32 to vector<16xi32>
      %add3A_194 = arith.addi %sub3A_173, %add3A_193 : vector<16xi32>
      %jit3A_195 = arith.constant 0 : i32
      %jit3A_196 = arith.constant 7 : i32
      %max3A_197 = vector.broadcast %jit3A_195 : i32 to vector<16xi32>
      %max3A_198 = arith.maxsi %max3A_197, %add3A_194 : vector<16xi32>
      %min3A_199 = vector.broadcast %jit3A_196 : i32 to vector<16xi32>
      %min3A_200 = arith.minsi %min3A_199, %max3A_198 : vector<16xi32>
      %add3A_201 = arith.addi %min3A_200, %broadcast_in_dim3A_181 : vector<16xi32>
      %mul3A_202 = arith.constant 2048 : i32
      %mul3A_203 = vector.broadcast %mul3A_202 : i32 to vector<16xi32>
      %mul3A_204 = arith.muli %add3A_201, %mul3A_203 : vector<16xi32>
      %parallel_loop3A_205 = arith.constant 0 : i32
      %parallel_loop3A_206 = arith.constant 32 : i32
      %parallel_loop3A_207 = arith.constant 1 : i32
      scf.for %parallel_loop3A_208 = %parallel_loop3A_205 to %parallel_loop3A_206 step %parallel_loop3A_207  : i32 {
        %parallel_loop3A_209 = arith.constant 512 : i32
        %parallel_loop3A_210 = arith.muli %scan3A_153, %parallel_loop3A_209 : i32
        %parallel_loop3A_211 = arith.constant 16 : i32
        %parallel_loop3A_212 = arith.muli %parallel_loop3A_208, %parallel_loop3A_211 : i32
        %parallel_loop3A_213 = arith.addi %parallel_loop3A_210, %parallel_loop3A_212 : i32
        %parallel_loop3A_214 = arith.index_cast %parallel_loop3A_213 : i32 to index
        %parallel_loop3A_215 = tpu.vector_load %arg11[%parallel_loop3A_214] {strides = array<i32>} : memref<8192xf32, #tpu.memory_space<vmem>>, vector<16xf32>,
        %parallel_loop3A_216 = arith.index_cast %parallel_loop3A_213 : i32 to index
        %parallel_loop3A_217 = tpu.vector_load %arg13[%parallel_loop3A_216] {strides = array<i32>} : memref<8192xf32, #tpu.memory_space<vmem>>, vector<16xf32>,
        %parallel_loop3A_218 = arith.constant 0.000000e+00 : f32
        %parallel_loop3A_219 = arith.constant 2.550000e+02 : f32
        %parallel_loop3A_220 = vector.broadcast %parallel_loop3A_218 : f32 to vector<16xf32>
        %parallel_loop3A_221 = arith.maximumf %parallel_loop3A_220, %parallel_loop3A_215 : vector<16xf32>
        %parallel_loop3A_222 = vector.broadcast %parallel_loop3A_219 : f32 to vector<16xf32>
        %parallel_loop3A_223 = arith.minimumf %parallel_loop3A_222, %parallel_loop3A_221 : vector<16xf32>
        %parallel_loop3A_224 = arith.fptosi %parallel_loop3A_223 : vector<16xf32> to vector<16xi32>
        %parallel_loop3A_225 = arith.constant 16 : i32
        %parallel_loop3A_226 = arith.muli %parallel_loop3A_208, %parallel_loop3A_225 : i32
        %parallel_loop3A_227 = arith.index_cast %parallel_loop3A_226 : i32 to index
        %parallel_loop3A_228 = tpu.vector_load %arg16[%parallel_loop3A_227] {strides = array<i32>} : memref<512xi32, #tpu.memory_space<vmem>>, vector<16xi32>,
        %parallel_loop3A_229 = arith.constant 16 : i32
        %parallel_loop3A_230 = arith.muli %parallel_loop3A_208, %parallel_loop3A_229 : i32
        %parallel_loop3A_231 = arith.index_cast %parallel_loop3A_230 : i32 to index
        %parallel_loop3A_232 = tpu.vector_load %arg17[%parallel_loop3A_231] {strides = array<i32>} : memref<512xf32, #tpu.memory_space<vmem>>, vector<16xf32>,
        %parallel_loop3A_233 = arith.constant 65535 : i32
        %parallel_loop3A_234 = vector.broadcast %parallel_loop3A_233 : i32 to vector<16xi32>
        %parallel_loop3A_235 = arith.andi %parallel_loop3A_228, %parallel_loop3A_234 : vector<16xi32>
        %parallel_loop3A_236 = arith.addi %parallel_loop3A_224, %parallel_loop3A_235 : vector<16xi32>
        %parallel_loop3A_237 = arith.constant 16 : i32
        %parallel_loop3A_238 = vector.broadcast %parallel_loop3A_237 : i32 to vector<16xi32>
        %parallel_loop3A_239 = arith.shrsi %parallel_loop3A_228, %parallel_loop3A_238 : vector<16xi32>
        %parallel_loop3A_240 = arith.addi %parallel_loop3A_224, %parallel_loop3A_239 : vector<16xi32>
        %parallel_loop3A_241 = arith.addi %mul3A_191, %parallel_loop3A_236 : vector<16xi32>
        %parallel_loop3A_242 = tpu.vector_load_idx %arg10[%parallel_loop3A_241] : memref<18432xf32, #tpu.memory_space<vmem>>[vector<16xi32>], vector<16xf32>,
        %parallel_loop3A_243 = arith.addi %mul3A_191, %parallel_loop3A_240 : vector<16xi32>
        %parallel_loop3A_244 = tpu.vector_load_idx %arg10[%parallel_loop3A_243] : memref<18432xf32, #tpu.memory_space<vmem>>[vector<16xi32>], vector<16xf32>,
        %parallel_loop3A_245 = arith.addi %mul3A_204, %parallel_loop3A_236 : vector<16xi32>
        %parallel_loop3A_246 = tpu.vector_load_idx %arg10[%parallel_loop3A_245] : memref<18432xf32, #tpu.memory_space<vmem>>[vector<16xi32>], vector<16xf32>,
        %parallel_loop3A_247 = arith.addi %mul3A_204, %parallel_loop3A_240 : vector<16xi32>
        %parallel_loop3A_248 = tpu.vector_load_idx %arg10[%parallel_loop3A_247] : memref<18432xf32, #tpu.memory_space<vmem>>[vector<16xi32>], vector<16xf32>,
        %parallel_loop3A_249 = arith.constant 1.000000e+00 : f32
        %parallel_loop3A_250 = vector.broadcast %parallel_loop3A_249 : f32 to vector<16xf32>
        %parallel_loop3A_251 = arith.subf %parallel_loop3A_250, %parallel_loop3A_232 : vector<16xf32>
        %parallel_loop3A_252 = arith.mulf %parallel_loop3A_251, %parallel_loop3A_242 : vector<16xf32>
        %parallel_loop3A_253 = arith.mulf %parallel_loop3A_232, %parallel_loop3A_244 : vector<16xf32>
        %parallel_loop3A_254 = arith.addf %parallel_loop3A_252, %parallel_loop3A_253 : vector<16xf32>
        %parallel_loop3A_255 = arith.mulf %sub3A_178, %parallel_loop3A_254 : vector<16xf32>
        %parallel_loop3A_256 = arith.mulf %parallel_loop3A_251, %parallel_loop3A_246 : vector<16xf32>
        %parallel_loop3A_257 = arith.mulf %parallel_loop3A_232, %parallel_loop3A_248 : vector<16xf32>
        %parallel_loop3A_258 = arith.addf %parallel_loop3A_256, %parallel_loop3A_257 : vector<16xf32>
        %parallel_loop3A_259 = arith.mulf %sub3A_175, %parallel_loop3A_258 : vector<16xf32>
        %parallel_loop3A_260 = arith.addf %parallel_loop3A_255, %parallel_loop3A_259 : vector<16xf32>
        %parallel_loop3A_261 = arith.constant 2.550000e+02 : f32
        %parallel_loop3A_262 = vector.broadcast %parallel_loop3A_261 : f32 to vector<16xf32>
        %parallel_loop3A_263 = arith.divf %parallel_loop3A_260, %parallel_loop3A_262 : vector<16xf32>
        %parallel_loop3A_264 = arith.constant 2.550000e+02 : f32
        %parallel_loop3A_265 = vector.broadcast %parallel_loop3A_264 : f32 to vector<16xf32>
        %parallel_loop3A_266 = arith.mulf %parallel_loop3A_263, %parallel_loop3A_265 : vector<16xf32>
        %parallel_loop3A_267 = arith.constant 0.000000e+00 : f32
        %parallel_loop3A_268 = arith.constant 2.550000e+02 : f32
        %parallel_loop3A_269 = vector.broadcast %parallel_loop3A_267 : f32 to vector<16xf32>
        %parallel_loop3A_270 = arith.maximumf %parallel_loop3A_269, %parallel_loop3A_266 : vector<16xf32>
        %parallel_loop3A_271 = vector.broadcast %parallel_loop3A_268 : f32 to vector<16xf32>
        %parallel_loop3A_272 = arith.minimumf %parallel_loop3A_271, %parallel_loop3A_270 : vector<16xf32>
        %parallel_loop3A_273 = arith.fptosi %parallel_loop3A_272 : vector<16xf32> to vector<16xi32>
        %parallel_loop3A_274 = arith.sitofp %parallel_loop3A_273 : vector<16xi32> to vector<16xf32>
        %parallel_loop3A_275 = arith.mulf %parallel_loop3A_274, %parallel_loop3A_217 : vector<16xf32>
        %parallel_loop3A_276 = arith.index_cast %parallel_loop3A_213 : i32 to index
        %parallel_loop3A_277 = tpu.vector_load %arg14[%parallel_loop3A_276] {strides = array<i32>} : memref<8192xf32, #tpu.memory_space<vmem>>, vector<16xf32>,
        tpu.vector_store %arg14[%parallel_loop3A_276], %parallel_loop3A_275 {strides = array<i32>} : memref<8192xf32, #tpu.memory_space<vmem>>, vector<16xf32>,
      } {sc.loop_unroll_factor = 8 : i64, sc.parallel_access}
    }
    %scan3A_144 = arith.constant 16 : i32
    %mul3A_145 = arith.constant 8192 : i32
    %mul3A_146 = arith.muli %add3A_136, %mul3A_145 : i32
    %dma_start3A_147 = tpu.memref_slice %arg4[%mul3A_146] : memref<786432xf32, #tpu.memory_space<hbm>> -> memref<8192xf32, #tpu.memory_space<hbm>>
    %dma_start3A_148 = tpu.memref_slice %arg4[%mul3A_146] : memref<786432xf32, #tpu.memory_space<hbm>> -> memref<8192xf32, #tpu.memory_space<hbm>>
    tpu.enqueue_dma source(%arg14 : memref<8192xf32, #tpu.memory_space<vmem>>) target(%dma_start3A_148 : memref<8192xf32, #tpu.memory_space<hbm>>) target_semaphore(%arg30 : memref<!tpu.dma_semaphore, #tpu.memory_space<semaphore_mem>>)
    %dma_wait3A_149 = tpu.memref_slice %arg4[%mul3A_132] : memref<786432xf32, #tpu.memory_space<hbm>> -> memref<8192xf32, #tpu.memory_space<hbm>>
    %dma_wait3A_150 = tpu.memref_slice %arg4[%mul3A_132] : memref<786432xf32, #tpu.memory_space<hbm>> -> memref<8192xf32, #tpu.memory_space<hbm>>
    tpu.wait_dma2 semaphore(%arg31 : memref<!tpu.dma_semaphore, #tpu.memory_space<semaphore_mem>>) src(%arg15 : memref<8192xf32, #tpu.memory_space<vmem>>) dst(%dma_wait3A_150 : memref<8192xf32, #tpu.memory_space<hbm>>)
    %dma_wait3A_151 = tpu.memref_slice %arg4[%mul3A_146] : memref<786432xf32, #tpu.memory_space<hbm>> -> memref<8192xf32, #tpu.memory_space<hbm>>
    %dma_wait3A_152 = tpu.memref_slice %arg4[%mul3A_146] : memref<786432xf32, #tpu.memory_space<hbm>> -> memref<8192xf32, #tpu.memory_space<hbm>>
    tpu.wait_dma2 semaphore(%arg30 : memref<!tpu.dma_semaphore, #tpu.memory_space<semaphore_mem>>) src(%arg14 : memref<8192xf32, #tpu.memory_space<vmem>>) dst(%dma_wait3A_152 : memref<8192xf32, #tpu.memory_space<hbm>>)
    return
  }
}

</mosaic_0001>

<sc_bundles>
// kernel: kernel.3.cloned.1.call-start
scs
__scs_entry_jumppad:
0x0: {  	(pc) =	sbr.rel $0x88, $3  }
0x1: {  	(tag) =	ssettag $0x0;
	lr =	simm.s32 $0x1  }
0x2: {  	[smem:$0x3F9C] =	sst lr;
	_ =	strace $0xD0000000  }
0x3: {  	_ = 	snop  }
0x4: {  	_ = 	snop  }
0x5: {  	_ = 	snop  }
0x6: {  	_ = 	snop  }
0x7: {  	_ = 	snop  }
__scs_overlays_trampoline_lowered:
0x8: {  	[smem:$0x3FAB] =	sst s0  }
0x9: {  	[smem:$0x3FAC] =	sst s1  }
0xa: {  	[smem:$0x3FAD] =	sst s2  }
0xb: {  	[smem:$0x3FAE] =	sst s3  }
0xc: {  	[smem:$0x3FAF] =	sst s4  }
0xd: {  	[smem:$0x3FB0] =	sst s5  }
0xe: {  	[smem:$0x3FB1] =	sst s6  }
0xf: {  	[smem:$0x3FB2] =	sst s7  }
0x10: {  	[smem:$0x3FB3] =	sst s8  }
0x11: {  	[smem:$0x3FB4] =	sst s9;
	s0 =	simm.s32 @!p0 $0x0  }
0x12: {  	s1 =	sld [smem:$0x3F9A];
	s0 =	simm.s32 @p0 $0x1  }
0x13: {  	[smem:$0x3FB5] =	sst s0;
	s0 =	simm.s32 @!p1 $0x0  }
0x14: {  	s2 =	sld [smem:$0x3F99];
	s0 =	simm.s32 @p1 $0x1  }
0x15: {  	[smem:$0x3FB6] =	sst s0;
	s0 =	simm.s32 @!p2 $0x0  }
0x16: {  	s3 =	sld [smem:$0x3FDB];
	s0 =	simm.s32 @p2 $0x1  }
0x17: {  	s4 =	simm.s32 $0x1BF5;
	[smem:$0x3FB8] =	sst s0  }
0x18: {  	s0 =	sld [smem:$0x3F9B];
	_ =	swait.ge [sflag:s4], $0x0  }
0x19: {  	s7 =	sld [smem:$0x3F9C]  }
0x1a: {  	s8 =	sadd.s32 $0xFFFFE003, lr  }
0x1b: {  	s9 =	sadd.s32 $0xFFFFFEF7, lr;
	s5 =	simm.s32 $0xFFFFFFFF;
	p2 =	slt.u32 s8, $0xFFFFF086  }
0x1c: {  	p1 =	slt.u32 s9, $0xF7A;
	s5 =	simm.s32 @!p2 $0x0  }
0x1d: {  	s5 =	simm.s32 @p1 $0x1;
	p0 =	seq.s32 s7, s2  }
0x1e: {  	s7 =	smul.u32 @!p0 $0xF7A, s2;
	p2 =	seq.s32 @!p0 s5, $0x0  }
0x1f: {  	s9 =	smul.u32 $0xF7A, s1;
	s8 =	simm.s32 @!p0 $0x1BF5;
	p2 =	por !p2, p0  }
0x20: {  	[sflag:s8] =	ssyncset.s32 @!p0 $0xFFFFF086;
	s6 =	sadd.s32 @!p0 s3, s7;
	s7 =	simm.s32 @!p0 $0x108  }
0x21: {  	s3 =	sadd.s32 s3, s9;
	s6 =	sadd.s32 @!p0 $0x88, s6;
	s7 =	simm.s32 @p2 $0x1082  }
0x22: {  	[simem:s7], [sflag:s8] =	dma.local @!p0 [hbm:s6], $0xF7A  }
0x23: {  	s9 =	sor.u32 $0xD0000000, s2;
	s6 =	simm.s32 $0x108;
	_ =	swait.ge @!p0 [sflag:s8], $0x0  }
0x24: {  	s3 =	sadd.s32 $0x88, s3;
	s6 =	simm.s32 @!p1 $0x1082;
	[sflag:s4] =	ssyncset.s32 $0xFFFFF086  }
0x25: {  	[simem:s6], [sflag:s4] =	dma.local [hbm:s3], $0xF7A  }
0x26: {  	[smem:$0x3F9C] =	sst s1;
	(tag) =	ssettag s2;
	_ =	strace s9  }
0x27: {  	s1 =	sld [smem:$0x3FAC]  }
0x28: {  	s2 =	sld [smem:$0x3FAD]  }
0x29: {  	s4 =	sld [smem:$0x3FAF]  }
0x2a: {  	p0 =	seq.s32 s5, $0x0;
	s5 =	sld [smem:$0x3FB0]  }
0x2b: {  	s6 =	sld [smem:$0x3FB1]  }
0x2c: {  	s7 =	sld [smem:$0x3FB2]  }
0x2d: {  	s3 =	simm.s32 $0x108;
	s8 =	sld [smem:$0x3FB3]  }
0x2e: {  	s3 =	simm.s32 @!p0 $0x1082;
	s9 =	sld [smem:$0x3FB4]  }
0x2f: {  	lr =	sadd.s32 s0, s3;
	s0 =	sld [smem:$0x3FAB]  }
0x30: {  	s3 =	sld [smem:$0x3FAE]  }
0x31: {  	[smem:$0x3FB7] =	sst s10  }
0x32: {  	s10 =	sld [smem:$0x3FB5];
	_ =	sdelay $0x3  }
0x33: {  	p0 =	seq.s32 s10, $0x1;
	s10 =	sld [smem:$0x3FB7];
	_ =	sdelay $0x3  }
0x34: {  	[smem:$0x3FB7] =	sst s10  }
0x35: {  	s10 =	sld [smem:$0x3FB6];
	_ =	sdelay $0x3  }
0x36: {  	p1 =	seq.s32 s10, $0x1;
	s10 =	sld [smem:$0x3FB7];
	_ =	sdelay $0x3  }
0x37: {  	[smem:$0x3FB7] =	sst s10  }
0x38: {  	s10 =	sld [smem:$0x3FB8]  }
0x39: {  	_ = 	snop;
	(pc) =	sbr.ind lr, $3  }
0x3a: {  	_ = 	snop  }
0x3b: {  	_ = 	snop  }
0x3c: {  	p2 =	seq.s32 s10, $0x1;
	s10 =	sld [smem:$0x3FB7]  }
0x3d: {  	_ =	shalt  }
0x3e: {  	_ =	shalt  }
0x3f: {  	_ =	shalt  }
0x40: {  	_ =	shalt  }
0x41: {  	_ =	shalt  }
0x42: {  	_ =	shalt  }
0x43: {  	_ =	shalt  }
0x44: {  	_ =	shalt  }
0x45: {  	_ =	shalt  }
0x46: {  	_ =	shalt  }
0x47: {  	_ =	shalt  }
0x48: {  	_ =	shalt  }
0x49: {  	_ =	shalt  }
0x4a: {  	_ =	shalt  }
0x4b: {  	_ =	shalt  }
0x4c: {  	_ =	shalt  }
0x4d: {  	_ =	shalt  }
0x4e: {  	_ =	shalt  }
0x4f: {  	_ =	shalt  }
0x50: {  	_ =	shalt  }
0x51: {  	_ =	shalt  }
0x52: {  	_ =	shalt  }
0x53: {  	_ =	shalt  }
0x54: {  	_ =	shalt  }
0x55: {  	_ =	shalt  }
0x56: {  	_ =	shalt  }
0x57: {  	_ =	shalt  }
0x58: {  	_ =	shalt  }
0x59: {  	_ =	shalt  }
0x5a: {  	_ =	shalt  }
0x5b: {  	_ =	shalt  }
0x5c: {  	_ =	shalt  }
0x5d: {  	_ =	shalt  }
0x5e: {  	_ =	shalt  }
0x5f: {  	_ =	shalt  }
0x60: {  	_ =	shalt  }
0x61: {  	_ =	shalt  }
0x62: {  	_ =	shalt  }
0x63: {  	_ =	shalt  }
0x64: {  	_ =	shalt  }
0x65: {  	_ =	shalt  }
0x66: {  	_ =	shalt  }
0x67: {  	_ =	shalt  }
0x68: {  	_ =	shalt  }
0x69: {  	_ =	shalt  }
0x6a: {  	_ =	shalt  }
0x6b: {  	_ =	shalt  }
0x6c: {  	_ =	shalt  }
0x6d: {  	_ =	shalt  }
0x6e: {  	_ =	shalt  }
0x6f: {  	_ =	shalt  }
0x70: {  	_ =	shalt  }
0x71: {  	_ =	shalt  }
0x72: {  	_ =	shalt  }
0x73: {  	_ =	shalt  }
0x74: {  	_ =	shalt  }
0x75: {  	_ =	shalt  }
0x76: {  	_ =	shalt  }
0x77: {  	_ =	shalt  }
0x78: {  	_ =	shalt  }
0x79: {  	_ =	shalt  }
0x7a: {  	_ =	shalt  }
0x7b: {  	_ =	shalt  }
0x7c: {  	_ =	shalt  }
0x7d: {  	_ =	shalt  }
0x7e: {  	_ =	shalt  }
0x7f: {  	_ =	shalt  }
0x80: {  	_ =	shalt  }
0x81: {  	_ =	shalt  }
0x82: {  	_ =	shalt  }
0x83: {  	_ =	shalt  }
0x84: {  	_ =	shalt  }
0x85: {  	_ =	shalt  }
0x86: {  	_ =	shalt  }
0x87: {  	_ =	shalt  }
.Lfunc_end0:
.L_simem_size_0:
called_computation_lowered:
.L_overlay_start_0:
0x88: {  	s2 =	sld [smem:$0x3FD9]  }
0x89: {  	s3 =	sld [smem:$0x3FFE];
	_ =	sdelay $0x1  }
0x8a: {  	s1 =	srdreg.scid  }
0x8b: {  	s0 =	sand.u32 $0x1, s1  }
0x8c: {  	s14 =	sshll.u32 s0, $0xA;
	s2 =	sadd.s32 s3, s2  }
0x8d: {  	s2 =	sadd.s32 s2, s14  }
0x8e: {  	[smem:$0x3FC3] =	sst s2  }
0x8f: {  	_ = 	snop  }
0x90: {  	s2 =	sld [smem:$0x3FD0];
	_ =	sdelay $0x2  }
0x91: {  	s15 =	simm.s32 $0xA;
	s4 =	simm.s32 $0x10  }
0x92: {  	[smem:s4], [sflag:s15] =	dma.local [hbm:s2], $0x1  }
0x93: {  	_ =	swait.eq [sflag:s15], $0x1  }
0x94: {  	[sflag:s15] =	ssyncset.done $0x0  }
0x95: {  	s16 =	sld [smem:$0x10];
	[sflag:s15] =	ssyncadd.s32 $0xFFFFFFFF  }
0x96: {  	s17 =	sld [smem:$0x13];
	(tm) =	ssettm $0x1  }
0x97: {  	s18 =	sld [smem:$0x3FFB];
	_ =	sdelay $0x3  }
0x98: {  	_ =	strace s18  }
0x99: {  	s4 =	sld [smem:$0x3FFC];
	_ =	sdelay $0x3  }
0x9a: {  	_ =	strace s4  }
0x9b: {  	s4 =	sld [smem:$0x3FFD];
	_ =	sdelay $0x3  }
0x9c: {  	_ =	strace s4  }
0x9d: {  	_ =	strace $0x8FFFFFFF  }
0x9e: {  	s19 =	sld [smem:$0x3FDB];
	_ =	sdelay $0x1  }
0x9f: {  	s5 =	simm.s32 $_scs_section_size  }
0xa0: {  	s6 =	simm.s32 $_size__tile_overlayer_lowered;
	s7 =	simm.s32 $_tile_overlayer_lowered  }
0xa1: {  	s22 =	simm.s32 $0x1BFF;
	s21 =	sshll.u32 s7, $0x1;
	s4 =	sadd.s32 s5, s19  }
0xa2: {  	s8 =	simm.s32 $0x0;
	s20 =	sshll.u32 s6, $0x1;
	s6 =	sadd.s32 s21, s4  }
0xa3: {  	[timem:s8], [sflag:s22] =	dma.local [hbm:s6], s20  }
0xa4: {  	_ =	swait.ge [sflag:s22], s20  }
0xa5: {  	s5 =	ssub.s32 $0x0, s20;
	[sflag:s22] =	ssyncset.done $0x0  }
0xa6: {  	[sflag:s22] =	ssyncadd.s32 s5;
	_ =	sdelay $0x1  }
0xa7: {  	s23 =	simm.s32 $0x1B8B  }
0xa8: {  	_ =	swait.ge [sflag:s23], $0x1  }
0xa9: {  	[sflag:s23] =	ssyncset.done $0x0  }
0xaa: {  	s25 =	simm.s32 $0x1B8E;
	s24 =	sld [smem:$0x3FFE];
	[sflag:s23] =	ssyncadd.s32 $0xFFFFFFFF  }
0xab: {  	s26 =	simm.s32 $execute0_lowered;
	[smem:$0x3FD2] =	sst s25  }
0xac: {  	s6 =	sshll.u32 s26, $0x1;
	_ =	strace $0x80000046;
	[dreg:$0x1] =	wrdreg $0xFFFFFFFF  }
0xad: {  	s28 =	simm.s32 $_size_execute0_lowered;
	s4 =	sadd.s32 s4, s6;
	[dreg:$0x0] =	wrdreg $0x0  }
0xae: {  	s6 =	sshll.u32 s28, $0x1;
	[dreg:$0x2] =	wrdreg s4  }
0xaf: {  	[dreg:$0x3] =	wrdreg s6  }
0xb0: {  	[dreg:$0x4] =	wrdreg $0xC0  }
0xb1: {  	_ =	task [dreg:s8], $0x5FFFF  }
0xb2: {  	[dreg:$0x1] =	wrdreg $0xFFFFFFFF  }
0xb3: {  	[dreg:$0x0] =	wrdreg $0x60  }
0xb4: {  	[dreg:$0x2] =	wrdreg s16  }
0xb5: {  	[dreg:$0x3] =	wrdreg s17  }
0xb6: {  	[dreg:$0x4] =	wrdreg s24  }
0xb7: {  	[dreg:$0x5] =	wrdreg $0xA0000  }
0xb8: {  	[dreg:$0x6] =	wrdreg $0x9  }
0xb9: {  	_ =	task.clear_ibuf [dreg:s8], $0x7FFFF;
	_ =	strace $0x90000046  }
0xba: {  	s29 =	simm.s32 $0x9;
	_ =	strace $0x80000048  }
0xbb: {  	_ =	swait.ge [sflag:s29], $0x1  }
0xbc: {  	[sflag:s29] =	ssyncadd.s32 $0xFFFFFFFF  }
0xbd: {  	_ =	strace $0x90000048  }
0xbe: {  	_ =	sfence  }
0xbf: {  	s30 =	sld [smem:$0x0];
	_ =	sdelay $0x2  }
0xc0: {  	s31 =	sshll.u32 s1, $0xD;
	s1 =	sshrl.u32 s1, $0x2  }
0xc1: {  	s3 =	sand.u32 $0x4000, s31;
	s1 =	sadd.s32 s1, s30  }
0xc2: {  	s0 =	sor.u32 s3, s0;
	s1 =	sshll.u32 s1, $0x11  }
0xc3: {  	s0 =	sor.u32 s1, s0  }
0xc4: {  	s0 =	sadd.s32 $0x8F2B, s0  }
0xc5: {  	[sflag:s0] =	ssyncadd.remote.s32 $0x1  }
0xc6: {  	_ =	sfence.sel $0xFFFF  }
0xc7: {  	[dreg:$0x0] =	wrdreg $0xFFFFFFFF;
	(pc) =	sbr.abs _section_cstart, $3  }
0xc8: {  	[dreg:$0x1] =	wrdreg $0xFFFFFFFF  }
0xc9: {  	_ =	task.clear_ibuf [dreg:s8], $0x2FFFF;
	_ =	strace $0x9FFFFFFF  }
0xca: {  	(tm) =	ssettm $0x7FFFFFFF  }
0xcb: {  	_ =	shalt  }
tec
execute0_lowered:
.L_overlay_start_1:
0x0: {  	(tag) =	ssettag $0x1  }
0x1: {  	s0 =	rddreg [dreg:$0x0]  }
0x2: {  	s6 =	rddreg [dreg:$0x1]  }
0x3: {  	s1 =	rddreg [dreg:$0x2]  }
0x4: {  	s4 =	rddreg [dreg:$0x3];
	s3 =	srdreg.scid;
	s2 =	simm.s32 $0x0  }
0x5: {  	s23 =	stileid.u32;
	s30 =	simm.s32 $0xC;
	s31 =	simm.s32 $0x9  }
0x6: {  	s29 =	simm.s32 $0xE;
	s7 =	sand.u32 $0x1, s3;
	[smem:$0x7FF] =	sst s2  }
0x7: {  	s14 =	smul.u32 $0x34, s23;
	s1 =	sadd.s32 $0x800, s1;
	s3 =	sshll.u32 s7, $0x4  }
0x8: {  	_ =	strace $0x80000047;
	s8 =	ssub.s32 $0x2, s7;
	s7 =	smul.u32 $0x3, s7  }
0x9: {  	s5 =	sor.u32 s23, s3;
	s10 =	sshrl.u32 s8, $0x1;
	s11 =	sshrl.u32 s14, $0x8  }
0xa: {  	s9 =	sshll.u32 s5, $0x5;
	s12 =	sshll.u32 s5, $0xA;
	s13 =	smul.u32 $0x5, s11  }
0xb: {  	s3 =	ssub.s32 s8, s10;
	p0 =	sgt.u32 s5, $0x1;
	s9 =	sadd.s32 $0xFFFFFFC1, s9  }
0xc: {  	s18 =	sshll.u32 s11, $0xF;
	s14 =	sshrl.u32 s9, $0x18;
	s16 =	ssub.s32 s23, s13  }
0xd: {  	s6 =	sadd.s32 s6, s12;
	s15 =	sand.u32 $0x7F, s14;
	s8 =	sand.u32 $0xFF, s16  }
0xe: {  	[dreg:$0x5] =	wrdreg s6;
	s6 =	sadd.s32 s15, s9;
	s17 =	sadd.s32 s8, s7  }
0xf: {  	v0 =	vimm.f32 $1.500000000e+01;
	vm0 =	vcmask $0x300;
	vm5 =	vcmask $0x704;
	s9 =	sshra.s32 s9, $0x1F;
	s6 =	sshra.s32 s6, $0x7;
	s10 =	sshll.u32 s17, $0xC  }
0x10: {  	vm6 =	vcmask $0xB08;
	vm7 =	vcmask $0xF0C;
	vm3 =	vcmask $0x1310;
	s19 =	sadd.s32 s0, s12;
	s6 =	sadd.s32 s6, s9;
	s9 =	sadd.s32 s18, s10  }
0x11: {  	vm2 =	vcmask $0x1714;
	vm8 =	vcmask $0x1B18;
	vm1 =	vcmask $0x1F1C;
	s20 =	sadd.s32 $0x2, s7;
	[dreg:$0x6] =	wrdreg s19;
	s10 =	sadd.s32 s0, s9  }
0x12: {  	v1 =	vimm.f32 $2.550000000e+02;
	vm4 =	vcmask $0x2320;
	v0 =	vsel vm0, $0x0, v0;
	s11 =	sor.u32 $0x8000, s12;
	s21 =	sadd.s32 $0x200, s10;
	[dreg:$0x7] =	wrdreg s10  }
0x13: {  	vm9 =	vcmask $0x2724;
	v2 =	vimm.s32 $0xC0804000;
	v0 =	vsel vm5, $0x3F800000, v0;
	s16 =	sadd.s32 s0, s11;
	s22 =	sadd.s32 $0x400, s10;
	[dreg:$0x8] =	wrdreg s21  }
0x14: {  	vm10 =	vcmask $0x2B28;
	vm11 =	vcmask $0x2F2C;
	v0 =	vsel vm6, $0x40000000, v0;
	s8 =	sadd.s32 s8, s13;
	s24 =	sadd.s32 $0x600, s10;
	[dreg:$0x9] =	wrdreg s22  }
0x15: {  	v4 =	vimm.s32 $0xC1814101;
	v2 =	vunpack.c.0.s8.s32 v2;
	v0 =	vsel vm7, $0x40400000, v0;
	s8 =	sshll.u32 s8, $0xB;
	s25 =	sadd.s32 $0x800, s10;
	[dreg:$0xa] =	wrdreg s24  }
0x16: {  	vm12 =	vcmask $0x3330;
	vm13 =	vcmask $0x3734;
	v0 =	vsel vm3, $0x40800000, v0;
	s17 =	sshll.u32 s5, $0x4;
	s26 =	sadd.s32 $0xA00, s10;
	[dreg:$0xb] =	wrdreg s25  }
0x17: {  	vm5 =	vcmask $0xF00;
	v2 =	vand.u32 $0xFF, v2;
	v0 =	vsel vm2, $0x40A00000, v0;
	s6 =	simm.s32 @!p0 $0xFFFFFFFF;
	s28 =	sadd.s32 $0xC00, s10;
	[dreg:$0xc] =	wrdreg s26  }
0x18: {  	(erf) = vrcp.f32 v1;
	v2 =	vnsel vm5, $0x1C1, v2;
	v0 =	vsel vm8, $0x40C00000, v0;
	p0 =	sgt.s32 s7, s6;
	s10 =	sadd.s32 $0xE00, s10;
	[dreg:$0xd] =	wrdreg s28  }
0x19: {  	vm14 =	vcmask $0x2F20;
	v2 =	vsel vm3, $0x100, v2;
	v0 =	vsel vm1, $0x40E00000, v0;
	s18 =	sadd.s32 s1, s12;
	s6 =	smov.u32 @p0 s7;
	[dreg:$0xe] =	wrdreg s10  }
0x1a: {  	v4 =	vunpack.c.0.s8.s32 v4;
	v2 =	vsel vm2, $0x140, v2;
	v0 =	vsel vm4, $0x41000000, v0;
	s24 =	sor.u32 $0x10000, s12;
	s22 =	smax.u32 s3, $0x1;
	p0 =	seq.s32 s23, $0xF  }
0x1b: {  	vm15 =	vcmask $0x3B38;
	v2 =	vsel vm8, $0x180, v2;
	v0 =	vsel vm9, $0x41100000, v0;
	s26 =	simm.s32 $0xA780;
	s6 =	smin.u32 s20, s6;
	s19 =	sadd.s32 s0, s24  }
0x1c: {  	v4 =	vand.u32 $0xFF, v4;
	v2 =	vsel vm1, $0x1C0, v2;
	v1 =	vsel vm10, $0x41200000, v0;
	s20 =	sadd.s32 s1, s11;
	s21 =	sadd.s32 s1, s24;
	s7 =	ssub.s32 s6, s7  }
0x1d: {  	v7 =	vlaneseq.u32;
	v4 =	vsel vm14, v4, v2;
	v3 =	vsel vm11, $0x41300000, v1;
	s0 =	simm.s32 $0xA;
	s24 =	simm.s32 $0xB;
	s7 =	sshll.u32 s7, $0xD  }
0x1e: {  	v8 =	vimm.f32 $1.000000000e+00;
	v5 =	vsel vm12, $0x101, v4;
	v3 =	vsel vm12, $0x41400000, v3;
	s1 =	simm.s32 $0xD;
	s14 =	ssub.s32 $0x0, s6;
	s7 =	sshra.s32 s7, $0x2  }
0x1f: {  	v7 =	vmul.u32 $0x100, v7;
	v6 =	vsel vm13, $0x141, v5;
	v3 =	vsel vm13, $0x41500000, v3;
	s25 =	ssub.s32 $0x3, s6;
	s28 =	ssub.s32 $0x6, s6;
	s13 =	sadd.s32 s7, s4  }
0x20: {  	v4 =	vimm.f32 $0.0e+00;
	v6 =	vsel vm15, $0x181, v6;
	v3 =	vsel vm15, $0x41600000, v3;
	s4 =	sadd.s32 s8, s4;
	s7 =	simm.s32 $0x8000;
	s8 =	simm.s32 $0x0  }
0x21: {  	v5 =	vpop (erf);
	v0 =	vmov s14;
	v1 =	vmov s25;
	v2 =	vmov s28;
	[dreg:$0xf] =	wrdreg s4;
	s15 =	sadd.s32 $0x2800, s13;
	s23 =	sadd.s32 $0x5000, s13  }
.LBB2_1:
.Ltmp0:
0x22: {  	(pc) =	sbr.rel @p0 .LBB2_30-.Ltmp0, $4  }
0x23: {  	s3 =	rddreg [dreg:$0x5];
	s4 =	simm.s32 $0x12F80  }
0x24: {  	[tilespmem:s4], [sflag:$0x9] =	stream.linear.gather [hbm4b:s3+s2], $0x2000, $0x38;
	[tilespmem:$0x19380] =	vst v63  }
0x25: {  	s25 =	rddreg [dreg:$0x6];
	s28 =	simm.s32 $0xEF80  }
0x26: {  	[tilespmem:s28], [sflag:$0xA] =	stream.linear.gather [hbm4b:s25+s2], $0x2000, $0x38;
	[tilespmem:$0x19380] =	vst v63  }
0x27: {  	s3 =	rddreg [dreg:$0x7]  }
0x28: {  	[tilespmem:s2], [sflag:$0x1] =	stream.linear.gather [hbm4b:s3+s2], $0x1000, $0x38;
	[tilespmem:$0x19380] =	vst v63  }
0x29: {  	s14 =	rddreg [dreg:$0x8];
	s4 =	simm.s32 $0x1000  }
0x2a: {  	[tilespmem:s4], [sflag:$0x2] =	stream.linear.gather [hbm4b:s14+s2], $0x1000, $0x38;
	[tilespmem:$0x19380] =	vst v63  }
0x2b: {  	s25 =	rddreg [dreg:$0x9];
	s28 =	simm.s32 $0x2000  }
0x2c: {  	[tilespmem:s28], [sflag:$0x3] =	stream.linear.gather [hbm4b:s25+s2], $0x1000, $0x38;
	[tilespmem:$0x19380] =	vst v63  }
0x2d: {  	s5 =	simm.s32 $0x3000;
	s4 =	rddreg [dreg:$0xa]  }
0x2e: {  	[tilespmem:s5], [sflag:$0x4] =	stream.linear.gather [hbm4b:s4+s2], $0x1000, $0x38;
	[tilespmem:$0x19380] =	vst v63  }
0x2f: {  	s6 =	rddreg [dreg:$0xb];
	s9 =	simm.s32 $0x4000  }
0x30: {  	[tilespmem:s9], [sflag:$0x5] =	stream.linear.gather [hbm4b:s6+s2], $0x1000, $0x38;
	[tilespmem:$0x19380] =	vst v63  }
0x31: {  	s10 =	rddreg [dreg:$0xc];
	s11 =	simm.s32 $0x5000  }
0x32: {  	[tilespmem:s11], [sflag:$0x6] =	stream.linear.gather [hbm4b:s10+s2], $0x1000, $0x38;
	[tilespmem:$0x19380] =	vst v63  }
0x33: {  	s12 =	rddreg [dreg:$0xd];
	s14 =	simm.s32 $0x6000  }
0x34: {  	[tilespmem:s14], [sflag:$0x7] =	stream.linear.gather [hbm4b:s12+s2], $0x1000, $0x38;
	[tilespmem:$0x19380] =	vst v63  }
0x35: {  	s3 =	simm.s32 $0x8040;
	s25 =	rddreg [dreg:$0xe];
	s28 =	simm.s32 $0x7000  }
0x36: {  	[tilespmem:s28], [sflag:$0x8] =	stream.linear.gather [hbm4b:s25+s2], $0x1000, $0x38;
	[tilespmem:$0x19380] =	vst v63  }
0x37: {  	[tilespmem:s3+$0xFFFFFFC0] =	vst v4  }
0x38: {  	[tilespmem:s3+$0x30] =	vst v4  }
0x39: {  	[tilespmem:s3+$0x20] =	vst v4  }
0x3a: {  	[tilespmem:s3+$0x10] =	vst v4  }
0x3b: {  	[tilespmem:s3+$0x0] =	vst v4  }
0x3c: {  	[tilespmem:s3+$0xFFFFFFF0] =	vst v4  }
0x3d: {  	s4 =	simm.s32 $0x0;
	[tilespmem:s3+$0xFFFFFFE0] =	vst v4  }
.LBB2_3:
0x3e: {  	s4 =	sadd.s32 $0x8, s4;
	[tilespmem:s3+$0xFFFFFFD0] =	vst v4;
	s3 =	sadd.s32 $0x80, s3  }
0x3f: {  	[tilespmem:s3+$0xFFFFFFC0] =	vst v4;
	p1 =	slt.u32 s4, $0xF8  }
0x40: {  	[tilespmem:s3+$0x30] =	vst v4  }
.Ltmp1:
0x41: {  	[tilespmem:s3+$0x20] =	vst v4;
	(pc) =	sbr.rel @p1 .LBB2_3-.Ltmp1, $4  }
0x42: {  	[tilespmem:s3+$0x10] =	vst v4  }
0x43: {  	[tilespmem:s3+$0x0] =	vst v4  }
0x44: {  	[tilespmem:s3+$0xFFFFFFF0] =	vst v4  }
0x45: {  	[tilespmem:s3+$0xFFFFFFE0] =	vst v4  }
0x46: {  	s4 =	simm.s32 $0x0  }
0x47: {  	s5 =	sand.u32 $0xE00, s4;
	s4 =	sand.u32 $0x30, s4  }
0x48: {  	s4 =	sor.u32 s4, s5  }
0x49: {  	v9 =	vor.u32 s4, v6;
	s14 =	sor.u32 $0xE, s4  }
0x4a: {  	[tilespmem:s3+$0xFFFFFFD0] =	vst v4;
	s6 =	simm.s32 $0x1;
	s5 =	sor.u32 $0x2, s4;
	v10 =	vor.u32 s14, v6  }
0x4b: {  	_ =	swait.ge [sflag:s6], $0x1000;
	s25 =	sor.u32 $0x4, s4;
	v11 =	vor.u32 s5, v6  }
0x4c: {  	[sflag:s6] =	ssyncset.done $0x0;
	s28 =	sor.u32 $0x6, s4;
	v12 =	vor.u32 s25, v6  }
0x4d: {  	s10 =	simm.s32 $0x10;
	[sflag:s6] =	ssyncadd.s32 $0xFFFFF000;
	s6 =	sor.u32 $0x8, s4;
	v13 =	vor.u32 s28, v6  }
0x4e: {  	s11 =	simm.s32 $0x80;
	s9 =	sor.u32 $0xA, s4;
	s4 =	sor.u32 $0xC, s4;
	v14 =	vor.u32 s6, v6;
	v9 =	vld.idx.msk [tilespmem:v9+s2+$0x0], $0xffff  }
0x4f: {  	s3 =	sand.u32 $0x30, s10;
	v15 =	vor.u32 s9, v6;
	v16 =	vor.u32 s4, v6;
	s4 =	sand.u32 $0xE00, s11;
	v10 =	vld.idx.msk [tilespmem:v10+s2+$0x0], $0xffff  }
0x50: {  	s3 =	sor.u32 s3, s4;
	v11 =	vld.idx.msk [tilespmem:v11+s2+$0x0], $0xffff  }
0x51: {  	s10 =	simm.s32 $0x100;
	s9 =	simm.s32 $0x20;
	s4 =	sor.u32 $0x2, s3;
	v12 =	vld.idx.msk [tilespmem:v12+s2+$0x0], $0xffff  }
0x52: {  	s12 =	sor.u32 $0xE, s3;
	s14 =	sor.u32 $0x4, s3;
	s25 =	sor.u32 $0x6, s3;
	v13 =	vld.idx.msk [tilespmem:v13+s2+$0x0], $0xffff  }
0x53: {  	v17 =	vor.u32 s3, v6;
	s28 =	sor.u32 $0x8, s3;
	s6 =	sor.u32 $0xA, s3;
	s3 =	sor.u32 $0xC, s3;
	v14 =	vld.idx.msk [tilespmem:v14+s2+$0x0], $0xffff  }
0x54: {  	v18 =	vor.u32 s4, v6;
	v24 =	vor.u32 s3, v6;
	s4 =	sand.u32 $0xE00, s10;
	s3 =	sand.u32 $0x30, s9;
	v15 =	vld.idx.msk [tilespmem:v15+s2+$0x0], $0xffff  }
0x55: {  	v19 =	vor.u32 s12, v6;
	s3 =	sor.u32 s3, s4;
	v16 =	vld.idx.msk [tilespmem:v16+s2+$0x0], $0xffff  }
0x56: {  	v20 =	vor.u32 s14, v6;
	v21 =	vor.u32 s25, v6;
	v22 =	vor.u32 s28, v6;
	s11 =	sor.u32 $0xE, s3  }
0x57: {  	v23 =	vor.u32 s6, v6;
	s14 =	sor.u32 $0x6, s3;
	v26 =	vor.u32 s11, v6;
	v9 =	vmax.f32 v9, $0.0e+00  }
0x58: {  	v27 =	vor.u32 s14, v6;
	v9 =	vmin.f32 v9, $2.550000000e+02;
	v10 =	vmax.f32 v10, $0.0e+00  }
0x59: {  	v11 =	vmax.f32 v11, $0.0e+00;
	v12 =	vmax.f32 v12, $0.0e+00;
	v13 =	vmax.f32 v13, $0.0e+00  }
0x5a: {  	v14 =	vmax.f32 v14, $0.0e+00;
	v15 =	vmax.f32 v15, $0.0e+00;
	v16 =	vmax.f32 v16, $0.0e+00  }
0x5b: {  	v9 =	vtrunc.f32 v9;
	v10 =	vmin.f32 v10, $2.550000000e+02;
	v11 =	vmin.f32 v11, $2.550000000e+02  }
0x5c: {  	v12 =	vmin.f32 v12, $2.550000000e+02;
	v13 =	vmin.f32 v13, $2.550000000e+02;
	v9 =	vcvt.f32.s32 v9  }
0x5d: {  	v17 =	vld.idx.msk [tilespmem:v17+s2+$0x0], $0xffff;
	v14 =	vmin.f32 v14, $2.550000000e+02;
	v10 =	vtrunc.f32 v10;
	v11 =	vtrunc.f32 v11  }
0x5e: {  	v15 =	vmin.f32 v15, $2.550000000e+02;
	v12 =	vtrunc.f32 v12;
	v13 =	vtrunc.f32 v13  }
0x5f: {  	s25 =	sor.u32 $0x8, s3;
	v19 =	vld.idx.msk [tilespmem:v19+s2+$0x0], $0xffff;
	v16 =	vmin.f32 v16, $2.550000000e+02;
	v14 =	vtrunc.f32 v14;
	v15 =	vtrunc.f32 v15  }
0x60: {  	s28 =	sor.u32 $0xA, s3;
	v28 =	vor.u32 s25, v6;
	v16 =	vtrunc.f32 v16;
	v10 =	vcvt.f32.s32 v10  }
0x61: {  	v29 =	vor.u32 s28, v6;
	v18 =	vld.idx.msk [tilespmem:v18+s2+$0x0], $0xffff;
	v11 =	vcvt.f32.s32 v11;
	v12 =	vcvt.f32.s32 v12  }
0x62: {  	v20 =	vld.idx.msk [tilespmem:v20+s2+$0x0], $0xffff;
	v17 =	vmax.f32 v17, $0.0e+00;
	v13 =	vcvt.f32.s32 v13;
	v14 =	vcvt.f32.s32 v14  }
0x63: {  	v21 =	vld.idx.msk [tilespmem:v21+s2+$0x0], $0xffff;
	v15 =	vcvt.f32.s32 v15;
	v16 =	vcvt.f32.s32 v16;
	v10 =	vadd.s32 v7, v10  }
0x64: {  	v22 =	vld.idx.msk [tilespmem:v22+s2+$0x0], $0xffff;
	v17 =	vmin.f32 v17, $2.550000000e+02;
	v19 =	vmax.f32 v19, $0.0e+00;
	v11 =	vadd.s32 v7, v11  }
0x65: {  	v26 =	vld.idx.msk [tilespmem:v26+s2+$0x0], $0xffff;
	v17 =	vtrunc.f32 v17;
	v12 =	vadd.s32 v7, v12;
	v13 =	vadd.s32 v7, v13  }
0x66: {  	v23 =	vld.idx.msk [tilespmem:v23+s2+$0x0], $0xffff;
	v25 =	vcvt.f32.s32 v17;
	v17 =	vmax.f32 v18, $0.0e+00;
	v18 =	vmin.f32 v19, $2.550000000e+02  }
0x67: {  	v20 =	vmax.f32 v20, $0.0e+00;
	v9 =	vadd.s32 v7, v9;
	v19 =	vld.idx.msk [tilespmem:v24+s2+$0x0], $0xffff;
	v18 =	vtrunc.f32 v18  }
0x68: {  	s4 =	sor.u32 $0x2, s3;
	v21 =	vmax.f32 v21, $0.0e+00;
	v18 =	vcvt.f32.s32 v18;
	[tilespmem:v10+s7+$0x0] =	vst.idx.add.f32.msk $0xffff, v8;
	v10 =	vor.u32 s3, v6  }
0x69: {  	v22 =	vmax.f32 v22, $0.0e+00;
	v24 =	vor.u32 s4, v6;
	v15 =	vadd.s32 v7, v15;
	[tilespmem:v11+s7+$0x0] =	vst.idx.add.f32.msk $0xffff, v8  }
0x6a: {  	s12 =	sor.u32 $0x4, s3;
	v17 =	vmin.f32 v17, $2.550000000e+02;
	v26 =	vmax.f32 v26, $0.0e+00;
	v18 =	vadd.s32 v7, v18;
	[tilespmem:v12+s7+$0x0] =	vst.idx.add.f32.msk $0xffff, v8  }
0x6b: {  	v11 =	vor.u32 s12, v6;
	s3 =	sor.u32 $0xC, s3;
	[tilespmem:v13+s7+$0x0] =	vst.idx.add.f32.msk $0xffff, v8;
	v12 =	vmin.f32 v20, $2.550000000e+02;
	v13 =	vmax.f32 v23, $0.0e+00  }
0x6c: {  	[tilespmem:v9+s7+$0x0] =	vst.idx.add.f32.msk $0xffff, v8;
	v19 =	vmax.f32 v19, $0.0e+00;
	v20 =	vmin.f32 v22, $2.550000000e+02;
	v30 =	vor.u32 s3, v6  }
0x6d: {  	v13 =	vmin.f32 v13, $2.550000000e+02;
	v12 =	vtrunc.f32 v12;
	v22 =	vtrunc.f32 v20;
	v9 =	vld.idx.msk [tilespmem:v10+s2+$0x0], $0xffff  }
0x6e: {  	v23 =	vld.idx.msk [tilespmem:v24+s2+$0x0], $0xffff;
	v19 =	vmin.f32 v19, $2.550000000e+02;
	v13 =	vtrunc.f32 v13;
	v31 =	vcvt.f32.s32 v12  }
0x6f: {  	v12 =	vadd.s32 v7, v25;
	[tilespmem:v18+s7+$0x0] =	vst.idx.add.f32.msk $0xffff, v8;
	v18 =	vtrunc.f32 v19;
	v10 =	vmin.f32 v21, $2.550000000e+02  }
0x70: {  	v21 =	vtrunc.f32 v17;
	v17 =	vadd.s32 v7, v14;
	v20 =	vld.idx.msk [tilespmem:v11+s2+$0x0], $0xffff;
	v11 =	vcvt.f32.s32 v22  }
0x71: {  	v14 =	vadd.s32 v7, v16;
	v22 =	vld.idx.msk [tilespmem:v28+s2+$0x0], $0xffff;
	v10 =	vtrunc.f32 v10;
	v19 =	vcvt.f32.s32 v21  }
0x72: {  	v21 =	vld.idx.msk [tilespmem:v27+s2+$0x0], $0xffff;
	v27 =	vcvt.f32.s32 v10;
	v10 =	vcvt.f32.s32 v13;
	v16 =	vmax.f32 v9, $0.0e+00  }
0x73: {  	v13 =	vld.idx.msk [tilespmem:v29+s2+$0x0], $0xffff;
	v24 =	vadd.s32 v7, v19;
	v9 =	vcvt.f32.s32 v18;
	v18 =	vmin.f32 v16, $2.550000000e+02  }
0x74: {  	s5 =	simm.s32 $0x180;
	s4 =	simm.s32 $0x30;
	s3 =	simm.s32 $0x10;
	v19 =	vadd.s32 v7, v27;
	v16 =	vadd.s32 v7, v31;
	v25 =	vtrunc.f32 v18;
	v18 =	vld.idx.msk [tilespmem:v30+s2+$0x0], $0xffff  }
.LBB2_5:
0x75: {  	s6 =	sand.u32 $0xE00, s5;
	s9 =	sand.u32 $0x30, s4;
	v25 =	vcvt.f32.s32 v25;
	v23 =	vmax.f32 v23, $0.0e+00;
	v26 =	vmin.f32 v26, $2.550000000e+02;
	[tilespmem:v17+s7+$0x0] =	vst.idx.add.f32.msk $0xffff, v8  }
0x76: {  	s3 =	sadd.s32 $0x8, s3;
	v20 =	vmax.f32 v20, $0.0e+00;
	s6 =	sor.u32 s9, s6;
	v17 =	vmin.f32 v23, $2.550000000e+02;
	v23 =	vtrunc.f32 v26;
	[tilespmem:v15+s7+$0x0] =	vst.idx.add.f32.msk $0xffff, v8  }
0x77: {  	p1 =	slt.u32 s3, $0xF8;
	v21 =	vmax.f32 v21, $0.0e+00;
	v15 =	vor.u32 s6, v6;
	s9 =	sor.u32 $0x2, s6;
	s10 =	sor.u32 $0xE, s6;
	v23 =	vcvt.f32.s32 v23;
	[tilespmem:v14+s7+$0x0] =	vst.idx.add.f32.msk $0xffff, v8  }
0x78: {  	s11 =	sor.u32 $0x6, s6;
	s12 =	sor.u32 $0x8, s6;
	v22 =	vmax.f32 v22, $0.0e+00;
	v14 =	vor.u32 s9, v6;
	s9 =	sor.u32 $0x4, s6;
	v26 =	vor.u32 s10, v6;
	[tilespmem:v24+s7+$0x0] =	vst.idx.add.f32.msk $0xffff, v8  }
0x79: {  	v27 =	vor.u32 s11, v6;
	v24 =	vor.u32 s9, v6;
	s9 =	sor.u32 $0xA, s6;
	s6 =	sor.u32 $0xC, s6;
	v23 =	vadd.s32 v7, v23;
	[tilespmem:v16+s7+$0x0] =	vst.idx.add.f32.msk $0xffff, v8  }
0x7a: {  	v16 =	vor.u32 s12, v6;
	v28 =	vor.u32 s9, v6;
	v29 =	vor.u32 s6, v6;
	[tilespmem:v19+s7+$0x0] =	vst.idx.add.f32.msk $0xffff, v8  }
0x7b: {  	v13 =	vmax.f32 v13, $0.0e+00;
	v18 =	vmax.f32 v18, $0.0e+00;
	v19 =	vmin.f32 v20, $2.550000000e+02;
	[tilespmem:v12+s7+$0x0] =	vst.idx.add.f32.msk $0xffff, v8  }
0x7c: {  	v13 =	vmin.f32 v13, $2.550000000e+02;
	v12 =	vmin.f32 v21, $2.550000000e+02;
	v30 =	vld.idx.msk [tilespmem:v15+s2+$0x0], $0xffff;
	v15 =	vmin.f32 v22, $2.550000000e+02  }
0x7d: {  	v18 =	vmin.f32 v18, $2.550000000e+02;
	v21 =	vtrunc.f32 v17;
	v19 =	vtrunc.f32 v19;
	v26 =	vld.idx.msk [tilespmem:v26+s2+$0x0], $0xffff  }
0x7e: {  	v17 =	vadd.s32 v7, v11;
	v22 =	vtrunc.f32 v12;
	v31 =	vtrunc.f32 v15;
	[tilespmem:v23+s7+$0x0] =	vst.idx.add.f32.msk $0xffff, v8  }
0x7f: {  	v13 =	vtrunc.f32 v13;
	v18 =	vtrunc.f32 v18;
	v15 =	vadd.s32 v7, v10;
	v23 =	vld.idx.msk [tilespmem:v14+s2+$0x0], $0xffff  }
.Ltmp2:
0x80: {  	v19 =	vcvt.f32.s32 v19;
	v14 =	vadd.s32 v7, v9;
	v20 =	vld.idx.msk [tilespmem:v24+s2+$0x0], $0xffff;
	v24 =	vcvt.f32.s32 v21;
	(pc) =	sbr.rel @p1 .LBB2_5-.Ltmp2, $4  }
0x81: {  	v12 =	vadd.s32 v7, v25;
	v11 =	vcvt.f32.s32 v31;
	v21 =	vld.idx.msk [tilespmem:v27+s2+$0x0], $0xffff;
	v27 =	vcvt.f32.s32 v22  }
0x82: {  	v10 =	vcvt.f32.s32 v13;
	v9 =	vcvt.f32.s32 v18;
	v25 =	vmax.f32 v30, $0.0e+00;
	v22 =	vld.idx.msk [tilespmem:v16+s2+$0x0], $0xffff  }
0x83: {  	v18 =	vmin.f32 v25, $2.550000000e+02;
	v24 =	vadd.s32 v7, v24;
	v16 =	vadd.s32 v7, v19;
	v13 =	vld.idx.msk [tilespmem:v28+s2+$0x0], $0xffff  }
0x84: {  	s4 =	sadd.s32 $0x10, s4;
	s5 =	sadd.s32 $0x80, s5;
	v26 =	vmax.f32 v26, $0.0e+00;
	v25 =	vtrunc.f32 v18;
	v19 =	vadd.s32 v7, v27;
	v18 =	vld.idx.msk [tilespmem:v29+s2+$0x0], $0xffff  }
0x85: {  	_ =	sdelay $0x1  }
0x86: {  	v26 =	vmin.f32 v26, $2.550000000e+02;
	v25 =	vcvt.f32.s32 v25;
	v23 =	vmax.f32 v23, $0.0e+00  }
0x87: {  	v20 =	vmax.f32 v20, $0.0e+00;
	v11 =	vadd.s32 v7, v11;
	v10 =	vadd.s32 v7, v10  }
0x88: {  	[tilespmem:v17+s7+$0x0] =	vst.idx.add.f32.msk $0xffff, v8;
	v9 =	vadd.s32 v7, v9;
	v26 =	vtrunc.f32 v26;
	v17 =	vmin.f32 v23, $2.550000000e+02  }
0x89: {  	[tilespmem:v15+s7+$0x0] =	vst.idx.add.f32.msk $0xffff, v8;
	v21 =	vmax.f32 v21, $0.0e+00;
	v20 =	vmin.f32 v20, $2.550000000e+02;
	v26 =	vcvt.f32.s32 v26  }
0x8a: {  	[tilespmem:v16+s7+$0x0] =	vst.idx.add.f32.msk $0xffff, v8;
	v15 =	vmax.f32 v22, $0.0e+00;
	v17 =	vtrunc.f32 v17;
	v16 =	vtrunc.f32 v20  }
0x8b: {  	[tilespmem:v14+s7+$0x0] =	vst.idx.add.f32.msk $0xffff, v8;
	v13 =	vmax.f32 v13, $0.0e+00;
	v15 =	vmin.f32 v15, $2.550000000e+02;
	v17 =	vcvt.f32.s32 v17  }
0x8c: {  	[tilespmem:v24+s7+$0x0] =	vst.idx.add.f32.msk $0xffff, v8;
	v16 =	vcvt.f32.s32 v16;
	v22 =	vadd.s32 v7, v26;
	v14 =	vmax.f32 v18, $0.0e+00  }
0x8d: {  	[tilespmem:v12+s7+$0x0] =	vst.idx.add.f32.msk $0xffff, v8;
	v18 =	vmin.f32 v21, $2.550000000e+02;
	v12 =	vmin.f32 v13, $2.550000000e+02;
	v15 =	vtrunc.f32 v15  }
0x8e: {  	[tilespmem:v19+s7+$0x0] =	vst.idx.add.f32.msk $0xffff, v8;
	v18 =	vtrunc.f32 v18;
	v17 =	vadd.s32 v7, v17;
	v14 =	vmin.f32 v14, $2.550000000e+02  }
0x8f: {  	v16 =	vadd.s32 v7, v16;
	v12 =	vtrunc.f32 v12;
	v15 =	vcvt.f32.s32 v15;
	[tilespmem:v11+s7+$0x0] =	vst.idx.add.f32.msk $0xffff, v8  }
0x90: {  	[tilespmem:v10+s7+$0x0] =	vst.idx.add.f32.msk $0xffff, v8;
	v13 =	vcvt.f32.s32 v18;
	v11 =	vtrunc.f32 v14;
	v14 =	vadd.s32 v7, v25  }
0x91: {  	[tilespmem:v9+s7+$0x0] =	vst.idx.add.f32.msk $0xffff, v8;
	v12 =	vcvt.f32.s32 v12;
	v9 =	vadd.s32 v7, v15  }
0x92: {  	v10 =	vcvt.f32.s32 v11;
	v13 =	vadd.s32 v7, v13;
	[tilespmem:v22+s7+$0x0] =	vst.idx.add.f32.msk $0xffff, v8  }
0x93: {  	v11 =	vadd.s32 v7, v12;
	[tilespmem:v17+s7+$0x0] =	vst.idx.add.f32.msk $0xffff, v8  }
0x94: {  	v10 =	vadd.s32 v7, v10;
	[tilespmem:v16+s7+$0x0] =	vst.idx.add.f32.msk $0xffff, v8  }
0x95: {  	s3 =	simm.s32 $0x200;
	s4 =	simm.s32 $0x1000;
	[tilespmem:v14+s7+$0x0] =	vst.idx.add.f32.msk $0xffff, v8  }
0x96: {  	s4 =	sand.u32 $0x1E00, s4;
	s3 =	sand.u32 $0x30, s3;
	[tilespmem:v9+s7+$0x0] =	vst.idx.add.f32.msk $0xffff, v8  }
0x97: {  	s3 =	sor.u32 s3, s4;
	[tilespmem:v13+s7+$0x0] =	vst.idx.add.f32.msk $0xffff, v8  }
0x98: {  	s5 =	sor.u32 $0x2, s3;
	v9 =	vor.u32 s3, v6;
	[tilespmem:v11+s7+$0x0] =	vst.idx.add.f32.msk $0xffff, v8  }
0x99: {  	s6 =	simm.s32 $0x2;
	s25 =	sor.u32 $0x4, s3;
	v11 =	vor.u32 s5, v6;
	[tilespmem:v10+s7+$0x0] =	vst.idx.add.f32.msk $0xffff, v8  }
0x9a: {  	s28 =	sor.u32 $0x6, s3;
	v12 =	vor.u32 s25, v6;
	_ =	swait.ge [sflag:s6], $0x1000  }
0x9b: {  	s9 =	sor.u32 $0xA, s3;
	v13 =	vor.u32 s28, v6;
	[sflag:s6] =	ssyncset.done $0x0  }
0x9c: {  	s4 =	sor.u32 $0xE, s3;
	v15 =	vor.u32 s9, v6;
	[sflag:s6] =	ssyncadd.s32 $0xFFFFF000  }
0x9d: {  	v10 =	vor.u32 s4, v6;
	v9 =	vld.idx.msk [tilespmem:v9+s2+$0x0], $0xffff  }
0x9e: {  	s10 =	simm.s32 $0x210;
	v11 =	vld.idx.msk [tilespmem:v11+s2+$0x0], $0xffff  }
0x9f: {  	s11 =	simm.s32 $0x1080;
	s6 =	sor.u32 $0x8, s3;
	s3 =	sor.u32 $0xC, s3;
	v12 =	vld.idx.msk [tilespmem:v12+s2+$0x0], $0xffff  }
0xa0: {  	s4 =	sand.u32 $0x1E00, s11;
	v16 =	vor.u32 s3, v6;
	v13 =	vld.idx.msk [tilespmem:v13+s2+$0x0], $0xffff;
	s3 =	sand.u32 $0x30, s10  }
0xa1: {  	v15 =	vld.idx.msk [tilespmem:v15+s2+$0x0], $0xffff;
	s3 =	sor.u32 s3, s4  }
0xa2: {  	v14 =	vor.u32 s6, v6;
	v10 =	vld.idx.msk [tilespmem:v10+s2+$0x0], $0xffff;
	v17 =	vor.u32 s3, v6;
	s4 =	sor.u32 $0x2, s3;
	s12 =	sor.u32 $0xE, s3;
	s14 =	sor.u32 $0x4, s3  }
0xa3: {  	s25 =	sor.u32 $0x6, s3;
	s28 =	sor.u32 $0x8, s3;
	s6 =	sor.u32 $0xA, s3;
	v18 =	vor.u32 s4, v6;
	v19 =	vor.u32 s12, v6;
	v20 =	vor.u32 s14, v6  }
0xa4: {  	s3 =	sor.u32 $0xC, s3;
	v21 =	vor.u32 s25, v6;
	v22 =	vor.u32 s28, v6;
	v23 =	vor.u32 s6, v6  }
0xa5: {  	s9 =	simm.s32 $0x220;
	s10 =	simm.s32 $0x1100;
	v24 =	vor.u32 s3, v6;
	v9 =	vmax.f32 v9, $0.0e+00;
	v11 =	vmax.f32 v11, $0.0e+00  }
0xa6: {  	s4 =	sand.u32 $0x1E00, s10;
	s3 =	sand.u32 $0x30, s9;
	v12 =	vmax.f32 v12, $0.0e+00;
	v13 =	vmax.f32 v13, $0.0e+00;
	v15 =	vmax.f32 v15, $0.0e+00  }
0xa7: {  	s3 =	sor.u32 s3, s4;
	v9 =	vmin.f32 v9, $2.550000000e+02;
	v10 =	vmax.f32 v10, $0.0e+00;
	v11 =	vmin.f32 v11, $2.550000000e+02  }
0xa8: {  	s11 =	sor.u32 $0xE, s3;
	v12 =	vmin.f32 v12, $2.550000000e+02;
	v13 =	vmin.f32 v13, $2.550000000e+02;
	v15 =	vmin.f32 v15, $2.550000000e+02  }
0xa9: {  	v14 =	vld.idx.msk [tilespmem:v14+s2+$0x0], $0xffff;
	s14 =	sor.u32 $0x6, s3;
	v26 =	vor.u32 s11, v6;
	v9 =	vtrunc.f32 v9;
	v11 =	vtrunc.f32 v11  }
0xaa: {  	v16 =	vld.idx.msk [tilespmem:v16+s2+$0x0], $0xffff;
	v27 =	vor.u32 s14, v6;
	v12 =	vtrunc.f32 v12;
	v13 =	vtrunc.f32 v13  }
0xab: {  	s25 =	sor.u32 $0x8, s3;
	v10 =	vmin.f32 v10, $2.550000000e+02;
	v15 =	vtrunc.f32 v15;
	v9 =	vcvt.f32.s32 v9  }
0xac: {  	s28 =	sor.u32 $0xA, s3;
	v28 =	vor.u32 s25, v6;
	v17 =	vld.idx.msk [tilespmem:v17+s2+$0x0], $0xffff;
	v10 =	vtrunc.f32 v10;
	v11 =	vcvt.f32.s32 v11  }
0xad: {  	v29 =	vor.u32 s28, v6;
	v19 =	vld.idx.msk [tilespmem:v19+s2+$0x0], $0xffff;
	v12 =	vcvt.f32.s32 v12;
	v13 =	vcvt.f32.s32 v13  }
0xae: {  	v18 =	vld.idx.msk [tilespmem:v18+s2+$0x0], $0xffff;
	v15 =	vcvt.f32.s32 v15;
	v10 =	vcvt.f32.s32 v10;
	v14 =	vmax.f32 v14, $0.0e+00  }
0xaf: {  	v20 =	vld.idx.msk [tilespmem:v20+s2+$0x0], $0xffff;
	v16 =	vmax.f32 v16, $0.0e+00;
	v9 =	vadd.s32 v7, v9;
	v11 =	vadd.s32 v7, v11  }
0xb0: {  	v21 =	vld.idx.msk [tilespmem:v21+s2+$0x0], $0xffff;
	v12 =	vadd.s32 v7, v12;
	v13 =	vadd.s32 v7, v13;
	v15 =	vadd.s32 v7, v15  }
0xb1: {  	v22 =	vld.idx.msk [tilespmem:v22+s2+$0x0], $0xffff;
	v10 =	vadd.s32 v7, v10;
	v14 =	vmin.f32 v14, $2.550000000e+02;
	v17 =	vmax.f32 v17, $0.0e+00  }
0xb2: {  	v23 =	vld.idx.msk [tilespmem:v23+s2+$0x0], $0xffff;
	v16 =	vmin.f32 v16, $2.550000000e+02;
	v14 =	vtrunc.f32 v14;
	v17 =	vmin.f32 v17, $2.550000000e+02  }
0xb3: {  	v26 =	vld.idx.msk [tilespmem:v26+s2+$0x0], $0xffff;
	v16 =	vtrunc.f32 v16;
	v19 =	vmax.f32 v19, $0.0e+00;
	v17 =	vtrunc.f32 v17  }
0xb4: {  	v25 =	vcvt.f32.s32 v17;
	v17 =	vmax.f32 v18, $0.0e+00;
	v18 =	vmin.f32 v19, $2.550000000e+02;
	v19 =	vld.idx.msk [tilespmem:v24+s2+$0x0], $0xffff  }
0xb5: {  	v14 =	vcvt.f32.s32 v14;
	v16 =	vcvt.f32.s32 v16;
	v20 =	vmax.f32 v20, $0.0e+00;
	[tilespmem:v11+s7+$0x0] =	vst.idx.add.f32.msk $0xffff, v8  }
0xb6: {  	s4 =	sor.u32 $0x2, s3;
	s12 =	sor.u32 $0x4, s3;
	v21 =	vmax.f32 v21, $0.0e+00;
	v22 =	vmax.f32 v22, $0.0e+00;
	[tilespmem:v10+s7+$0x0] =	vst.idx.add.f32.msk $0xffff, v8;
	v10 =	vor.u32 s3, v6  }
0xb7: {  	v24 =	vor.u32 s4, v6;
	v11 =	vor.u32 s12, v6;
	[tilespmem:v12+s7+$0x0] =	vst.idx.add.f32.msk $0xffff, v8;
	v18 =	vtrunc.f32 v18  }
0xb8: {  	[tilespmem:v13+s7+$0x0] =	vst.idx.add.f32.msk $0xffff, v8;
	v12 =	vmin.f32 v20, $2.550000000e+02;
	v13 =	vmax.f32 v23, $0.0e+00;
	v18 =	vcvt.f32.s32 v18  }
0xb9: {  	v20 =	vmin.f32 v22, $2.550000000e+02;
	v17 =	vmin.f32 v17, $2.550000000e+02;
	v13 =	vmin.f32 v13, $2.550000000e+02  }
0xba: {  	[tilespmem:v9+s7+$0x0] =	vst.idx.add.f32.msk $0xffff, v8;
	s3 =	sor.u32 $0xC, s3;
	v12 =	vtrunc.f32 v12;
	v22 =	vtrunc.f32 v20;
	v18 =	vadd.s32 v7, v18  }
0xbb: {  	v26 =	vmax.f32 v26, $0.0e+00;
	v30 =	vor.u32 s3, v6;
	v13 =	vtrunc.f32 v13;
	v9 =	vld.idx.msk [tilespmem:v10+s2+$0x0], $0xffff  }
0xbc: {  	v31 =	vcvt.f32.s32 v12;
	v12 =	vadd.s32 v7, v25;
	v19 =	vmax.f32 v19, $0.0e+00;
	v23 =	vld.idx.msk [tilespmem:v24+s2+$0x0], $0xffff  }
0xbd: {  	v20 =	vld.idx.msk [tilespmem:v11+s2+$0x0], $0xffff;
	v11 =	vcvt.f32.s32 v22;
	v10 =	vmin.f32 v21, $2.550000000e+02;
	v21 =	vtrunc.f32 v17  }
0xbe: {  	v22 =	vld.idx.msk [tilespmem:v28+s2+$0x0], $0xffff;
	v19 =	vmin.f32 v19, $2.550000000e+02;
	v17 =	vadd.s32 v7, v14;
	v10 =	vtrunc.f32 v10  }
0xbf: {  	v14 =	vadd.s32 v7, v16;
	[tilespmem:v18+s7+$0x0] =	vst.idx.add.f32.msk $0xffff, v8;
	v18 =	vtrunc.f32 v19;
	v19 =	vcvt.f32.s32 v21  }
0xc0: {  	v21 =	vld.idx.msk [tilespmem:v27+s2+$0x0], $0xffff;
	v27 =	vcvt.f32.s32 v10;
	v10 =	vcvt.f32.s32 v13;
	v16 =	vmax.f32 v9, $0.0e+00  }
0xc1: {  	v13 =	vld.idx.msk [tilespmem:v29+s2+$0x0], $0xffff;
	v9 =	vcvt.f32.s32 v18;
	v24 =	vadd.s32 v7, v19;
	v18 =	vmin.f32 v16, $2.550000000e+02  }
0xc2: {  	s5 =	simm.s32 $0x1180;
	s4 =	simm.s32 $0x230;
	s3 =	simm.s32 $0x110;
	v19 =	vadd.s32 v7, v27;
	v16 =	vadd.s32 v7, v31;
	v25 =	vtrunc.f32 v18;
	v18 =	vld.idx.msk [tilespmem:v30+s2+$0x0], $0xffff  }
.LBB2_7:
0xc3: {  	s6 =	sand.u32 $0x1E00, s5;
	s9 =	sand.u32 $0x30, s4;
	v25 =	vcvt.f32.s32 v25;
	v23 =	vmax.f32 v23, $0.0e+00;
	v26 =	vmin.f32 v26, $2.550000000e+02;
	[tilespmem:v17+s7+$0x0] =	vst.idx.add.f32.msk $0xffff, v8  }
0xc4: {  	s3 =	sadd.s32 $0x8, s3;
	v20 =	vmax.f32 v20, $0.0e+00;
	s6 =	sor.u32 s9, s6;
	v17 =	vmin.f32 v23, $2.550000000e+02;
	v23 =	vtrunc.f32 v26;
	[tilespmem:v15+s7+$0x0] =	vst.idx.add.f32.msk $0xffff, v8  }
0xc5: {  	p1 =	slt.u32 s3, $0x1F8;
	v21 =	vmax.f32 v21, $0.0e+00;
	v15 =	vor.u32 s6, v6;
	s9 =	sor.u32 $0x2, s6;
	s10 =	sor.u32 $0xE, s6;
	v23 =	vcvt.f32.s32 v23;
	[tilespmem:v14+s7+$0x0] =	vst.idx.add.f32.msk $0xffff, v8  }
0xc6: {  	s11 =	sor.u32 $0x6, s6;
	s12 =	sor.u32 $0x8, s6;
	v22 =	vmax.f32 v22, $0.0e+00;
	v14 =	vor.u32 s9, v6;
	s9 =	sor.u32 $0x4, s6;
	v26 =	vor.u32 s10, v6;
	[tilespmem:v24+s7+$0x0] =	vst.idx.add.f32.msk $0xffff, v8  }
0xc7: {  	v27 =	vor.u32 s11, v6;
	v24 =	vor.u32 s9, v6;
	s9 =	sor.u32 $0xA, s6;
	s6 =	sor.u32 $0xC, s6;
	v23 =	vadd.s32 v7, v23;
	[tilespmem:v16+s7+$0x0] =	vst.idx.add.f32.msk $0xffff, v8  }
0xc8: {  	v16 =	vor.u32 s12, v6;
	v28 =	vor.u32 s9, v6;
	v29 =	vor.u32 s6, v6;
	[tilespmem:v19+s7+$0x0] =	vst.idx.add.f32.msk $0xffff, v8  }
0xc9: {  	v13 =	vmax.f32 v13, $0.0e+00;
	v18 =	vmax.f32 v18, $0.0e+00;
	v19 =	vmin.f32 v20, $2.550000000e+02;
	[tilespmem:v12+s7+$0x0] =	vst.idx.add.f32.msk $0xffff, v8  }
0xca: {  	v13 =	vmin.f32 v13, $2.550000000e+02;
	v12 =	vmin.f32 v21, $2.550000000e+02;
	v30 =	vld.idx.msk [tilespmem:v15+s2+$0x0], $0xffff;
	v15 =	vmin.f32 v22, $2.550000000e+02  }
0xcb: {  	v18 =	vmin.f32 v18, $2.550000000e+02;
	v21 =	vtrunc.f32 v17;
	v19 =	vtrunc.f32 v19;
	v26 =	vld.idx.msk [tilespmem:v26+s2+$0x0], $0xffff  }
0xcc: {  	v17 =	vadd.s32 v7, v11;
	v22 =	vtrunc.f32 v12;
	v31 =	vtrunc.f32 v15;
	[tilespmem:v23+s7+$0x0] =	vst.idx.add.f32.msk $0xffff, v8  }
0xcd: {  	v13 =	vtrunc.f32 v13;
	v18 =	vtrunc.f32 v18;
	v15 =	vadd.s32 v7, v10;
	v23 =	vld.idx.msk [tilespmem:v14+s2+$0x0], $0xffff  }
.Ltmp3:
0xce: {  	v19 =	vcvt.f32.s32 v19;
	v14 =	vadd.s32 v7, v9;
	v20 =	vld.idx.msk [tilespmem:v24+s2+$0x0], $0xffff;
	v24 =	vcvt.f32.s32 v21;
	(pc) =	sbr.rel @p1 .LBB2_7-.Ltmp3, $4  }
0xcf: {  	v12 =	vadd.s32 v7, v25;
	v11 =	vcvt.f32.s32 v31;
	v21 =	vld.idx.msk [tilespmem:v27+s2+$0x0], $0xffff;
	v27 =	vcvt.f32.s32 v22  }
0xd0: {  	v10 =	vcvt.f32.s32 v13;
	v9 =	vcvt.f32.s32 v18;
	v25 =	vmax.f32 v30, $0.0e+00;
	v22 =	vld.idx.msk [tilespmem:v16+s2+$0x0], $0xffff  }
0xd1: {  	v18 =	vmin.f32 v25, $2.550000000e+02;
	v24 =	vadd.s32 v7, v24;
	v16 =	vadd.s32 v7, v19;
	v13 =	vld.idx.msk [tilespmem:v28+s2+$0x0], $0xffff  }
0xd2: {  	s4 =	sadd.s32 $0x10, s4;
	s5 =	sadd.s32 $0x80, s5;
	v26 =	vmax.f32 v26, $0.0e+00;
	v25 =	vtrunc.f32 v18;
	v19 =	vadd.s32 v7, v27;
	v18 =	vld.idx.msk [tilespmem:v29+s2+$0x0], $0xffff  }
0xd3: {  	_ =	sdelay $0x1  }
0xd4: {  	v26 =	vmin.f32 v26, $2.550000000e+02;
	v25 =	vcvt.f32.s32 v25;
	v23 =	vmax.f32 v23, $0.0e+00  }
0xd5: {  	v20 =	vmax.f32 v20, $0.0e+00;
	v11 =	vadd.s32 v7, v11;
	v10 =	vadd.s32 v7, v10  }
0xd6: {  	[tilespmem:v17+s7+$0x0] =	vst.idx.add.f32.msk $0xffff, v8;
	v9 =	vadd.s32 v7, v9;
	v26 =	vtrunc.f32 v26;
	v17 =	vmin.f32 v23, $2.550000000e+02  }
0xd7: {  	[tilespmem:v15+s7+$0x0] =	vst.idx.add.f32.msk $0xffff, v8;
	v21 =	vmax.f32 v21, $0.0e+00;
	v20 =	vmin.f32 v20, $2.550000000e+02;
	v26 =	vcvt.f32.s32 v26  }
0xd8: {  	[tilespmem:v16+s7+$0x0] =	vst.idx.add.f32.msk $0xffff, v8;
	v15 =	vmax.f32 v22, $0.0e+00;
	v17 =	vtrunc.f32 v17;
	v16 =	vtrunc.f32 v20  }
0xd9: {  	[tilespmem:v14+s7+$0x0] =	vst.idx.add.f32.msk $0xffff, v8;
	v13 =	vmax.f32 v13, $0.0e+00;
	v15 =	vmin.f32 v15, $2.550000000e+02;
	v17 =	vcvt.f32.s32 v17  }
0xda: {  	[tilespmem:v24+s7+$0x0] =	vst.idx.add.f32.msk $0xffff, v8;
	v16 =	vcvt.f32.s32 v16;
	v22 =	vadd.s32 v7, v26;
	v14 =	vmax.f32 v18, $0.0e+00  }
0xdb: {  	[tilespmem:v12+s7+$0x0] =	vst.idx.add.f32.msk $0xffff, v8;
	v18 =	vmin.f32 v21, $2.550000000e+02;
	v12 =	vmin.f32 v13, $2.550000000e+02;
	v15 =	vtrunc.f32 v15  }
0xdc: {  	[tilespmem:v19+s7+$0x0] =	vst.idx.add.f32.msk $0xffff, v8;
	v18 =	vtrunc.f32 v18;
	v17 =	vadd.s32 v7, v17;
	v14 =	vmin.f32 v14, $2.550000000e+02  }
0xdd: {  	v16 =	vadd.s32 v7, v16;
	v12 =	vtrunc.f32 v12;
	v15 =	vcvt.f32.s32 v15;
	[tilespmem:v11+s7+$0x0] =	vst.idx.add.f32.msk $0xffff, v8  }
0xde: {  	[tilespmem:v10+s7+$0x0] =	vst.idx.add.f32.msk $0xffff, v8;
	v13 =	vcvt.f32.s32 v18;
	v11 =	vtrunc.f32 v14;
	v14 =	vadd.s32 v7, v25  }
0xdf: {  	[tilespmem:v9+s7+$0x0] =	vst.idx.add.f32.msk $0xffff, v8;
	v12 =	vcvt.f32.s32 v12;
	v9 =	vadd.s32 v7, v15  }
0xe0: {  	v10 =	vcvt.f32.s32 v11;
	v13 =	vadd.s32 v7, v13;
	[tilespmem:v22+s7+$0x0] =	vst.idx.add.f32.msk $0xffff, v8  }
0xe1: {  	v11 =	vadd.s32 v7, v12;
	[tilespmem:v17+s7+$0x0] =	vst.idx.add.f32.msk $0xffff, v8  }
0xe2: {  	v10 =	vadd.s32 v7, v10;
	[tilespmem:v16+s7+$0x0] =	vst.idx.add.f32.msk $0xffff, v8  }
0xe3: {  	s3 =	simm.s32 $0x400;
	s4 =	simm.s32 $0x2000;
	[tilespmem:v14+s7+$0x0] =	vst.idx.add.f32.msk $0xffff, v8  }
0xe4: {  	s4 =	sand.u32 $0x3E00, s4;
	s3 =	sand.u32 $0x30, s3;
	[tilespmem:v9+s7+$0x0] =	vst.idx.add.f32.msk $0xffff, v8  }
0xe5: {  	s3 =	sor.u32 s3, s4;
	[tilespmem:v13+s7+$0x0] =	vst.idx.add.f32.msk $0xffff, v8  }
0xe6: {  	s5 =	sor.u32 $0x2, s3;
	v9 =	vor.u32 s3, v6;
	[tilespmem:v11+s7+$0x0] =	vst.idx.add.f32.msk $0xffff, v8  }
0xe7: {  	s6 =	simm.s32 $0x3;
	s25 =	sor.u32 $0x4, s3;
	v11 =	vor.u32 s5, v6;
	[tilespmem:v10+s7+$0x0] =	vst.idx.add.f32.msk $0xffff, v8  }
0xe8: {  	s28 =	sor.u32 $0x6, s3;
	v12 =	vor.u32 s25, v6;
	_ =	swait.ge [sflag:s6], $0x1000  }
0xe9: {  	s9 =	sor.u32 $0xA, s3;
	v13 =	vor.u32 s28, v6;
	[sflag:s6] =	ssyncset.done $0x0  }
0xea: {  	s4 =	sor.u32 $0xE, s3;
	v15 =	vor.u32 s9, v6;
	[sflag:s6] =	ssyncadd.s32 $0xFFFFF000  }
0xeb: {  	v10 =	vor.u32 s4, v6;
	v9 =	vld.idx.msk [tilespmem:v9+s2+$0x0], $0xffff  }
0xec: {  	s10 =	simm.s32 $0x410;
	v11 =	vld.idx.msk [tilespmem:v11+s2+$0x0], $0xffff  }
0xed: {  	s11 =	simm.s32 $0x2080;
	s6 =	sor.u32 $0x8, s3;
	s3 =	sor.u32 $0xC, s3;
	v12 =	vld.idx.msk [tilespmem:v12+s2+$0x0], $0xffff  }
0xee: {  	s4 =	sand.u32 $0x3E00, s11;
	v16 =	vor.u32 s3, v6;
	v13 =	vld.idx.msk [tilespmem:v13+s2+$0x0], $0xffff;
	s3 =	sand.u32 $0x30, s10  }
0xef: {  	v15 =	vld.idx.msk [tilespmem:v15+s2+$0x0], $0xffff;
	s3 =	sor.u32 s3, s4  }
0xf0: {  	v14 =	vor.u32 s6, v6;
	v10 =	vld.idx.msk [tilespmem:v10+s2+$0x0], $0xffff;
	v17 =	vor.u32 s3, v6;
	s4 =	sor.u32 $0x2, s3;
	s12 =	sor.u32 $0xE, s3;
	s14 =	sor.u32 $0x4, s3  }
0xf1: {  	s25 =	sor.u32 $0x6, s3;
	s28 =	sor.u32 $0x8, s3;
	s6 =	sor.u32 $0xA, s3;
	v18 =	vor.u32 s4, v6;
	v19 =	vor.u32 s12, v6;
	v20 =	vor.u32 s14, v6  }
0xf2: {  	s3 =	sor.u32 $0xC, s3;
	v21 =	vor.u32 s25, v6;
	v22 =	vor.u32 s28, v6;
	v23 =	vor.u32 s6, v6  }
0xf3: {  	s9 =	simm.s32 $0x420;
	s10 =	simm.s32 $0x2100;
	v24 =	vor.u32 s3, v6;
	v9 =	vmax.f32 v9, $0.0e+00;
	v11 =	vmax.f32 v11, $0.0e+00  }
0xf4: {  	s4 =	sand.u32 $0x3E00, s10;
	s3 =	sand.u32 $0x30, s9;
	v12 =	vmax.f32 v12, $0.0e+00;
	v13 =	vmax.f32 v13, $0.0e+00;
	v15 =	vmax.f32 v15, $0.0e+00  }
0xf5: {  	s3 =	sor.u32 s3, s4;
	v9 =	vmin.f32 v9, $2.550000000e+02;
	v10 =	vmax.f32 v10, $0.0e+00;
	v11 =	vmin.f32 v11, $2.550000000e+02  }
0xf6: {  	s11 =	sor.u32 $0xE, s3;
	v12 =	vmin.f32 v12, $2.550000000e+02;
	v13 =	vmin.f32 v13, $2.550000000e+02;
	v15 =	vmin.f32 v15, $2.550000000e+02  }
0xf7: {  	v14 =	vld.idx.msk [tilespmem:v14+s2+$0x0], $0xffff;
	s14 =	sor.u32 $0x6, s3;
	v26 =	vor.u32 s11, v6;
	v9 =	vtrunc.f32 v9;
	v11 =	vtrunc.f32 v11  }
0xf8: {  	v16 =	vld.idx.msk [tilespmem:v16+s2+$0x0], $0xffff;
	v27 =	vor.u32 s14, v6;
	v12 =	vtrunc.f32 v12;
	v13 =	vtrunc.f32 v13  }
0xf9: {  	s25 =	sor.u32 $0x8, s3;
	v10 =	vmin.f32 v10, $2.550000000e+02;
	v15 =	vtrunc.f32 v15;
	v9 =	vcvt.f32.s32 v9  }
0xfa: {  	s28 =	sor.u32 $0xA, s3;
	v28 =	vor.u32 s25, v6;
	v17 =	vld.idx.msk [tilespmem:v17+s2+$0x0], $0xffff;
	v10 =	vtrunc.f32 v10;
	v11 =	vcvt.f32.s32 v11  }
0xfb: {  	v29 =	vor.u32 s28, v6;
	v19 =	vld.idx.msk [tilespmem:v19+s2+$0x0], $0xffff;
	v12 =	vcvt.f32.s32 v12;
	v13 =	vcvt.f32.s32 v13  }
0xfc: {  	v18 =	vld.idx.msk [tilespmem:v18+s2+$0x0], $0xffff;
	v15 =	vcvt.f32.s32 v15;
	v10 =	vcvt.f32.s32 v10;
	v14 =	vmax.f32 v14, $0.0e+00  }
0xfd: {  	v20 =	vld.idx.msk [tilespmem:v20+s2+$0x0], $0xffff;
	v16 =	vmax.f32 v16, $0.0e+00;
	v9 =	vadd.s32 v7, v9;
	v11 =	vadd.s32 v7, v11  }
0xfe: {  	v21 =	vld.idx.msk [tilespmem:v21+s2+$0x0], $0xffff;
	v12 =	vadd.s32 v7, v12;
	v13 =	vadd.s32 v7, v13;
	v15 =	vadd.s32 v7, v15  }
0xff: {  	v22 =	vld.idx.msk [tilespmem:v22+s2+$0x0], $0xffff;
	v10 =	vadd.s32 v7, v10;
	v14 =	vmin.f32 v14, $2.550000000e+02;
	v17 =	vmax.f32 v17, $0.0e+00  }
0x100: {  	v23 =	vld.idx.msk [tilespmem:v23+s2+$0x0], $0xffff;
	v16 =	vmin.f32 v16, $2.550000000e+02;
	v14 =	vtrunc.f32 v14;
	v17 =	vmin.f32 v17, $2.550000000e+02  }
0x101: {  	v26 =	vld.idx.msk [tilespmem:v26+s2+$0x0], $0xffff;
	v16 =	vtrunc.f32 v16;
	v19 =	vmax.f32 v19, $0.0e+00;
	v17 =	vtrunc.f32 v17  }
0x102: {  	v25 =	vcvt.f32.s32 v17;
	v17 =	vmax.f32 v18, $0.0e+00;
	v18 =	vmin.f32 v19, $2.550000000e+02;
	v19 =	vld.idx.msk [tilespmem:v24+s2+$0x0], $0xffff  }
0x103: {  	v14 =	vcvt.f32.s32 v14;
	v16 =	vcvt.f32.s32 v16;
	v20 =	vmax.f32 v20, $0.0e+00;
	[tilespmem:v11+s7+$0x0] =	vst.idx.add.f32.msk $0xffff, v8  }
0x104: {  	s4 =	sor.u32 $0x2, s3;
	s12 =	sor.u32 $0x4, s3;
	v21 =	vmax.f32 v21, $0.0e+00;
	v22 =	vmax.f32 v22, $0.0e+00;
	[tilespmem:v10+s7+$0x0] =	vst.idx.add.f32.msk $0xffff, v8;
	v10 =	vor.u32 s3, v6  }
0x105: {  	v24 =	vor.u32 s4, v6;
	v11 =	vor.u32 s12, v6;
	[tilespmem:v12+s7+$0x0] =	vst.idx.add.f32.msk $0xffff, v8;
	v18 =	vtrunc.f32 v18  }
0x106: {  	[tilespmem:v13+s7+$0x0] =	vst.idx.add.f32.msk $0xffff, v8;
	v12 =	vmin.f32 v20, $2.550000000e+02;
	v13 =	vmax.f32 v23, $0.0e+00;
	v18 =	vcvt.f32.s32 v18  }
0x107: {  	v20 =	vmin.f32 v22, $2.550000000e+02;
	v17 =	vmin.f32 v17, $2.550000000e+02;
	v13 =	vmin.f32 v13, $2.550000000e+02  }
0x108: {  	[tilespmem:v9+s7+$0x0] =	vst.idx.add.f32.msk $0xffff, v8;
	s3 =	sor.u32 $0xC, s3;
	v12 =	vtrunc.f32 v12;
	v22 =	vtrunc.f32 v20;
	v18 =	vadd.s32 v7, v18  }
0x109: {  	v26 =	vmax.f32 v26, $0.0e+00;
	v30 =	vor.u32 s3, v6;
	v13 =	vtrunc.f32 v13;
	v9 =	vld.idx.msk [tilespmem:v10+s2+$0x0], $0xffff  }
0x10a: {  	v31 =	vcvt.f32.s32 v12;
	v12 =	vadd.s32 v7, v25;
	v19 =	vmax.f32 v19, $0.0e+00;
	v23 =	vld.idx.msk [tilespmem:v24+s2+$0x0], $0xffff  }
0x10b: {  	v20 =	vld.idx.msk [tilespmem:v11+s2+$0x0], $0xffff;
	v11 =	vcvt.f32.s32 v22;
	v10 =	vmin.f32 v21, $2.550000000e+02;
	v21 =	vtrunc.f32 v17  }
0x10c: {  	v22 =	vld.idx.msk [tilespmem:v28+s2+$0x0], $0xffff;
	v19 =	vmin.f32 v19, $2.550000000e+02;
	v17 =	vadd.s32 v7, v14;
	v10 =	vtrunc.f32 v10  }
0x10d: {  	v14 =	vadd.s32 v7, v16;
	[tilespmem:v18+s7+$0x0] =	vst.idx.add.f32.msk $0xffff, v8;
	v18 =	vtrunc.f32 v19;
	v19 =	vcvt.f32.s32 v21  }
0x10e: {  	v21 =	vld.idx.msk [tilespmem:v27+s2+$0x0], $0xffff;
	v27 =	vcvt.f32.s32 v10;
	v10 =	vcvt.f32.s32 v13;
	v16 =	vmax.f32 v9, $0.0e+00  }
0x10f: {  	v13 =	vld.idx.msk [tilespmem:v29+s2+$0x0], $0xffff;
	v9 =	vcvt.f32.s32 v18;
	v24 =	vadd.s32 v7, v19;
	v18 =	vmin.f32 v16, $2.550000000e+02  }
0x110: {  	s5 =	simm.s32 $0x2180;
	s4 =	simm.s32 $0x430;
	s3 =	simm.s32 $0x210;
	v19 =	vadd.s32 v7, v27;
	v16 =	vadd.s32 v7, v31;
	v25 =	vtrunc.f32 v18;
	v18 =	vld.idx.msk [tilespmem:v30+s2+$0x0], $0xffff  }
.LBB2_9:
0x111: {  	s6 =	sand.u32 $0x3E00, s5;
	s9 =	sand.u32 $0x30, s4;
	v25 =	vcvt.f32.s32 v25;
	v23 =	vmax.f32 v23, $0.0e+00;
	v26 =	vmin.f32 v26, $2.550000000e+02;
	[tilespmem:v17+s7+$0x0] =	vst.idx.add.f32.msk $0xffff, v8  }
0x112: {  	s3 =	sadd.s32 $0x8, s3;
	v20 =	vmax.f32 v20, $0.0e+00;
	s6 =	sor.u32 s9, s6;
	v17 =	vmin.f32 v23, $2.550000000e+02;
	v23 =	vtrunc.f32 v26;
	[tilespmem:v15+s7+$0x0] =	vst.idx.add.f32.msk $0xffff, v8  }
0x113: {  	p1 =	slt.u32 s3, $0x2F8;
	v21 =	vmax.f32 v21, $0.0e+00;
	v15 =	vor.u32 s6, v6;
	s9 =	sor.u32 $0x2, s6;
	s10 =	sor.u32 $0xE, s6;
	v23 =	vcvt.f32.s32 v23;
	[tilespmem:v14+s7+$0x0] =	vst.idx.add.f32.msk $0xffff, v8  }
0x114: {  	s11 =	sor.u32 $0x6, s6;
	s12 =	sor.u32 $0x8, s6;
	v22 =	vmax.f32 v22, $0.0e+00;
	v14 =	vor.u32 s9, v6;
	s9 =	sor.u32 $0x4, s6;
	v26 =	vor.u32 s10, v6;
	[tilespmem:v24+s7+$0x0] =	vst.idx.add.f32.msk $0xffff, v8  }
0x115: {  	v27 =	vor.u32 s11, v6;
	v24 =	vor.u32 s9, v6;
	s9 =	sor.u32 $0xA, s6;
	s6 =	sor.u32 $0xC, s6;
	v23 =	vadd.s32 v7, v23;
	[tilespmem:v16+s7+$0x0] =	vst.idx.add.f32.msk $0xffff, v8  }
0x116: {  	v16 =	vor.u32 s12, v6;
	v28 =	vor.u32 s9, v6;
	v29 =	vor.u32 s6, v6;
	[tilespmem:v19+s7+$0x0] =	vst.idx.add.f32.msk $0xffff, v8  }
0x117: {  	v13 =	vmax.f32 v13, $0.0e+00;
	v18 =	vmax.f32 v18, $0.0e+00;
	v19 =	vmin.f32 v20, $2.550000000e+02;
	[tilespmem:v12+s7+$0x0] =	vst.idx.add.f32.msk $0xffff, v8  }
0x118: {  	v13 =	vmin.f32 v13, $2.550000000e+02;
	v12 =	vmin.f32 v21, $2.550000000e+02;
	v30 =	vld.idx.msk [tilespmem:v15+s2+$0x0], $0xffff;
	v15 =	vmin.f32 v22, $2.550000000e+02  }
0x119: {  	v18 =	vmin.f32 v18, $2.550000000e+02;
	v21 =	vtrunc.f32 v17;
	v19 =	vtrunc.f32 v19;
	v26 =	vld.idx.msk [tilespmem:v26+s2+$0x0], $0xffff  }
0x11a: {  	v17 =	vadd.s32 v7, v11;
	v22 =	vtrunc.f32 v12;
	v31 =	vtrunc.f32 v15;
	[tilespmem:v23+s7+$0x0] =	vst.idx.add.f32.msk $0xffff, v8  }
0x11b: {  	v13 =	vtrunc.f32 v13;
	v18 =	vtrunc.f32 v18;
	v15 =	vadd.s32 v7, v10;
	v23 =	vld.idx.msk [tilespmem:v14+s2+$0x0], $0xffff  }
.Ltmp4:
0x11c: {  	v19 =	vcvt.f32.s32 v19;
	v14 =	vadd.s32 v7, v9;
	v20 =	vld.idx.msk [tilespmem:v24+s2+$0x0], $0xffff;
	v24 =	vcvt.f32.s32 v21;
	(pc) =	sbr.rel @p1 .LBB2_9-.Ltmp4, $4  }
0x11d: {  	v12 =	vadd.s32 v7, v25;
	v11 =	vcvt.f32.s32 v31;
	v21 =	vld.idx.msk [tilespmem:v27+s2+$0x0], $0xffff;
	v27 =	vcvt.f32.s32 v22  }
0x11e: {  	v10 =	vcvt.f32.s32 v13;
	v9 =	vcvt.f32.s32 v18;
	v25 =	vmax.f32 v30, $0.0e+00;
	v22 =	vld.idx.msk [tilespmem:v16+s2+$0x0], $0xffff  }
0x11f: {  	v18 =	vmin.f32 v25, $2.550000000e+02;
	v24 =	vadd.s32 v7, v24;
	v16 =	vadd.s32 v7, v19;
	v13 =	vld.idx.msk [tilespmem:v28+s2+$0x0], $0xffff  }
0x120: {  	s4 =	sadd.s32 $0x10, s4;
	s5 =	sadd.s32 $0x80, s5;
	v26 =	vmax.f32 v26, $0.0e+00;
	v25 =	vtrunc.f32 v18;
	v19 =	vadd.s32 v7, v27;
	v18 =	vld.idx.msk [tilespmem:v29+s2+$0x0], $0xffff  }
0x121: {  	_ =	sdelay $0x1  }
0x122: {  	v26 =	vmin.f32 v26, $2.550000000e+02;
	v25 =	vcvt.f32.s32 v25;
	v23 =	vmax.f32 v23, $0.0e+00  }
0x123: {  	v20 =	vmax.f32 v20, $0.0e+00;
	v11 =	vadd.s32 v7, v11;
	v10 =	vadd.s32 v7, v10  }
0x124: {  	[tilespmem:v17+s7+$0x0] =	vst.idx.add.f32.msk $0xffff, v8;
	v9 =	vadd.s32 v7, v9;
	v26 =	vtrunc.f32 v26;
	v17 =	vmin.f32 v23, $2.550000000e+02  }
0x125: {  	[tilespmem:v15+s7+$0x0] =	vst.idx.add.f32.msk $0xffff, v8;
	v21 =	vmax.f32 v21, $0.0e+00;
	v20 =	vmin.f32 v20, $2.550000000e+02;
	v26 =	vcvt.f32.s32 v26  }
0x126: {  	[tilespmem:v16+s7+$0x0] =	vst.idx.add.f32.msk $0xffff, v8;
	v15 =	vmax.f32 v22, $0.0e+00;
	v17 =	vtrunc.f32 v17;
	v16 =	vtrunc.f32 v20  }
0x127: {  	[tilespmem:v14+s7+$0x0] =	vst.idx.add.f32.msk $0xffff, v8;
	v13 =	vmax.f32 v13, $0.0e+00;
	v15 =	vmin.f32 v15, $2.550000000e+02;
	v17 =	vcvt.f32.s32 v17  }
0x128: {  	[tilespmem:v24+s7+$0x0] =	vst.idx.add.f32.msk $0xffff, v8;
	v16 =	vcvt.f32.s32 v16;
	v22 =	vadd.s32 v7, v26;
	v14 =	vmax.f32 v18, $0.0e+00  }
0x129: {  	[tilespmem:v12+s7+$0x0] =	vst.idx.add.f32.msk $0xffff, v8;
	v18 =	vmin.f32 v21, $2.550000000e+02;
	v12 =	vmin.f32 v13, $2.550000000e+02;
	v15 =	vtrunc.f32 v15  }
0x12a: {  	[tilespmem:v19+s7+$0x0] =	vst.idx.add.f32.msk $0xffff, v8;
	v18 =	vtrunc.f32 v18;
	v17 =	vadd.s32 v7, v17;
	v14 =	vmin.f32 v14, $2.550000000e+02  }
0x12b: {  	v16 =	vadd.s32 v7, v16;
	v12 =	vtrunc.f32 v12;
	v15 =	vcvt.f32.s32 v15;
	[tilespmem:v11+s7+$0x0] =	vst.idx.add.f32.msk $0xffff, v8  }
0x12c: {  	[tilespmem:v10+s7+$0x0] =	vst.idx.add.f32.msk $0xffff, v8;
	v13 =	vcvt.f32.s32 v18;
	v11 =	vtrunc.f32 v14;
	v14 =	vadd.s32 v7, v25  }
0x12d: {  	[tilespmem:v9+s7+$0x0] =	vst.idx.add.f32.msk $0xffff, v8;
	v12 =	vcvt.f32.s32 v12;
	v9 =	vadd.s32 v7, v15  }
0x12e: {  	v10 =	vcvt.f32.s32 v11;
	v13 =	vadd.s32 v7, v13;
	[tilespmem:v22+s7+$0x0] =	vst.idx.add.f32.msk $0xffff, v8  }
0x12f: {  	v11 =	vadd.s32 v7, v12;
	[tilespmem:v17+s7+$0x0] =	vst.idx.add.f32.msk $0xffff, v8  }
0x130: {  	v10 =	vadd.s32 v7, v10;
	[tilespmem:v16+s7+$0x0] =	vst.idx.add.f32.msk $0xffff, v8  }
0x131: {  	s3 =	simm.s32 $0x600;
	s4 =	simm.s32 $0x3000;
	[tilespmem:v14+s7+$0x0] =	vst.idx.add.f32.msk $0xffff, v8  }
0x132: {  	s4 =	sand.u32 $0x3E00, s4;
	s3 =	sand.u32 $0x30, s3;
	[tilespmem:v9+s7+$0x0] =	vst.idx.add.f32.msk $0xffff, v8  }
0x133: {  	s3 =	sor.u32 s3, s4;
	[tilespmem:v13+s7+$0x0] =	vst.idx.add.f32.msk $0xffff, v8  }
0x134: {  	s5 =	sor.u32 $0x2, s3;
	v9 =	vor.u32 s3, v6;
	[tilespmem:v11+s7+$0x0] =	vst.idx.add.f32.msk $0xffff, v8  }
0x135: {  	s6 =	simm.s32 $0x4;
	s25 =	sor.u32 $0x4, s3;
	v11 =	vor.u32 s5, v6;
	[tilespmem:v10+s7+$0x0] =	vst.idx.add.f32.msk $0xffff, v8  }
0x136: {  	s28 =	sor.u32 $0x6, s3;
	v12 =	vor.u32 s25, v6;
	_ =	swait.ge [sflag:s6], $0x1000  }
0x137: {  	s9 =	sor.u32 $0xA, s3;
	v13 =	vor.u32 s28, v6;
	[sflag:s6] =	ssyncset.done $0x0  }
0x138: {  	s4 =	sor.u32 $0xE, s3;
	v15 =	vor.u32 s9, v6;
	[sflag:s6] =	ssyncadd.s32 $0xFFFFF000  }
0x139: {  	v10 =	vor.u32 s4, v6;
	v9 =	vld.idx.msk [tilespmem:v9+s2+$0x0], $0xffff  }
0x13a: {  	s10 =	simm.s32 $0x610;
	v11 =	vld.idx.msk [tilespmem:v11+s2+$0x0], $0xffff  }
0x13b: {  	s11 =	simm.s32 $0x3080;
	s6 =	sor.u32 $0x8, s3;
	s3 =	sor.u32 $0xC, s3;
	v12 =	vld.idx.msk [tilespmem:v12+s2+$0x0], $0xffff  }
0x13c: {  	s4 =	sand.u32 $0x3E00, s11;
	v16 =	vor.u32 s3, v6;
	v13 =	vld.idx.msk [tilespmem:v13+s2+$0x0], $0xffff;
	s3 =	sand.u32 $0x30, s10  }
0x13d: {  	v15 =	vld.idx.msk [tilespmem:v15+s2+$0x0], $0xffff;
	s3 =	sor.u32 s3, s4  }
0x13e: {  	v14 =	vor.u32 s6, v6;
	v10 =	vld.idx.msk [tilespmem:v10+s2+$0x0], $0xffff;
	v17 =	vor.u32 s3, v6;
	s4 =	sor.u32 $0x2, s3;
	s12 =	sor.u32 $0xE, s3;
	s14 =	sor.u32 $0x4, s3  }
0x13f: {  	s25 =	sor.u32 $0x6, s3;
	s28 =	sor.u32 $0x8, s3;
	s6 =	sor.u32 $0xA, s3;
	v18 =	vor.u32 s4, v6;
	v19 =	vor.u32 s12, v6;
	v20 =	vor.u32 s14, v6  }
0x140: {  	s3 =	sor.u32 $0xC, s3;
	v21 =	vor.u32 s25, v6;
	v22 =	vor.u32 s28, v6;
	v23 =	vor.u32 s6, v6  }
0x141: {  	s9 =	simm.s32 $0x620;
	s10 =	simm.s32 $0x3100;
	v24 =	vor.u32 s3, v6;
	v9 =	vmax.f32 v9, $0.0e+00;
	v11 =	vmax.f32 v11, $0.0e+00  }
0x142: {  	s4 =	sand.u32 $0x3E00, s10;
	s3 =	sand.u32 $0x30, s9;
	v12 =	vmax.f32 v12, $0.0e+00;
	v13 =	vmax.f32 v13, $0.0e+00;
	v15 =	vmax.f32 v15, $0.0e+00  }
0x143: {  	s3 =	sor.u32 s3, s4;
	v9 =	vmin.f32 v9, $2.550000000e+02;
	v10 =	vmax.f32 v10, $0.0e+00;
	v11 =	vmin.f32 v11, $2.550000000e+02  }
0x144: {  	s11 =	sor.u32 $0xE, s3;
	v12 =	vmin.f32 v12, $2.550000000e+02;
	v13 =	vmin.f32 v13, $2.550000000e+02;
	v15 =	vmin.f32 v15, $2.550000000e+02  }
0x145: {  	v14 =	vld.idx.msk [tilespmem:v14+s2+$0x0], $0xffff;
	s14 =	sor.u32 $0x6, s3;
	v26 =	vor.u32 s11, v6;
	v9 =	vtrunc.f32 v9;
	v11 =	vtrunc.f32 v11  }
0x146: {  	v16 =	vld.idx.msk [tilespmem:v16+s2+$0x0], $0xffff;
	v27 =	vor.u32 s14, v6;
	v12 =	vtrunc.f32 v12;
	v13 =	vtrunc.f32 v13  }
0x147: {  	s25 =	sor.u32 $0x8, s3;
	v10 =	vmin.f32 v10, $2.550000000e+02;
	v15 =	vtrunc.f32 v15;
	v9 =	vcvt.f32.s32 v9  }
0x148: {  	s28 =	sor.u32 $0xA, s3;
	v28 =	vor.u32 s25, v6;
	v17 =	vld.idx.msk [tilespmem:v17+s2+$0x0], $0xffff;
	v10 =	vtrunc.f32 v10;
	v11 =	vcvt.f32.s32 v11  }
0x149: {  	v29 =	vor.u32 s28, v6;
	v19 =	vld.idx.msk [tilespmem:v19+s2+$0x0], $0xffff;
	v12 =	vcvt.f32.s32 v12;
	v13 =	vcvt.f32.s32 v13  }
0x14a: {  	v18 =	vld.idx.msk [tilespmem:v18+s2+$0x0], $0xffff;
	v15 =	vcvt.f32.s32 v15;
	v10 =	vcvt.f32.s32 v10;
	v14 =	vmax.f32 v14, $0.0e+00  }
0x14b: {  	v20 =	vld.idx.msk [tilespmem:v20+s2+$0x0], $0xffff;
	v16 =	vmax.f32 v16, $0.0e+00;
	v9 =	vadd.s32 v7, v9;
	v11 =	vadd.s32 v7, v11  }
0x14c: {  	v21 =	vld.idx.msk [tilespmem:v21+s2+$0x0], $0xffff;
	v12 =	vadd.s32 v7, v12;
	v13 =	vadd.s32 v7, v13;
	v15 =	vadd.s32 v7, v15  }
0x14d: {  	v22 =	vld.idx.msk [tilespmem:v22+s2+$0x0], $0xffff;
	v10 =	vadd.s32 v7, v10;
	v14 =	vmin.f32 v14, $2.550000000e+02;
	v17 =	vmax.f32 v17, $0.0e+00  }
0x14e: {  	v23 =	vld.idx.msk [tilespmem:v23+s2+$0x0], $0xffff;
	v16 =	vmin.f32 v16, $2.550000000e+02;
	v14 =	vtrunc.f32 v14;
	v17 =	vmin.f32 v17, $2.550000000e+02  }
0x14f: {  	v26 =	vld.idx.msk [tilespmem:v26+s2+$0x0], $0xffff;
	v16 =	vtrunc.f32 v16;
	v19 =	vmax.f32 v19, $0.0e+00;
	v17 =	vtrunc.f32 v17  }
0x150: {  	v25 =	vcvt.f32.s32 v17;
	v17 =	vmax.f32 v18, $0.0e+00;
	v18 =	vmin.f32 v19, $2.550000000e+02;
	v19 =	vld.idx.msk [tilespmem:v24+s2+$0x0], $0xffff  }
0x151: {  	v14 =	vcvt.f32.s32 v14;
	v16 =	vcvt.f32.s32 v16;
	v20 =	vmax.f32 v20, $0.0e+00;
	[tilespmem:v11+s7+$0x0] =	vst.idx.add.f32.msk $0xffff, v8  }
0x152: {  	s4 =	sor.u32 $0x2, s3;
	s12 =	sor.u32 $0x4, s3;
	v21 =	vmax.f32 v21, $0.0e+00;
	v22 =	vmax.f32 v22, $0.0e+00;
	[tilespmem:v10+s7+$0x0] =	vst.idx.add.f32.msk $0xffff, v8;
	v10 =	vor.u32 s3, v6  }
0x153: {  	v24 =	vor.u32 s4, v6;
	v11 =	vor.u32 s12, v6;
	[tilespmem:v12+s7+$0x0] =	vst.idx.add.f32.msk $0xffff, v8;
	v18 =	vtrunc.f32 v18  }
0x154: {  	[tilespmem:v13+s7+$0x0] =	vst.idx.add.f32.msk $0xffff, v8;
	v12 =	vmin.f32 v20, $2.550000000e+02;
	v13 =	vmax.f32 v23, $0.0e+00;
	v18 =	vcvt.f32.s32 v18  }
0x155: {  	v20 =	vmin.f32 v22, $2.550000000e+02;
	v17 =	vmin.f32 v17, $2.550000000e+02;
	v13 =	vmin.f32 v13, $2.550000000e+02  }
0x156: {  	[tilespmem:v9+s7+$0x0] =	vst.idx.add.f32.msk $0xffff, v8;
	s3 =	sor.u32 $0xC, s3;
	v12 =	vtrunc.f32 v12;
	v22 =	vtrunc.f32 v20;
	v18 =	vadd.s32 v7, v18  }
0x157: {  	v26 =	vmax.f32 v26, $0.0e+00;
	v30 =	vor.u32 s3, v6;
	v13 =	vtrunc.f32 v13;
	v9 =	vld.idx.msk [tilespmem:v10+s2+$0x0], $0xffff  }
0x158: {  	v31 =	vcvt.f32.s32 v12;
	v12 =	vadd.s32 v7, v25;
	v19 =	vmax.f32 v19, $0.0e+00;
	v23 =	vld.idx.msk [tilespmem:v24+s2+$0x0], $0xffff  }
0x159: {  	v20 =	vld.idx.msk [tilespmem:v11+s2+$0x0], $0xffff;
	v11 =	vcvt.f32.s32 v22;
	v10 =	vmin.f32 v21, $2.550000000e+02;
	v21 =	vtrunc.f32 v17  }
0x15a: {  	v22 =	vld.idx.msk [tilespmem:v28+s2+$0x0], $0xffff;
	v19 =	vmin.f32 v19, $2.550000000e+02;
	v17 =	vadd.s32 v7, v14;
	v10 =	vtrunc.f32 v10  }
0x15b: {  	v14 =	vadd.s32 v7, v16;
	[tilespmem:v18+s7+$0x0] =	vst.idx.add.f32.msk $0xffff, v8;
	v18 =	vtrunc.f32 v19;
	v19 =	vcvt.f32.s32 v21  }
0x15c: {  	v21 =	vld.idx.msk [tilespmem:v27+s2+$0x0], $0xffff;
	v27 =	vcvt.f32.s32 v10;
	v10 =	vcvt.f32.s32 v13;
	v16 =	vmax.f32 v9, $0.0e+00  }
0x15d: {  	v13 =	vld.idx.msk [tilespmem:v29+s2+$0x0], $0xffff;
	v9 =	vcvt.f32.s32 v18;
	v24 =	vadd.s32 v7, v19;
	v18 =	vmin.f32 v16, $2.550000000e+02  }
0x15e: {  	s5 =	simm.s32 $0x3180;
	s4 =	simm.s32 $0x630;
	s3 =	simm.s32 $0x310;
	v19 =	vadd.s32 v7, v27;
	v16 =	vadd.s32 v7, v31;
	v25 =	vtrunc.f32 v18;
	v18 =	vld.idx.msk [tilespmem:v30+s2+$0x0], $0xffff  }
.LBB2_11:
0x15f: {  	s6 =	sand.u32 $0x3E00, s5;
	s9 =	sand.u32 $0x30, s4;
	v25 =	vcvt.f32.s32 v25;
	v23 =	vmax.f32 v23, $0.0e+00;
	v26 =	vmin.f32 v26, $2.550000000e+02;
	[tilespmem:v17+s7+$0x0] =	vst.idx.add.f32.msk $0xffff, v8  }
0x160: {  	s3 =	sadd.s32 $0x8, s3;
	v20 =	vmax.f32 v20, $0.0e+00;
	s6 =	sor.u32 s9, s6;
	v17 =	vmin.f32 v23, $2.550000000e+02;
	v23 =	vtrunc.f32 v26;
	[tilespmem:v15+s7+$0x0] =	vst.idx.add.f32.msk $0xffff, v8  }
0x161: {  	p1 =	slt.u32 s3, $0x3F8;
	v21 =	vmax.f32 v21, $0.0e+00;
	v15 =	vor.u32 s6, v6;
	s9 =	sor.u32 $0x2, s6;
	s10 =	sor.u32 $0xE, s6;
	v23 =	vcvt.f32.s32 v23;
	[tilespmem:v14+s7+$0x0] =	vst.idx.add.f32.msk $0xffff, v8  }
0x162: {  	s11 =	sor.u32 $0x6, s6;
	s12 =	sor.u32 $0x8, s6;
	v22 =	vmax.f32 v22, $0.0e+00;
	v14 =	vor.u32 s9, v6;
	s9 =	sor.u32 $0x4, s6;
	v26 =	vor.u32 s10, v6;
	[tilespmem:v24+s7+$0x0] =	vst.idx.add.f32.msk $0xffff, v8  }
0x163: {  	v27 =	vor.u32 s11, v6;
	v24 =	vor.u32 s9, v6;
	s9 =	sor.u32 $0xA, s6;
	s6 =	sor.u32 $0xC, s6;
	v23 =	vadd.s32 v7, v23;
	[tilespmem:v16+s7+$0x0] =	vst.idx.add.f32.msk $0xffff, v8  }
0x164: {  	v16 =	vor.u32 s12, v6;
	v28 =	vor.u32 s9, v6;
	v29 =	vor.u32 s6, v6;
	[tilespmem:v19+s7+$0x0] =	vst.idx.add.f32.msk $0xffff, v8  }
0x165: {  	v13 =	vmax.f32 v13, $0.0e+00;
	v18 =	vmax.f32 v18, $0.0e+00;
	v19 =	vmin.f32 v20, $2.550000000e+02;
	[tilespmem:v12+s7+$0x0] =	vst.idx.add.f32.msk $0xffff, v8  }
0x166: {  	v13 =	vmin.f32 v13, $2.550000000e+02;
	v12 =	vmin.f32 v21, $2.550000000e+02;
	v30 =	vld.idx.msk [tilespmem:v15+s2+$0x0], $0xffff;
	v15 =	vmin.f32 v22, $2.550000000e+02  }
0x167: {  	v18 =	vmin.f32 v18, $2.550000000e+02;
	v21 =	vtrunc.f32 v17;
	v19 =	vtrunc.f32 v19;
	v26 =	vld.idx.msk [tilespmem:v26+s2+$0x0], $0xffff  }
0x168: {  	v17 =	vadd.s32 v7, v11;
	v22 =	vtrunc.f32 v12;
	v31 =	vtrunc.f32 v15;
	[tilespmem:v23+s7+$0x0] =	vst.idx.add.f32.msk $0xffff, v8  }
0x169: {  	v13 =	vtrunc.f32 v13;
	v18 =	vtrunc.f32 v18;
	v15 =	vadd.s32 v7, v10;
	v23 =	vld.idx.msk [tilespmem:v14+s2+$0x0], $0xffff  }
.Ltmp5:
0x16a: {  	v19 =	vcvt.f32.s32 v19;
	v14 =	vadd.s32 v7, v9;
	v20 =	vld.idx.msk [tilespmem:v24+s2+$0x0], $0xffff;
	v24 =	vcvt.f32.s32 v21;
	(pc) =	sbr.rel @p1 .LBB2_11-.Ltmp5, $4  }
0x16b: {  	v12 =	vadd.s32 v7, v25;
	v11 =	vcvt.f32.s32 v31;
	v21 =	vld.idx.msk [tilespmem:v27+s2+$0x0], $0xffff;
	v27 =	vcvt.f32.s32 v22  }
0x16c: {  	v10 =	vcvt.f32.s32 v13;
	v9 =	vcvt.f32.s32 v18;
	v25 =	vmax.f32 v30, $0.0e+00;
	v22 =	vld.idx.msk [tilespmem:v16+s2+$0x0], $0xffff  }
0x16d: {  	v18 =	vmin.f32 v25, $2.550000000e+02;
	v24 =	vadd.s32 v7, v24;
	v16 =	vadd.s32 v7, v19;
	v13 =	vld.idx.msk [tilespmem:v28+s2+$0x0], $0xffff  }
0x16e: {  	s4 =	sadd.s32 $0x10, s4;
	s5 =	sadd.s32 $0x80, s5;
	v26 =	vmax.f32 v26, $0.0e+00;
	v25 =	vtrunc.f32 v18;
	v19 =	vadd.s32 v7, v27;
	v18 =	vld.idx.msk [tilespmem:v29+s2+$0x0], $0xffff  }
0x16f: {  	_ =	sdelay $0x1  }
0x170: {  	v26 =	vmin.f32 v26, $2.550000000e+02;
	v25 =	vcvt.f32.s32 v25;
	v23 =	vmax.f32 v23, $0.0e+00  }
0x171: {  	v20 =	vmax.f32 v20, $0.0e+00;
	v11 =	vadd.s32 v7, v11;
	v10 =	vadd.s32 v7, v10  }
0x172: {  	[tilespmem:v17+s7+$0x0] =	vst.idx.add.f32.msk $0xffff, v8;
	v9 =	vadd.s32 v7, v9;
	v26 =	vtrunc.f32 v26;
	v17 =	vmin.f32 v23, $2.550000000e+02  }
0x173: {  	[tilespmem:v15+s7+$0x0] =	vst.idx.add.f32.msk $0xffff, v8;
	v21 =	vmax.f32 v21, $0.0e+00;
	v20 =	vmin.f32 v20, $2.550000000e+02;
	v26 =	vcvt.f32.s32 v26  }
0x174: {  	[tilespmem:v16+s7+$0x0] =	vst.idx.add.f32.msk $0xffff, v8;
	v15 =	vmax.f32 v22, $0.0e+00;
	v17 =	vtrunc.f32 v17;
	v16 =	vtrunc.f32 v20  }
0x175: {  	[tilespmem:v14+s7+$0x0] =	vst.idx.add.f32.msk $0xffff, v8;
	v13 =	vmax.f32 v13, $0.0e+00;
	v15 =	vmin.f32 v15, $2.550000000e+02;
	v17 =	vcvt.f32.s32 v17  }
0x176: {  	[tilespmem:v24+s7+$0x0] =	vst.idx.add.f32.msk $0xffff, v8;
	v16 =	vcvt.f32.s32 v16;
	v22 =	vadd.s32 v7, v26;
	v14 =	vmax.f32 v18, $0.0e+00  }
0x177: {  	[tilespmem:v12+s7+$0x0] =	vst.idx.add.f32.msk $0xffff, v8;
	v18 =	vmin.f32 v21, $2.550000000e+02;
	v12 =	vmin.f32 v13, $2.550000000e+02;
	v15 =	vtrunc.f32 v15  }
0x178: {  	[tilespmem:v19+s7+$0x0] =	vst.idx.add.f32.msk $0xffff, v8;
	v18 =	vtrunc.f32 v18;
	v17 =	vadd.s32 v7, v17;
	v14 =	vmin.f32 v14, $2.550000000e+02  }
0x179: {  	v16 =	vadd.s32 v7, v16;
	v12 =	vtrunc.f32 v12;
	v15 =	vcvt.f32.s32 v15;
	[tilespmem:v11+s7+$0x0] =	vst.idx.add.f32.msk $0xffff, v8  }
0x17a: {  	[tilespmem:v10+s7+$0x0] =	vst.idx.add.f32.msk $0xffff, v8;
	v13 =	vcvt.f32.s32 v18;
	v11 =	vtrunc.f32 v14;
	v14 =	vadd.s32 v7, v25  }
0x17b: {  	[tilespmem:v9+s7+$0x0] =	vst.idx.add.f32.msk $0xffff, v8;
	v12 =	vcvt.f32.s32 v12;
	v9 =	vadd.s32 v7, v15  }
0x17c: {  	v10 =	vcvt.f32.s32 v11;
	v13 =	vadd.s32 v7, v13;
	[tilespmem:v22+s7+$0x0] =	vst.idx.add.f32.msk $0xffff, v8  }
0x17d: {  	v11 =	vadd.s32 v7, v12;
	[tilespmem:v17+s7+$0x0] =	vst.idx.add.f32.msk $0xffff, v8  }
0x17e: {  	v10 =	vadd.s32 v7, v10;
	[tilespmem:v16+s7+$0x0] =	vst.idx.add.f32.msk $0xffff, v8  }
0x17f: {  	s3 =	simm.s32 $0x800;
	s4 =	simm.s32 $0x4000;
	[tilespmem:v14+s7+$0x0] =	vst.idx.add.f32.msk $0xffff, v8  }
0x180: {  	s4 =	sand.u32 $0x7E00, s4;
	s3 =	sand.u32 $0x30, s3;
	[tilespmem:v9+s7+$0x0] =	vst.idx.add.f32.msk $0xffff, v8  }
0x181: {  	s3 =	sor.u32 s3, s4;
	[tilespmem:v13+s7+$0x0] =	vst.idx.add.f32.msk $0xffff, v8  }
0x182: {  	s5 =	sor.u32 $0x2, s3;
	v9 =	vor.u32 s3, v6;
	[tilespmem:v11+s7+$0x0] =	vst.idx.add.f32.msk $0xffff, v8  }
0x183: {  	s6 =	simm.s32 $0x5;
	s25 =	sor.u32 $0x4, s3;
	v11 =	vor.u32 s5, v6;
	[tilespmem:v10+s7+$0x0] =	vst.idx.add.f32.msk $0xffff, v8  }
0x184: {  	s28 =	sor.u32 $0x6, s3;
	v12 =	vor.u32 s25, v6;
	_ =	swait.ge [sflag:s6], $0x1000  }
0x185: {  	s9 =	sor.u32 $0xA, s3;
	v13 =	vor.u32 s28, v6;
	[sflag:s6] =	ssyncset.done $0x0  }
0x186: {  	s4 =	sor.u32 $0xE, s3;
	v15 =	vor.u32 s9, v6;
	[sflag:s6] =	ssyncadd.s32 $0xFFFFF000  }
0x187: {  	v10 =	vor.u32 s4, v6;
	v9 =	vld.idx.msk [tilespmem:v9+s2+$0x0], $0xffff  }
0x188: {  	s10 =	simm.s32 $0x810;
	v11 =	vld.idx.msk [tilespmem:v11+s2+$0x0], $0xffff  }
0x189: {  	s11 =	simm.s32 $0x4080;
	s6 =	sor.u32 $0x8, s3;
	s3 =	sor.u32 $0xC, s3;
	v12 =	vld.idx.msk [tilespmem:v12+s2+$0x0], $0xffff  }
0x18a: {  	s4 =	sand.u32 $0x7E00, s11;
	v16 =	vor.u32 s3, v6;
	v13 =	vld.idx.msk [tilespmem:v13+s2+$0x0], $0xffff;
	s3 =	sand.u32 $0x30, s10  }
0x18b: {  	v15 =	vld.idx.msk [tilespmem:v15+s2+$0x0], $0xffff;
	s3 =	sor.u32 s3, s4  }
0x18c: {  	v14 =	vor.u32 s6, v6;
	v10 =	vld.idx.msk [tilespmem:v10+s2+$0x0], $0xffff;
	v17 =	vor.u32 s3, v6;
	s4 =	sor.u32 $0x2, s3;
	s12 =	sor.u32 $0xE, s3;
	s14 =	sor.u32 $0x4, s3  }
0x18d: {  	s25 =	sor.u32 $0x6, s3;
	s28 =	sor.u32 $0x8, s3;
	s6 =	sor.u32 $0xA, s3;
	v18 =	vor.u32 s4, v6;
	v19 =	vor.u32 s12, v6;
	v20 =	vor.u32 s14, v6  }
0x18e: {  	s3 =	sor.u32 $0xC, s3;
	v21 =	vor.u32 s25, v6;
	v22 =	vor.u32 s28, v6;
	v23 =	vor.u32 s6, v6  }
0x18f: {  	s9 =	simm.s32 $0x820;
	s10 =	simm.s32 $0x4100;
	v24 =	vor.u32 s3, v6;
	v9 =	vmax.f32 v9, $0.0e+00;
	v11 =	vmax.f32 v11, $0.0e+00  }
0x190: {  	s4 =	sand.u32 $0x7E00, s10;
	s3 =	sand.u32 $0x30, s9;
	v12 =	vmax.f32 v12, $0.0e+00;
	v13 =	vmax.f32 v13, $0.0e+00;
	v15 =	vmax.f32 v15, $0.0e+00  }
0x191: {  	s3 =	sor.u32 s3, s4;
	v9 =	vmin.f32 v9, $2.550000000e+02;
	v10 =	vmax.f32 v10, $0.0e+00;
	v11 =	vmin.f32 v11, $2.550000000e+02  }
0x192: {  	s11 =	sor.u32 $0xE, s3;
	v12 =	vmin.f32 v12, $2.550000000e+02;
	v13 =	vmin.f32 v13, $2.550000000e+02;
	v15 =	vmin.f32 v15, $2.550000000e+02  }
0x193: {  	v14 =	vld.idx.msk [tilespmem:v14+s2+$0x0], $0xffff;
	s14 =	sor.u32 $0x6, s3;
	v26 =	vor.u32 s11, v6;
	v9 =	vtrunc.f32 v9;
	v11 =	vtrunc.f32 v11  }
0x194: {  	v16 =	vld.idx.msk [tilespmem:v16+s2+$0x0], $0xffff;
	v27 =	vor.u32 s14, v6;
	v12 =	vtrunc.f32 v12;
	v13 =	vtrunc.f32 v13  }
0x195: {  	s25 =	sor.u32 $0x8, s3;
	v10 =	vmin.f32 v10, $2.550000000e+02;
	v15 =	vtrunc.f32 v15;
	v9 =	vcvt.f32.s32 v9  }
0x196: {  	s28 =	sor.u32 $0xA, s3;
	v28 =	vor.u32 s25, v6;
	v17 =	vld.idx.msk [tilespmem:v17+s2+$0x0], $0xffff;
	v10 =	vtrunc.f32 v10;
	v11 =	vcvt.f32.s32 v11  }
0x197: {  	v29 =	vor.u32 s28, v6;
	v19 =	vld.idx.msk [tilespmem:v19+s2+$0x0], $0xffff;
	v12 =	vcvt.f32.s32 v12;
	v13 =	vcvt.f32.s32 v13  }
0x198: {  	v18 =	vld.idx.msk [tilespmem:v18+s2+$0x0], $0xffff;
	v15 =	vcvt.f32.s32 v15;
	v10 =	vcvt.f32.s32 v10;
	v14 =	vmax.f32 v14, $0.0e+00  }
0x199: {  	v20 =	vld.idx.msk [tilespmem:v20+s2+$0x0], $0xffff;
	v16 =	vmax.f32 v16, $0.0e+00;
	v9 =	vadd.s32 v7, v9;
	v11 =	vadd.s32 v7, v11  }
0x19a: {  	v21 =	vld.idx.msk [tilespmem:v21+s2+$0x0], $0xffff;
	v12 =	vadd.s32 v7, v12;
	v13 =	vadd.s32 v7, v13;
	v15 =	vadd.s32 v7, v15  }
0x19b: {  	v22 =	vld.idx.msk [tilespmem:v22+s2+$0x0], $0xffff;
	v10 =	vadd.s32 v7, v10;
	v14 =	vmin.f32 v14, $2.550000000e+02;
	v17 =	vmax.f32 v17, $0.0e+00  }
0x19c: {  	v23 =	vld.idx.msk [tilespmem:v23+s2+$0x0], $0xffff;
	v16 =	vmin.f32 v16, $2.550000000e+02;
	v14 =	vtrunc.f32 v14;
	v17 =	vmin.f32 v17, $2.550000000e+02  }
0x19d: {  	v26 =	vld.idx.msk [tilespmem:v26+s2+$0x0], $0xffff;
	v16 =	vtrunc.f32 v16;
	v19 =	vmax.f32 v19, $0.0e+00;
	v17 =	vtrunc.f32 v17  }
0x19e: {  	v25 =	vcvt.f32.s32 v17;
	v17 =	vmax.f32 v18, $0.0e+00;
	v18 =	vmin.f32 v19, $2.550000000e+02;
	v19 =	vld.idx.msk [tilespmem:v24+s2+$0x0], $0xffff  }
0x19f: {  	v14 =	vcvt.f32.s32 v14;
	v16 =	vcvt.f32.s32 v16;
	v20 =	vmax.f32 v20, $0.0e+00;
	[tilespmem:v11+s7+$0x0] =	vst.idx.add.f32.msk $0xffff, v8  }
0x1a0: {  	s4 =	sor.u32 $0x2, s3;
	s12 =	sor.u32 $0x4, s3;
	v21 =	vmax.f32 v21, $0.0e+00;
	v22 =	vmax.f32 v22, $0.0e+00;
	[tilespmem:v10+s7+$0x0] =	vst.idx.add.f32.msk $0xffff, v8;
	v10 =	vor.u32 s3, v6  }
0x1a1: {  	v24 =	vor.u32 s4, v6;
	v11 =	vor.u32 s12, v6;
	[tilespmem:v12+s7+$0x0] =	vst.idx.add.f32.msk $0xffff, v8;
	v18 =	vtrunc.f32 v18  }
0x1a2: {  	[tilespmem:v13+s7+$0x0] =	vst.idx.add.f32.msk $0xffff, v8;
	v12 =	vmin.f32 v20, $2.550000000e+02;
	v13 =	vmax.f32 v23, $0.0e+00;
	v18 =	vcvt.f32.s32 v18  }
0x1a3: {  	v20 =	vmin.f32 v22, $2.550000000e+02;
	v17 =	vmin.f32 v17, $2.550000000e+02;
	v13 =	vmin.f32 v13, $2.550000000e+02  }
0x1a4: {  	[tilespmem:v9+s7+$0x0] =	vst.idx.add.f32.msk $0xffff, v8;
	s3 =	sor.u32 $0xC, s3;
	v12 =	vtrunc.f32 v12;
	v22 =	vtrunc.f32 v20;
	v18 =	vadd.s32 v7, v18  }
0x1a5: {  	v26 =	vmax.f32 v26, $0.0e+00;
	v30 =	vor.u32 s3, v6;
	v13 =	vtrunc.f32 v13;
	v9 =	vld.idx.msk [tilespmem:v10+s2+$0x0], $0xffff  }
0x1a6: {  	v31 =	vcvt.f32.s32 v12;
	v12 =	vadd.s32 v7, v25;
	v19 =	vmax.f32 v19, $0.0e+00;
	v23 =	vld.idx.msk [tilespmem:v24+s2+$0x0], $0xffff  }
0x1a7: {  	v20 =	vld.idx.msk [tilespmem:v11+s2+$0x0], $0xffff;
	v11 =	vcvt.f32.s32 v22;
	v10 =	vmin.f32 v21, $2.550000000e+02;
	v21 =	vtrunc.f32 v17  }
0x1a8: {  	v22 =	vld.idx.msk [tilespmem:v28+s2+$0x0], $0xffff;
	v19 =	vmin.f32 v19, $2.550000000e+02;
	v17 =	vadd.s32 v7, v14;
	v10 =	vtrunc.f32 v10  }
0x1a9: {  	v14 =	vadd.s32 v7, v16;
	[tilespmem:v18+s7+$0x0] =	vst.idx.add.f32.msk $0xffff, v8;
	v18 =	vtrunc.f32 v19;
	v19 =	vcvt.f32.s32 v21  }
0x1aa: {  	v21 =	vld.idx.msk [tilespmem:v27+s2+$0x0], $0xffff;
	v27 =	vcvt.f32.s32 v10;
	v10 =	vcvt.f32.s32 v13;
	v16 =	vmax.f32 v9, $0.0e+00  }
0x1ab: {  	v13 =	vld.idx.msk [tilespmem:v29+s2+$0x0], $0xffff;
	v9 =	vcvt.f32.s32 v18;
	v24 =	vadd.s32 v7, v19;
	v18 =	vmin.f32 v16, $2.550000000e+02  }
0x1ac: {  	s5 =	simm.s32 $0x4180;
	s4 =	simm.s32 $0x830;
	s3 =	simm.s32 $0x410;
	v19 =	vadd.s32 v7, v27;
	v16 =	vadd.s32 v7, v31;
	v25 =	vtrunc.f32 v18;
	v18 =	vld.idx.msk [tilespmem:v30+s2+$0x0], $0xffff  }
.LBB2_13:
0x1ad: {  	s6 =	sand.u32 $0x7E00, s5;
	s9 =	sand.u32 $0x30, s4;
	v25 =	vcvt.f32.s32 v25;
	v23 =	vmax.f32 v23, $0.0e+00;
	v26 =	vmin.f32 v26, $2.550000000e+02;
	[tilespmem:v17+s7+$0x0] =	vst.idx.add.f32.msk $0xffff, v8  }
0x1ae: {  	s3 =	sadd.s32 $0x8, s3;
	v20 =	vmax.f32 v20, $0.0e+00;
	s6 =	sor.u32 s9, s6;
	v17 =	vmin.f32 v23, $2.550000000e+02;
	v23 =	vtrunc.f32 v26;
	[tilespmem:v15+s7+$0x0] =	vst.idx.add.f32.msk $0xffff, v8  }
0x1af: {  	p1 =	slt.u32 s3, $0x4F8;
	v21 =	vmax.f32 v21, $0.0e+00;
	v15 =	vor.u32 s6, v6;
	s9 =	sor.u32 $0x2, s6;
	s10 =	sor.u32 $0xE, s6;
	v23 =	vcvt.f32.s32 v23;
	[tilespmem:v14+s7+$0x0] =	vst.idx.add.f32.msk $0xffff, v8  }
0x1b0: {  	s11 =	sor.u32 $0x6, s6;
	s12 =	sor.u32 $0x8, s6;
	v22 =	vmax.f32 v22, $0.0e+00;
	v14 =	vor.u32 s9, v6;
	s9 =	sor.u32 $0x4, s6;
	v26 =	vor.u32 s10, v6;
	[tilespmem:v24+s7+$0x0] =	vst.idx.add.f32.msk $0xffff, v8  }
0x1b1: {  	v27 =	vor.u32 s11, v6;
	v24 =	vor.u32 s9, v6;
	s9 =	sor.u32 $0xA, s6;
	s6 =	sor.u32 $0xC, s6;
	v23 =	vadd.s32 v7, v23;
	[tilespmem:v16+s7+$0x0] =	vst.idx.add.f32.msk $0xffff, v8  }
0x1b2: {  	v16 =	vor.u32 s12, v6;
	v28 =	vor.u32 s9, v6;
	v29 =	vor.u32 s6, v6;
	[tilespmem:v19+s7+$0x0] =	vst.idx.add.f32.msk $0xffff, v8  }
0x1b3: {  	v13 =	vmax.f32 v13, $0.0e+00;
	v18 =	vmax.f32 v18, $0.0e+00;
	v19 =	vmin.f32 v20, $2.550000000e+02;
	[tilespmem:v12+s7+$0x0] =	vst.idx.add.f32.msk $0xffff, v8  }
0x1b4: {  	v13 =	vmin.f32 v13, $2.550000000e+02;
	v12 =	vmin.f32 v21, $2.550000000e+02;
	v30 =	vld.idx.msk [tilespmem:v15+s2+$0x0], $0xffff;
	v15 =	vmin.f32 v22, $2.550000000e+02  }
0x1b5: {  	v18 =	vmin.f32 v18, $2.550000000e+02;
	v21 =	vtrunc.f32 v17;
	v19 =	vtrunc.f32 v19;
	v26 =	vld.idx.msk [tilespmem:v26+s2+$0x0], $0xffff  }
0x1b6: {  	v17 =	vadd.s32 v7, v11;
	v22 =	vtrunc.f32 v12;
	v31 =	vtrunc.f32 v15;
	[tilespmem:v23+s7+$0x0] =	vst.idx.add.f32.msk $0xffff, v8  }
0x1b7: {  	v13 =	vtrunc.f32 v13;
	v18 =	vtrunc.f32 v18;
	v15 =	vadd.s32 v7, v10;
	v23 =	vld.idx.msk [tilespmem:v14+s2+$0x0], $0xffff  }
.Ltmp6:
0x1b8: {  	v19 =	vcvt.f32.s32 v19;
	v14 =	vadd.s32 v7, v9;
	v20 =	vld.idx.msk [tilespmem:v24+s2+$0x0], $0xffff;
	v24 =	vcvt.f32.s32 v21;
	(pc) =	sbr.rel @p1 .LBB2_13-.Ltmp6, $4  }
0x1b9: {  	v12 =	vadd.s32 v7, v25;
	v11 =	vcvt.f32.s32 v31;
	v21 =	vld.idx.msk [tilespmem:v27+s2+$0x0], $0xffff;
	v27 =	vcvt.f32.s32 v22  }
0x1ba: {  	v10 =	vcvt.f32.s32 v13;
	v9 =	vcvt.f32.s32 v18;
	v25 =	vmax.f32 v30, $0.0e+00;
	v22 =	vld.idx.msk [tilespmem:v16+s2+$0x0], $0xffff  }
0x1bb: {  	v18 =	vmin.f32 v25, $2.550000000e+02;
	v24 =	vadd.s32 v7, v24;
	v16 =	vadd.s32 v7, v19;
	v13 =	vld.idx.msk [tilespmem:v28+s2+$0x0], $0xffff  }
0x1bc: {  	s4 =	sadd.s32 $0x10, s4;
	s5 =	sadd.s32 $0x80, s5;
	v26 =	vmax.f32 v26, $0.0e+00;
	v25 =	vtrunc.f32 v18;
	v19 =	vadd.s32 v7, v27;
	v18 =	vld.idx.msk [tilespmem:v29+s2+$0x0], $0xffff  }
0x1bd: {  	_ =	sdelay $0x1  }
0x1be: {  	v26 =	vmin.f32 v26, $2.550000000e+02;
	v25 =	vcvt.f32.s32 v25;
	v23 =	vmax.f32 v23, $0.0e+00  }
0x1bf: {  	v20 =	vmax.f32 v20, $0.0e+00;
	v11 =	vadd.s32 v7, v11;
	v10 =	vadd.s32 v7, v10  }
0x1c0: {  	[tilespmem:v17+s7+$0x0] =	vst.idx.add.f32.msk $0xffff, v8;
	v9 =	vadd.s32 v7, v9;
	v26 =	vtrunc.f32 v26;
	v17 =	vmin.f32 v23, $2.550000000e+02  }
0x1c1: {  	[tilespmem:v15+s7+$0x0] =	vst.idx.add.f32.msk $0xffff, v8;
	v21 =	vmax.f32 v21, $0.0e+00;
	v20 =	vmin.f32 v20, $2.550000000e+02;
	v26 =	vcvt.f32.s32 v26  }
0x1c2: {  	[tilespmem:v16+s7+$0x0] =	vst.idx.add.f32.msk $0xffff, v8;
	v15 =	vmax.f32 v22, $0.0e+00;
	v17 =	vtrunc.f32 v17;
	v16 =	vtrunc.f32 v20  }
0x1c3: {  	[tilespmem:v14+s7+$0x0] =	vst.idx.add.f32.msk $0xffff, v8;
	v13 =	vmax.f32 v13, $0.0e+00;
	v15 =	vmin.f32 v15, $2.550000000e+02;
	v17 =	vcvt.f32.s32 v17  }
0x1c4: {  	[tilespmem:v24+s7+$0x0] =	vst.idx.add.f32.msk $0xffff, v8;
	v16 =	vcvt.f32.s32 v16;
	v22 =	vadd.s32 v7, v26;
	v14 =	vmax.f32 v18, $0.0e+00  }
0x1c5: {  	[tilespmem:v12+s7+$0x0] =	vst.idx.add.f32.msk $0xffff, v8;
	v18 =	vmin.f32 v21, $2.550000000e+02;
	v12 =	vmin.f32 v13, $2.550000000e+02;
	v15 =	vtrunc.f32 v15  }
0x1c6: {  	[tilespmem:v19+s7+$0x0] =	vst.idx.add.f32.msk $0xffff, v8;
	v18 =	vtrunc.f32 v18;
	v17 =	vadd.s32 v7, v17;
	v14 =	vmin.f32 v14, $2.550000000e+02  }
0x1c7: {  	v16 =	vadd.s32 v7, v16;
	v12 =	vtrunc.f32 v12;
	v15 =	vcvt.f32.s32 v15;
	[tilespmem:v11+s7+$0x0] =	vst.idx.add.f32.msk $0xffff, v8  }
0x1c8: {  	[tilespmem:v10+s7+$0x0] =	vst.idx.add.f32.msk $0xffff, v8;
	v13 =	vcvt.f32.s32 v18;
	v11 =	vtrunc.f32 v14;
	v14 =	vadd.s32 v7, v25  }
0x1c9: {  	[tilespmem:v9+s7+$0x0] =	vst.idx.add.f32.msk $0xffff, v8;
	v12 =	vcvt.f32.s32 v12;
	v9 =	vadd.s32 v7, v15  }
0x1ca: {  	v10 =	vcvt.f32.s32 v11;
	v13 =	vadd.s32 v7, v13;
	[tilespmem:v22+s7+$0x0] =	vst.idx.add.f32.msk $0xffff, v8  }
0x1cb: {  	v11 =	vadd.s32 v7, v12;
	[tilespmem:v17+s7+$0x0] =	vst.idx.add.f32.msk $0xffff, v8  }
0x1cc: {  	v10 =	vadd.s32 v7, v10;
	[tilespmem:v16+s7+$0x0] =	vst.idx.add.f32.msk $0xffff, v8  }
0x1cd: {  	s3 =	simm.s32 $0xA00;
	s4 =	simm.s32 $0x5000;
	[tilespmem:v14+s7+$0x0] =	vst.idx.add.f32.msk $0xffff, v8  }
0x1ce: {  	s4 =	sand.u32 $0x7E00, s4;
	s3 =	sand.u32 $0x30, s3;
	[tilespmem:v9+s7+$0x0] =	vst.idx.add.f32.msk $0xffff, v8  }
0x1cf: {  	s3 =	sor.u32 s3, s4;
	[tilespmem:v13+s7+$0x0] =	vst.idx.add.f32.msk $0xffff, v8  }
0x1d0: {  	s5 =	sor.u32 $0x2, s3;
	v9 =	vor.u32 s3, v6;
	[tilespmem:v11+s7+$0x0] =	vst.idx.add.f32.msk $0xffff, v8  }
0x1d1: {  	s6 =	simm.s32 $0x6;
	s25 =	sor.u32 $0x4, s3;
	v11 =	vor.u32 s5, v6;
	[tilespmem:v10+s7+$0x0] =	vst.idx.add.f32.msk $0xffff, v8  }
0x1d2: {  	s28 =	sor.u32 $0x6, s3;
	v12 =	vor.u32 s25, v6;
	_ =	swait.ge [sflag:s6], $0x1000  }
0x1d3: {  	s9 =	sor.u32 $0xA, s3;
	v13 =	vor.u32 s28, v6;
	[sflag:s6] =	ssyncset.done $0x0  }
0x1d4: {  	s4 =	sor.u32 $0xE, s3;
	v15 =	vor.u32 s9, v6;
	[sflag:s6] =	ssyncadd.s32 $0xFFFFF000  }
0x1d5: {  	v10 =	vor.u32 s4, v6;
	v9 =	vld.idx.msk [tilespmem:v9+s2+$0x0], $0xffff  }
0x1d6: {  	s10 =	simm.s32 $0xA10;
	v11 =	vld.idx.msk [tilespmem:v11+s2+$0x0], $0xffff  }
0x1d7: {  	s11 =	simm.s32 $0x5080;
	s6 =	sor.u32 $0x8, s3;
	s3 =	sor.u32 $0xC, s3;
	v12 =	vld.idx.msk [tilespmem:v12+s2+$0x0], $0xffff  }
0x1d8: {  	s4 =	sand.u32 $0x7E00, s11;
	v16 =	vor.u32 s3, v6;
	v13 =	vld.idx.msk [tilespmem:v13+s2+$0x0], $0xffff;
	s3 =	sand.u32 $0x30, s10  }
0x1d9: {  	v15 =	vld.idx.msk [tilespmem:v15+s2+$0x0], $0xffff;
	s3 =	sor.u32 s3, s4  }
0x1da: {  	v14 =	vor.u32 s6, v6;
	v10 =	vld.idx.msk [tilespmem:v10+s2+$0x0], $0xffff;
	v17 =	vor.u32 s3, v6;
	s4 =	sor.u32 $0x2, s3;
	s12 =	sor.u32 $0xE, s3;
	s14 =	sor.u32 $0x4, s3  }
0x1db: {  	s25 =	sor.u32 $0x6, s3;
	s28 =	sor.u32 $0x8, s3;
	s6 =	sor.u32 $0xA, s3;
	v18 =	vor.u32 s4, v6;
	v19 =	vor.u32 s12, v6;
	v20 =	vor.u32 s14, v6  }
0x1dc: {  	s3 =	sor.u32 $0xC, s3;
	v21 =	vor.u32 s25, v6;
	v22 =	vor.u32 s28, v6;
	v23 =	vor.u32 s6, v6  }
0x1dd: {  	s9 =	simm.s32 $0xA20;
	s10 =	simm.s32 $0x5100;
	v24 =	vor.u32 s3, v6;
	v9 =	vmax.f32 v9, $0.0e+00;
	v11 =	vmax.f32 v11, $0.0e+00  }
0x1de: {  	s4 =	sand.u32 $0x7E00, s10;
	s3 =	sand.u32 $0x30, s9;
	v12 =	vmax.f32 v12, $0.0e+00;
	v13 =	vmax.f32 v13, $0.0e+00;
	v15 =	vmax.f32 v15, $0.0e+00  }
0x1df: {  	s3 =	sor.u32 s3, s4;
	v9 =	vmin.f32 v9, $2.550000000e+02;
	v10 =	vmax.f32 v10, $0.0e+00;
	v11 =	vmin.f32 v11, $2.550000000e+02  }
0x1e0: {  	s11 =	sor.u32 $0xE, s3;
	v12 =	vmin.f32 v12, $2.550000000e+02;
	v13 =	vmin.f32 v13, $2.550000000e+02;
	v15 =	vmin.f32 v15, $2.550000000e+02  }
0x1e1: {  	v14 =	vld.idx.msk [tilespmem:v14+s2+$0x0], $0xffff;
	s14 =	sor.u32 $0x6, s3;
	v26 =	vor.u32 s11, v6;
	v9 =	vtrunc.f32 v9;
	v11 =	vtrunc.f32 v11  }
0x1e2: {  	v16 =	vld.idx.msk [tilespmem:v16+s2+$0x0], $0xffff;
	v27 =	vor.u32 s14, v6;
	v12 =	vtrunc.f32 v12;
	v13 =	vtrunc.f32 v13  }
0x1e3: {  	s25 =	sor.u32 $0x8, s3;
	v10 =	vmin.f32 v10, $2.550000000e+02;
	v15 =	vtrunc.f32 v15;
	v9 =	vcvt.f32.s32 v9  }
0x1e4: {  	s28 =	sor.u32 $0xA, s3;
	v28 =	vor.u32 s25, v6;
	v17 =	vld.idx.msk [tilespmem:v17+s2+$0x0], $0xffff;
	v10 =	vtrunc.f32 v10;
	v11 =	vcvt.f32.s32 v11  }
0x1e5: {  	v29 =	vor.u32 s28, v6;
	v19 =	vld.idx.msk [tilespmem:v19+s2+$0x0], $0xffff;
	v12 =	vcvt.f32.s32 v12;
	v13 =	vcvt.f32.s32 v13  }
0x1e6: {  	v18 =	vld.idx.msk [tilespmem:v18+s2+$0x0], $0xffff;
	v15 =	vcvt.f32.s32 v15;
	v10 =	vcvt.f32.s32 v10;
	v14 =	vmax.f32 v14, $0.0e+00  }
0x1e7: {  	v20 =	vld.idx.msk [tilespmem:v20+s2+$0x0], $0xffff;
	v16 =	vmax.f32 v16, $0.0e+00;
	v9 =	vadd.s32 v7, v9;
	v11 =	vadd.s32 v7, v11  }
0x1e8: {  	v21 =	vld.idx.msk [tilespmem:v21+s2+$0x0], $0xffff;
	v12 =	vadd.s32 v7, v12;
	v13 =	vadd.s32 v7, v13;
	v15 =	vadd.s32 v7, v15  }
0x1e9: {  	v22 =	vld.idx.msk [tilespmem:v22+s2+$0x0], $0xffff;
	v10 =	vadd.s32 v7, v10;
	v14 =	vmin.f32 v14, $2.550000000e+02;
	v17 =	vmax.f32 v17, $0.0e+00  }
0x1ea: {  	v23 =	vld.idx.msk [tilespmem:v23+s2+$0x0], $0xffff;
	v16 =	vmin.f32 v16, $2.550000000e+02;
	v14 =	vtrunc.f32 v14;
	v17 =	vmin.f32 v17, $2.550000000e+02  }
0x1eb: {  	v26 =	vld.idx.msk [tilespmem:v26+s2+$0x0], $0xffff;
	v16 =	vtrunc.f32 v16;
	v19 =	vmax.f32 v19, $0.0e+00;
	v17 =	vtrunc.f32 v17  }
0x1ec: {  	v25 =	vcvt.f32.s32 v17;
	v17 =	vmax.f32 v18, $0.0e+00;
	v18 =	vmin.f32 v19, $2.550000000e+02;
	v19 =	vld.idx.msk [tilespmem:v24+s2+$0x0], $0xffff  }
0x1ed: {  	v14 =	vcvt.f32.s32 v14;
	v16 =	vcvt.f32.s32 v16;
	v20 =	vmax.f32 v20, $0.0e+00;
	[tilespmem:v11+s7+$0x0] =	vst.idx.add.f32.msk $0xffff, v8  }
0x1ee: {  	s4 =	sor.u32 $0x2, s3;
	s12 =	sor.u32 $0x4, s3;
	v21 =	vmax.f32 v21, $0.0e+00;
	v22 =	vmax.f32 v22, $0.0e+00;
	[tilespmem:v10+s7+$0x0] =	vst.idx.add.f32.msk $0xffff, v8;
	v10 =	vor.u32 s3, v6  }
0x1ef: {  	v24 =	vor.u32 s4, v6;
	v11 =	vor.u32 s12, v6;
	[tilespmem:v12+s7+$0x0] =	vst.idx.add.f32.msk $0xffff, v8;
	v18 =	vtrunc.f32 v18  }
0x1f0: {  	[tilespmem:v13+s7+$0x0] =	vst.idx.add.f32.msk $0xffff, v8;
	v12 =	vmin.f32 v20, $2.550000000e+02;
	v13 =	vmax.f32 v23, $0.0e+00;
	v18 =	vcvt.f32.s32 v18  }
0x1f1: {  	v20 =	vmin.f32 v22, $2.550000000e+02;
	v17 =	vmin.f32 v17, $2.550000000e+02;
	v13 =	vmin.f32 v13, $2.550000000e+02  }
0x1f2: {  	[tilespmem:v9+s7+$0x0] =	vst.idx.add.f32.msk $0xffff, v8;
	s3 =	sor.u32 $0xC, s3;
	v12 =	vtrunc.f32 v12;
	v22 =	vtrunc.f32 v20;
	v18 =	vadd.s32 v7, v18  }
0x1f3: {  	v26 =	vmax.f32 v26, $0.0e+00;
	v30 =	vor.u32 s3, v6;
	v13 =	vtrunc.f32 v13;
	v9 =	vld.idx.msk [tilespmem:v10+s2+$0x0], $0xffff  }
0x1f4: {  	v31 =	vcvt.f32.s32 v12;
	v12 =	vadd.s32 v7, v25;
	v19 =	vmax.f32 v19, $0.0e+00;
	v23 =	vld.idx.msk [tilespmem:v24+s2+$0x0], $0xffff  }
0x1f5: {  	v20 =	vld.idx.msk [tilespmem:v11+s2+$0x0], $0xffff;
	v11 =	vcvt.f32.s32 v22;
	v10 =	vmin.f32 v21, $2.550000000e+02;
	v21 =	vtrunc.f32 v17  }
0x1f6: {  	v22 =	vld.idx.msk [tilespmem:v28+s2+$0x0], $0xffff;
	v19 =	vmin.f32 v19, $2.550000000e+02;
	v17 =	vadd.s32 v7, v14;
	v10 =	vtrunc.f32 v10  }
0x1f7: {  	v14 =	vadd.s32 v7, v16;
	[tilespmem:v18+s7+$0x0] =	vst.idx.add.f32.msk $0xffff, v8;
	v18 =	vtrunc.f32 v19;
	v19 =	vcvt.f32.s32 v21  }
0x1f8: {  	v21 =	vld.idx.msk [tilespmem:v27+s2+$0x0], $0xffff;
	v27 =	vcvt.f32.s32 v10;
	v10 =	vcvt.f32.s32 v13;
	v16 =	vmax.f32 v9, $0.0e+00  }
0x1f9: {  	v13 =	vld.idx.msk [tilespmem:v29+s2+$0x0], $0xffff;
	v9 =	vcvt.f32.s32 v18;
	v24 =	vadd.s32 v7, v19;
	v18 =	vmin.f32 v16, $2.550000000e+02  }
0x1fa: {  	s5 =	simm.s32 $0x5180;
	s4 =	simm.s32 $0xA30;
	s3 =	simm.s32 $0x510;
	v19 =	vadd.s32 v7, v27;
	v16 =	vadd.s32 v7, v31;
	v25 =	vtrunc.f32 v18;
	v18 =	vld.idx.msk [tilespmem:v30+s2+$0x0], $0xffff  }
.LBB2_15:
0x1fb: {  	s6 =	sand.u32 $0x7E00, s5;
	s9 =	sand.u32 $0x30, s4;
	v25 =	vcvt.f32.s32 v25;
	v23 =	vmax.f32 v23, $0.0e+00;
	v26 =	vmin.f32 v26, $2.550000000e+02;
	[tilespmem:v17+s7+$0x0] =	vst.idx.add.f32.msk $0xffff, v8  }
0x1fc: {  	s3 =	sadd.s32 $0x8, s3;
	v20 =	vmax.f32 v20, $0.0e+00;
	s6 =	sor.u32 s9, s6;
	v17 =	vmin.f32 v23, $2.550000000e+02;
	v23 =	vtrunc.f32 v26;
	[tilespmem:v15+s7+$0x0] =	vst.idx.add.f32.msk $0xffff, v8  }
0x1fd: {  	p1 =	slt.u32 s3, $0x5F8;
	v21 =	vmax.f32 v21, $0.0e+00;
	v15 =	vor.u32 s6, v6;
	s9 =	sor.u32 $0x2, s6;
	s10 =	sor.u32 $0xE, s6;
	v23 =	vcvt.f32.s32 v23;
	[tilespmem:v14+s7+$0x0] =	vst.idx.add.f32.msk $0xffff, v8  }
0x1fe: {  	s11 =	sor.u32 $0x6, s6;
	s12 =	sor.u32 $0x8, s6;
	v22 =	vmax.f32 v22, $0.0e+00;
	v14 =	vor.u32 s9, v6;
	s9 =	sor.u32 $0x4, s6;
	v26 =	vor.u32 s10, v6;
	[tilespmem:v24+s7+$0x0] =	vst.idx.add.f32.msk $0xffff, v8  }
0x1ff: {  	v27 =	vor.u32 s11, v6;
	v24 =	vor.u32 s9, v6;
	s9 =	sor.u32 $0xA, s6;
	s6 =	sor.u32 $0xC, s6;
	v23 =	vadd.s32 v7, v23;
	[tilespmem:v16+s7+$0x0] =	vst.idx.add.f32.msk $0xffff, v8  }
0x200: {  	v16 =	vor.u32 s12, v6;
	v28 =	vor.u32 s9, v6;
	v29 =	vor.u32 s6, v6;
	[tilespmem:v19+s7+$0x0] =	vst.idx.add.f32.msk $0xffff, v8  }
0x201: {  	v13 =	vmax.f32 v13, $0.0e+00;
	v18 =	vmax.f32 v18, $0.0e+00;
	v19 =	vmin.f32 v20, $2.550000000e+02;
	[tilespmem:v12+s7+$0x0] =	vst.idx.add.f32.msk $0xffff, v8  }
0x202: {  	v13 =	vmin.f32 v13, $2.550000000e+02;
	v12 =	vmin.f32 v21, $2.550000000e+02;
	v30 =	vld.idx.msk [tilespmem:v15+s2+$0x0], $0xffff;
	v15 =	vmin.f32 v22, $2.550000000e+02  }
0x203: {  	v18 =	vmin.f32 v18, $2.550000000e+02;
	v21 =	vtrunc.f32 v17;
	v19 =	vtrunc.f32 v19;
	v26 =	vld.idx.msk [tilespmem:v26+s2+$0x0], $0xffff  }
0x204: {  	v17 =	vadd.s32 v7, v11;
	v22 =	vtrunc.f32 v12;
	v31 =	vtrunc.f32 v15;
	[tilespmem:v23+s7+$0x0] =	vst.idx.add.f32.msk $0xffff, v8  }
0x205: {  	v13 =	vtrunc.f32 v13;
	v18 =	vtrunc.f32 v18;
	v15 =	vadd.s32 v7, v10;
	v23 =	vld.idx.msk [tilespmem:v14+s2+$0x0], $0xffff  }
.Ltmp7:
0x206: {  	v19 =	vcvt.f32.s32 v19;
	v14 =	vadd.s32 v7, v9;
	v20 =	vld.idx.msk [tilespmem:v24+s2+$0x0], $0xffff;
	v24 =	vcvt.f32.s32 v21;
	(pc) =	sbr.rel @p1 .LBB2_15-.Ltmp7, $4  }
0x207: {  	v12 =	vadd.s32 v7, v25;
	v11 =	vcvt.f32.s32 v31;
	v21 =	vld.idx.msk [tilespmem:v27+s2+$0x0], $0xffff;
	v27 =	vcvt.f32.s32 v22  }
0x208: {  	v10 =	vcvt.f32.s32 v13;
	v9 =	vcvt.f32.s32 v18;
	v25 =	vmax.f32 v30, $0.0e+00;
	v22 =	vld.idx.msk [tilespmem:v16+s2+$0x0], $0xffff  }
0x209: {  	v18 =	vmin.f32 v25, $2.550000000e+02;
	v24 =	vadd.s32 v7, v24;
	v16 =	vadd.s32 v7, v19;
	v13 =	vld.idx.msk [tilespmem:v28+s2+$0x0], $0xffff  }
0x20a: {  	s4 =	sadd.s32 $0x10, s4;
	s5 =	sadd.s32 $0x80, s5;
	v26 =	vmax.f32 v26, $0.0e+00;
	v25 =	vtrunc.f32 v18;
	v19 =	vadd.s32 v7, v27;
	v18 =	vld.idx.msk [tilespmem:v29+s2+$0x0], $0xffff  }
0x20b: {  	_ =	sdelay $0x1  }
0x20c: {  	v26 =	vmin.f32 v26, $2.550000000e+02;
	v25 =	vcvt.f32.s32 v25;
	v23 =	vmax.f32 v23, $0.0e+00  }
0x20d: {  	v20 =	vmax.f32 v20, $0.0e+00;
	v11 =	vadd.s32 v7, v11;
	v10 =	vadd.s32 v7, v10  }
0x20e: {  	[tilespmem:v17+s7+$0x0] =	vst.idx.add.f32.msk $0xffff, v8;
	v9 =	vadd.s32 v7, v9;
	v26 =	vtrunc.f32 v26;
	v17 =	vmin.f32 v23, $2.550000000e+02  }
0x20f: {  	[tilespmem:v15+s7+$0x0] =	vst.idx.add.f32.msk $0xffff, v8;
	v21 =	vmax.f32 v21, $0.0e+00;
	v20 =	vmin.f32 v20, $2.550000000e+02;
	v26 =	vcvt.f32.s32 v26  }
0x210: {  	[tilespmem:v16+s7+$0x0] =	vst.idx.add.f32.msk $0xffff, v8;
	v15 =	vmax.f32 v22, $0.0e+00;
	v17 =	vtrunc.f32 v17;
	v16 =	vtrunc.f32 v20  }
0x211: {  	[tilespmem:v14+s7+$0x0] =	vst.idx.add.f32.msk $0xffff, v8;
	v13 =	vmax.f32 v13, $0.0e+00;
	v15 =	vmin.f32 v15, $2.550000000e+02;
	v17 =	vcvt.f32.s32 v17  }
0x212: {  	[tilespmem:v24+s7+$0x0] =	vst.idx.add.f32.msk $0xffff, v8;
	v16 =	vcvt.f32.s32 v16;
	v22 =	vadd.s32 v7, v26;
	v14 =	vmax.f32 v18, $0.0e+00  }
0x213: {  	[tilespmem:v12+s7+$0x0] =	vst.idx.add.f32.msk $0xffff, v8;
	v18 =	vmin.f32 v21, $2.550000000e+02;
	v12 =	vmin.f32 v13, $2.550000000e+02;
	v15 =	vtrunc.f32 v15  }
0x214: {  	[tilespmem:v19+s7+$0x0] =	vst.idx.add.f32.msk $0xffff, v8;
	v18 =	vtrunc.f32 v18;
	v17 =	vadd.s32 v7, v17;
	v14 =	vmin.f32 v14, $2.550000000e+02  }
0x215: {  	v16 =	vadd.s32 v7, v16;
	v12 =	vtrunc.f32 v12;
	v15 =	vcvt.f32.s32 v15;
	[tilespmem:v11+s7+$0x0] =	vst.idx.add.f32.msk $0xffff, v8  }
0x216: {  	[tilespmem:v10+s7+$0x0] =	vst.idx.add.f32.msk $0xffff, v8;
	v13 =	vcvt.f32.s32 v18;
	v11 =	vtrunc.f32 v14;
	v14 =	vadd.s32 v7, v25  }
0x217: {  	[tilespmem:v9+s7+$0x0] =	vst.idx.add.f32.msk $0xffff, v8;
	v12 =	vcvt.f32.s32 v12;
	v9 =	vadd.s32 v7, v15  }
0x218: {  	v10 =	vcvt.f32.s32 v11;
	v13 =	vadd.s32 v7, v13;
	[tilespmem:v22+s7+$0x0] =	vst.idx.add.f32.msk $0xffff, v8  }
0x219: {  	v11 =	vadd.s32 v7, v12;
	[tilespmem:v17+s7+$0x0] =	vst.idx.add.f32.msk $0xffff, v8  }
0x21a: {  	v10 =	vadd.s32 v7, v10;
	[tilespmem:v16+s7+$0x0] =	vst.idx.add.f32.msk $0xffff, v8  }
0x21b: {  	s3 =	simm.s32 $0xC00;
	s4 =	simm.s32 $0x6000;
	[tilespmem:v14+s7+$0x0] =	vst.idx.add.f32.msk $0xffff, v8  }
0x21c: {  	s4 =	sand.u32 $0x7E00, s4;
	s3 =	sand.u32 $0x30, s3;
	[tilespmem:v9+s7+$0x0] =	vst.idx.add.f32.msk $0xffff, v8  }
0x21d: {  	s3 =	sor.u32 s3, s4;
	[tilespmem:v13+s7+$0x0] =	vst.idx.add.f32.msk $0xffff, v8  }
0x21e: {  	s5 =	sor.u32 $0x2, s3;
	v9 =	vor.u32 s3, v6;
	[tilespmem:v11+s7+$0x0] =	vst.idx.add.f32.msk $0xffff, v8  }
0x21f: {  	s6 =	simm.s32 $0x7;
	s25 =	sor.u32 $0x4, s3;
	v11 =	vor.u32 s5, v6;
	[tilespmem:v10+s7+$0x0] =	vst.idx.add.f32.msk $0xffff, v8  }
0x220: {  	s28 =	sor.u32 $0x6, s3;
	v12 =	vor.u32 s25, v6;
	_ =	swait.ge [sflag:s6], $0x1000  }
0x221: {  	s9 =	sor.u32 $0xA, s3;
	v13 =	vor.u32 s28, v6;
	[sflag:s6] =	ssyncset.done $0x0  }
0x222: {  	s4 =	sor.u32 $0xE, s3;
	v15 =	vor.u32 s9, v6;
	[sflag:s6] =	ssyncadd.s32 $0xFFFFF000  }
0x223: {  	v10 =	vor.u32 s4, v6;
	v9 =	vld.idx.msk [tilespmem:v9+s2+$0x0], $0xffff  }
0x224: {  	s10 =	simm.s32 $0xC10;
	v11 =	vld.idx.msk [tilespmem:v11+s2+$0x0], $0xffff  }
0x225: {  	s11 =	simm.s32 $0x6080;
	s6 =	sor.u32 $0x8, s3;
	s3 =	sor.u32 $0xC, s3;
	v12 =	vld.idx.msk [tilespmem:v12+s2+$0x0], $0xffff  }
0x226: {  	s4 =	sand.u32 $0x7E00, s11;
	v16 =	vor.u32 s3, v6;
	v13 =	vld.idx.msk [tilespmem:v13+s2+$0x0], $0xffff;
	s3 =	sand.u32 $0x30, s10  }
0x227: {  	v15 =	vld.idx.msk [tilespmem:v15+s2+$0x0], $0xffff;
	s3 =	sor.u32 s3, s4  }
0x228: {  	v14 =	vor.u32 s6, v6;
	v10 =	vld.idx.msk [tilespmem:v10+s2+$0x0], $0xffff;
	v17 =	vor.u32 s3, v6;
	s4 =	sor.u32 $0x2, s3;
	s12 =	sor.u32 $0xE, s3;
	s14 =	sor.u32 $0x4, s3  }
0x229: {  	s25 =	sor.u32 $0x6, s3;
	s28 =	sor.u32 $0x8, s3;
	s6 =	sor.u32 $0xA, s3;
	v18 =	vor.u32 s4, v6;
	v19 =	vor.u32 s12, v6;
	v20 =	vor.u32 s14, v6  }
0x22a: {  	s3 =	sor.u32 $0xC, s3;
	v21 =	vor.u32 s25, v6;
	v22 =	vor.u32 s28, v6;
	v23 =	vor.u32 s6, v6  }
0x22b: {  	s9 =	simm.s32 $0xC20;
	s10 =	simm.s32 $0x6100;
	v24 =	vor.u32 s3, v6;
	v9 =	vmax.f32 v9, $0.0e+00;
	v11 =	vmax.f32 v11, $0.0e+00  }
0x22c: {  	s4 =	sand.u32 $0x7E00, s10;
	s3 =	sand.u32 $0x30, s9;
	v12 =	vmax.f32 v12, $0.0e+00;
	v13 =	vmax.f32 v13, $0.0e+00;
	v15 =	vmax.f32 v15, $0.0e+00  }
0x22d: {  	s3 =	sor.u32 s3, s4;
	v9 =	vmin.f32 v9, $2.550000000e+02;
	v10 =	vmax.f32 v10, $0.0e+00;
	v11 =	vmin.f32 v11, $2.550000000e+02  }
0x22e: {  	s11 =	sor.u32 $0xE, s3;
	v12 =	vmin.f32 v12, $2.550000000e+02;
	v13 =	vmin.f32 v13, $2.550000000e+02;
	v15 =	vmin.f32 v15, $2.550000000e+02  }
0x22f: {  	v14 =	vld.idx.msk [tilespmem:v14+s2+$0x0], $0xffff;
	s14 =	sor.u32 $0x6, s3;
	v26 =	vor.u32 s11, v6;
	v9 =	vtrunc.f32 v9;
	v11 =	vtrunc.f32 v11  }
0x230: {  	v16 =	vld.idx.msk [tilespmem:v16+s2+$0x0], $0xffff;
	v27 =	vor.u32 s14, v6;
	v12 =	vtrunc.f32 v12;
	v13 =	vtrunc.f32 v13  }
0x231: {  	s25 =	sor.u32 $0x8, s3;
	v10 =	vmin.f32 v10, $2.550000000e+02;
	v15 =	vtrunc.f32 v15;
	v9 =	vcvt.f32.s32 v9  }
0x232: {  	s28 =	sor.u32 $0xA, s3;
	v28 =	vor.u32 s25, v6;
	v17 =	vld.idx.msk [tilespmem:v17+s2+$0x0], $0xffff;
	v10 =	vtrunc.f32 v10;
	v11 =	vcvt.f32.s32 v11  }
0x233: {  	v29 =	vor.u32 s28, v6;
	v19 =	vld.idx.msk [tilespmem:v19+s2+$0x0], $0xffff;
	v12 =	vcvt.f32.s32 v12;
	v13 =	vcvt.f32.s32 v13  }
0x234: {  	v18 =	vld.idx.msk [tilespmem:v18+s2+$0x0], $0xffff;
	v15 =	vcvt.f32.s32 v15;
	v10 =	vcvt.f32.s32 v10;
	v14 =	vmax.f32 v14, $0.0e+00  }
0x235: {  	v20 =	vld.idx.msk [tilespmem:v20+s2+$0x0], $0xffff;
	v16 =	vmax.f32 v16, $0.0e+00;
	v9 =	vadd.s32 v7, v9;
	v11 =	vadd.s32 v7, v11  }
0x236: {  	v21 =	vld.idx.msk [tilespmem:v21+s2+$0x0], $0xffff;
	v12 =	vadd.s32 v7, v12;
	v13 =	vadd.s32 v7, v13;
	v15 =	vadd.s32 v7, v15  }
0x237: {  	v22 =	vld.idx.msk [tilespmem:v22+s2+$0x0], $0xffff;
	v10 =	vadd.s32 v7, v10;
	v14 =	vmin.f32 v14, $2.550000000e+02;
	v17 =	vmax.f32 v17, $0.0e+00  }
0x238: {  	v23 =	vld.idx.msk [tilespmem:v23+s2+$0x0], $0xffff;
	v16 =	vmin.f32 v16, $2.550000000e+02;
	v14 =	vtrunc.f32 v14;
	v17 =	vmin.f32 v17, $2.550000000e+02  }
0x239: {  	v26 =	vld.idx.msk [tilespmem:v26+s2+$0x0], $0xffff;
	v16 =	vtrunc.f32 v16;
	v19 =	vmax.f32 v19, $0.0e+00;
	v17 =	vtrunc.f32 v17  }
0x23a: {  	v25 =	vcvt.f32.s32 v17;
	v17 =	vmax.f32 v18, $0.0e+00;
	v18 =	vmin.f32 v19, $2.550000000e+02;
	v19 =	vld.idx.msk [tilespmem:v24+s2+$0x0], $0xffff  }
0x23b: {  	v14 =	vcvt.f32.s32 v14;
	v16 =	vcvt.f32.s32 v16;
	v20 =	vmax.f32 v20, $0.0e+00;
	[tilespmem:v11+s7+$0x0] =	vst.idx.add.f32.msk $0xffff, v8  }
0x23c: {  	s4 =	sor.u32 $0x2, s3;
	s12 =	sor.u32 $0x4, s3;
	v21 =	vmax.f32 v21, $0.0e+00;
	v22 =	vmax.f32 v22, $0.0e+00;
	[tilespmem:v10+s7+$0x0] =	vst.idx.add.f32.msk $0xffff, v8;
	v10 =	vor.u32 s3, v6  }
0x23d: {  	v24 =	vor.u32 s4, v6;
	v11 =	vor.u32 s12, v6;
	[tilespmem:v12+s7+$0x0] =	vst.idx.add.f32.msk $0xffff, v8;
	v18 =	vtrunc.f32 v18  }
0x23e: {  	[tilespmem:v13+s7+$0x0] =	vst.idx.add.f32.msk $0xffff, v8;
	v12 =	vmin.f32 v20, $2.550000000e+02;
	v13 =	vmax.f32 v23, $0.0e+00;
	v18 =	vcvt.f32.s32 v18  }
0x23f: {  	v20 =	vmin.f32 v22, $2.550000000e+02;
	v17 =	vmin.f32 v17, $2.550000000e+02;
	v13 =	vmin.f32 v13, $2.550000000e+02  }
0x240: {  	[tilespmem:v9+s7+$0x0] =	vst.idx.add.f32.msk $0xffff, v8;
	s3 =	sor.u32 $0xC, s3;
	v12 =	vtrunc.f32 v12;
	v22 =	vtrunc.f32 v20;
	v18 =	vadd.s32 v7, v18  }
0x241: {  	v26 =	vmax.f32 v26, $0.0e+00;
	v30 =	vor.u32 s3, v6;
	v13 =	vtrunc.f32 v13;
	v9 =	vld.idx.msk [tilespmem:v10+s2+$0x0], $0xffff  }
0x242: {  	v31 =	vcvt.f32.s32 v12;
	v12 =	vadd.s32 v7, v25;
	v19 =	vmax.f32 v19, $0.0e+00;
	v23 =	vld.idx.msk [tilespmem:v24+s2+$0x0], $0xffff  }
0x243: {  	v20 =	vld.idx.msk [tilespmem:v11+s2+$0x0], $0xffff;
	v11 =	vcvt.f32.s32 v22;
	v10 =	vmin.f32 v21, $2.550000000e+02;
	v21 =	vtrunc.f32 v17  }
0x244: {  	v22 =	vld.idx.msk [tilespmem:v28+s2+$0x0], $0xffff;
	v19 =	vmin.f32 v19, $2.550000000e+02;
	v17 =	vadd.s32 v7, v14;
	v10 =	vtrunc.f32 v10  }
0x245: {  	v14 =	vadd.s32 v7, v16;
	[tilespmem:v18+s7+$0x0] =	vst.idx.add.f32.msk $0xffff, v8;
	v18 =	vtrunc.f32 v19;
	v19 =	vcvt.f32.s32 v21  }
0x246: {  	v21 =	vld.idx.msk [tilespmem:v27+s2+$0x0], $0xffff;
	v27 =	vcvt.f32.s32 v10;
	v10 =	vcvt.f32.s32 v13;
	v16 =	vmax.f32 v9, $0.0e+00  }
0x247: {  	v13 =	vld.idx.msk [tilespmem:v29+s2+$0x0], $0xffff;
	v9 =	vcvt.f32.s32 v18;
	v24 =	vadd.s32 v7, v19;
	v18 =	vmin.f32 v16, $2.550000000e+02  }
0x248: {  	s5 =	simm.s32 $0x6180;
	s4 =	simm.s32 $0xC30;
	s3 =	simm.s32 $0x610;
	v19 =	vadd.s32 v7, v27;
	v16 =	vadd.s32 v7, v31;
	v25 =	vtrunc.f32 v18;
	v18 =	vld.idx.msk [tilespmem:v30+s2+$0x0], $0xffff  }
.LBB2_17:
0x249: {  	s6 =	sand.u32 $0x7E00, s5;
	s9 =	sand.u32 $0x30, s4;
	v25 =	vcvt.f32.s32 v25;
	v23 =	vmax.f32 v23, $0.0e+00;
	v26 =	vmin.f32 v26, $2.550000000e+02;
	[tilespmem:v17+s7+$0x0] =	vst.idx.add.f32.msk $0xffff, v8  }
0x24a: {  	s3 =	sadd.s32 $0x8, s3;
	v20 =	vmax.f32 v20, $0.0e+00;
	s6 =	sor.u32 s9, s6;
	v17 =	vmin.f32 v23, $2.550000000e+02;
	v23 =	vtrunc.f32 v26;
	[tilespmem:v15+s7+$0x0] =	vst.idx.add.f32.msk $0xffff, v8  }
0x24b: {  	p1 =	slt.u32 s3, $0x6F8;
	v21 =	vmax.f32 v21, $0.0e+00;
	v15 =	vor.u32 s6, v6;
	s9 =	sor.u32 $0x2, s6;
	s10 =	sor.u32 $0xE, s6;
	v23 =	vcvt.f32.s32 v23;
	[tilespmem:v14+s7+$0x0] =	vst.idx.add.f32.msk $0xffff, v8  }
0x24c: {  	s11 =	sor.u32 $0x6, s6;
	s12 =	sor.u32 $0x8, s6;
	v22 =	vmax.f32 v22, $0.0e+00;
	v14 =	vor.u32 s9, v6;
	s9 =	sor.u32 $0x4, s6;
	v26 =	vor.u32 s10, v6;
	[tilespmem:v24+s7+$0x0] =	vst.idx.add.f32.msk $0xffff, v8  }
0x24d: {  	v27 =	vor.u32 s11, v6;
	v24 =	vor.u32 s9, v6;
	s9 =	sor.u32 $0xA, s6;
	s6 =	sor.u32 $0xC, s6;
	v23 =	vadd.s32 v7, v23;
	[tilespmem:v16+s7+$0x0] =	vst.idx.add.f32.msk $0xffff, v8  }
0x24e: {  	v16 =	vor.u32 s12, v6;
	v28 =	vor.u32 s9, v6;
	v29 =	vor.u32 s6, v6;
	[tilespmem:v19+s7+$0x0] =	vst.idx.add.f32.msk $0xffff, v8  }
0x24f: {  	v13 =	vmax.f32 v13, $0.0e+00;
	v18 =	vmax.f32 v18, $0.0e+00;
	v19 =	vmin.f32 v20, $2.550000000e+02;
	[tilespmem:v12+s7+$0x0] =	vst.idx.add.f32.msk $0xffff, v8  }
0x250: {  	v13 =	vmin.f32 v13, $2.550000000e+02;
	v12 =	vmin.f32 v21, $2.550000000e+02;
	v30 =	vld.idx.msk [tilespmem:v15+s2+$0x0], $0xffff;
	v15 =	vmin.f32 v22, $2.550000000e+02  }
0x251: {  	v18 =	vmin.f32 v18, $2.550000000e+02;
	v21 =	vtrunc.f32 v17;
	v19 =	vtrunc.f32 v19;
	v26 =	vld.idx.msk [tilespmem:v26+s2+$0x0], $0xffff  }
0x252: {  	v17 =	vadd.s32 v7, v11;
	v22 =	vtrunc.f32 v12;
	v31 =	vtrunc.f32 v15;
	[tilespmem:v23+s7+$0x0] =	vst.idx.add.f32.msk $0xffff, v8  }
0x253: {  	v13 =	vtrunc.f32 v13;
	v18 =	vtrunc.f32 v18;
	v15 =	vadd.s32 v7, v10;
	v23 =	vld.idx.msk [tilespmem:v14+s2+$0x0], $0xffff  }
.Ltmp8:
0x254: {  	v19 =	vcvt.f32.s32 v19;
	v14 =	vadd.s32 v7, v9;
	v20 =	vld.idx.msk [tilespmem:v24+s2+$0x0], $0xffff;
	v24 =	vcvt.f32.s32 v21;
	(pc) =	sbr.rel @p1 .LBB2_17-.Ltmp8, $4  }
0x255: {  	v12 =	vadd.s32 v7, v25;
	v11 =	vcvt.f32.s32 v31;
	v21 =	vld.idx.msk [tilespmem:v27+s2+$0x0], $0xffff;
	v27 =	vcvt.f32.s32 v22  }
0x256: {  	v10 =	vcvt.f32.s32 v13;
	v9 =	vcvt.f32.s32 v18;
	v25 =	vmax.f32 v30, $0.0e+00;
	v22 =	vld.idx.msk [tilespmem:v16+s2+$0x0], $0xffff  }
0x257: {  	v18 =	vmin.f32 v25, $2.550000000e+02;
	v24 =	vadd.s32 v7, v24;
	v16 =	vadd.s32 v7, v19;
	v13 =	vld.idx.msk [tilespmem:v28+s2+$0x0], $0xffff  }
0x258: {  	s4 =	sadd.s32 $0x10, s4;
	s5 =	sadd.s32 $0x80, s5;
	v26 =	vmax.f32 v26, $0.0e+00;
	v25 =	vtrunc.f32 v18;
	v19 =	vadd.s32 v7, v27;
	v18 =	vld.idx.msk [tilespmem:v29+s2+$0x0], $0xffff  }
0x259: {  	_ =	sdelay $0x1  }
0x25a: {  	v26 =	vmin.f32 v26, $2.550000000e+02;
	v25 =	vcvt.f32.s32 v25;
	v23 =	vmax.f32 v23, $0.0e+00  }
0x25b: {  	v20 =	vmax.f32 v20, $0.0e+00;
	v11 =	vadd.s32 v7, v11;
	v10 =	vadd.s32 v7, v10  }
0x25c: {  	[tilespmem:v17+s7+$0x0] =	vst.idx.add.f32.msk $0xffff, v8;
	v9 =	vadd.s32 v7, v9;
	v26 =	vtrunc.f32 v26;
	v17 =	vmin.f32 v23, $2.550000000e+02  }
0x25d: {  	[tilespmem:v15+s7+$0x0] =	vst.idx.add.f32.msk $0xffff, v8;
	v21 =	vmax.f32 v21, $0.0e+00;
	v20 =	vmin.f32 v20, $2.550000000e+02;
	v26 =	vcvt.f32.s32 v26  }
0x25e: {  	[tilespmem:v16+s7+$0x0] =	vst.idx.add.f32.msk $0xffff, v8;
	v15 =	vmax.f32 v22, $0.0e+00;
	v17 =	vtrunc.f32 v17;
	v16 =	vtrunc.f32 v20  }
0x25f: {  	[tilespmem:v14+s7+$0x0] =	vst.idx.add.f32.msk $0xffff, v8;
	v13 =	vmax.f32 v13, $0.0e+00;
	v15 =	vmin.f32 v15, $2.550000000e+02;
	v17 =	vcvt.f32.s32 v17  }
0x260: {  	[tilespmem:v24+s7+$0x0] =	vst.idx.add.f32.msk $0xffff, v8;
	v16 =	vcvt.f32.s32 v16;
	v22 =	vadd.s32 v7, v26;
	v14 =	vmax.f32 v18, $0.0e+00  }
0x261: {  	[tilespmem:v12+s7+$0x0] =	vst.idx.add.f32.msk $0xffff, v8;
	v18 =	vmin.f32 v21, $2.550000000e+02;
	v12 =	vmin.f32 v13, $2.550000000e+02;
	v15 =	vtrunc.f32 v15  }
0x262: {  	[tilespmem:v19+s7+$0x0] =	vst.idx.add.f32.msk $0xffff, v8;
	v18 =	vtrunc.f32 v18;
	v17 =	vadd.s32 v7, v17;
	v14 =	vmin.f32 v14, $2.550000000e+02  }
0x263: {  	v16 =	vadd.s32 v7, v16;
	v12 =	vtrunc.f32 v12;
	v15 =	vcvt.f32.s32 v15;
	[tilespmem:v11+s7+$0x0] =	vst.idx.add.f32.msk $0xffff, v8  }
0x264: {  	[tilespmem:v10+s7+$0x0] =	vst.idx.add.f32.msk $0xffff, v8;
	v13 =	vcvt.f32.s32 v18;
	v11 =	vtrunc.f32 v14;
	v14 =	vadd.s32 v7, v25  }
0x265: {  	[tilespmem:v9+s7+$0x0] =	vst.idx.add.f32.msk $0xffff, v8;
	v12 =	vcvt.f32.s32 v12;
	v9 =	vadd.s32 v7, v15  }
0x266: {  	v10 =	vcvt.f32.s32 v11;
	v13 =	vadd.s32 v7, v13;
	[tilespmem:v22+s7+$0x0] =	vst.idx.add.f32.msk $0xffff, v8  }
0x267: {  	v11 =	vadd.s32 v7, v12;
	[tilespmem:v17+s7+$0x0] =	vst.idx.add.f32.msk $0xffff, v8  }
0x268: {  	s3 =	simm.s32 $0xE00;
	s4 =	simm.s32 $0x7000;
	v10 =	vadd.s32 v7, v10;
	[tilespmem:v16+s7+$0x0] =	vst.idx.add.f32.msk $0xffff, v8  }
0x269: {  	s4 =	sand.u32 $0x7E00, s4;
	s3 =	sand.u32 $0x30, s3;
	[tilespmem:v14+s7+$0x0] =	vst.idx.add.f32.msk $0xffff, v8  }
0x26a: {  	s3 =	sor.u32 s3, s4;
	[tilespmem:v9+s7+$0x0] =	vst.idx.add.f32.msk $0xffff, v8  }
0x26b: {  	s4 =	sor.u32 $0xE, s3;
	[tilespmem:v13+s7+$0x0] =	vst.idx.add.f32.msk $0xffff, v8  }
0x26c: {  	s11 =	sor.u32 $0x4, s3;
	v9 =	vor.u32 s4, v6;
	[tilespmem:v11+s7+$0x0] =	vst.idx.add.f32.msk $0xffff, v8  }
0x26d: {  	s6 =	simm.s32 $0x8;
	s12 =	sor.u32 $0x6, s3;
	v11 =	vor.u32 s11, v6;
	[tilespmem:v10+s7+$0x0] =	vst.idx.add.f32.msk $0xffff, v8  }
0x26e: {  	s14 =	sor.u32 $0x8, s3;
	v12 =	vor.u32 s12, v6;
	_ =	swait.ge [sflag:s6], $0x1000  }
0x26f: {  	s25 =	sor.u32 $0xA, s3;
	v13 =	vor.u32 s14, v6;
	[sflag:s6] =	ssyncset.done $0x0  }
0x270: {  	s9 =	simm.s32 $0x0;
	s28 =	sor.u32 $0xC, s3;
	v14 =	vor.u32 s25, v6;
	[sflag:s6] =	ssyncadd.s32 $0xFFFFF000  }
0x271: {  	v15 =	vor.u32 s28, v6;
	v9 =	vld.idx.msk [tilespmem:v9+s9+$0x0], $0xffff  }
0x272: {  	s5 =	sor.u32 $0x2, s3;
	v16 =	vor.u32 s3, v6;
	v11 =	vld.idx.msk [tilespmem:v11+s9+$0x0], $0xffff  }
0x273: {  	v10 =	vor.u32 s5, v6;
	v12 =	vld.idx.msk [tilespmem:v12+s9+$0x0], $0xffff  }
0x274: {  	v13 =	vld.idx.msk [tilespmem:v13+s9+$0x0], $0xffff  }
0x275: {  	s5 =	simm.s32 $0xE10;
	s6 =	simm.s32 $0x7080;
	v14 =	vld.idx.msk [tilespmem:v14+s9+$0x0], $0xffff  }
0x276: {  	s3 =	sand.u32 $0x30, s5;
	v15 =	vld.idx.msk [tilespmem:v15+s9+$0x0], $0xffff;
	s4 =	sand.u32 $0x7E00, s6  }
0x277: {  	v16 =	vld.idx.msk [tilespmem:v16+s9+$0x0], $0xffff;
	s3 =	sor.u32 s3, s4  }
0x278: {  	v10 =	vld.idx.msk [tilespmem:v10+s9+$0x0], $0xffff;
	s4 =	sor.u32 $0x2, s3;
	s10 =	sor.u32 $0xE, s3;
	s11 =	sor.u32 $0x4, s3;
	v24 =	vor.u32 s3, v6  }
0x279: {  	s12 =	sor.u32 $0x6, s3;
	s14 =	sor.u32 $0x8, s3;
	s25 =	sor.u32 $0xA, s3;
	v17 =	vor.u32 s4, v6;
	v18 =	vor.u32 s10, v6;
	v19 =	vor.u32 s11, v6  }
0x27a: {  	s28 =	sor.u32 $0xC, s3;
	v20 =	vor.u32 s12, v6;
	v21 =	vor.u32 s14, v6;
	v22 =	vor.u32 s25, v6  }
0x27b: {  	v23 =	vor.u32 s28, v6;
	v9 =	vmax.f32 v9, $0.0e+00;
	v11 =	vmax.f32 v11, $0.0e+00  }
0x27c: {  	v12 =	vmax.f32 v12, $0.0e+00;
	v13 =	vmax.f32 v13, $0.0e+00;
	v16 =	vmax.f32 v16, $0.0e+00  }
0x27d: {  	v14 =	vmax.f32 v14, $0.0e+00;
	v15 =	vmax.f32 v15, $0.0e+00;
	v10 =	vmax.f32 v10, $0.0e+00  }
0x27e: {  	v9 =	vmin.f32 v9, $2.550000000e+02;
	v11 =	vmin.f32 v11, $2.550000000e+02;
	v12 =	vmin.f32 v12, $2.550000000e+02  }
0x27f: {  	s6 =	simm.s32 $0xE20;
	s10 =	simm.s32 $0x7100;
	v13 =	vmin.f32 v13, $2.550000000e+02;
	v14 =	vmin.f32 v14, $2.550000000e+02;
	v9 =	vtrunc.f32 v9  }
0x280: {  	s3 =	sand.u32 $0x30, s6;
	s4 =	sand.u32 $0x7E00, s10;
	v15 =	vmin.f32 v15, $2.550000000e+02;
	v11 =	vtrunc.f32 v11;
	v12 =	vtrunc.f32 v12  }
0x281: {  	s4 =	sor.u32 s3, s4;
	v16 =	vmin.f32 v16, $2.550000000e+02;
	v13 =	vtrunc.f32 v13;
	v14 =	vtrunc.f32 v14  }
0x282: {  	s11 =	sor.u32 $0x2, s4;
	s12 =	sor.u32 $0xE, s4;
	s14 =	sor.u32 $0x4, s4;
	v10 =	vmin.f32 v10, $2.550000000e+02;
	v15 =	vtrunc.f32 v15;
	v16 =	vtrunc.f32 v16;
	v18 =	vld.idx.msk [tilespmem:v18+s9+$0x0], $0xffff  }
0x283: {  	s10 =	sor.u32 $0x6, s4;
	v26 =	vor.u32 s11, v6;
	v27 =	vor.u32 s12, v6;
	v28 =	vor.u32 s14, v6;
	v17 =	vld.idx.msk [tilespmem:v17+s9+$0x0], $0xffff  }
0x284: {  	s25 =	sor.u32 $0x8, s4;
	v29 =	vor.u32 s10, v6;
	v9 =	vcvt.f32.s32 v9;
	v10 =	vtrunc.f32 v10;
	v19 =	vld.idx.msk [tilespmem:v19+s9+$0x0], $0xffff  }
0x285: {  	v30 =	vor.u32 s25, v6;
	v20 =	vld.idx.msk [tilespmem:v20+s9+$0x0], $0xffff;
	v13 =	vcvt.f32.s32 v13;
	v10 =	vcvt.f32.s32 v10  }
0x286: {  	s28 =	sor.u32 $0xA, s4;
	v25 =	vadd.s32 v7, v9;
	v9 =	vcvt.f32.s32 v11;
	v11 =	vcvt.f32.s32 v12;
	v12 =	vld.idx.msk [tilespmem:v21+s9+$0x0], $0xffff  }
0x287: {  	v31 =	vor.u32 s28, v6;
	v14 =	vcvt.f32.s32 v14;
	v16 =	vcvt.f32.s32 v16;
	v21 =	vld.idx.msk [tilespmem:v22+s9+$0x0], $0xffff  }
0x288: {  	v15 =	vcvt.f32.s32 v15;
	v22 =	vld.idx.msk [tilespmem:v23+s9+$0x0], $0xffff;
	v10 =	vadd.s32 v7, v10;
	v23 =	vadd.s32 v7, v9  }
0x289: {  	v9 =	vor.u32 s4, v6;
	s4 =	sor.u32 $0xC, s4;
	v18 =	vmax.f32 v18, $0.0e+00;
	v17 =	vmax.f32 v17, $0.0e+00  }
0x28a: {  	v19 =	vmax.f32 v19, $0.0e+00;
	v20 =	vmax.f32 v20, $0.0e+00;
	v32 =	vor.u32 s4, v6  }
0x28b: {  	v24 =	vld.idx.msk [tilespmem:v24+s9+$0x0], $0xffff;
	v18 =	vmin.f32 v18, $2.550000000e+02;
	v17 =	vmin.f32 v17, $2.550000000e+02;
	v19 =	vmin.f32 v19, $2.550000000e+02  }
0x28c: {  	s3 =	simm.s32 $0x8000;
	v33 =	vld.idx.msk [tilespmem:v27+s9+$0x0], $0xffff;
	v20 =	vmin.f32 v20, $2.550000000e+02;
	v18 =	vtrunc.f32 v18;
	v12 =	vmax.f32 v12, $0.0e+00  }
0x28d: {  	[tilespmem:v25+s3+$0x0] =	vst.idx.add.f32.msk $0xffff, v8;
	v21 =	vmax.f32 v21, $0.0e+00;
	v22 =	vmax.f32 v22, $0.0e+00;
	v18 =	vcvt.f32.s32 v18  }
0x28e: {  	v27 =	vtrunc.f32 v17;
	v34 =	vtrunc.f32 v19;
	v19 =	vadd.s32 v7, v11;
	v25 =	vld.idx.msk [tilespmem:v26+s9+$0x0], $0xffff  }
0x28f: {  	v11 =	vtrunc.f32 v20;
	v17 =	vadd.s32 v7, v14;
	v20 =	vld.idx.msk [tilespmem:v31+s9+$0x0], $0xffff;
	v18 =	vadd.s32 v7, v18  }
0x290: {  	[tilespmem:v10+s3+$0x0] =	vst.idx.add.f32.msk $0xffff, v8;
	v10 =	vmax.f32 v24, $0.0e+00;
	v12 =	vmin.f32 v12, $2.550000000e+02;
	v21 =	vmin.f32 v21, $2.550000000e+02  }
0x291: {  	v22 =	vmin.f32 v22, $2.550000000e+02;
	v24 =	vld.idx.msk [tilespmem:v28+s9+$0x0], $0xffff;
	v14 =	vcvt.f32.s32 v27;
	v27 =	vcvt.f32.s32 v34  }
0x292: {  	[tilespmem:v23+s3+$0x0] =	vst.idx.add.f32.msk $0xffff, v8;
	v10 =	vmin.f32 v10, $2.550000000e+02;
	v12 =	vtrunc.f32 v12;
	v21 =	vtrunc.f32 v21  }
0x293: {  	v15 =	vadd.s32 v7, v15;
	v35 =	vtrunc.f32 v22;
	v23 =	vld.idx.msk [tilespmem:v29+s9+$0x0], $0xffff;
	v10 =	vtrunc.f32 v10  }
0x294: {  	v26 =	vadd.s32 v7, v14;
	v14 =	vcvt.f32.s32 v12;
	[tilespmem:v18+s3+$0x0] =	vst.idx.add.f32.msk $0xffff, v8;
	v18 =	vadd.s32 v7, v13  }
0x295: {  	s5 =	simm.s32 $0x710;
	v16 =	vadd.s32 v7, v16;
	v22 =	vld.idx.msk [tilespmem:v30+s9+$0x0], $0xffff;
	v12 =	vcvt.f32.s32 v35;
	v10 =	vcvt.f32.s32 v10  }
0x296: {  	s6 =	simm.s32 $0xE30;
	s10 =	simm.s32 $0x7180;
	s4 =	simm.s32 $0x8000;
	v28 =	vmax.f32 v33, $0.0e+00;
	v13 =	vcvt.f32.s32 v11;
	v11 =	vcvt.f32.s32 v21;
	v21 =	vld.idx.msk [tilespmem:v32+s9+$0x0], $0xffff  }
.LBB2_19:
0x297: {  	s11 =	sand.u32 $0x7E00, s10;
	s12 =	sand.u32 $0x30, s6;
	v29 =	vld.idx.msk [tilespmem:v9+s9+$0x0], $0xffff;
	v9 =	vmax.f32 v25, $0.0e+00;
	v25 =	vmin.f32 v28, $2.550000000e+02;
	v27 =	vadd.s32 v7, v27  }
0x298: {  	s5 =	sadd.s32 $0x8, s5;
	v24 =	vmax.f32 v24, $0.0e+00;
	s11 =	sor.u32 s12, s11;
	v28 =	vmin.f32 v9, $2.550000000e+02;
	v25 =	vtrunc.f32 v25;
	[tilespmem:v19+s4+$0x0] =	vst.idx.add.f32.msk $0xffff, v8  }
0x299: {  	p1 =	slt.u32 s5, $0x7F8;
	v19 =	vmax.f32 v23, $0.0e+00;
	v9 =	vor.u32 s11, v6;
	s12 =	sor.u32 $0x2, s11;
	s14 =	sor.u32 $0xE, s11;
	v23 =	vcvt.f32.s32 v25;
	[tilespmem:v18+s4+$0x0] =	vst.idx.add.f32.msk $0xffff, v8  }
0x29a: {  	s25 =	sor.u32 $0x6, s11;
	s28 =	sor.u32 $0x8, s11;
	v22 =	vmax.f32 v22, $0.0e+00;
	v18 =	vor.u32 s12, v6;
	s12 =	sor.u32 $0x4, s11;
	v25 =	vor.u32 s14, v6;
	[tilespmem:v26+s3+$0x0] =	vst.idx.add.f32.msk $0xffff, v8  }
0x29b: {  	v30 =	vor.u32 s25, v6;
	v26 =	vor.u32 s12, v6;
	s12 =	sor.u32 $0xA, s11;
	s11 =	sor.u32 $0xC, s11;
	v23 =	vadd.s32 v7, v23;
	[tilespmem:v17+s4+$0x0] =	vst.idx.add.f32.msk $0xffff, v8  }
0x29c: {  	v31 =	vor.u32 s28, v6;
	v32 =	vor.u32 s12, v6;
	v33 =	vor.u32 s11, v6;
	[tilespmem:v27+s3+$0x0] =	vst.idx.add.f32.msk $0xffff, v8  }
0x29d: {  	v20 =	vmax.f32 v20, $0.0e+00;
	v21 =	vmax.f32 v21, $0.0e+00;
	v17 =	vmax.f32 v29, $0.0e+00;
	[tilespmem:v15+s4+$0x0] =	vst.idx.add.f32.msk $0xffff, v8  }
0x29e: {  	v22 =	vmin.f32 v22, $2.550000000e+02;
	v15 =	vmin.f32 v24, $2.550000000e+02;
	v24 =	vmin.f32 v19, $2.550000000e+02;
	[tilespmem:v16+s4+$0x0] =	vst.idx.add.f32.msk $0xffff, v8;
	s4 =	smov.u32 s3  }
0x29f: {  	v16 =	vmin.f32 v17, $2.550000000e+02;
	v17 =	vmin.f32 v20, $2.550000000e+02;
	v20 =	vmin.f32 v21, $2.550000000e+02;
	v29 =	vld.idx.msk [tilespmem:v25+s9+$0x0], $0xffff  }
0x2a0: {  	v19 =	vadd.s32 v7, v13;
	v21 =	vtrunc.f32 v28;
	v27 =	vtrunc.f32 v15;
	[tilespmem:v23+s3+$0x0] =	vst.idx.add.f32.msk $0xffff, v8  }
0x2a1: {  	v13 =	vtrunc.f32 v24;
	v28 =	vtrunc.f32 v22;
	v25 =	vld.idx.msk [tilespmem:v18+s9+$0x0], $0xffff;
	v18 =	vadd.s32 v7, v14  }
.Ltmp9:
0x2a2: {  	v34 =	vtrunc.f32 v17;
	v35 =	vtrunc.f32 v20;
	v17 =	vadd.s32 v7, v11;
	v24 =	vld.idx.msk [tilespmem:v26+s9+$0x0], $0xffff;
	(pc) =	sbr.rel @p1 .LBB2_19-.Ltmp9, $4  }
0x2a3: {  	v15 =	vadd.s32 v7, v12;
	v11 =	vcvt.f32.s32 v21;
	v23 =	vld.idx.msk [tilespmem:v30+s9+$0x0], $0xffff;
	v30 =	vtrunc.f32 v16  }
0x2a4: {  	v27 =	vcvt.f32.s32 v27;
	v13 =	vcvt.f32.s32 v13;
	v16 =	vadd.s32 v7, v10;
	v22 =	vld.idx.msk [tilespmem:v31+s9+$0x0], $0xffff  }
0x2a5: {  	v14 =	vcvt.f32.s32 v28;
	v26 =	vadd.s32 v7, v11;
	v11 =	vcvt.f32.s32 v34;
	v20 =	vld.idx.msk [tilespmem:v32+s9+$0x0], $0xffff  }
0x2a6: {  	s6 =	sadd.s32 $0x10, s6;
	s10 =	sadd.s32 $0x80, s10;
	v12 =	vcvt.f32.s32 v35;
	v28 =	vmax.f32 v29, $0.0e+00;
	v10 =	vcvt.f32.s32 v30;
	v21 =	vld.idx.msk [tilespmem:v33+s9+$0x0], $0xffff  }
0x2a7: {  	_ =	sdelay $0x2  }
0x2a8: {  	v28 =	vmin.f32 v28, $2.550000000e+02;
	v25 =	vmax.f32 v25, $0.0e+00  }
0x2a9: {  	v9 =	vld.idx.msk [tilespmem:v9+s9+$0x0], $0xffff;
	v27 =	vadd.s32 v7, v27;
	v24 =	vmax.f32 v24, $0.0e+00;
	v13 =	vadd.s32 v7, v13  }
0x2aa: {  	[tilespmem:v19+s4+$0x0] =	vst.idx.add.f32.msk $0xffff, v8;
	v14 =	vadd.s32 v7, v14;
	v11 =	vadd.s32 v7, v11;
	v28 =	vtrunc.f32 v28  }
0x2ab: {  	[tilespmem:v17+s4+$0x0] =	vst.idx.add.f32.msk $0xffff, v8;
	v25 =	vmin.f32 v25, $2.550000000e+02;
	v58 =	vmax.f32 v23, $0.0e+00;
	v17 =	vmin.f32 v24, $2.550000000e+02  }
0x2ac: {  	[tilespmem:v18+s4+$0x0] =	vst.idx.add.f32.msk $0xffff, v8;
	v12 =	vadd.s32 v7, v12;
	v10 =	vadd.s32 v7, v10;
	v28 =	vcvt.f32.s32 v28  }
0x2ad: {  	[tilespmem:v26+s3+$0x0] =	vst.idx.add.f32.msk $0xffff, v8;
	v59 =	vmax.f32 v22, $0.0e+00;
	v61 =	vtrunc.f32 v25;
	v19 =	vmin.f32 v58, $2.550000000e+02  }
0x2ae: {  	[tilespmem:v15+s4+$0x0] =	vst.idx.add.f32.msk $0xffff, v8;
	v17 =	vtrunc.f32 v17;
	v20 =	vmax.f32 v20, $0.0e+00;
	v23 =	vcvt.f32.s32 v61  }
0x2af: {  	[tilespmem:v16+s4+$0x0] =	vst.idx.add.f32.msk $0xffff, v8;
	v15 =	vmin.f32 v59, $2.550000000e+02;
	v17 =	vcvt.f32.s32 v17;
	v19 =	vtrunc.f32 v19  }
0x2b0: {  	v60 =	vadd.s32 v7, v28;
	v21 =	vmax.f32 v21, $0.0e+00;
	v16 =	vmin.f32 v20, $2.550000000e+02;
	[tilespmem:v27+s3+$0x0] =	vst.idx.add.f32.msk $0xffff, v8  }
0x2b1: {  	v15 =	vtrunc.f32 v15;
	v19 =	vcvt.f32.s32 v19;
	v9 =	vmax.f32 v9, $0.0e+00;
	[tilespmem:v13+s3+$0x0] =	vst.idx.add.f32.msk $0xffff, v8  }
0x2b2: {  	v62 =	vadd.s32 v7, v23;
	v63 =	vmin.f32 v21, $2.550000000e+02;
	v17 =	vadd.s32 v7, v17;
	[tilespmem:v14+s3+$0x0] =	vst.idx.add.f32.msk $0xffff, v8  }
0x2b3: {  	v13 =	vtrunc.f32 v16;
	v15 =	vcvt.f32.s32 v15;
	[tilespmem:v11+s3+$0x0] =	vst.idx.add.f32.msk $0xffff, v8;
	v9 =	vmin.f32 v9, $2.550000000e+02  }
0x2b4: {  	v14 =	vtrunc.f32 v63;
	v13 =	vcvt.f32.s32 v13;
	v16 =	vadd.s32 v7, v19;
	[tilespmem:v12+s3+$0x0] =	vst.idx.add.f32.msk $0xffff, v8  }
0x2b5: {  	s25 =	simm.s32 $0x8000;
	[tilespmem:v10+s3+$0x0] =	vst.idx.add.f32.msk $0xffff, v8;
	v9 =	vtrunc.f32 v9;
	v14 =	vcvt.f32.s32 v14;
	v11 =	vadd.s32 v7, v15  }
0x2b6: {  	v9 =	vcvt.f32.s32 v9;
	v13 =	vadd.s32 v7, v13;
	[tilespmem:v60+s25+$0x0] =	vst.idx.add.f32.msk $0xffff, v8  }
0x2b7: {  	v12 =	vadd.s32 v7, v14;
	[tilespmem:v62+s25+$0x0] =	vst.idx.add.f32.msk $0xffff, v8  }
0x2b8: {  	[tilespmem:v17+s25+$0x0] =	vst.idx.add.f32.msk $0xffff, v8;
	v9 =	vadd.s32 v7, v9  }
0x2b9: {  	[tilespmem:v16+s25+$0x0] =	vst.idx.add.f32.msk $0xffff, v8  }
0x2ba: {  	[tilespmem:v11+s25+$0x0] =	vst.idx.add.f32.msk $0xffff, v8  }
0x2bb: {  	[tilespmem:v13+s25+$0x0] =	vst.idx.add.f32.msk $0xffff, v8  }
0x2bc: {  	[tilespmem:v12+s25+$0x0] =	vst.idx.add.f32.msk $0xffff, v8  }
0x2bd: {  	[tilespmem:v9+s25+$0x0] =	vst.idx.add.f32.msk $0xffff, v8  }
0x2be: {  	s28 =	sand.u32 $0x7C0, s9;
	v14 =	vld [tilespmem:s25+$0x0]  }
0x2bf: {  	v15 =	vld [tilespmem:s28+$0x8800]  }
0x2c0: {  	p2 =	por $0x1, $0x1;
	v10 =	vld [tilespmem:s25+$0x10]  }
.Ltmp10:
0x2c1: {  	v13 =	vld [tilespmem:s25+$0x810];
	(pc) =	sbr.rel @!p2 .LBB2_21-.Ltmp10, $4  }
0x2c2: {  	v9 =	vld [tilespmem:s25+$0x20]  }
0x2c3: {  	v12 =	vld [tilespmem:s25+$0x820]  }
0x2c4: {  	s5 =	simm.s32 $0x9020;
	v11 =	vld [tilespmem:s25+$0x30]  }
0x2c5: {  	s4 =	simm.s32 $0x8040;
	p1 =	por $0x0, $0x0;
	s3 =	simm.s32 $0x40;
	v15 =	vadd.f32 v15, v14;
	v14 =	vld [tilespmem:s25+$0x830]  }
0x2c6: {  	v16 =	vld [tilespmem:s4+$0x0];
	s3 =	sand.u32 $0x7C0, s3  }
0x2c7: {  	v18 =	vld [tilespmem:s3+$0x8800]  }
0x2c8: {  	v17 =	vadd.f32 v13, v10;
	v10 =	vld [tilespmem:s4+$0x10];
	p2 =	por $0x1, $0x1  }
.Ltmp11:
0x2c9: {  	v13 =	vld [tilespmem:s4+$0x810];
	v15 =	vmin.f32 v15, $6.400000000e+02;
	v12 =	vadd.f32 v12, v9;
	(pc) =	sbr.rel @!p2 .LBB2_23-.Ltmp11, $4  }
0x2ca: {  	[tilespmem:s5+$0xFFFFFFE0] =	vst v15;
	v15 =	vmin.f32 v17, $6.400000000e+02;
	v9 =	vld [tilespmem:s4+$0x20];
	v14 =	vadd.f32 v14, v11  }
0x2cb: {  	[tilespmem:s5+$0xFFFFFFF0] =	vst v15;
	v11 =	vmin.f32 v12, $6.400000000e+02;
	v12 =	vld [tilespmem:s4+$0x820]  }
0x2cc: {  	s6 =	simm.s32 $0x8080;
	s10 =	simm.s32 $0x80;
	[tilespmem:s5+$0x0] =	vst v11;
	v11 =	vld [tilespmem:s4+$0x30];
	v17 =	vmin.f32 v14, $6.400000000e+02;
	v15 =	vadd.f32 v18, v16  }
0x2cd: {  	p1 =	por $0x1, $0x1;
	s3 =	simm.s32 $0x4;
	v14 =	vld [tilespmem:s4+$0x830];
	s4 =	simm.s32 $0x9020;
	[tilespmem:s5+$0x10] =	vst v17  }
.LBB2_24:
0x2ce: {  	v16 =	vld [tilespmem:s6+$0x0];
	s11 =	sand.u32 $0x7C0, s10;
	s3 =	sadd.s32 $0x4, s3;
	v15 =	vmin.f32 v15, $6.400000000e+02;
	v13 =	vadd.f32 v13, v10;
	s4 =	sadd.s32 $0x40, s4  }
0x2cf: {  	v17 =	vld [tilespmem:s11+$0x8800];
	p2 =	slt.u32 s3, $0x7C;
	[tilespmem:s4+$0xFFFFFFE0] =	vst v15  }
0x2d0: {  	v10 =	vld [tilespmem:s6+$0x10];
	v15 =	vmin.f32 v13, $6.400000000e+02;
	v12 =	vadd.f32 v12, v9  }
.Ltmp12:
0x2d1: {  	v13 =	vld [tilespmem:s6+$0x810];
	[tilespmem:s4+$0xFFFFFFF0] =	vst v15;
	(pc) =	sbr.rel @p2 .LBB2_24-.Ltmp12, $4  }
0x2d2: {  	v9 =	vld [tilespmem:s6+$0x20];
	v15 =	vmin.f32 v12, $6.400000000e+02;
	v14 =	vadd.f32 v14, v11  }
0x2d3: {  	v12 =	vld [tilespmem:s6+$0x820];
	[tilespmem:s4+$0x0] =	vst v15  }
0x2d4: {  	v15 =	vadd.f32 v17, v16;
	v11 =	vld [tilespmem:s6+$0x30];
	v16 =	vmin.f32 v14, $6.400000000e+02  }
0x2d5: {  	s10 =	sadd.s32 $0x40, s10;
	v14 =	vld [tilespmem:s6+$0x830];
	s6 =	sadd.s32 $0x40, s6;
	[tilespmem:s4+$0x10] =	vst v16  }
.LBB2_25:
0x2d6: {  	_ =	sdelay $0x1  }
0x2d7: {  	v10 =	vadd.f32 v13, v10;
	s3 =	sadd.s32 @p1 $0x40, s4;
	s4 =	simm.s32 $0x9020  }
0x2d8: {  	v63 =	vmin.f32 v15, $6.400000000e+02;
	s4 =	smov.u32 @p1 s3;
	v9 =	vadd.f32 v12, v9  }
0x2d9: {  	[tilespmem:s4+$0xFFFFFFE0] =	vst v63;
	v10 =	vmin.f32 v10, $6.400000000e+02;
	v11 =	vadd.f32 v14, v11  }
0x2da: {  	[tilespmem:s4+$0xFFFFFFF0] =	vst v10;
	v9 =	vmin.f32 v9, $6.400000000e+02  }
0x2db: {  	[tilespmem:s4+$0x0] =	vst v9;
	v9 =	vmin.f32 v11, $6.400000000e+02  }
0x2dc: {  	s3 =	simm.s32 $0x9820;
	[tilespmem:s4+$0x10] =	vst v9  }
.LBB2_26:
0x2dd: {  	s4 =	sshll.u32 s9, $0x8  }
0x2de: {  	s4 =	sand.u32 $0x3FFFFF00, s4  }
0x2df: {  	v9 =	vld [tilespmem:s4+$0x9000];
	_ =	sdelay $0x1  }
0x2e0: {  	v10 =	vld [tilespmem:s4+$0x9010];
	_ =	sdelay $0x1  }
0x2e1: {  	v11 =	vld [tilespmem:s4+$0x9020]  }
0x2e2: {  	v9 =	vadd.f32 $0.0e+00, v9  }
0x2e3: {  	v12 =	vld [tilespmem:s4+$0x9030]  }
0x2e4: {  	v9 =	vadd.f32 v10, v9  }
0x2e5: {  	v10 =	vld [tilespmem:s4+$0x9040]  }
0x2e6: {  	v9 =	vadd.f32 v11, v9  }
0x2e7: {  	v11 =	vld [tilespmem:s4+$0x9050]  }
0x2e8: {  	v9 =	vadd.f32 v12, v9  }
0x2e9: {  	v49 =	vld [tilespmem:s4+$0x9060]  }
0x2ea: {  	v9 =	vadd.f32 v10, v9  }
0x2eb: {  	v10 =	vld [tilespmem:s4+$0x9070]  }
0x2ec: {  	v9 =	vadd.f32 v11, v9  }
0x2ed: {  	v11 =	vld [tilespmem:s4+$0x9080]  }
0x2ee: {  	v9 =	vadd.f32 v49, v9  }
0x2ef: {  	v50 =	vld [tilespmem:s4+$0x9090]  }
0x2f0: {  	v9 =	vadd.f32 v10, v9  }
0x2f1: {  	v10 =	vld [tilespmem:s4+$0x90A0]  }
0x2f2: {  	v9 =	vadd.f32 v11, v9  }
0x2f3: {  	v11 =	vld [tilespmem:s4+$0x90B0]  }
0x2f4: {  	v9 =	vadd.f32 v50, v9  }
0x2f5: {  	v51 =	vld [tilespmem:s4+$0x90C0]  }
0x2f6: {  	v9 =	vadd.f32 v10, v9  }
0x2f7: {  	v10 =	vld [tilespmem:s4+$0x90D0]  }
0x2f8: {  	v9 =	vadd.f32 v11, v9  }
0x2f9: {  	v11 =	vld [tilespmem:s4+$0x90E0]  }
0x2fa: {  	v9 =	vadd.f32 v51, v9  }
0x2fb: {  	v52 =	vld [tilespmem:s4+$0x90F0]  }
0x2fc: {  	v9 =	vadd.f32 v10, v9;
	_ =	sdelay $0x1  }
0x2fd: {  	v9 =	vadd.f32 v11, v9;
	_ =	sdelay $0x1  }
0x2fe: {  	v9 =	vadd.f32 v52, v9;
	_ =	sdelay $0x1  }
0x2ff: {  	(xrf2) =	vadd.scan.msk.f32 $0xffff, v9;
	_ =	sdelay $0x9  }
0x300: {  	v9, _, _ =	vpop (xrf2)  }
0x301: {  	v9 =	vsub.f32 $4.096000000e+03, v9;
	_ =	sdelay $0x1  }
0x302: {  	v10 =	vbroadcast v9, $0xF;
	_ =	sdelay $0x1  }
0x303: {  	v9 =	vmul.f32 $3.906250000e-03, v10;
	_ =	sdelay $0x1  }
0x304: {  	v9 =	vtrunc.f32 v9  }
0x305: {  	v9 =	vcvt.f32.s32 v9;
	_ =	sdelay $0x1  }
0x306: {  	v9 =	vcvt.s32.f32 v9  }
0x307: {  	s12 =	simm.s32 $0x0;
	v11 =	vld [tilespmem:s5+$0xFFFFFFE0]  }
0x308: {  	s4 =	scvt.s32.f32 s12;
	v53 =	vmul.f32 $-2.560000000e+02, v9;
	_ =	sdelay $0x1  }
0x309: {  	v54 =	vadd.f32 s4, v3;
	v10 =	vadd.f32 v53, v10;
	_ =	sdelay $0x1  }
0x30a: {  	v11 =	vadd.f32 v9, v11;
	vm0 =	vlt.f32 v54, v10  }
0x30b: {  	v12 =	vsel vm0, $0x3F800000, v4  }
0x30c: {  	v11 =	vadd.f32 v11, v12;
	_ =	sdelay $0x1  }
0x30d: {  	(xrf2) =	vadd.scan.msk.f32 $0xffff, v11;
	_ =	sdelay $0x9  }
0x30e: {  	v11 =	vimm.f32 $0.0e+00;
	v55, _, _ =	vpop (xrf2)  }
0x30f: {  	v13 =	vadd.f32 v55, v11;
	_ =	sdelay $0x1  }
0x310: {  	v13 =	vmul.f32 $6.225585940e-02, v13;
	_ =	sdelay $0x1  }
0x311: {  	v13 =	vmax.f32 v13, $0.0e+00  }
0x312: {  	v13 =	vmin.f32 v13, $2.550000000e+02  }
0x313: {  	v13 =	vtrunc.f32 v13  }
0x314: {  	v13 =	vcvt.f32.s32 v13;
	_ =	sdelay $0x1  }
0x315: {  	v13 =	vcvt.s32.f32 v13;
	_ =	sdelay $0x1  }
0x316: {  	[tilespmem:s3+$0xFFFFFFE0] =	vst v13  }
0x317: {  	s14 =	simm.s32 $0x10;
	v13 =	vld [tilespmem:s5+$0xFFFFFFF0]  }
0x318: {  	s4 =	scvt.s32.f32 s14;
	_ =	sdelay $0x1  }
0x319: {  	v14 =	vadd.f32 s4, v3;
	_ =	sdelay $0x1  }
0x31a: {  	vm13 =	vlt.f32 v14, v10;
	v13 =	vadd.f32 v9, v13  }
0x31b: {  	v14 =	vsel vm13, $0x3F800000, v4  }
0x31c: {  	v13 =	vadd.f32 v13, v14;
	_ =	sdelay $0x1  }
0x31d: {  	(xrf2) =	vadd.scan.msk.f32 $0xffff, v13;
	_ =	sdelay $0x6  }
0x31e: {  	v12 =	vbroadcast v55, $0xF;
	_ =	sdelay $0x1  }
0x31f: {  	v11 =	vadd.f32 v12, v11  }
0x320: {  	v56, _, _ =	vpop (xrf2)  }
0x321: {  	v57 =	vadd.f32 v11, v56;
	_ =	sdelay $0x1  }
0x322: {  	v13 =	vmul.f32 $6.225585940e-02, v57;
	_ =	sdelay $0x1  }
0x323: {  	v13 =	vmax.f32 v13, $0.0e+00  }
0x324: {  	v13 =	vmin.f32 v13, $2.550000000e+02  }
0x325: {  	v13 =	vtrunc.f32 v13  }
0x326: {  	v13 =	vcvt.f32.s32 v13;
	_ =	sdelay $0x1  }
0x327: {  	v13 =	vcvt.s32.f32 v13;
	_ =	sdelay $0x1  }
0x328: {  	[tilespmem:s3+$0xFFFFFFF0] =	vst v13  }
0x329: {  	s25 =	simm.s32 $0x20;
	v13 =	vld [tilespmem:s5+$0x0]  }
0x32a: {  	s4 =	scvt.s32.f32 s25;
	_ =	sdelay $0x1  }
0x32b: {  	v58 =	vadd.f32 s4, v3;
	_ =	sdelay $0x1  }
0x32c: {  	vm14 =	vlt.f32 v58, v10;
	v13 =	vadd.f32 v9, v13  }
0x32d: {  	v14 =	vsel vm14, $0x3F800000, v4  }
0x32e: {  	v13 =	vadd.f32 v13, v14;
	_ =	sdelay $0x1  }
0x32f: {  	(xrf2) =	vadd.scan.msk.f32 $0xffff, v13;
	_ =	sdelay $0x6  }
0x330: {  	v12 =	vbroadcast v56, $0xF;
	_ =	sdelay $0x1  }
0x331: {  	v11 =	vadd.f32 v12, v11  }
0x332: {  	v59, _, _ =	vpop (xrf2)  }
0x333: {  	v60 =	vadd.f32 v11, v59;
	_ =	sdelay $0x1  }
0x334: {  	v13 =	vmul.f32 $6.225585940e-02, v60;
	_ =	sdelay $0x1  }
0x335: {  	v13 =	vmax.f32 v13, $0.0e+00  }
0x336: {  	v13 =	vmin.f32 v13, $2.550000000e+02  }
0x337: {  	v13 =	vtrunc.f32 v13  }
0x338: {  	v13 =	vcvt.f32.s32 v13;
	_ =	sdelay $0x1  }
0x339: {  	v13 =	vcvt.s32.f32 v13;
	_ =	sdelay $0x1  }
0x33a: {  	[tilespmem:s3+$0x0] =	vst v13  }
0x33b: {  	s28 =	simm.s32 $0x30;
	v13 =	vld [tilespmem:s5+$0x10]  }
0x33c: {  	s4 =	scvt.s32.f32 s28;
	_ =	sdelay $0x1  }
0x33d: {  	v61 =	vadd.f32 s4, v3;
	_ =	sdelay $0x1  }
0x33e: {  	vm15 =	vlt.f32 v61, v10;
	v13 =	vadd.f32 v9, v13  }
0x33f: {  	v14 =	vsel vm15, $0x3F800000, v4  }
0x340: {  	v13 =	vadd.f32 v13, v14;
	_ =	sdelay $0x1  }
0x341: {  	(xrf2) =	vadd.scan.msk.f32 $0xffff, v13;
	_ =	sdelay $0x6  }
0x342: {  	v12 =	vbroadcast v59, $0xF;
	_ =	sdelay $0x1  }
0x343: {  	v11 =	vadd.f32 v12, v11  }
0x344: {  	v62, _, _ =	vpop (xrf2)  }
0x345: {  	v63 =	vadd.f32 v11, v62;
	_ =	sdelay $0x1  }
0x346: {  	v13 =	vmul.f32 $6.225585940e-02, v63;
	_ =	sdelay $0x1  }
0x347: {  	v13 =	vmax.f32 v13, $0.0e+00  }
0x348: {  	v13 =	vmin.f32 v13, $2.550000000e+02  }
0x349: {  	v13 =	vtrunc.f32 v13  }
0x34a: {  	v13 =	vcvt.f32.s32 v13;
	_ =	sdelay $0x1  }
0x34b: {  	v12 =	vbroadcast v62, $0xF;
	v13 =	vcvt.s32.f32 v13  }
0x34c: {  	s6 =	simm.s32 $0x70  }
0x34d: {  	s10 =	sadd.s32 $0x40, s5;
	s11 =	smov.u32 s3;
	s4 =	simm.s32 $0x0;
	v11 =	vadd.f32 v12, v11;
	[tilespmem:s3+$0x10] =	vst v13  }
.LBB2_27:
0x34e: {  	s12 =	sadd.s32 $0xFFFFFFD0, s6;
	v12 =	vld [tilespmem:s10+$0xFFFFFFE0];
	s4 =	sadd.s32 $0x4, s4  }
0x34f: {  	s12 =	scvt.s32.f32 s12;
	p1 =	slt.u32 s4, $0xC;
	_ =	sdelay $0x1  }
0x350: {  	v13 =	vadd.f32 s12, v3;
	_ =	sdelay $0x1  }
0x351: {  	v12 =	vadd.f32 v9, v12;
	vm0 =	vlt.f32 v13, v10  }
0x352: {  	v13 =	vsel vm0, $0x3F800000, v4  }
0x353: {  	v12 =	vadd.f32 v12, v13;
	_ =	sdelay $0x1  }
0x354: {  	(xrf2) =	vadd.scan.msk.f32 $0xffff, v12;
	_ =	sdelay $0x9  }
0x355: {  	v12, _, _ =	vpop (xrf2)  }
0x356: {  	v13 =	vadd.f32 v12, v11;
	_ =	sdelay $0x1  }
0x357: {  	v13 =	vmul.f32 $6.225585940e-02, v13;
	_ =	sdelay $0x1  }
0x358: {  	v13 =	vmax.f32 v13, $0.0e+00  }
0x359: {  	v13 =	vmin.f32 v13, $2.550000000e+02  }
0x35a: {  	v13 =	vtrunc.f32 v13  }
0x35b: {  	v13 =	vcvt.f32.s32 v13;
	_ =	sdelay $0x1  }
0x35c: {  	v13 =	vcvt.s32.f32 v13  }
0x35d: {  	s11 =	sadd.s32 $0x40, s11  }
0x35e: {  	[tilespmem:s11+$0xFFFFFFE0] =	vst v13  }
0x35f: {  	s12 =	sadd.s32 $0xFFFFFFE0, s6;
	v13 =	vld [tilespmem:s10+$0xFFFFFFF0]  }
0x360: {  	s12 =	scvt.s32.f32 s12;
	_ =	sdelay $0x1  }
0x361: {  	v14 =	vadd.f32 s12, v3;
	_ =	sdelay $0x1  }
0x362: {  	vm0 =	vlt.f32 v14, v10;
	v13 =	vadd.f32 v9, v13  }
0x363: {  	v14 =	vsel vm0, $0x3F800000, v4  }
0x364: {  	v13 =	vadd.f32 v13, v14;
	_ =	sdelay $0x1  }
0x365: {  	(xrf2) =	vadd.scan.msk.f32 $0xffff, v13;
	_ =	sdelay $0x6  }
0x366: {  	v13 =	vbroadcast v12, $0xF;
	_ =	sdelay $0x1  }
0x367: {  	v11 =	vadd.f32 v13, v11  }
0x368: {  	v12, _, _ =	vpop (xrf2)  }
0x369: {  	v13 =	vadd.f32 v11, v12;
	_ =	sdelay $0x1  }
0x36a: {  	v13 =	vmul.f32 $6.225585940e-02, v13;
	_ =	sdelay $0x1  }
0x36b: {  	v13 =	vmax.f32 v13, $0.0e+00  }
0x36c: {  	v13 =	vmin.f32 v13, $2.550000000e+02  }
0x36d: {  	v13 =	vtrunc.f32 v13  }
0x36e: {  	v13 =	vcvt.f32.s32 v13;
	_ =	sdelay $0x1  }
0x36f: {  	v13 =	vcvt.s32.f32 v13;
	_ =	sdelay $0x1  }
0x370: {  	[tilespmem:s11+$0xFFFFFFF0] =	vst v13  }
0x371: {  	s12 =	sadd.s32 $0xFFFFFFF0, s6;
	v13 =	vld [tilespmem:s10+$0x0]  }
0x372: {  	s12 =	scvt.s32.f32 s12;
	_ =	sdelay $0x1  }
0x373: {  	v14 =	vadd.f32 s12, v3;
	_ =	sdelay $0x1  }
0x374: {  	vm0 =	vlt.f32 v14, v10;
	v13 =	vadd.f32 v9, v13  }
0x375: {  	v14 =	vsel vm0, $0x3F800000, v4  }
0x376: {  	v13 =	vadd.f32 v13, v14;
	_ =	sdelay $0x1  }
0x377: {  	(xrf2) =	vadd.scan.msk.f32 $0xffff, v13;
	_ =	sdelay $0x6  }
0x378: {  	v13 =	vbroadcast v12, $0xF;
	_ =	sdelay $0x1  }
0x379: {  	v11 =	vadd.f32 v13, v11  }
0x37a: {  	v12, _, _ =	vpop (xrf2)  }
0x37b: {  	v13 =	vadd.f32 v11, v12;
	_ =	sdelay $0x1  }
0x37c: {  	v13 =	vmul.f32 $6.225585940e-02, v13;
	_ =	sdelay $0x1  }
0x37d: {  	v13 =	vmax.f32 v13, $0.0e+00  }
0x37e: {  	v13 =	vmin.f32 v13, $2.550000000e+02  }
0x37f: {  	v13 =	vtrunc.f32 v13  }
0x380: {  	v13 =	vcvt.f32.s32 v13;
	_ =	sdelay $0x1  }
0x381: {  	v13 =	vcvt.s32.f32 v13;
	_ =	sdelay $0x1  }
0x382: {  	[tilespmem:s11+$0x0] =	vst v13  }
0x383: {  	v13 =	vld [tilespmem:s10+$0x10]  }
0x384: {  	s12 =	scvt.s32.f32 s6;
	_ =	sdelay $0x1  }
0x385: {  	v14 =	vadd.f32 s12, v3;
	_ =	sdelay $0x1  }
0x386: {  	vm0 =	vlt.f32 v14, v10;
	v13 =	vadd.f32 v9, v13  }
0x387: {  	v14 =	vsel vm0, $0x3F800000, v4  }
0x388: {  	v13 =	vadd.f32 v13, v14;
	_ =	sdelay $0x1  }
0x389: {  	(xrf2) =	vadd.scan.msk.f32 $0xffff, v13;
	_ =	sdelay $0x6  }
0x38a: {  	v13 =	vbroadcast v12, $0xF;
	_ =	sdelay $0x1  }
0x38b: {  	v11 =	vadd.f32 v13, v11  }
0x38c: {  	v12, _, _ =	vpop (xrf2)  }
0x38d: {  	v13 =	vadd.f32 v11, v12;
	v12 =	vbroadcast v12, $0xF;
	_ =	sdelay $0x1  }
0x38e: {  	v13 =	vmul.f32 $6.225585940e-02, v13;
	v11 =	vadd.f32 v12, v11;
	_ =	sdelay $0x1  }
0x38f: {  	v12 =	vmax.f32 v13, $0.0e+00  }
0x390: {  	v12 =	vmin.f32 v12, $2.550000000e+02  }
0x391: {  	v12 =	vtrunc.f32 v12  }
.Ltmp13:
0x392: {  	v12 =	vcvt.f32.s32 v12;
	(pc) =	sbr.rel @p1 .LBB2_27-.Ltmp13, $3  }
0x393: {  	_ = 	snop  }
0x394: {  	v12 =	vcvt.s32.f32 v12;
	_ =	sdelay $0x1  }
0x395: {  	s6 =	sadd.s32 $0x40, s6;
	s10 =	sadd.s32 $0x40, s10;
	[tilespmem:s11+$0x10] =	vst v12  }
0x396: {  	s9 =	sadd.s32 $0x1, s9  }
0x397: {  	p1 =	sne.s32 s9, $0x8  }
.Ltmp14:
0x398: {  	_ = 	snop;
	(pc) =	sbr.rel @p1 .LBB2_26-.Ltmp14, $2  }
0x399: {  	_ =	sdelay $0x2  }
0x39a: {  	s3 =	sadd.s32 $0x100, s3;
	s5 =	sadd.s32 $0x100, s5  }
0x39b: {  	s3 =	rddreg [dreg:$0xf];
	s4 =	simm.s32 $0x9800;
	s28 =	simm.s32 $0xF  }
0x39c: {  	[spmem:s3] =	stream.linear.scatter [tilespmem:s4], [sflag:$0xF], $0x800, $0x38;
	[tilespmem:$0x19380] =	vst v63  }
0x39d: {  	_ =	swait.ge [sflag:s28], $0x800  }
0x39e: {  	[sflag:s28] =	ssyncset.done $0x0  }
0x39f: {  	[sflag:s28] =	ssyncadd.s32 $0xFFFFF800  }
.LBB2_30:
0x3a0: {  	s3 =	simm.s32 $0x30;
	s4 =	simm.s32 $0x0;
	s5 =	simm.s32 $0x20  }
0x3a1: {  	s6 =	simm.s32 $0x10;
	s4 =	scvt.s32.f32 s4;
	s5 =	scvt.s32.f32 s5  }
0x3a2: {  	s6 =	scvt.s32.f32 s6;
	s3 =	scvt.s32.f32 s3  }
0x3a3: {  	v9 =	vadd.f32 s4, v3;
	v10 =	vadd.f32 s5, v3  }
0x3a4: {  	v11 =	vadd.f32 s6, v3;
	v12 =	vadd.f32 s3, v3  }
0x3a5: {  	v9 =	vadd.f32 $5.000000000e-01, v9;
	v10 =	vadd.f32 $5.000000000e-01, v10  }
0x3a6: {  	v11 =	vadd.f32 $5.000000000e-01, v11;
	v12 =	vadd.f32 $5.000000000e-01, v12  }
0x3a7: {  	v9 =	vmul.f32 $1.562500000e-02, v9;
	v10 =	vmul.f32 $1.562500000e-02, v10  }
0x3a8: {  	v13 =	vmul.f32 $1.562500000e-02, v11;
	v12 =	vmul.f32 $1.562500000e-02, v12  }
0x3a9: {  	v11 =	vadd.f32 $-5.000000000e-01, v9;
	v14 =	vadd.f32 $-5.000000000e-01, v10  }
0x3aa: {  	v10 =	vadd.f32 $-5.000000000e-01, v13;
	v9 =	vadd.f32 $-5.000000000e-01, v12  }
0x3ab: {  	v12 =	vadd.f32 $8.000000000e+00, v11;
	v13 =	vadd.f32 $8.000000000e+00, v14  }
0x3ac: {  	v15 =	vadd.f32 $8.000000000e+00, v10  }
0x3ad: {  	v16 =	vadd.f32 $8.000000000e+00, v9;
	v12 =	vtrunc.f32 v12;
	v13 =	vtrunc.f32 v13  }
0x3ae: {  	v15 =	vtrunc.f32 v15;
	v13 =	vcvt.f32.s32 v13  }
0x3af: {  	v16 =	vtrunc.f32 v16;
	v12 =	vcvt.f32.s32 v12  }
0x3b0: {  	v15 =	vcvt.f32.s32 v15;
	v16 =	vcvt.f32.s32 v16;
	v17 =	vadd.s32 $0xFFFFFFF8, v13  }
0x3b1: {  	v13 =	vadd.s32 $0xFFFFFFF9, v13;
	v19 =	vadd.s32 $0xFFFFFFF8, v12;
	v12 =	vadd.s32 $0xFFFFFFF9, v12  }
0x3b2: {  	v20 =	vadd.s32 $0xFFFFFFF8, v15;
	v22 =	vadd.s32 $0xFFFFFFF9, v15;
	v15 =	vadd.s32 $0xFFFFFFF9, v16  }
0x3b3: {  	vm0 =	vgt.s32 v17, $0x0;
	vm1 =	vgt.s32 v13, $0x0;
	vm2 =	vgt.s32 v19, $0x0  }
0x3b4: {  	vm3 =	vgt.s32 v20, $0x0;
	vm4 =	vgt.s32 v22, $0x0;
	v18 =	vnsel vm0, $0x0, v17  }
0x3b5: {  	v13 =	vnsel vm1, $0x0, v13;
	v17 =	vcvt.s32.f32 v17;
	vm0 =	vgt.s32 v12, $0x0  }
0x3b6: {  	vm1 =	vgt.s32 v15, $0x0;
	v18 =	vmin.u32 v18, $0x7;
	v13 =	vmin.u32 v13, $0x7  }
0x3b7: {  	v18 =	vshll.u32 v18, $0x8;
	v13 =	vshll.u32 v13, $0x18;
	v21 =	vsub.f32 v14, v17  }
0x3b8: {  	s3 =	simm.s32 $0x18FA0;
	v14 =	vadd.s32 $0xFFFFFFF8, v16;
	v16 =	vnsel vm0, $0x0, v12;
	v13 =	vor.u32 v13, v18  }
0x3b9: {  	s4 =	simm.s32 $0x191A0;
	v17 =	vnsel vm3, $0x0, v20;
	v12 =	vcvt.s32.f32 v20;
	vm0 =	vgt.s32 v14, $0x0;
	[tilespmem:s3+$0x0] =	vst v13  }
0x3ba: {  	s5 =	simm.s32 $0x0;
	s6 =	simm.s32 $0x70;
	v18 =	vnsel vm2, $0x0, v19;
	v13 =	vcvt.s32.f32 v19;
	v19 =	vnsel vm4, $0x0, v22;
	[tilespmem:s4+$0x0] =	vst v21  }
.LBB2_31:
0x3bb: {  	s9 =	sadd.s32 $0xFFFFFFD0, s6;
	s10 =	sadd.s32 $0xFFFFFFE0, s6;
	s11 =	sadd.s32 $0xFFFFFFF0, s6;
	v20 =	vcvt.s32.f32 v14;
	v14 =	vnsel vm0, $0x0, v14;
	v15 =	vnsel vm1, $0x0, v15  }
0x3bc: {  	s5 =	sadd.s32 $0x4, s5;
	v18 =	vmin.u32 v18, $0x7;
	v16 =	vmin.u32 v16, $0x7;
	v17 =	vmin.u32 v17, $0x7;
	s9 =	scvt.s32.f32 s9;
	s11 =	scvt.s32.f32 s11  }
0x3bd: {  	s12 =	scvt.s32.f32 s6;
	v19 =	vmin.u32 v19, $0x7;
	s10 =	scvt.s32.f32 s10;
	p1 =	slt.u32 s5, $0x1C;
	v14 =	vmin.u32 v14, $0x7;
	v15 =	vmin.u32 v15, $0x7  }
0x3be: {  	v18 =	vshll.u32 v18, $0x8;
	v21 =	vadd.f32 s9, v3;
	v22 =	vadd.f32 s11, v3  }
0x3bf: {  	v16 =	vshll.u32 v16, $0x18;
	v24 =	vadd.f32 s12, v3;
	v23 =	vadd.f32 s10, v3  }
0x3c0: {  	v17 =	vshll.u32 v17, $0x8;
	v21 =	vadd.f32 $5.000000000e-01, v21;
	v22 =	vadd.f32 $5.000000000e-01, v22  }
0x3c1: {  	v19 =	vshll.u32 v19, $0x18;
	v24 =	vadd.f32 $5.000000000e-01, v24;
	v23 =	vadd.f32 $5.000000000e-01, v23  }
0x3c2: {  	v13 =	vsub.f32 v11, v13;
	v21 =	vmul.f32 $1.562500000e-02, v21;
	v22 =	vmul.f32 $1.562500000e-02, v22  }
0x3c3: {  	v12 =	vsub.f32 v10, v12;
	v24 =	vmul.f32 $1.562500000e-02, v24;
	v23 =	vmul.f32 $1.562500000e-02, v23  }
0x3c4: {  	v14 =	vshll.u32 v14, $0x8;
	v11 =	vadd.f32 $-5.000000000e-01, v21;
	v21 =	vadd.f32 $-5.000000000e-01, v22  }
0x3c5: {  	v15 =	vshll.u32 v15, $0x18;
	v10 =	vadd.f32 $-5.000000000e-01, v23;
	v22 =	vadd.f32 $-5.000000000e-01, v24  }
0x3c6: {  	v16 =	vor.u32 v16, v18;
	v23 =	vadd.f32 $8.000000000e+00, v11;
	v24 =	vadd.f32 $8.000000000e+00, v21  }
0x3c7: {  	v18 =	vadd.f32 $8.000000000e+00, v10;
	v25 =	vadd.f32 $8.000000000e+00, v22;
	[tilespmem:s3+$0xFFFFFFE0] =	vst v16;
	v16 =	vor.u32 v19, v17  }
0x3c8: {  	v17 =	vtrunc.f32 v23;
	v19 =	vtrunc.f32 v24;
	[tilespmem:s4+$0xFFFFFFE0] =	vst v13;
	v13 =	vsub.f32 v9, v20;
	v9 =	vmovc v22  }
0x3c9: {  	v14 =	vor.u32 v15, v14;
	v18 =	vtrunc.f32 v18;
	v19 =	vcvt.f32.s32 v19;
	[tilespmem:s3+$0xFFFFFFF0] =	vst v16  }
0x3ca: {  	v15 =	vcvt.f32.s32 v17;
	v16 =	vtrunc.f32 v25;
	[tilespmem:s4+$0xFFFFFFF0] =	vst v12  }
0x3cb: {  	v12 =	vcvt.f32.s32 v18;
	v17 =	vadd.s32 $0xFFFFFFF8, v19;
	v18 =	vadd.s32 $0xFFFFFFF9, v19;
	[tilespmem:s3+$0x10] =	vst v14  }
0x3cc: {  	v16 =	vcvt.f32.s32 v16;
	vm0 =	vgt.s32 v17, $0x0;
	vm1 =	vgt.s32 v18, $0x0;
	[tilespmem:s4+$0x10] =	vst v13  }
0x3cd: {  	v13 =	vadd.s32 $0xFFFFFFF8, v15;
	v14 =	vnsel vm0, $0x0, v17;
	v18 =	vnsel vm1, $0x0, v18  }
0x3ce: {  	v17 =	vcvt.s32.f32 v17;
	v14 =	vmin.u32 v14, $0x7;
	v18 =	vmin.u32 v18, $0x7  }
0x3cf: {  	v19 =	vadd.s32 $0xFFFFFFF9, v15;
	v14 =	vshll.u32 v14, $0x8;
	v15 =	vshll.u32 v18, $0x18  }
0x3d0: {  	s3 =	sadd.s32 $0x40, s3;
	v20 =	vadd.s32 $0xFFFFFFF8, v12;
	v17 =	vsub.f32 v21, v17;
	v14 =	vor.u32 v15, v14  }
.Ltmp15:
0x3d1: {  	s4 =	sadd.s32 $0x40, s4;
	v21 =	vadd.s32 $0xFFFFFFF9, v12;
	v15 =	vadd.s32 $0xFFFFFFF9, v16;
	[tilespmem:s3+$0x0] =	vst v14;
	v14 =	vadd.s32 $0xFFFFFFF8, v16;
	(pc) =	sbr.rel @p1 .LBB2_31-.Ltmp15, $4  }
0x3d2: {  	vm3 =	vgt.s32 v19, $0x0;
	vm2 =	vgt.s32 v13, $0x0;
	vm4 =	vgt.s32 v20, $0x0;
	[tilespmem:s4+$0x0] =	vst v17  }
0x3d3: {  	vm5 =	vgt.s32 v21, $0x0;
	vm1 =	vgt.s32 v15, $0x0;
	vm0 =	vgt.s32 v14, $0x0  }
0x3d4: {  	v18 =	vnsel vm2, $0x0, v13;
	v16 =	vnsel vm3, $0x0, v19;
	v17 =	vnsel vm4, $0x0, v20  }
0x3d5: {  	s6 =	sadd.s32 $0x40, s6;
	v13 =	vcvt.s32.f32 v13;
	v12 =	vcvt.s32.f32 v20;
	v19 =	vnsel vm5, $0x0, v21  }
0x3d6: {  	v20 =	vcvt.s32.f32 v14;
	v58 =	vnsel vm0, $0x0, v14  }
0x3d7: {  	v18 =	vmin.u32 v18, $0x7;
	v16 =	vmin.u32 v16, $0x7;
	v17 =	vmin.u32 v17, $0x7  }
0x3d8: {  	v19 =	vmin.u32 v19, $0x7;
	v18 =	vshll.u32 v18, $0x8;
	v16 =	vshll.u32 v16, $0x18  }
0x3d9: {  	v60 =	vshll.u32 v17, $0x8;
	v61 =	vshll.u32 v19, $0x18;
	v59 =	vor.u32 v16, v18  }
0x3da: {  	v15 =	vnsel vm1, $0x0, v15;
	v11 =	vsub.f32 v11, v13;
	v63 =	vor.u32 v61, v60;
	[tilespmem:s3+$0xFFFFFFE0] =	vst v59  }
0x3db: {  	v14 =	vmin.u32 v58, $0x7;
	v62 =	vmin.u32 v15, $0x7;
	v10 =	vsub.f32 v10, v12;
	[tilespmem:s3+$0xFFFFFFF0] =	vst v63  }
0x3dc: {  	v13 =	vshll.u32 v62, $0x18;
	[tilespmem:s4+$0xFFFFFFE0] =	vst v11;
	v11 =	vshll.u32 v14, $0x8  }
0x3dd: {  	v9 =	vsub.f32 v9, v20;
	[tilespmem:s4+$0xFFFFFFF0] =	vst v10;
	v11 =	vor.u32 v13, v11  }
0x3de: {  	[tilespmem:s3+$0x10] =	vst v11  }
0x3df: {  	[tilespmem:s4+$0x10] =	vst v9  }
0x3e0: {  	[bflag:$0x0] =	sbarrier.arrive $0xFFFF  }
0x3e1: {  	[tilespmem:s26], [sflag:$0xC] =	stream.linear.gather [spmem:s13], $0x1800, $0x38;
	[tilespmem:$0x19380] =	vst v63  }
0x3e2: {  	s14 =	simm.s32 $0xBF80  }
0x3e3: {  	[tilespmem:s14], [sflag:$0xC] =	stream.linear.gather [spmem:s15], $0x1800, $0x38;
	[tilespmem:$0x19380] =	vst v63  }
0x3e4: {  	s25 =	simm.s32 $0xD780  }
0x3e5: {  	[tilespmem:s25], [sflag:$0xC] =	stream.linear.gather [spmem:s23], $0x1800, $0x38;
	[tilespmem:$0x19380] =	vst v63  }
0x3e6: {  	_ =	swait.ge [sflag:s30], $0x1800  }
0x3e7: {  	[sflag:s30] =	ssyncset.done $0x0  }
0x3e8: {  	[sflag:s30] =	ssyncadd.s32 $0xFFFFE800  }
0x3e9: {  	_ =	swait.ge [sflag:s30], $0x1800  }
0x3ea: {  	[sflag:s30] =	ssyncset.done $0x0  }
0x3eb: {  	[sflag:s30] =	ssyncadd.s32 $0xFFFFE800  }
0x3ec: {  	_ =	swait.ge [sflag:s30], $0x1800  }
0x3ed: {  	[sflag:s30] =	ssyncset.done $0x0  }
0x3ee: {  	[sflag:s30] =	ssyncadd.s32 $0xFFFFE800  }
0x3ef: {  	_ =	swait.ge [sflag:s31], $0x2000  }
0x3f0: {  	[sflag:s31] =	ssyncset.done $0x0  }
0x3f1: {  	[sflag:s31] =	ssyncadd.s32 $0xFFFFE000  }
0x3f2: {  	s9 =	simm.s32 $0x0;
	_ =	swait.ge [sflag:s0], $0x2000  }
0x3f3: {  	s28 =	simm.s32 $0x10F80;
	s10 =	simm.s32 $0xEFC0;
	[sflag:s0] =	ssyncset.done $0x0  }
0x3f4: {  	s4 =	simm.s32 $0x12FC0;
	s25 =	simm.s32 $0x14FC0;
	[sflag:s0] =	ssyncadd.s32 $0xFFFFE000  }
0x3f5: {  	[tilespmem:s28], [sflag:$0xB] =	stream.linear.gather [hbm4b:s16+s9], $0x2000, $0x38;
	[tilespmem:$0x19380] =	vst v63  }
.LBB2_33:
0x3f6: {  	v13 =	vld [tilespmem:s10+$0x30]  }
0x3f7: {  	v14 =	vld [tilespmem:s10+$0xFFFFFFD0]  }
0x3f8: {  	v15 =	vld [tilespmem:s10+$0xFFFFFFE0]  }
0x3f9: {  	v16 =	vld [tilespmem:s10+$0xFFFFFFF0]  }
0x3fa: {  	v18 =	vld [tilespmem:s10+$0x0]  }
0x3fb: {  	s3 =	sadd.s32 s17, s9;
	v19 =	vld [tilespmem:s10+$0x10]  }
0x3fc: {  	v20 =	vld [tilespmem:s10+$0x20];
	v9 =	vmov s3  }
0x3fd: {  	v21 =	vld [tilespmem:s10+$0xFFFFFFC0];
	v9 =	vcvt.s32.f32 v9  }
0x3fe: {  	s14 =	simm.s32 $0x18FC0  }
0x3ff: {  	v17 =	vld [tilespmem:s14+$0x30];
	v9 =	vadd.f32 $5.000000000e-01, v9;
	v13 =	vmax.f32 v13, $0.0e+00;
	v14 =	vmax.f32 v14, $0.0e+00  }
0x400: {  	v22 =	vld [tilespmem:s14+$0xFFFFFFC0];
	v15 =	vmax.f32 v15, $0.0e+00;
	v16 =	vmax.f32 v16, $0.0e+00;
	v18 =	vmax.f32 v18, $0.0e+00  }
0x401: {  	v24 =	vld [tilespmem:s14+$0xFFFFFFD0];
	v19 =	vmax.f32 v19, $0.0e+00;
	v20 =	vmax.f32 v20, $0.0e+00;
	v9 =	vmul.f32 $1.562500000e-02, v9  }
0x402: {  	v25 =	vld [tilespmem:s14+$0xFFFFFFE0];
	v21 =	vmax.f32 v21, $0.0e+00;
	v13 =	vmin.f32 v13, $2.550000000e+02;
	v14 =	vmin.f32 v14, $2.550000000e+02  }
0x403: {  	v26 =	vld [tilespmem:s14+$0xFFFFFFF0];
	v15 =	vmin.f32 v15, $2.550000000e+02;
	v16 =	vmin.f32 v16, $2.550000000e+02;
	v9 =	vadd.f32 $-5.000000000e-01, v9  }
0x404: {  	s5 =	simm.s32 $0x191C0;
	v28 =	vld [tilespmem:s14+$0x0];
	v23 =	vand.u32 $0xFFFF, v17;
	v17 =	vshra.s32 v17, $0x10;
	v18 =	vmin.f32 v18, $2.550000000e+02  }
0x405: {  	v31 =	vld [tilespmem:s5+$0x30];
	v19 =	vmin.f32 v19, $2.550000000e+02;
	v21 =	vmin.f32 v21, $2.550000000e+02;
	v9 =	vbroadcast v9, $0x0  }
0x406: {  	v29 =	vld [tilespmem:s14+$0x10];
	v20 =	vmin.f32 v20, $2.550000000e+02;
	v30 =	vand.u32 $0xFFFF, v22;
	v22 =	vshra.s32 v22, $0x10  }
0x407: {  	v32 =	vand.u32 $0xFFFF, v24;
	v24 =	vshra.s32 v24, $0x10;
	v10 =	vadd.f32 $8.000000000e+00, v9  }
0x408: {  	v33 =	vand.u32 $0xFFFF, v25;
	v25 =	vshra.s32 v25, $0x10;
	v35 =	vand.u32 $0xFFFF, v26  }
0x409: {  	v26 =	vshra.s32 v26, $0x10;
	v36 =	vand.u32 $0xFFFF, v28;
	v10 =	vtrunc.f32 v10  }
0x40a: {  	v28 =	vshra.s32 v28, $0x10;
	v37 =	vsub.f32 $1.000000000e+00, v31;
	v10 =	vcvt.f32.s32 v10  }
0x40b: {  	v38 =	vand.u32 $0xFFFF, v29;
	v29 =	vshra.s32 v29, $0x10;
	v13 =	vtrunc.f32 v13  }
0x40c: {  	v14 =	vtrunc.f32 v14;
	v21 =	vtrunc.f32 v21;
	v11 =	vadd.s32 $0xFFFFFFF8, v10  }
0x40d: {  	v15 =	vtrunc.f32 v15;
	v16 =	vtrunc.f32 v16;
	vm0 =	vgt.s32 v11, $0x0  }
0x40e: {  	v10 =	vadd.s32 $0xFFFFFFF9, v10;
	v12 =	vcvt.s32.f32 v11;
	v11 =	vnsel vm0, $0x0, v11  }
0x40f: {  	v13 =	vcvt.f32.s32 v13;
	vm15 =	vgt.s32 v10, $0x0;
	v11 =	vmin.u32 v11, $0x7  }
0x410: {  	v9 =	vsub.f32 v9, v12;
	v12 =	vnsel vm15, $0x0, v10;
	v11 =	vadd.s32 v0, v11  }
0x411: {  	v23 =	vadd.s32 v13, v23;
	v12 =	vmin.u32 v12, $0x7;
	v11 =	vshll.u32 v11, $0xB  }
0x412: {  	v13 =	vadd.s32 v13, v17;
	v12 =	vadd.s32 v0, v12;
	v17 =	vadd.s32 v11, v23  }
0x413: {  	v34 =	vld [tilespmem:s14+$0x20];
	v18 =	vtrunc.f32 v18;
	v12 =	vshll.u32 v12, $0xB;
	v27 =	vadd.s32 v11, v13  }
0x414: {  	v59 =	vld [tilespmem:s5+$0xFFFFFFE0];
	v19 =	vtrunc.f32 v19;
	v14 =	vcvt.f32.s32 v14;
	v23 =	vadd.s32 v12, v23  }
0x415: {  	v62 =	vld [tilespmem:s5+$0xFFFFFFF0];
	v20 =	vtrunc.f32 v20;
	v15 =	vcvt.f32.s32 v15;
	v13 =	vadd.s32 v12, v13  }
0x416: {  	v63 =	vld [tilespmem:s5+$0x0];
	v21 =	vcvt.f32.s32 v21;
	v57 =	vadd.s32 v14, v32;
	v14 =	vadd.s32 v14, v24  }
0x417: {  	v19 =	vcvt.f32.s32 v19;
	v58 =	vadd.s32 v15, v33;
	v52 =	vadd.s32 v11, v14;
	v17 =	vld.idx.msk [tilespmem:v17+s26+$0x0], $0xffff  }
0x418: {  	v16 =	vcvt.f32.s32 v16;
	v18 =	vcvt.f32.s32 v18;
	v39 =	vadd.s32 v11, v58;
	v27 =	vld.idx.msk [tilespmem:v27+s26+$0x0], $0xffff  }
0x419: {  	v15 =	vadd.s32 v15, v25;
	v60 =	vadd.s32 v19, v38;
	v14 =	vadd.s32 v12, v14;
	v23 =	vld.idx.msk [tilespmem:v23+s26+$0x0], $0xffff  }
0x41a: {  	v19 =	vadd.s32 v19, v29;
	v40 =	vadd.s32 v11, v15;
	v15 =	vadd.s32 v12, v15;
	v13 =	vld.idx.msk [tilespmem:v13+s26+$0x0], $0xffff  }
0x41b: {  	v30 =	vadd.s32 v21, v30;
	v25 =	vld [tilespmem:s5+$0xFFFFFFD0];
	v47 =	vadd.s32 v11, v19;
	v19 =	vadd.s32 v12, v19  }
0x41c: {  	v20 =	vcvt.f32.s32 v20;
	v21 =	vadd.s32 v21, v22;
	v61 =	vadd.s32 v11, v30;
	v38 =	vld.idx.msk [tilespmem:v52+s26+$0x0], $0xffff  }
0x41d: {  	v24 =	vshra.s32 v34, $0x10;
	v10 =	vsub.f32 $1.000000000e+00, v9;
	v50 =	vadd.s32 v11, v57;
	v39 =	vld.idx.msk [tilespmem:v39+s26+$0x0], $0xffff  }
0x41e: {  	v14 =	vld.idx.msk [tilespmem:v14+s26+$0x0], $0xffff;
	v17 =	vmul.f32 v17, v37;
	v22 =	vmul.f32 v27, v31;
	v27 =	vand.u32 $0xFFFF, v34  }
0x41f: {  	v15 =	vld.idx.msk [tilespmem:v15+s26+$0x0], $0xffff;
	v23 =	vmul.f32 v23, v37;
	v13 =	vmul.f32 v13, v31;
	v27 =	vadd.s32 v20, v27  }
0x420: {  	v19 =	vld.idx.msk [tilespmem:v19+s26+$0x0], $0xffff;
	v20 =	vadd.s32 v20, v24;
	v24 =	vadd.s32 v12, v30;
	v31 =	vadd.s32 v12, v57  }
0x421: {  	v34 =	vld.idx.msk [tilespmem:v61+s26+$0x0], $0xffff;
	v17 =	vadd.f32 v22, v17;
	v13 =	vadd.f32 v13, v23;
	v23 =	vadd.s32 v16, v35  }
0x422: {  	v30 =	vld [tilespmem:s5+$0x10];
	v16 =	vadd.s32 v16, v26;
	v26 =	vadd.s32 v18, v36;
	v41 =	vadd.s32 v11, v23  }
0x423: {  	v22 =	vld [tilespmem:s5+$0xFFFFFFC0];
	v18 =	vadd.s32 v18, v28;
	v17 =	vmul.f32 v17, v10;
	v23 =	vadd.s32 v12, v23  }
0x424: {  	v36 =	vld.idx.msk [tilespmem:v50+s26+$0x0], $0xffff;
	v42 =	vadd.s32 v11, v16;
	v16 =	vadd.s32 v12, v16;
	v13 =	vmul.f32 v13, v9  }
0x425: {  	v45 =	vadd.s32 v11, v18;
	v18 =	vadd.s32 v12, v18;
	v24 =	vld.idx.msk [tilespmem:v24+s26+$0x0], $0xffff  }
0x426: {  	v31 =	vld.idx.msk [tilespmem:v31+s26+$0x0], $0xffff;
	v13 =	vadd.f32 v13, v17;
	v17 =	vadd.s32 v11, v21  }
0x427: {  	v53 =	vsub.f32 $1.000000000e+00, v62;
	v55 =	vsub.f32 $1.000000000e+00, v63;
	v21 =	vadd.s32 v12, v21;
	v56 =	vld.idx.msk [tilespmem:v41+s26+$0x0], $0xffff  }
0x428: {  	v46 =	vadd.s32 v11, v60;
	v52 =	vsub.f32 $1.000000000e+00, v59;
	v44 =	vadd.s32 v11, v26;
	v23 =	vld.idx.msk [tilespmem:v23+s26+$0x0], $0xffff  }
0x429: {  	v32 =	vadd.s32 v12, v58;
	v14 =	vmul.f32 v14, v25;
	v51 =	vmul.f32 v13, v5;
	v16 =	vld.idx.msk [tilespmem:v16+s26+$0x0], $0xffff  }
0x42a: {  	v57 =	vmul.f32 v39, v52;
	v15 =	vmul.f32 v15, v59;
	v50 =	vsub.f32 $1.000000000e+00, v22;
	v18 =	vld.idx.msk [tilespmem:v18+s26+$0x0], $0xffff  }
0x42b: {  	v48 =	vadd.s32 v11, v27;
	v37 =	vmul.f32 $2.550000000e+02, v51;
	v51 =	vsub.f32 $1.000000000e+00, v25;
	v17 =	vld.idx.msk [tilespmem:v17+s26+$0x0], $0xffff  }
0x42c: {  	v49 =	vadd.s32 v11, v20;
	v19 =	vmul.f32 v19, v30;
	v34 =	vmul.f32 v34, v50;
	v21 =	vld.idx.msk [tilespmem:v21+s26+$0x0], $0xffff  }
0x42d: {  	v28 =	vadd.s32 v12, v60;
	v58 =	vld.idx.msk [tilespmem:v44+s26+$0x0], $0xffff;
	v24 =	vmul.f32 v24, v50;
	v54 =	vmul.f32 v36, v51  }
0x42e: {  	v60 =	vld.idx.msk [tilespmem:v45+s26+$0x0], $0xffff;
	v37 =	vmax.f32 v37, $0.0e+00;
	v31 =	vmul.f32 v31, v51;
	v61 =	vmul.f32 v56, v53  }
0x42f: {  	v37 =	vmin.f32 v37, $2.550000000e+02;
	v23 =	vmul.f32 v23, v53;
	v16 =	vmul.f32 v16, v62  }
0x430: {  	v27 =	vadd.s32 v12, v27;
	v18 =	vmul.f32 v18, v63;
	v37 =	vtrunc.f32 v37  }
0x431: {  	v32 =	vld.idx.msk [tilespmem:v32+s26+$0x0], $0xffff;
	v14 =	vadd.f32 v14, v31;
	v17 =	vmul.f32 v17, v22;
	v21 =	vmul.f32 v21, v22  }
0x432: {  	v31 =	vmul.f32 v58, v55;
	v37 =	vcvt.f32.s32 v37;
	v16 =	vadd.f32 v16, v23;
	v22 =	vld.idx.msk [tilespmem:v40+s26+$0x0], $0xffff  }
0x433: {  	v43 =	vld [tilespmem:s4+$0x30];
	v23 =	vmul.f32 v60, v63;
	v17 =	vadd.f32 v17, v34;
	v21 =	vadd.f32 v21, v24  }
0x434: {  	v26 =	vadd.s32 v12, v26;
	v14 =	vmul.f32 v14, v9;
	v24 =	vmul.f32 v38, v25;
	v25 =	vld.idx.msk [tilespmem:v42+s26+$0x0], $0xffff  }
0x435: {  	v20 =	vadd.s32 v12, v20;
	v17 =	vmul.f32 v17, v10;
	v21 =	vmul.f32 v21, v9  }
0x436: {  	v37 =	vcvt.s32.f32 v37;
	v16 =	vmul.f32 v16, v9;
	v24 =	vadd.f32 v24, v54  }
0x437: {  	v22 =	vmul.f32 v22, v59;
	v17 =	vadd.f32 v21, v17;
	v21 =	vmul.f32 v32, v52  }
0x438: {  	v13 =	vld [tilespmem:s5+$0x20];
	v23 =	vadd.f32 v23, v31;
	v37 =	vmul.f32 v37, v43;
	v24 =	vmul.f32 v24, v10  }
0x439: {  	v26 =	vld.idx.msk [tilespmem:v26+s26+$0x0], $0xffff;
	v22 =	vadd.f32 v22, v57;
	v15 =	vadd.f32 v15, v21;
	v21 =	vmul.f32 v25, v62  }
0x43a: {  	v23 =	vmul.f32 v23, v10;
	v17 =	vmul.f32 v17, v5;
	v14 =	vadd.f32 v14, v24;
	v24 =	vld.idx.msk [tilespmem:v46+s26+$0x0], $0xffff  }
0x43b: {  	v62 =	vld.idx.msk [tilespmem:v47+s26+$0x0], $0xffff;
	v22 =	vmul.f32 v22, v10;
	v15 =	vmul.f32 v15, v9;
	v21 =	vadd.f32 v21, v61  }
0x43c: {  	v28 =	vld.idx.msk [tilespmem:v28+s26+$0x0], $0xffff;
	v59 =	vsub.f32 $1.000000000e+00, v30;
	v17 =	vmul.f32 $2.550000000e+02, v17;
	v14 =	vmul.f32 v14, v5  }
0x43d: {  	v27 =	vld.idx.msk [tilespmem:v27+s26+$0x0], $0xffff;
	v25 =	vsub.f32 $1.000000000e+00, v13;
	v21 =	vmul.f32 v21, v10;
	v15 =	vadd.f32 v15, v22  }
0x43e: {  	v63 =	vld.idx.msk [tilespmem:v49+s26+$0x0], $0xffff;
	v14 =	vmul.f32 $2.550000000e+02, v14;
	v22 =	vmul.f32 v26, v55;
	v17 =	vmax.f32 v17, $0.0e+00  }
0x43f: {  	v20 =	vld.idx.msk [tilespmem:v20+s26+$0x0], $0xffff;
	v24 =	vmul.f32 v24, v59;
	v17 =	vmin.f32 v17, $2.550000000e+02;
	v15 =	vmul.f32 v15, v5  }
0x440: {  	v26 =	vld.idx.msk [tilespmem:v48+s26+$0x0], $0xffff;
	v18 =	vadd.f32 v18, v22;
	v22 =	vmul.f32 v62, v30;
	v16 =	vadd.f32 v16, v21  }
0x441: {  	v21 =	vmul.f32 v28, v59;
	v14 =	vmax.f32 v14, $0.0e+00;
	v17 =	vtrunc.f32 v17  }
0x442: {  	v14 =	vmin.f32 v14, $2.550000000e+02;
	v15 =	vmul.f32 $2.550000000e+02, v15;
	v18 =	vmul.f32 v18, v9  }
0x443: {  	v16 =	vmul.f32 v16, v5;
	v19 =	vadd.f32 v19, v21;
	v21 =	vmul.f32 v63, v13  }
0x444: {  	v22 =	vadd.f32 v22, v24;
	v13 =	vmul.f32 v20, v13;
	v14 =	vtrunc.f32 v14  }
0x445: {  	v24 =	vmul.f32 v26, v25;
	v18 =	vadd.f32 v18, v23;
	v23 =	vmul.f32 v27, v25  }
0x446: {  	v22 =	vmul.f32 v22, v10;
	v19 =	vmul.f32 v19, v9  }
0x447: {  	v16 =	vmul.f32 $2.550000000e+02, v16;
	v20 =	vadd.f32 v21, v24;
	v13 =	vadd.f32 v13, v23  }
0x448: {  	v15 =	vmax.f32 v15, $0.0e+00;
	v18 =	vmul.f32 v18, v5;
	v19 =	vadd.f32 v19, v22  }
0x449: {  	v15 =	vmin.f32 v15, $2.550000000e+02;
	v20 =	vmul.f32 v20, v10;
	v13 =	vmul.f32 v13, v9  }
0x44a: {  	v16 =	vmax.f32 v16, $0.0e+00;
	v24 =	vtrunc.f32 v15;
	v19 =	vmul.f32 v19, v5  }
0x44b: {  	v21 =	vld [tilespmem:s4+$0xFFFFFFD0];
	v23 =	vcvt.f32.s32 v14;
	v18 =	vmul.f32 $2.550000000e+02, v18;
	v13 =	vadd.f32 v13, v20  }
0x44c: {  	v14 =	vld [tilespmem:s4+$0x0];
	v22 =	vmin.f32 v16, $2.550000000e+02;
	v25 =	vcvt.f32.s32 v24;
	v19 =	vmul.f32 $2.550000000e+02, v19  }
0x44d: {  	v16 =	vld [tilespmem:s4+$0xFFFFFFC0];
	v26 =	vtrunc.f32 v22;
	v18 =	vmax.f32 v18, $0.0e+00;
	v13 =	vmul.f32 v13, v5  }
0x44e: {  	v22 =	vld [tilespmem:s4+$0xFFFFFFF0];
	v24 =	vcvt.f32.s32 v26;
	v18 =	vmin.f32 v18, $2.550000000e+02;
	v15 =	vmax.f32 v19, $0.0e+00  }
0x44f: {  	v20 =	vld [tilespmem:s4+$0xFFFFFFE0];
	v18 =	vtrunc.f32 v18;
	v15 =	vmin.f32 v15, $2.550000000e+02;
	v27 =	vmul.f32 $2.550000000e+02, v13  }
0x450: {  	s28 =	sadd.s32 $0x80, s10;
	s6 =	smov.u32 s25;
	v19 =	vcvt.f32.s32 v17;
	v17 =	vtrunc.f32 v15;
	v15 =	vld [tilespmem:s4+$0x10]  }
0x451: {  	s11 =	smov.u32 s4;
	s12 =	smov.u32 s25;
	s3 =	simm.s32 $0x0;
	[tilespmem:s25+$0x30] =	vst v37;
	v18 =	vcvt.f32.s32 v18;
	v13 =	vld [tilespmem:s4+$0x20];
	v17 =	vcvt.f32.s32 v17;
	v26 =	vmax.f32 v27, $0.0e+00  }
.LBB2_34:
0x452: {  	v27 =	vld [tilespmem:s28+$0x30];
	v19 =	vcvt.s32.f32 v19;
	v23 =	vcvt.s32.f32 v23;
	v26 =	vmin.f32 v26, $2.550000000e+02  }
0x453: {  	v25 =	vcvt.s32.f32 v25;
	v28 =	vld [tilespmem:s28+$0xFFFFFFD0];
	v26 =	vtrunc.f32 v26  }
0x454: {  	v24 =	vcvt.s32.f32 v24;
	v29 =	vld [tilespmem:s28+$0xFFFFFFE0];
	v26 =	vcvt.f32.s32 v26  }
0x455: {  	s3 =	sadd.s32 $0x8, s3;
	s14 =	sadd.s32 $0x80, s14;
	v18 =	vcvt.s32.f32 v18;
	v17 =	vcvt.s32.f32 v17;
	v30 =	vld [tilespmem:s28+$0xFFFFFFF0]  }
0x456: {  	p1 =	slt.u32 s3, $0x18;
	v19 =	vmul.f32 v19, v16;
	v31 =	vld [tilespmem:s14+$0x30];
	v16 =	vcvt.s32.f32 v26  }
0x457: {  	v21 =	vmul.f32 v23, v21;
	v20 =	vmul.f32 v25, v20;
	v26 =	vld [tilespmem:s28+$0x0];
	v27 =	vmax.f32 v27, $0.0e+00  }
0x458: {  	v23 =	vmax.f32 v28, $0.0e+00;
	v25 =	vld [tilespmem:s28+$0x10];
	v27 =	vmin.f32 v27, $2.550000000e+02;
	[tilespmem:s6+$0xFFFFFFC0] =	vst v19;
	v19 =	vmul.f32 v24, v22  }
0x459: {  	v22 =	vmin.f32 v23, $2.550000000e+02;
	v23 =	vmax.f32 v29, $0.0e+00;
	v24 =	vld [tilespmem:s28+$0x20];
	v27 =	vtrunc.f32 v27;
	[tilespmem:s6+$0xFFFFFFD0] =	vst v21  }
0x45a: {  	v21 =	vld [tilespmem:s28+$0xFFFFFFC0];
	v23 =	vmin.f32 v23, $2.550000000e+02;
	v28 =	vmax.f32 v30, $0.0e+00;
	v27 =	vcvt.f32.s32 v27;
	[tilespmem:s6+$0xFFFFFFE0] =	vst v20  }
0x45b: {  	v22 =	vtrunc.f32 v22;
	v20 =	vld [tilespmem:s14+$0xFFFFFFC0];
	v28 =	vmin.f32 v28, $2.550000000e+02;
	v29 =	vand.u32 $0xFFFF, v31;
	[tilespmem:s6+$0xFFFFFFF0] =	vst v19  }
0x45c: {  	v30 =	vshra.s32 v31, $0x10;
	v19 =	vld [tilespmem:s14+$0xFFFFFFD0];
	v26 =	vmax.f32 v26, $0.0e+00;
	v29 =	vadd.s32 v27, v29  }
0x45d: {  	v27 =	vadd.s32 v27, v30;
	v31 =	vld [tilespmem:s14+$0xFFFFFFE0];
	v25 =	vmax.f32 v25, $0.0e+00;
	v30 =	vadd.s32 v11, v29  }
0x45e: {  	v26 =	vmin.f32 v26, $2.550000000e+02;
	v33 =	vadd.s32 v11, v27;
	v32 =	vld [tilespmem:s14+$0xFFFFFFF0];
	v24 =	vmax.f32 v24, $0.0e+00  }
0x45f: {  	v29 =	vadd.s32 v12, v29;
	v25 =	vmin.f32 v25, $2.550000000e+02;
	v21 =	vmax.f32 v21, $0.0e+00;
	v34 =	vld [tilespmem:s14+$0x0]  }
0x460: {  	s5 =	sadd.s32 $0x80, s5;
	v27 =	vadd.s32 v12, v27;
	v24 =	vmin.f32 v24, $2.550000000e+02;
	v21 =	vmin.f32 v21, $2.550000000e+02;
	v35 =	vld [tilespmem:s14+$0x10]  }
0x461: {  	v23 =	vtrunc.f32 v23;
	v36 =	vand.u32 $0xFFFF, v20;
	v21 =	vtrunc.f32 v21;
	v37 =	vld [tilespmem:s5+$0x30]  }
0x462: {  	v28 =	vtrunc.f32 v28;
	v26 =	vtrunc.f32 v26;
	v20 =	vshra.s32 v20, $0x10;
	v30 =	vld.idx.msk [tilespmem:v30+s26+$0x0], $0xffff  }
0x463: {  	v25 =	vtrunc.f32 v25;
	v24 =	vtrunc.f32 v24;
	v38 =	vand.u32 $0xFFFF, v19;
	v33 =	vld.idx.msk [tilespmem:v33+s26+$0x0], $0xffff  }
0x464: {  	v39 =	vcvt.f32.s32 v22;
	v19 =	vshra.s32 v19, $0x10;
	v21 =	vcvt.f32.s32 v21;
	v29 =	vld.idx.msk [tilespmem:v29+s26+$0x0], $0xffff  }
0x465: {  	v40 =	vcvt.f32.s32 v23;
	v28 =	vcvt.f32.s32 v28;
	v41 =	vand.u32 $0xFFFF, v31;
	v27 =	vld.idx.msk [tilespmem:v27+s26+$0x0], $0xffff  }
0x466: {  	v26 =	vcvt.f32.s32 v26;
	v25 =	vcvt.f32.s32 v25;
	v31 =	vshra.s32 v31, $0x10;
	v42 =	vld [tilespmem:s14+$0x20]  }
0x467: {  	v45 =	vcvt.f32.s32 v24;
	v44 =	vand.u32 $0xFFFF, v32;
	v32 =	vshra.s32 v32, $0x10;
	v43 =	vld [tilespmem:s5+$0xFFFFFFC0]  }
0x468: {  	v46 =	vand.u32 $0xFFFF, v34;
	v34 =	vshra.s32 v34, $0x10;
	v47 =	vsub.f32 $1.000000000e+00, v37;
	v24 =	vld [tilespmem:s5+$0xFFFFFFD0]  }
0x469: {  	v36 =	vadd.s32 v21, v36;
	v48 =	vand.u32 $0xFFFF, v35;
	v35 =	vshra.s32 v35, $0x10;
	v23 =	vld [tilespmem:s5+$0xFFFFFFE0]  }
0x46a: {  	v49 =	vadd.s32 v21, v20;
	v30 =	vmul.f32 v30, v47;
	v33 =	vmul.f32 v33, v37;
	v22 =	vld [tilespmem:s5+$0xFFFFFFF0]  }
0x46b: {  	v29 =	vmul.f32 v29, v47;
	v27 =	vmul.f32 v27, v37;
	v21 =	vld [tilespmem:s5+$0x0];
	v50 =	vand.u32 $0xFFFF, v42  }
0x46c: {  	v37 =	vadd.s32 v39, v38;
	v38 =	vadd.s32 v39, v19;
	v39 =	vshra.s32 v42, $0x10;
	v20 =	vld [tilespmem:s5+$0x10]  }
0x46d: {  	v41 =	vadd.s32 v40, v41;
	v30 =	vadd.f32 v33, v30;
	v27 =	vadd.f32 v27, v29;
	v19 =	vld [tilespmem:s5+$0x20]  }
0x46e: {  	v29 =	vadd.s32 v40, v31;
	v31 =	vadd.s32 v28, v44;
	v28 =	vadd.s32 v28, v32  }
0x46f: {  	v32 =	vadd.s32 v26, v46;
	v30 =	vmul.f32 v30, v10;
	v27 =	vmul.f32 v27, v9  }
0x470: {  	v33 =	vadd.s32 v25, v48;
	v25 =	vadd.s32 v25, v35;
	v26 =	vadd.s32 v26, v34  }
0x471: {  	v34 =	vadd.s32 v45, v50;
	v35 =	vadd.s32 v45, v39;
	v27 =	vadd.f32 v27, v30  }
0x472: {  	v39 =	vadd.s32 v11, v49;
	v30 =	vadd.s32 v11, v36;
	v36 =	vadd.s32 v12, v36  }
0x473: {  	v42 =	vadd.s32 v11, v37;
	v40 =	vadd.s32 v12, v49;
	v27 =	vmul.f32 v27, v5  }
0x474: {  	v37 =	vadd.s32 v12, v37;
	v44 =	vadd.s32 v11, v38;
	v38 =	vadd.s32 v12, v38  }
0x475: {  	v45 =	vadd.s32 v11, v41;
	v46 =	vadd.s32 v11, v29;
	v27 =	vmul.f32 $2.550000000e+02, v27  }
0x476: {  	v41 =	vadd.s32 v12, v41;
	v29 =	vadd.s32 v12, v29;
	v47 =	vadd.s32 v11, v31  }
0x477: {  	v48 =	vadd.s32 v11, v28;
	v31 =	vadd.s32 v12, v31;
	v27 =	vmax.f32 v27, $0.0e+00;
	v30 =	vld.idx.msk [tilespmem:v30+s26+$0x0], $0xffff  }
0x478: {  	s11 =	sadd.s32 $0x80, s11;
	v28 =	vadd.s32 v12, v28;
	v49 =	vadd.s32 v11, v32;
	v27 =	vmin.f32 v27, $2.550000000e+02;
	v39 =	vld.idx.msk [tilespmem:v39+s26+$0x0], $0xffff  }
0x479: {  	v50 =	vadd.s32 v11, v26;
	v32 =	vadd.s32 v12, v32;
	v27 =	vtrunc.f32 v27;
	v51 =	vld [tilespmem:s11+$0x30]  }
0x47a: {  	v52 =	vadd.s32 v11, v33;
	v26 =	vadd.s32 v12, v26;
	v27 =	vcvt.f32.s32 v27;
	v36 =	vld.idx.msk [tilespmem:v36+s26+$0x0], $0xffff  }
0x47b: {  	v53 =	vadd.s32 v11, v25;
	v33 =	vadd.s32 v12, v33;
	v25 =	vadd.s32 v12, v25;
	v40 =	vld.idx.msk [tilespmem:v40+s26+$0x0], $0xffff  }
0x47c: {  	v54 =	vadd.s32 v11, v34;
	v55 =	vadd.s32 v11, v35;
	v27 =	vcvt.s32.f32 v27;
	v42 =	vld.idx.msk [tilespmem:v42+s26+$0x0], $0xffff  }
0x47d: {  	v56 =	vsub.f32 $1.000000000e+00, v43;
	v34 =	vadd.s32 v12, v34;
	v35 =	vadd.s32 v12, v35;
	v44 =	vld.idx.msk [tilespmem:v44+s26+$0x0], $0xffff  }
0x47e: {  	v57 =	vsub.f32 $1.000000000e+00, v24;
	v58 =	vsub.f32 $1.000000000e+00, v23;
	v37 =	vld.idx.msk [tilespmem:v37+s26+$0x0], $0xffff;
	v27 =	vmul.f32 v27, v51  }
0x47f: {  	s6 =	sadd.s32 $0x80, s6;
	v59 =	vsub.f32 $1.000000000e+00, v21;
	v30 =	vmul.f32 v30, v56;
	v51 =	vsub.f32 $1.000000000e+00, v22;
	v38 =	vld.idx.msk [tilespmem:v38+s26+$0x0], $0xffff  }
0x480: {  	v60 =	vsub.f32 $1.000000000e+00, v20;
	v61 =	vsub.f32 $1.000000000e+00, v19;
	v39 =	vmul.f32 v39, v43;
	v45 =	vld.idx.msk [tilespmem:v45+s26+$0x0], $0xffff;
	[tilespmem:s6+$0x30] =	vst v27  }
0x481: {  	v27 =	vmul.f32 v36, v56;
	v36 =	vmul.f32 v40, v43;
	v40 =	vld.idx.msk [tilespmem:v46+s26+$0x0], $0xffff  }
0x482: {  	v14 =	vmul.f32 v18, v14;
	v30 =	vadd.f32 v39, v30;
	v39 =	vmul.f32 v42, v57;
	v41 =	vld.idx.msk [tilespmem:v41+s26+$0x0], $0xffff  }
0x483: {  	v15 =	vmul.f32 v17, v15;
	v18 =	vadd.f32 v36, v27;
	v27 =	vmul.f32 v44, v24;
	v29 =	vld.idx.msk [tilespmem:v29+s26+$0x0], $0xffff  }
0x484: {  	v17 =	vmul.f32 v30, v10;
	v30 =	vmul.f32 v37, v57;
	v36 =	vld.idx.msk [tilespmem:v47+s26+$0x0], $0xffff;
	[tilespmem:s12+$0x0] =	vst v14  }
0x485: {  	v14 =	vmul.f32 v18, v9;
	v18 =	vadd.f32 v27, v39;
	v24 =	vmul.f32 v38, v24;
	v27 =	vld.idx.msk [tilespmem:v48+s26+$0x0], $0xffff  }
0x486: {  	v13 =	vmul.f32 v16, v13;
	v37 =	vmul.f32 v45, v58;
	v31 =	vld.idx.msk [tilespmem:v31+s26+$0x0], $0xffff;
	[tilespmem:s12+$0x10] =	vst v15  }
0x487: {  	v15 =	vmul.f32 v18, v10;
	v16 =	vadd.f32 v24, v30;
	v18 =	vmul.f32 v40, v23;
	v24 =	vld.idx.msk [tilespmem:v28+s26+$0x0], $0xffff  }
0x488: {  	v14 =	vadd.f32 v14, v17;
	v17 =	vmul.f32 v41, v58;
	v28 =	vld.idx.msk [tilespmem:v49+s26+$0x0], $0xffff;
	[tilespmem:s12+$0x20] =	vst v13;
	s12 =	smov.u32 s6  }
0x489: {  	v13 =	vmul.f32 v16, v9;
	v16 =	vadd.f32 v18, v37;
	v18 =	vmul.f32 v29, v23;
	v23 =	vld.idx.msk [tilespmem:v50+s26+$0x0], $0xffff  }
0x48a: {  	v14 =	vmul.f32 v14, v5;
	v29 =	vmul.f32 v36, v51;
	v30 =	vld.idx.msk [tilespmem:v32+s26+$0x0], $0xffff  }
0x48b: {  	v16 =	vmul.f32 v16, v10;
	v17 =	vadd.f32 v18, v17;
	v18 =	vmul.f32 v27, v22;
	v26 =	vld.idx.msk [tilespmem:v26+s26+$0x0], $0xffff  }
0x48c: {  	v14 =	vmul.f32 $2.550000000e+02, v14;
	v13 =	vadd.f32 v13, v15;
	v15 =	vmul.f32 v31, v51;
	v27 =	vld.idx.msk [tilespmem:v52+s26+$0x0], $0xffff  }
0x48d: {  	v17 =	vmul.f32 v17, v9;
	v18 =	vadd.f32 v18, v29;
	v22 =	vmul.f32 v24, v22;
	v24 =	vld.idx.msk [tilespmem:v53+s26+$0x0], $0xffff  }
0x48e: {  	v29 =	vmax.f32 v14, $0.0e+00;
	v13 =	vmul.f32 v13, v5;
	v14 =	vmul.f32 v28, v59;
	v28 =	vld.idx.msk [tilespmem:v33+s26+$0x0], $0xffff  }
0x48f: {  	v18 =	vmul.f32 v18, v10;
	v15 =	vadd.f32 v22, v15;
	v22 =	vmul.f32 v23, v21;
	v23 =	vld.idx.msk [tilespmem:v25+s26+$0x0], $0xffff  }
0x490: {  	v13 =	vmul.f32 $2.550000000e+02, v13;
	v16 =	vadd.f32 v17, v16;
	v17 =	vmul.f32 v30, v59;
	v25 =	vld.idx.msk [tilespmem:v54+s26+$0x0], $0xffff  }
0x491: {  	v15 =	vmul.f32 v15, v9;
	v14 =	vadd.f32 v22, v14;
	v21 =	vmul.f32 v26, v21;
	v26 =	vld.idx.msk [tilespmem:v55+s26+$0x0], $0xffff  }
0x492: {  	v30 =	vmax.f32 v13, $0.0e+00;
	v13 =	vmul.f32 v16, v5;
	v22 =	vmul.f32 v27, v60;
	v27 =	vld.idx.msk [tilespmem:v34+s26+$0x0], $0xffff  }
0x493: {  	v31 =	vmul.f32 v14, v10;
	v14 =	vadd.f32 v21, v17;
	v17 =	vmul.f32 v24, v20;
	v24 =	vld.idx.msk [tilespmem:v35+s26+$0x0], $0xffff  }
0x494: {  	v13 =	vmul.f32 $2.550000000e+02, v13;
	v15 =	vadd.f32 v15, v18;
	v18 =	vmul.f32 v28, v60;
	v16 =	vld [tilespmem:s11+$0xFFFFFFC0]  }
0x495: {  	v28 =	vmul.f32 v14, v9;
	v14 =	vadd.f32 v17, v22;
	v17 =	vmul.f32 v23, v20;
	v21 =	vld [tilespmem:s11+$0xFFFFFFD0]  }
0x496: {  	v23 =	vmax.f32 v13, $0.0e+00;
	v13 =	vmul.f32 v15, v5;
	v25 =	vmul.f32 v25, v61;
	v20 =	vld [tilespmem:s11+$0xFFFFFFE0]  }
0x497: {  	v32 =	vmul.f32 v14, v10;
	v17 =	vadd.f32 v17, v18;
	v18 =	vmul.f32 v26, v19;
	v22 =	vld [tilespmem:s11+$0xFFFFFFF0]  }
0x498: {  	v13 =	vmul.f32 $2.550000000e+02, v13;
	v26 =	vadd.f32 v28, v31;
	v27 =	vmul.f32 v27, v61;
	v14 =	vld [tilespmem:s11+$0x0]  }
0x499: {  	v17 =	vmul.f32 v17, v9;
	v18 =	vadd.f32 v18, v25;
	v19 =	vmul.f32 v24, v19;
	v15 =	vld [tilespmem:s11+$0x10]  }
0x49a: {  	v24 =	vmin.f32 v29, $2.550000000e+02;
	v25 =	vmax.f32 v13, $0.0e+00;
	v26 =	vmul.f32 v26, v5;
	v13 =	vld [tilespmem:s11+$0x20]  }
0x49b: {  	v17 =	vadd.f32 v17, v32;
	v18 =	vmul.f32 v18, v10;
	v19 =	vadd.f32 v19, v27  }
0x49c: {  	v23 =	vmin.f32 v23, $2.550000000e+02;
	v27 =	vmin.f32 v30, $2.550000000e+02;
	v26 =	vmul.f32 $2.550000000e+02, v26  }
0x49d: {  	v25 =	vmin.f32 v25, $2.550000000e+02;
	v17 =	vmul.f32 v17, v5;
	v19 =	vmul.f32 v19, v9  }
0x49e: {  	v24 =	vtrunc.f32 v24;
	v27 =	vtrunc.f32 v27;
	v26 =	vmax.f32 v26, $0.0e+00  }
0x49f: {  	v26 =	vmin.f32 v26, $2.550000000e+02;
	v17 =	vmul.f32 $2.550000000e+02, v17;
	v18 =	vadd.f32 v19, v18  }
0x4a0: {  	v28 =	vtrunc.f32 v23;
	v29 =	vtrunc.f32 v25  }
.Ltmp16:
0x4a1: {  	v26 =	vtrunc.f32 v26;
	v17 =	vmax.f32 v17, $0.0e+00;
	v18 =	vmul.f32 v18, v5;
	(pc) =	sbr.rel @p1 .LBB2_34-.Ltmp16, $4  }
0x4a2: {  	v23 =	vcvt.f32.s32 v27;
	v19 =	vcvt.f32.s32 v24;
	v17 =	vmin.f32 v17, $2.550000000e+02  }
0x4a3: {  	v17 =	vtrunc.f32 v17;
	v27 =	vmul.f32 $2.550000000e+02, v18  }
0x4a4: {  	v25 =	vcvt.f32.s32 v28;
	v24 =	vcvt.f32.s32 v29  }
0x4a5: {  	s28 =	sadd.s32 $0x80, s28;
	v18 =	vcvt.f32.s32 v26;
	v17 =	vcvt.f32.s32 v17;
	v26 =	vmax.f32 v27, $0.0e+00  }
0x4a6: {  	v9 =	vcvt.s32.f32 v19;
	v10 =	vcvt.s32.f32 v23  }
0x4a7: {  	v11 =	vmin.f32 v26, $2.550000000e+02;
	v12 =	vcvt.s32.f32 v25;
	v61 =	vcvt.s32.f32 v24  }
0x4a8: {  	v11 =	vtrunc.f32 v11;
	v9 =	vmul.f32 v9, v16  }
0x4a9: {  	v62 =	vcvt.s32.f32 v18;
	v10 =	vmul.f32 v10, v21  }
0x4aa: {  	s9 =	sadd.s32 $0x1, s9;
	v11 =	vcvt.f32.s32 v11;
	v12 =	vmul.f32 v12, v20;
	[tilespmem:s6+$0xFFFFFFC0] =	vst v9  }
0x4ab: {  	p1 =	sne.s32 s9, $0x10;
	v63 =	vmul.f32 v61, v22;
	v9 =	vcvt.s32.f32 v17;
	[tilespmem:s6+$0xFFFFFFD0] =	vst v10  }
.Ltmp17:
0x4ac: {  	v10 =	vcvt.s32.f32 v11;
	[tilespmem:s6+$0xFFFFFFE0] =	vst v12;
	v11 =	vmul.f32 v62, v14;
	(pc) =	sbr.rel @p1 .LBB2_33-.Ltmp17, $4  }
0x4ad: {  	[tilespmem:s6+$0xFFFFFFF0] =	vst v63;
	v9 =	vmul.f32 v9, v15  }
0x4ae: {  	[tilespmem:s12+$0x0] =	vst v11;
	v10 =	vmul.f32 v10, v13  }
0x4af: {  	[tilespmem:s12+$0x10] =	vst v9  }
0x4b0: {  	s10 =	sadd.s32 $0x200, s10;
	s4 =	sadd.s32 $0x200, s4;
	s25 =	sadd.s32 $0x200, s25;
	[tilespmem:s12+$0x20] =	vst v10  }
0x4b1: {  	_ =	swait.ge [sflag:s24], $0x2000  }
0x4b2: {  	s9 =	simm.s32 $0x0;
	[sflag:s24] =	ssyncset.done $0x0  }
0x4b3: {  	s3 =	simm.s32 $0x14F80;
	s28 =	simm.s32 $0xEF80;
	[sflag:s24] =	ssyncadd.s32 $0xFFFFE000  }
0x4b4: {  	[hbm4b:s18+s9] =	stream.linear.scatter [tilespmem:s3], [sflag:$0xD], $0x2000, $0x38;
	[tilespmem:$0x19380] =	vst v63  }
0x4b5: {  	s10 =	simm.s32 $0x10FC0;
	s11 =	simm.s32 $0x12FC0;
	s12 =	simm.s32 $0x16FC0  }
0x4b6: {  	[tilespmem:s28], [sflag:$0xA] =	stream.linear.gather [hbm4b:s19+s9], $0x2000, $0x38;
	[tilespmem:$0x19380] =	vst v63  }
.LBB2_37:
0x4b7: {  	v13 =	vld [tilespmem:s10+$0x30]  }
0x4b8: {  	v14 =	vld [tilespmem:s10+$0xFFFFFFD0]  }
0x4b9: {  	v15 =	vld [tilespmem:s10+$0xFFFFFFE0]  }
0x4ba: {  	v16 =	vld [tilespmem:s10+$0xFFFFFFF0]  }
0x4bb: {  	v18 =	vld [tilespmem:s10+$0x0]  }
0x4bc: {  	s3 =	sadd.s32 s17, s9;
	v19 =	vld [tilespmem:s10+$0x10]  }
0x4bd: {  	v20 =	vld [tilespmem:s10+$0x20];
	v9 =	vmov s3  }
0x4be: {  	v21 =	vld [tilespmem:s10+$0xFFFFFFC0];
	v9 =	vcvt.s32.f32 v9  }
0x4bf: {  	s14 =	simm.s32 $0x18FC0  }
0x4c0: {  	v17 =	vld [tilespmem:s14+$0x30];
	v9 =	vadd.f32 $5.000000000e-01, v9;
	v13 =	vmax.f32 v13, $0.0e+00;
	v14 =	vmax.f32 v14, $0.0e+00  }
0x4c1: {  	v22 =	vld [tilespmem:s14+$0xFFFFFFC0];
	v15 =	vmax.f32 v15, $0.0e+00;
	v16 =	vmax.f32 v16, $0.0e+00;
	v18 =	vmax.f32 v18, $0.0e+00  }
0x4c2: {  	v24 =	vld [tilespmem:s14+$0xFFFFFFD0];
	v19 =	vmax.f32 v19, $0.0e+00;
	v20 =	vmax.f32 v20, $0.0e+00;
	v9 =	vmul.f32 $1.562500000e-02, v9  }
0x4c3: {  	v25 =	vld [tilespmem:s14+$0xFFFFFFE0];
	v21 =	vmax.f32 v21, $0.0e+00;
	v13 =	vmin.f32 v13, $2.550000000e+02;
	v14 =	vmin.f32 v14, $2.550000000e+02  }
0x4c4: {  	v26 =	vld [tilespmem:s14+$0xFFFFFFF0];
	v15 =	vmin.f32 v15, $2.550000000e+02;
	v16 =	vmin.f32 v16, $2.550000000e+02;
	v9 =	vadd.f32 $-5.000000000e-01, v9  }
0x4c5: {  	s5 =	simm.s32 $0x191C0;
	v28 =	vld [tilespmem:s14+$0x0];
	v23 =	vand.u32 $0xFFFF, v17;
	v17 =	vshra.s32 v17, $0x10;
	v18 =	vmin.f32 v18, $2.550000000e+02  }
0x4c6: {  	v31 =	vld [tilespmem:s5+$0x30];
	v19 =	vmin.f32 v19, $2.550000000e+02;
	v21 =	vmin.f32 v21, $2.550000000e+02;
	v9 =	vbroadcast v9, $0x0  }
0x4c7: {  	v29 =	vld [tilespmem:s14+$0x10];
	v20 =	vmin.f32 v20, $2.550000000e+02;
	v30 =	vand.u32 $0xFFFF, v22;
	v22 =	vshra.s32 v22, $0x10  }
0x4c8: {  	v32 =	vand.u32 $0xFFFF, v24;
	v24 =	vshra.s32 v24, $0x10;
	v10 =	vadd.f32 $8.000000000e+00, v9  }
0x4c9: {  	v33 =	vand.u32 $0xFFFF, v25;
	v25 =	vshra.s32 v25, $0x10;
	v35 =	vand.u32 $0xFFFF, v26  }
0x4ca: {  	v26 =	vshra.s32 v26, $0x10;
	v36 =	vand.u32 $0xFFFF, v28;
	v10 =	vtrunc.f32 v10  }
0x4cb: {  	v28 =	vshra.s32 v28, $0x10;
	v37 =	vsub.f32 $1.000000000e+00, v31;
	v10 =	vcvt.f32.s32 v10  }
0x4cc: {  	v38 =	vand.u32 $0xFFFF, v29;
	v29 =	vshra.s32 v29, $0x10;
	v13 =	vtrunc.f32 v13  }
0x4cd: {  	v14 =	vtrunc.f32 v14;
	v21 =	vtrunc.f32 v21;
	v11 =	vadd.s32 $0xFFFFFFF8, v10  }
0x4ce: {  	v15 =	vtrunc.f32 v15;
	v16 =	vtrunc.f32 v16;
	vm0 =	vgt.s32 v11, $0x0  }
0x4cf: {  	v10 =	vadd.s32 $0xFFFFFFF9, v10;
	v12 =	vcvt.s32.f32 v11;
	v11 =	vnsel vm0, $0x0, v11  }
0x4d0: {  	v13 =	vcvt.f32.s32 v13;
	vm15 =	vgt.s32 v10, $0x0;
	v11 =	vmin.u32 v11, $0x7  }
0x4d1: {  	v9 =	vsub.f32 v9, v12;
	v12 =	vnsel vm15, $0x0, v10;
	v11 =	vadd.s32 v1, v11  }
0x4d2: {  	v23 =	vadd.s32 v13, v23;
	v12 =	vmin.u32 v12, $0x7;
	v11 =	vshll.u32 v11, $0xB  }
0x4d3: {  	v13 =	vadd.s32 v13, v17;
	v12 =	vadd.s32 v1, v12;
	v17 =	vadd.s32 v11, v23  }
0x4d4: {  	v34 =	vld [tilespmem:s14+$0x20];
	v18 =	vtrunc.f32 v18;
	v12 =	vshll.u32 v12, $0xB;
	v27 =	vadd.s32 v11, v13  }
0x4d5: {  	v59 =	vld [tilespmem:s5+$0xFFFFFFE0];
	v19 =	vtrunc.f32 v19;
	v14 =	vcvt.f32.s32 v14;
	v23 =	vadd.s32 v12, v23  }
0x4d6: {  	v62 =	vld [tilespmem:s5+$0xFFFFFFF0];
	v20 =	vtrunc.f32 v20;
	v15 =	vcvt.f32.s32 v15;
	v13 =	vadd.s32 v12, v13  }
0x4d7: {  	v63 =	vld [tilespmem:s5+$0x0];
	v21 =	vcvt.f32.s32 v21;
	v57 =	vadd.s32 v14, v32;
	v14 =	vadd.s32 v14, v24  }
0x4d8: {  	v19 =	vcvt.f32.s32 v19;
	v58 =	vadd.s32 v15, v33;
	v52 =	vadd.s32 v11, v14;
	v17 =	vld.idx.msk [tilespmem:v17+s26+$0x0], $0xffff  }
0x4d9: {  	v16 =	vcvt.f32.s32 v16;
	v18 =	vcvt.f32.s32 v18;
	v39 =	vadd.s32 v11, v58;
	v27 =	vld.idx.msk [tilespmem:v27+s26+$0x0], $0xffff  }
0x4da: {  	v15 =	vadd.s32 v15, v25;
	v60 =	vadd.s32 v19, v38;
	v14 =	vadd.s32 v12, v14;
	v23 =	vld.idx.msk [tilespmem:v23+s26+$0x0], $0xffff  }
0x4db: {  	v19 =	vadd.s32 v19, v29;
	v40 =	vadd.s32 v11, v15;
	v15 =	vadd.s32 v12, v15;
	v13 =	vld.idx.msk [tilespmem:v13+s26+$0x0], $0xffff  }
0x4dc: {  	v30 =	vadd.s32 v21, v30;
	v25 =	vld [tilespmem:s5+$0xFFFFFFD0];
	v47 =	vadd.s32 v11, v19;
	v19 =	vadd.s32 v12, v19  }
0x4dd: {  	v20 =	vcvt.f32.s32 v20;
	v21 =	vadd.s32 v21, v22;
	v61 =	vadd.s32 v11, v30;
	v38 =	vld.idx.msk [tilespmem:v52+s26+$0x0], $0xffff  }
0x4de: {  	v24 =	vshra.s32 v34, $0x10;
	v10 =	vsub.f32 $1.000000000e+00, v9;
	v50 =	vadd.s32 v11, v57;
	v39 =	vld.idx.msk [tilespmem:v39+s26+$0x0], $0xffff  }
0x4df: {  	v14 =	vld.idx.msk [tilespmem:v14+s26+$0x0], $0xffff;
	v17 =	vmul.f32 v17, v37;
	v22 =	vmul.f32 v27, v31;
	v27 =	vand.u32 $0xFFFF, v34  }
0x4e0: {  	v15 =	vld.idx.msk [tilespmem:v15+s26+$0x0], $0xffff;
	v23 =	vmul.f32 v23, v37;
	v13 =	vmul.f32 v13, v31;
	v27 =	vadd.s32 v20, v27  }
0x4e1: {  	v19 =	vld.idx.msk [tilespmem:v19+s26+$0x0], $0xffff;
	v20 =	vadd.s32 v20, v24;
	v24 =	vadd.s32 v12, v30;
	v31 =	vadd.s32 v12, v57  }
0x4e2: {  	v34 =	vld.idx.msk [tilespmem:v61+s26+$0x0], $0xffff;
	v17 =	vadd.f32 v22, v17;
	v13 =	vadd.f32 v13, v23;
	v23 =	vadd.s32 v16, v35  }
0x4e3: {  	v30 =	vld [tilespmem:s5+$0x10];
	v16 =	vadd.s32 v16, v26;
	v26 =	vadd.s32 v18, v36;
	v41 =	vadd.s32 v11, v23  }
0x4e4: {  	v22 =	vld [tilespmem:s5+$0xFFFFFFC0];
	v18 =	vadd.s32 v18, v28;
	v17 =	vmul.f32 v17, v10;
	v23 =	vadd.s32 v12, v23  }
0x4e5: {  	v36 =	vld.idx.msk [tilespmem:v50+s26+$0x0], $0xffff;
	v42 =	vadd.s32 v11, v16;
	v16 =	vadd.s32 v12, v16;
	v13 =	vmul.f32 v13, v9  }
0x4e6: {  	v45 =	vadd.s32 v11, v18;
	v18 =	vadd.s32 v12, v18;
	v24 =	vld.idx.msk [tilespmem:v24+s26+$0x0], $0xffff  }
0x4e7: {  	v31 =	vld.idx.msk [tilespmem:v31+s26+$0x0], $0xffff;
	v13 =	vadd.f32 v13, v17;
	v17 =	vadd.s32 v11, v21  }
0x4e8: {  	v53 =	vsub.f32 $1.000000000e+00, v62;
	v55 =	vsub.f32 $1.000000000e+00, v63;
	v21 =	vadd.s32 v12, v21;
	v56 =	vld.idx.msk [tilespmem:v41+s26+$0x0], $0xffff  }
0x4e9: {  	v46 =	vadd.s32 v11, v60;
	v52 =	vsub.f32 $1.000000000e+00, v59;
	v44 =	vadd.s32 v11, v26;
	v23 =	vld.idx.msk [tilespmem:v23+s26+$0x0], $0xffff  }
0x4ea: {  	v32 =	vadd.s32 v12, v58;
	v14 =	vmul.f32 v14, v25;
	v51 =	vmul.f32 v13, v5;
	v16 =	vld.idx.msk [tilespmem:v16+s26+$0x0], $0xffff  }
0x4eb: {  	v57 =	vmul.f32 v39, v52;
	v15 =	vmul.f32 v15, v59;
	v50 =	vsub.f32 $1.000000000e+00, v22;
	v18 =	vld.idx.msk [tilespmem:v18+s26+$0x0], $0xffff  }
0x4ec: {  	v48 =	vadd.s32 v11, v27;
	v37 =	vmul.f32 $2.550000000e+02, v51;
	v51 =	vsub.f32 $1.000000000e+00, v25;
	v17 =	vld.idx.msk [tilespmem:v17+s26+$0x0], $0xffff  }
0x4ed: {  	v49 =	vadd.s32 v11, v20;
	v19 =	vmul.f32 v19, v30;
	v34 =	vmul.f32 v34, v50;
	v21 =	vld.idx.msk [tilespmem:v21+s26+$0x0], $0xffff  }
0x4ee: {  	v28 =	vadd.s32 v12, v60;
	v58 =	vld.idx.msk [tilespmem:v44+s26+$0x0], $0xffff;
	v24 =	vmul.f32 v24, v50;
	v54 =	vmul.f32 v36, v51  }
0x4ef: {  	v60 =	vld.idx.msk [tilespmem:v45+s26+$0x0], $0xffff;
	v37 =	vmax.f32 v37, $0.0e+00;
	v31 =	vmul.f32 v31, v51;
	v61 =	vmul.f32 v56, v53  }
0x4f0: {  	v37 =	vmin.f32 v37, $2.550000000e+02;
	v23 =	vmul.f32 v23, v53;
	v16 =	vmul.f32 v16, v62  }
0x4f1: {  	v27 =	vadd.s32 v12, v27;
	v18 =	vmul.f32 v18, v63;
	v37 =	vtrunc.f32 v37  }
0x4f2: {  	v32 =	vld.idx.msk [tilespmem:v32+s26+$0x0], $0xffff;
	v14 =	vadd.f32 v14, v31;
	v17 =	vmul.f32 v17, v22;
	v21 =	vmul.f32 v21, v22  }
0x4f3: {  	v31 =	vmul.f32 v58, v55;
	v37 =	vcvt.f32.s32 v37;
	v16 =	vadd.f32 v16, v23;
	v22 =	vld.idx.msk [tilespmem:v40+s26+$0x0], $0xffff  }
0x4f4: {  	v43 =	vld [tilespmem:s11+$0x30];
	v23 =	vmul.f32 v60, v63;
	v17 =	vadd.f32 v17, v34;
	v21 =	vadd.f32 v21, v24  }
0x4f5: {  	v26 =	vadd.s32 v12, v26;
	v14 =	vmul.f32 v14, v9;
	v24 =	vmul.f32 v38, v25;
	v25 =	vld.idx.msk [tilespmem:v42+s26+$0x0], $0xffff  }
0x4f6: {  	v20 =	vadd.s32 v12, v20;
	v17 =	vmul.f32 v17, v10;
	v21 =	vmul.f32 v21, v9  }
0x4f7: {  	v37 =	vcvt.s32.f32 v37;
	v16 =	vmul.f32 v16, v9;
	v24 =	vadd.f32 v24, v54  }
0x4f8: {  	v22 =	vmul.f32 v22, v59;
	v17 =	vadd.f32 v21, v17;
	v21 =	vmul.f32 v32, v52  }
0x4f9: {  	v13 =	vld [tilespmem:s5+$0x20];
	v23 =	vadd.f32 v23, v31;
	v37 =	vmul.f32 v37, v43;
	v24 =	vmul.f32 v24, v10  }
0x4fa: {  	v26 =	vld.idx.msk [tilespmem:v26+s26+$0x0], $0xffff;
	v22 =	vadd.f32 v22, v57;
	v15 =	vadd.f32 v15, v21;
	v21 =	vmul.f32 v25, v62  }
0x4fb: {  	v23 =	vmul.f32 v23, v10;
	v17 =	vmul.f32 v17, v5;
	v14 =	vadd.f32 v14, v24;
	v24 =	vld.idx.msk [tilespmem:v46+s26+$0x0], $0xffff  }
0x4fc: {  	v62 =	vld.idx.msk [tilespmem:v47+s26+$0x0], $0xffff;
	v22 =	vmul.f32 v22, v10;
	v15 =	vmul.f32 v15, v9;
	v21 =	vadd.f32 v21, v61  }
0x4fd: {  	v28 =	vld.idx.msk [tilespmem:v28+s26+$0x0], $0xffff;
	v59 =	vsub.f32 $1.000000000e+00, v30;
	v17 =	vmul.f32 $2.550000000e+02, v17;
	v14 =	vmul.f32 v14, v5  }
0x4fe: {  	v27 =	vld.idx.msk [tilespmem:v27+s26+$0x0], $0xffff;
	v25 =	vsub.f32 $1.000000000e+00, v13;
	v21 =	vmul.f32 v21, v10;
	v15 =	vadd.f32 v15, v22  }
0x4ff: {  	v63 =	vld.idx.msk [tilespmem:v49+s26+$0x0], $0xffff;
	v14 =	vmul.f32 $2.550000000e+02, v14;
	v22 =	vmul.f32 v26, v55;
	v17 =	vmax.f32 v17, $0.0e+00  }
0x500: {  	v20 =	vld.idx.msk [tilespmem:v20+s26+$0x0], $0xffff;
	v24 =	vmul.f32 v24, v59;
	v17 =	vmin.f32 v17, $2.550000000e+02;
	v15 =	vmul.f32 v15, v5  }
0x501: {  	v26 =	vld.idx.msk [tilespmem:v48+s26+$0x0], $0xffff;
	v18 =	vadd.f32 v18, v22;
	v22 =	vmul.f32 v62, v30;
	v16 =	vadd.f32 v16, v21  }
0x502: {  	v21 =	vmul.f32 v28, v59;
	v14 =	vmax.f32 v14, $0.0e+00;
	v17 =	vtrunc.f32 v17  }
0x503: {  	v14 =	vmin.f32 v14, $2.550000000e+02;
	v15 =	vmul.f32 $2.550000000e+02, v15;
	v18 =	vmul.f32 v18, v9  }
0x504: {  	v16 =	vmul.f32 v16, v5;
	v19 =	vadd.f32 v19, v21;
	v21 =	vmul.f32 v63, v13  }
0x505: {  	v22 =	vadd.f32 v22, v24;
	v13 =	vmul.f32 v20, v13;
	v14 =	vtrunc.f32 v14  }
0x506: {  	v24 =	vmul.f32 v26, v25;
	v18 =	vadd.f32 v18, v23;
	v23 =	vmul.f32 v27, v25  }
0x507: {  	v22 =	vmul.f32 v22, v10;
	v19 =	vmul.f32 v19, v9  }
0x508: {  	v16 =	vmul.f32 $2.550000000e+02, v16;
	v20 =	vadd.f32 v21, v24;
	v13 =	vadd.f32 v13, v23  }
0x509: {  	v15 =	vmax.f32 v15, $0.0e+00;
	v18 =	vmul.f32 v18, v5;
	v19 =	vadd.f32 v19, v22  }
0x50a: {  	v15 =	vmin.f32 v15, $2.550000000e+02;
	v20 =	vmul.f32 v20, v10;
	v13 =	vmul.f32 v13, v9  }
0x50b: {  	v16 =	vmax.f32 v16, $0.0e+00;
	v24 =	vtrunc.f32 v15;
	v19 =	vmul.f32 v19, v5  }
0x50c: {  	v21 =	vld [tilespmem:s11+$0xFFFFFFD0];
	v23 =	vcvt.f32.s32 v14;
	v18 =	vmul.f32 $2.550000000e+02, v18;
	v13 =	vadd.f32 v13, v20  }
0x50d: {  	v14 =	vld [tilespmem:s11+$0x0];
	v22 =	vmin.f32 v16, $2.550000000e+02;
	v25 =	vcvt.f32.s32 v24;
	v19 =	vmul.f32 $2.550000000e+02, v19  }
0x50e: {  	v16 =	vld [tilespmem:s11+$0xFFFFFFC0];
	v26 =	vtrunc.f32 v22;
	v18 =	vmax.f32 v18, $0.0e+00;
	v13 =	vmul.f32 v13, v5  }
0x50f: {  	v22 =	vld [tilespmem:s11+$0xFFFFFFF0];
	v24 =	vcvt.f32.s32 v26;
	v18 =	vmin.f32 v18, $2.550000000e+02;
	v15 =	vmax.f32 v19, $0.0e+00  }
0x510: {  	v20 =	vld [tilespmem:s11+$0xFFFFFFE0];
	v18 =	vtrunc.f32 v18;
	v15 =	vmin.f32 v15, $2.550000000e+02;
	v27 =	vmul.f32 $2.550000000e+02, v13  }
0x511: {  	s28 =	sadd.s32 $0x80, s10;
	s25 =	smov.u32 s12;
	v19 =	vcvt.f32.s32 v17;
	v17 =	vtrunc.f32 v15;
	v15 =	vld [tilespmem:s11+$0x10]  }
0x512: {  	s4 =	smov.u32 s11;
	s6 =	smov.u32 s12;
	s3 =	simm.s32 $0x0;
	[tilespmem:s12+$0x30] =	vst v37;
	v18 =	vcvt.f32.s32 v18;
	v13 =	vld [tilespmem:s11+$0x20];
	v17 =	vcvt.f32.s32 v17;
	v26 =	vmax.f32 v27, $0.0e+00  }
.LBB2_38:
0x513: {  	v27 =	vld [tilespmem:s28+$0x30];
	v19 =	vcvt.s32.f32 v19;
	v23 =	vcvt.s32.f32 v23;
	v26 =	vmin.f32 v26, $2.550000000e+02  }
0x514: {  	v25 =	vcvt.s32.f32 v25;
	v28 =	vld [tilespmem:s28+$0xFFFFFFD0];
	v26 =	vtrunc.f32 v26  }
0x515: {  	v24 =	vcvt.s32.f32 v24;
	v29 =	vld [tilespmem:s28+$0xFFFFFFE0];
	v26 =	vcvt.f32.s32 v26  }
0x516: {  	s3 =	sadd.s32 $0x8, s3;
	s14 =	sadd.s32 $0x80, s14;
	v18 =	vcvt.s32.f32 v18;
	v17 =	vcvt.s32.f32 v17;
	v30 =	vld [tilespmem:s28+$0xFFFFFFF0]  }
0x517: {  	p1 =	slt.u32 s3, $0x18;
	v19 =	vmul.f32 v19, v16;
	v31 =	vld [tilespmem:s14+$0x30];
	v16 =	vcvt.s32.f32 v26  }
0x518: {  	v21 =	vmul.f32 v23, v21;
	v20 =	vmul.f32 v25, v20;
	v26 =	vld [tilespmem:s28+$0x0];
	v27 =	vmax.f32 v27, $0.0e+00  }
0x519: {  	v23 =	vmax.f32 v28, $0.0e+00;
	v25 =	vld [tilespmem:s28+$0x10];
	v27 =	vmin.f32 v27, $2.550000000e+02;
	[tilespmem:s25+$0xFFFFFFC0] =	vst v19;
	v19 =	vmul.f32 v24, v22  }
0x51a: {  	v22 =	vmin.f32 v23, $2.550000000e+02;
	v23 =	vmax.f32 v29, $0.0e+00;
	v24 =	vld [tilespmem:s28+$0x20];
	v27 =	vtrunc.f32 v27;
	[tilespmem:s25+$0xFFFFFFD0] =	vst v21  }
0x51b: {  	v21 =	vld [tilespmem:s28+$0xFFFFFFC0];
	v23 =	vmin.f32 v23, $2.550000000e+02;
	v28 =	vmax.f32 v30, $0.0e+00;
	v27 =	vcvt.f32.s32 v27;
	[tilespmem:s25+$0xFFFFFFE0] =	vst v20  }
0x51c: {  	v22 =	vtrunc.f32 v22;
	v20 =	vld [tilespmem:s14+$0xFFFFFFC0];
	v28 =	vmin.f32 v28, $2.550000000e+02;
	v29 =	vand.u32 $0xFFFF, v31;
	[tilespmem:s25+$0xFFFFFFF0] =	vst v19  }
0x51d: {  	v30 =	vshra.s32 v31, $0x10;
	v19 =	vld [tilespmem:s14+$0xFFFFFFD0];
	v26 =	vmax.f32 v26, $0.0e+00;
	v29 =	vadd.s32 v27, v29  }
0x51e: {  	v27 =	vadd.s32 v27, v30;
	v31 =	vld [tilespmem:s14+$0xFFFFFFE0];
	v25 =	vmax.f32 v25, $0.0e+00;
	v30 =	vadd.s32 v11, v29  }
0x51f: {  	v26 =	vmin.f32 v26, $2.550000000e+02;
	v33 =	vadd.s32 v11, v27;
	v32 =	vld [tilespmem:s14+$0xFFFFFFF0];
	v24 =	vmax.f32 v24, $0.0e+00  }
0x520: {  	v29 =	vadd.s32 v12, v29;
	v25 =	vmin.f32 v25, $2.550000000e+02;
	v21 =	vmax.f32 v21, $0.0e+00;
	v34 =	vld [tilespmem:s14+$0x0]  }
0x521: {  	s5 =	sadd.s32 $0x80, s5;
	v27 =	vadd.s32 v12, v27;
	v24 =	vmin.f32 v24, $2.550000000e+02;
	v21 =	vmin.f32 v21, $2.550000000e+02;
	v35 =	vld [tilespmem:s14+$0x10]  }
0x522: {  	v23 =	vtrunc.f32 v23;
	v36 =	vand.u32 $0xFFFF, v20;
	v21 =	vtrunc.f32 v21;
	v37 =	vld [tilespmem:s5+$0x30]  }
0x523: {  	v28 =	vtrunc.f32 v28;
	v26 =	vtrunc.f32 v26;
	v20 =	vshra.s32 v20, $0x10;
	v30 =	vld.idx.msk [tilespmem:v30+s26+$0x0], $0xffff  }
0x524: {  	v25 =	vtrunc.f32 v25;
	v24 =	vtrunc.f32 v24;
	v38 =	vand.u32 $0xFFFF, v19;
	v33 =	vld.idx.msk [tilespmem:v33+s26+$0x0], $0xffff  }
0x525: {  	v39 =	vcvt.f32.s32 v22;
	v19 =	vshra.s32 v19, $0x10;
	v21 =	vcvt.f32.s32 v21;
	v29 =	vld.idx.msk [tilespmem:v29+s26+$0x0], $0xffff  }
0x526: {  	v40 =	vcvt.f32.s32 v23;
	v28 =	vcvt.f32.s32 v28;
	v41 =	vand.u32 $0xFFFF, v31;
	v27 =	vld.idx.msk [tilespmem:v27+s26+$0x0], $0xffff  }
0x527: {  	v26 =	vcvt.f32.s32 v26;
	v25 =	vcvt.f32.s32 v25;
	v31 =	vshra.s32 v31, $0x10;
	v42 =	vld [tilespmem:s14+$0x20]  }
0x528: {  	v45 =	vcvt.f32.s32 v24;
	v44 =	vand.u32 $0xFFFF, v32;
	v32 =	vshra.s32 v32, $0x10;
	v43 =	vld [tilespmem:s5+$0xFFFFFFC0]  }
0x529: {  	v46 =	vand.u32 $0xFFFF, v34;
	v34 =	vshra.s32 v34, $0x10;
	v47 =	vsub.f32 $1.000000000e+00, v37;
	v24 =	vld [tilespmem:s5+$0xFFFFFFD0]  }
0x52a: {  	v36 =	vadd.s32 v21, v36;
	v48 =	vand.u32 $0xFFFF, v35;
	v35 =	vshra.s32 v35, $0x10;
	v23 =	vld [tilespmem:s5+$0xFFFFFFE0]  }
0x52b: {  	v49 =	vadd.s32 v21, v20;
	v30 =	vmul.f32 v30, v47;
	v33 =	vmul.f32 v33, v37;
	v22 =	vld [tilespmem:s5+$0xFFFFFFF0]  }
0x52c: {  	v29 =	vmul.f32 v29, v47;
	v27 =	vmul.f32 v27, v37;
	v21 =	vld [tilespmem:s5+$0x0];
	v50 =	vand.u32 $0xFFFF, v42  }
0x52d: {  	v37 =	vadd.s32 v39, v38;
	v38 =	vadd.s32 v39, v19;
	v39 =	vshra.s32 v42, $0x10;
	v20 =	vld [tilespmem:s5+$0x10]  }
0x52e: {  	v41 =	vadd.s32 v40, v41;
	v30 =	vadd.f32 v33, v30;
	v27 =	vadd.f32 v27, v29;
	v19 =	vld [tilespmem:s5+$0x20]  }
0x52f: {  	v29 =	vadd.s32 v40, v31;
	v31 =	vadd.s32 v28, v44;
	v28 =	vadd.s32 v28, v32  }
0x530: {  	v32 =	vadd.s32 v26, v46;
	v30 =	vmul.f32 v30, v10;
	v27 =	vmul.f32 v27, v9  }
0x531: {  	v33 =	vadd.s32 v25, v48;
	v25 =	vadd.s32 v25, v35;
	v26 =	vadd.s32 v26, v34  }
0x532: {  	v34 =	vadd.s32 v45, v50;
	v35 =	vadd.s32 v45, v39;
	v27 =	vadd.f32 v27, v30  }
0x533: {  	v39 =	vadd.s32 v11, v49;
	v30 =	vadd.s32 v11, v36;
	v36 =	vadd.s32 v12, v36  }
0x534: {  	v42 =	vadd.s32 v11, v37;
	v40 =	vadd.s32 v12, v49;
	v27 =	vmul.f32 v27, v5  }
0x535: {  	v37 =	vadd.s32 v12, v37;
	v44 =	vadd.s32 v11, v38;
	v38 =	vadd.s32 v12, v38  }
0x536: {  	v45 =	vadd.s32 v11, v41;
	v46 =	vadd.s32 v11, v29;
	v27 =	vmul.f32 $2.550000000e+02, v27  }
0x537: {  	v41 =	vadd.s32 v12, v41;
	v29 =	vadd.s32 v12, v29;
	v47 =	vadd.s32 v11, v31  }
0x538: {  	v48 =	vadd.s32 v11, v28;
	v31 =	vadd.s32 v12, v31;
	v27 =	vmax.f32 v27, $0.0e+00;
	v30 =	vld.idx.msk [tilespmem:v30+s26+$0x0], $0xffff  }
0x539: {  	s4 =	sadd.s32 $0x80, s4;
	v28 =	vadd.s32 v12, v28;
	v49 =	vadd.s32 v11, v32;
	v27 =	vmin.f32 v27, $2.550000000e+02;
	v39 =	vld.idx.msk [tilespmem:v39+s26+$0x0], $0xffff  }
0x53a: {  	v50 =	vadd.s32 v11, v26;
	v32 =	vadd.s32 v12, v32;
	v27 =	vtrunc.f32 v27;
	v51 =	vld [tilespmem:s4+$0x30]  }
0x53b: {  	v52 =	vadd.s32 v11, v33;
	v26 =	vadd.s32 v12, v26;
	v27 =	vcvt.f32.s32 v27;
	v36 =	vld.idx.msk [tilespmem:v36+s26+$0x0], $0xffff  }
0x53c: {  	v53 =	vadd.s32 v11, v25;
	v33 =	vadd.s32 v12, v33;
	v25 =	vadd.s32 v12, v25;
	v40 =	vld.idx.msk [tilespmem:v40+s26+$0x0], $0xffff  }
0x53d: {  	v54 =	vadd.s32 v11, v34;
	v55 =	vadd.s32 v11, v35;
	v27 =	vcvt.s32.f32 v27;
	v42 =	vld.idx.msk [tilespmem:v42+s26+$0x0], $0xffff  }
0x53e: {  	v56 =	vsub.f32 $1.000000000e+00, v43;
	v34 =	vadd.s32 v12, v34;
	v35 =	vadd.s32 v12, v35;
	v44 =	vld.idx.msk [tilespmem:v44+s26+$0x0], $0xffff  }
0x53f: {  	v57 =	vsub.f32 $1.000000000e+00, v24;
	v58 =	vsub.f32 $1.000000000e+00, v23;
	v37 =	vld.idx.msk [tilespmem:v37+s26+$0x0], $0xffff;
	v27 =	vmul.f32 v27, v51  }
0x540: {  	s25 =	sadd.s32 $0x80, s25;
	v59 =	vsub.f32 $1.000000000e+00, v21;
	v30 =	vmul.f32 v30, v56;
	v51 =	vsub.f32 $1.000000000e+00, v22;
	v38 =	vld.idx.msk [tilespmem:v38+s26+$0x0], $0xffff  }
0x541: {  	v60 =	vsub.f32 $1.000000000e+00, v20;
	v61 =	vsub.f32 $1.000000000e+00, v19;
	v39 =	vmul.f32 v39, v43;
	v45 =	vld.idx.msk [tilespmem:v45+s26+$0x0], $0xffff;
	[tilespmem:s25+$0x30] =	vst v27  }
0x542: {  	v27 =	vmul.f32 v36, v56;
	v36 =	vmul.f32 v40, v43;
	v40 =	vld.idx.msk [tilespmem:v46+s26+$0x0], $0xffff  }
0x543: {  	v14 =	vmul.f32 v18, v14;
	v30 =	vadd.f32 v39, v30;
	v39 =	vmul.f32 v42, v57;
	v41 =	vld.idx.msk [tilespmem:v41+s26+$0x0], $0xffff  }
0x544: {  	v15 =	vmul.f32 v17, v15;
	v18 =	vadd.f32 v36, v27;
	v27 =	vmul.f32 v44, v24;
	v29 =	vld.idx.msk [tilespmem:v29+s26+$0x0], $0xffff  }
0x545: {  	v17 =	vmul.f32 v30, v10;
	v30 =	vmul.f32 v37, v57;
	v36 =	vld.idx.msk [tilespmem:v47+s26+$0x0], $0xffff;
	[tilespmem:s6+$0x0] =	vst v14  }
0x546: {  	v14 =	vmul.f32 v18, v9;
	v18 =	vadd.f32 v27, v39;
	v24 =	vmul.f32 v38, v24;
	v27 =	vld.idx.msk [tilespmem:v48+s26+$0x0], $0xffff  }
0x547: {  	v13 =	vmul.f32 v16, v13;
	v37 =	vmul.f32 v45, v58;
	v31 =	vld.idx.msk [tilespmem:v31+s26+$0x0], $0xffff;
	[tilespmem:s6+$0x10] =	vst v15  }
0x548: {  	v15 =	vmul.f32 v18, v10;
	v16 =	vadd.f32 v24, v30;
	v18 =	vmul.f32 v40, v23;
	v24 =	vld.idx.msk [tilespmem:v28+s26+$0x0], $0xffff  }
0x549: {  	v14 =	vadd.f32 v14, v17;
	v17 =	vmul.f32 v41, v58;
	v28 =	vld.idx.msk [tilespmem:v49+s26+$0x0], $0xffff;
	[tilespmem:s6+$0x20] =	vst v13;
	s6 =	smov.u32 s25  }
0x54a: {  	v13 =	vmul.f32 v16, v9;
	v16 =	vadd.f32 v18, v37;
	v18 =	vmul.f32 v29, v23;
	v23 =	vld.idx.msk [tilespmem:v50+s26+$0x0], $0xffff  }
0x54b: {  	v14 =	vmul.f32 v14, v5;
	v29 =	vmul.f32 v36, v51;
	v30 =	vld.idx.msk [tilespmem:v32+s26+$0x0], $0xffff  }
0x54c: {  	v16 =	vmul.f32 v16, v10;
	v17 =	vadd.f32 v18, v17;
	v18 =	vmul.f32 v27, v22;
	v26 =	vld.idx.msk [tilespmem:v26+s26+$0x0], $0xffff  }
0x54d: {  	v14 =	vmul.f32 $2.550000000e+02, v14;
	v13 =	vadd.f32 v13, v15;
	v15 =	vmul.f32 v31, v51;
	v27 =	vld.idx.msk [tilespmem:v52+s26+$0x0], $0xffff  }
0x54e: {  	v17 =	vmul.f32 v17, v9;
	v18 =	vadd.f32 v18, v29;
	v22 =	vmul.f32 v24, v22;
	v24 =	vld.idx.msk [tilespmem:v53+s26+$0x0], $0xffff  }
0x54f: {  	v29 =	vmax.f32 v14, $0.0e+00;
	v13 =	vmul.f32 v13, v5;
	v14 =	vmul.f32 v28, v59;
	v28 =	vld.idx.msk [tilespmem:v33+s26+$0x0], $0xffff  }
0x550: {  	v18 =	vmul.f32 v18, v10;
	v15 =	vadd.f32 v22, v15;
	v22 =	vmul.f32 v23, v21;
	v23 =	vld.idx.msk [tilespmem:v25+s26+$0x0], $0xffff  }
0x551: {  	v13 =	vmul.f32 $2.550000000e+02, v13;
	v16 =	vadd.f32 v17, v16;
	v17 =	vmul.f32 v30, v59;
	v25 =	vld.idx.msk [tilespmem:v54+s26+$0x0], $0xffff  }
0x552: {  	v15 =	vmul.f32 v15, v9;
	v14 =	vadd.f32 v22, v14;
	v21 =	vmul.f32 v26, v21;
	v26 =	vld.idx.msk [tilespmem:v55+s26+$0x0], $0xffff  }
0x553: {  	v30 =	vmax.f32 v13, $0.0e+00;
	v13 =	vmul.f32 v16, v5;
	v22 =	vmul.f32 v27, v60;
	v27 =	vld.idx.msk [tilespmem:v34+s26+$0x0], $0xffff  }
0x554: {  	v31 =	vmul.f32 v14, v10;
	v14 =	vadd.f32 v21, v17;
	v17 =	vmul.f32 v24, v20;
	v24 =	vld.idx.msk [tilespmem:v35+s26+$0x0], $0xffff  }
0x555: {  	v13 =	vmul.f32 $2.550000000e+02, v13;
	v15 =	vadd.f32 v15, v18;
	v18 =	vmul.f32 v28, v60;
	v16 =	vld [tilespmem:s4+$0xFFFFFFC0]  }
0x556: {  	v28 =	vmul.f32 v14, v9;
	v14 =	vadd.f32 v17, v22;
	v17 =	vmul.f32 v23, v20;
	v21 =	vld [tilespmem:s4+$0xFFFFFFD0]  }
0x557: {  	v23 =	vmax.f32 v13, $0.0e+00;
	v13 =	vmul.f32 v15, v5;
	v25 =	vmul.f32 v25, v61;
	v20 =	vld [tilespmem:s4+$0xFFFFFFE0]  }
0x558: {  	v32 =	vmul.f32 v14, v10;
	v17 =	vadd.f32 v17, v18;
	v18 =	vmul.f32 v26, v19;
	v22 =	vld [tilespmem:s4+$0xFFFFFFF0]  }
0x559: {  	v13 =	vmul.f32 $2.550000000e+02, v13;
	v26 =	vadd.f32 v28, v31;
	v27 =	vmul.f32 v27, v61;
	v14 =	vld [tilespmem:s4+$0x0]  }
0x55a: {  	v17 =	vmul.f32 v17, v9;
	v18 =	vadd.f32 v18, v25;
	v19 =	vmul.f32 v24, v19;
	v15 =	vld [tilespmem:s4+$0x10]  }
0x55b: {  	v24 =	vmin.f32 v29, $2.550000000e+02;
	v25 =	vmax.f32 v13, $0.0e+00;
	v26 =	vmul.f32 v26, v5;
	v13 =	vld [tilespmem:s4+$0x20]  }
0x55c: {  	v17 =	vadd.f32 v17, v32;
	v18 =	vmul.f32 v18, v10;
	v19 =	vadd.f32 v19, v27  }
0x55d: {  	v23 =	vmin.f32 v23, $2.550000000e+02;
	v27 =	vmin.f32 v30, $2.550000000e+02;
	v26 =	vmul.f32 $2.550000000e+02, v26  }
0x55e: {  	v25 =	vmin.f32 v25, $2.550000000e+02;
	v17 =	vmul.f32 v17, v5;
	v19 =	vmul.f32 v19, v9  }
0x55f: {  	v24 =	vtrunc.f32 v24;
	v27 =	vtrunc.f32 v27;
	v26 =	vmax.f32 v26, $0.0e+00  }
0x560: {  	v26 =	vmin.f32 v26, $2.550000000e+02;
	v17 =	vmul.f32 $2.550000000e+02, v17;
	v18 =	vadd.f32 v19, v18  }
0x561: {  	v28 =	vtrunc.f32 v23;
	v29 =	vtrunc.f32 v25  }
.Ltmp18:
0x562: {  	v26 =	vtrunc.f32 v26;
	v17 =	vmax.f32 v17, $0.0e+00;
	v18 =	vmul.f32 v18, v5;
	(pc) =	sbr.rel @p1 .LBB2_38-.Ltmp18, $4  }
0x563: {  	v23 =	vcvt.f32.s32 v27;
	v19 =	vcvt.f32.s32 v24;
	v17 =	vmin.f32 v17, $2.550000000e+02  }
0x564: {  	v17 =	vtrunc.f32 v17;
	v27 =	vmul.f32 $2.550000000e+02, v18  }
0x565: {  	v25 =	vcvt.f32.s32 v28;
	v24 =	vcvt.f32.s32 v29  }
0x566: {  	s28 =	sadd.s32 $0x80, s28;
	v18 =	vcvt.f32.s32 v26;
	v17 =	vcvt.f32.s32 v17;
	v26 =	vmax.f32 v27, $0.0e+00  }
0x567: {  	v9 =	vcvt.s32.f32 v19;
	v10 =	vcvt.s32.f32 v23  }
0x568: {  	v11 =	vmin.f32 v26, $2.550000000e+02;
	v12 =	vcvt.s32.f32 v25;
	v61 =	vcvt.s32.f32 v24  }
0x569: {  	v11 =	vtrunc.f32 v11;
	v9 =	vmul.f32 v9, v16  }
0x56a: {  	v62 =	vcvt.s32.f32 v18;
	v10 =	vmul.f32 v10, v21  }
0x56b: {  	s9 =	sadd.s32 $0x1, s9;
	v11 =	vcvt.f32.s32 v11;
	v12 =	vmul.f32 v12, v20;
	[tilespmem:s25+$0xFFFFFFC0] =	vst v9  }
0x56c: {  	p1 =	sne.s32 s9, $0x10;
	v63 =	vmul.f32 v61, v22;
	v9 =	vcvt.s32.f32 v17;
	[tilespmem:s25+$0xFFFFFFD0] =	vst v10  }
.Ltmp19:
0x56d: {  	v10 =	vcvt.s32.f32 v11;
	[tilespmem:s25+$0xFFFFFFE0] =	vst v12;
	v11 =	vmul.f32 v62, v14;
	(pc) =	sbr.rel @p1 .LBB2_37-.Ltmp19, $4  }
0x56e: {  	[tilespmem:s25+$0xFFFFFFF0] =	vst v63;
	v9 =	vmul.f32 v9, v15  }
0x56f: {  	[tilespmem:s6+$0x0] =	vst v11;
	v10 =	vmul.f32 v10, v13  }
0x570: {  	[tilespmem:s6+$0x10] =	vst v9  }
0x571: {  	s10 =	sadd.s32 $0x200, s10;
	s11 =	sadd.s32 $0x200, s11;
	s12 =	sadd.s32 $0x200, s12;
	[tilespmem:s6+$0x20] =	vst v10  }
0x572: {  	_ =	swait.ge [sflag:s0], $0x2000  }
0x573: {  	[sflag:s0] =	ssyncset.done $0x0  }
0x574: {  	s9 =	simm.s32 $0x0;
	s3 =	simm.s32 $0x16F80;
	[sflag:s0] =	ssyncadd.s32 $0xFFFFE000  }
0x575: {  	[hbm4b:s20+s9] =	stream.linear.scatter [tilespmem:s3], [sflag:$0xE], $0x2000, $0x38;
	[tilespmem:$0x19380] =	vst v63  }
0x576: {  	_ =	swait.ge [sflag:s1], $0x2000  }
0x577: {  	s10 =	simm.s32 $0xEFC0;
	[sflag:s1] =	ssyncset.done $0x0  }
0x578: {  	s11 =	simm.s32 $0x12FC0;
	s12 =	simm.s32 $0x14FC0;
	[sflag:s1] =	ssyncadd.s32 $0xFFFFE000  }
.LBB2_41:
0x579: {  	v13 =	vld [tilespmem:s10+$0x30]  }
0x57a: {  	v14 =	vld [tilespmem:s10+$0xFFFFFFD0]  }
0x57b: {  	v15 =	vld [tilespmem:s10+$0xFFFFFFE0]  }
0x57c: {  	v16 =	vld [tilespmem:s10+$0xFFFFFFF0]  }
0x57d: {  	v18 =	vld [tilespmem:s10+$0x0]  }
0x57e: {  	s3 =	sadd.s32 s17, s9;
	v19 =	vld [tilespmem:s10+$0x10]  }
0x57f: {  	v20 =	vld [tilespmem:s10+$0x20];
	v9 =	vmov s3  }
0x580: {  	v21 =	vld [tilespmem:s10+$0xFFFFFFC0];
	v9 =	vcvt.s32.f32 v9  }
0x581: {  	s14 =	simm.s32 $0x18FC0  }
0x582: {  	v17 =	vld [tilespmem:s14+$0x30];
	v9 =	vadd.f32 $5.000000000e-01, v9;
	v13 =	vmax.f32 v13, $0.0e+00;
	v14 =	vmax.f32 v14, $0.0e+00  }
0x583: {  	v22 =	vld [tilespmem:s14+$0xFFFFFFC0];
	v15 =	vmax.f32 v15, $0.0e+00;
	v16 =	vmax.f32 v16, $0.0e+00;
	v18 =	vmax.f32 v18, $0.0e+00  }
0x584: {  	v24 =	vld [tilespmem:s14+$0xFFFFFFD0];
	v19 =	vmax.f32 v19, $0.0e+00;
	v20 =	vmax.f32 v20, $0.0e+00;
	v9 =	vmul.f32 $1.562500000e-02, v9  }
0x585: {  	v25 =	vld [tilespmem:s14+$0xFFFFFFE0];
	v21 =	vmax.f32 v21, $0.0e+00;
	v13 =	vmin.f32 v13, $2.550000000e+02;
	v14 =	vmin.f32 v14, $2.550000000e+02  }
0x586: {  	v26 =	vld [tilespmem:s14+$0xFFFFFFF0];
	v15 =	vmin.f32 v15, $2.550000000e+02;
	v16 =	vmin.f32 v16, $2.550000000e+02;
	v9 =	vadd.f32 $-5.000000000e-01, v9  }
0x587: {  	s5 =	simm.s32 $0x191C0;
	v28 =	vld [tilespmem:s14+$0x0];
	v23 =	vand.u32 $0xFFFF, v17;
	v17 =	vshra.s32 v17, $0x10;
	v18 =	vmin.f32 v18, $2.550000000e+02  }
0x588: {  	v31 =	vld [tilespmem:s5+$0x30];
	v19 =	vmin.f32 v19, $2.550000000e+02;
	v21 =	vmin.f32 v21, $2.550000000e+02;
	v9 =	vbroadcast v9, $0x0  }
0x589: {  	v29 =	vld [tilespmem:s14+$0x10];
	v20 =	vmin.f32 v20, $2.550000000e+02;
	v30 =	vand.u32 $0xFFFF, v22;
	v22 =	vshra.s32 v22, $0x10  }
0x58a: {  	v32 =	vand.u32 $0xFFFF, v24;
	v24 =	vshra.s32 v24, $0x10;
	v10 =	vadd.f32 $8.000000000e+00, v9  }
0x58b: {  	v33 =	vand.u32 $0xFFFF, v25;
	v25 =	vshra.s32 v25, $0x10;
	v35 =	vand.u32 $0xFFFF, v26  }
0x58c: {  	v26 =	vshra.s32 v26, $0x10;
	v36 =	vand.u32 $0xFFFF, v28;
	v10 =	vtrunc.f32 v10  }
0x58d: {  	v28 =	vshra.s32 v28, $0x10;
	v37 =	vsub.f32 $1.000000000e+00, v31;
	v10 =	vcvt.f32.s32 v10  }
0x58e: {  	v38 =	vand.u32 $0xFFFF, v29;
	v29 =	vshra.s32 v29, $0x10;
	v13 =	vtrunc.f32 v13  }
0x58f: {  	v14 =	vtrunc.f32 v14;
	v21 =	vtrunc.f32 v21;
	v11 =	vadd.s32 $0xFFFFFFF8, v10  }
0x590: {  	v15 =	vtrunc.f32 v15;
	v16 =	vtrunc.f32 v16;
	vm0 =	vgt.s32 v11, $0x0  }
0x591: {  	v10 =	vadd.s32 $0xFFFFFFF9, v10;
	v12 =	vcvt.s32.f32 v11;
	v11 =	vnsel vm0, $0x0, v11  }
0x592: {  	v13 =	vcvt.f32.s32 v13;
	vm15 =	vgt.s32 v10, $0x0;
	v11 =	vmin.u32 v11, $0x7  }
0x593: {  	v9 =	vsub.f32 v9, v12;
	v12 =	vnsel vm15, $0x0, v10;
	v11 =	vadd.s32 v2, v11  }
0x594: {  	v23 =	vadd.s32 v13, v23;
	v12 =	vmin.u32 v12, $0x7;
	v11 =	vshll.u32 v11, $0xB  }
0x595: {  	v13 =	vadd.s32 v13, v17;
	v12 =	vadd.s32 v2, v12;
	v17 =	vadd.s32 v11, v23  }
0x596: {  	v34 =	vld [tilespmem:s14+$0x20];
	v18 =	vtrunc.f32 v18;
	v12 =	vshll.u32 v12, $0xB;
	v27 =	vadd.s32 v11, v13  }
0x597: {  	v59 =	vld [tilespmem:s5+$0xFFFFFFE0];
	v19 =	vtrunc.f32 v19;
	v14 =	vcvt.f32.s32 v14;
	v23 =	vadd.s32 v12, v23  }
0x598: {  	v62 =	vld [tilespmem:s5+$0xFFFFFFF0];
	v20 =	vtrunc.f32 v20;
	v15 =	vcvt.f32.s32 v15;
	v13 =	vadd.s32 v12, v13  }
0x599: {  	v63 =	vld [tilespmem:s5+$0x0];
	v21 =	vcvt.f32.s32 v21;
	v57 =	vadd.s32 v14, v32;
	v14 =	vadd.s32 v14, v24  }
0x59a: {  	v19 =	vcvt.f32.s32 v19;
	v58 =	vadd.s32 v15, v33;
	v52 =	vadd.s32 v11, v14;
	v17 =	vld.idx.msk [tilespmem:v17+s26+$0x0], $0xffff  }
0x59b: {  	v16 =	vcvt.f32.s32 v16;
	v18 =	vcvt.f32.s32 v18;
	v39 =	vadd.s32 v11, v58;
	v27 =	vld.idx.msk [tilespmem:v27+s26+$0x0], $0xffff  }
0x59c: {  	v15 =	vadd.s32 v15, v25;
	v60 =	vadd.s32 v19, v38;
	v14 =	vadd.s32 v12, v14;
	v23 =	vld.idx.msk [tilespmem:v23+s26+$0x0], $0xffff  }
0x59d: {  	v19 =	vadd.s32 v19, v29;
	v40 =	vadd.s32 v11, v15;
	v15 =	vadd.s32 v12, v15;
	v13 =	vld.idx.msk [tilespmem:v13+s26+$0x0], $0xffff  }
0x59e: {  	v30 =	vadd.s32 v21, v30;
	v25 =	vld [tilespmem:s5+$0xFFFFFFD0];
	v47 =	vadd.s32 v11, v19;
	v19 =	vadd.s32 v12, v19  }
0x59f: {  	v20 =	vcvt.f32.s32 v20;
	v21 =	vadd.s32 v21, v22;
	v61 =	vadd.s32 v11, v30;
	v38 =	vld.idx.msk [tilespmem:v52+s26+$0x0], $0xffff  }
0x5a0: {  	v24 =	vshra.s32 v34, $0x10;
	v10 =	vsub.f32 $1.000000000e+00, v9;
	v50 =	vadd.s32 v11, v57;
	v39 =	vld.idx.msk [tilespmem:v39+s26+$0x0], $0xffff  }
0x5a1: {  	v14 =	vld.idx.msk [tilespmem:v14+s26+$0x0], $0xffff;
	v17 =	vmul.f32 v17, v37;
	v22 =	vmul.f32 v27, v31;
	v27 =	vand.u32 $0xFFFF, v34  }
0x5a2: {  	v15 =	vld.idx.msk [tilespmem:v15+s26+$0x0], $0xffff;
	v23 =	vmul.f32 v23, v37;
	v13 =	vmul.f32 v13, v31;
	v27 =	vadd.s32 v20, v27  }
0x5a3: {  	v19 =	vld.idx.msk [tilespmem:v19+s26+$0x0], $0xffff;
	v20 =	vadd.s32 v20, v24;
	v24 =	vadd.s32 v12, v30;
	v31 =	vadd.s32 v12, v57  }
0x5a4: {  	v34 =	vld.idx.msk [tilespmem:v61+s26+$0x0], $0xffff;
	v17 =	vadd.f32 v22, v17;
	v13 =	vadd.f32 v13, v23;
	v23 =	vadd.s32 v16, v35  }
0x5a5: {  	v30 =	vld [tilespmem:s5+$0x10];
	v16 =	vadd.s32 v16, v26;
	v26 =	vadd.s32 v18, v36;
	v41 =	vadd.s32 v11, v23  }
0x5a6: {  	v22 =	vld [tilespmem:s5+$0xFFFFFFC0];
	v18 =	vadd.s32 v18, v28;
	v17 =	vmul.f32 v17, v10;
	v23 =	vadd.s32 v12, v23  }
0x5a7: {  	v36 =	vld.idx.msk [tilespmem:v50+s26+$0x0], $0xffff;
	v42 =	vadd.s32 v11, v16;
	v16 =	vadd.s32 v12, v16;
	v13 =	vmul.f32 v13, v9  }
0x5a8: {  	v45 =	vadd.s32 v11, v18;
	v18 =	vadd.s32 v12, v18;
	v24 =	vld.idx.msk [tilespmem:v24+s26+$0x0], $0xffff  }
0x5a9: {  	v31 =	vld.idx.msk [tilespmem:v31+s26+$0x0], $0xffff;
	v13 =	vadd.f32 v13, v17;
	v17 =	vadd.s32 v11, v21  }
0x5aa: {  	v53 =	vsub.f32 $1.000000000e+00, v62;
	v55 =	vsub.f32 $1.000000000e+00, v63;
	v21 =	vadd.s32 v12, v21;
	v56 =	vld.idx.msk [tilespmem:v41+s26+$0x0], $0xffff  }
0x5ab: {  	v46 =	vadd.s32 v11, v60;
	v52 =	vsub.f32 $1.000000000e+00, v59;
	v44 =	vadd.s32 v11, v26;
	v23 =	vld.idx.msk [tilespmem:v23+s26+$0x0], $0xffff  }
0x5ac: {  	v32 =	vadd.s32 v12, v58;
	v14 =	vmul.f32 v14, v25;
	v51 =	vmul.f32 v13, v5;
	v16 =	vld.idx.msk [tilespmem:v16+s26+$0x0], $0xffff  }
0x5ad: {  	v57 =	vmul.f32 v39, v52;
	v15 =	vmul.f32 v15, v59;
	v50 =	vsub.f32 $1.000000000e+00, v22;
	v18 =	vld.idx.msk [tilespmem:v18+s26+$0x0], $0xffff  }
0x5ae: {  	v48 =	vadd.s32 v11, v27;
	v37 =	vmul.f32 $2.550000000e+02, v51;
	v51 =	vsub.f32 $1.000000000e+00, v25;
	v17 =	vld.idx.msk [tilespmem:v17+s26+$0x0], $0xffff  }
0x5af: {  	v49 =	vadd.s32 v11, v20;
	v19 =	vmul.f32 v19, v30;
	v34 =	vmul.f32 v34, v50;
	v21 =	vld.idx.msk [tilespmem:v21+s26+$0x0], $0xffff  }
0x5b0: {  	v28 =	vadd.s32 v12, v60;
	v58 =	vld.idx.msk [tilespmem:v44+s26+$0x0], $0xffff;
	v24 =	vmul.f32 v24, v50;
	v54 =	vmul.f32 v36, v51  }
0x5b1: {  	v60 =	vld.idx.msk [tilespmem:v45+s26+$0x0], $0xffff;
	v37 =	vmax.f32 v37, $0.0e+00;
	v31 =	vmul.f32 v31, v51;
	v61 =	vmul.f32 v56, v53  }
0x5b2: {  	v37 =	vmin.f32 v37, $2.550000000e+02;
	v23 =	vmul.f32 v23, v53;
	v16 =	vmul.f32 v16, v62  }
0x5b3: {  	v27 =	vadd.s32 v12, v27;
	v18 =	vmul.f32 v18, v63;
	v37 =	vtrunc.f32 v37  }
0x5b4: {  	v32 =	vld.idx.msk [tilespmem:v32+s26+$0x0], $0xffff;
	v14 =	vadd.f32 v14, v31;
	v17 =	vmul.f32 v17, v22;
	v21 =	vmul.f32 v21, v22  }
0x5b5: {  	v31 =	vmul.f32 v58, v55;
	v37 =	vcvt.f32.s32 v37;
	v16 =	vadd.f32 v16, v23;
	v22 =	vld.idx.msk [tilespmem:v40+s26+$0x0], $0xffff  }
0x5b6: {  	v43 =	vld [tilespmem:s11+$0x30];
	v23 =	vmul.f32 v60, v63;
	v17 =	vadd.f32 v17, v34;
	v21 =	vadd.f32 v21, v24  }
0x5b7: {  	v26 =	vadd.s32 v12, v26;
	v14 =	vmul.f32 v14, v9;
	v24 =	vmul.f32 v38, v25;
	v25 =	vld.idx.msk [tilespmem:v42+s26+$0x0], $0xffff  }
0x5b8: {  	v20 =	vadd.s32 v12, v20;
	v17 =	vmul.f32 v17, v10;
	v21 =	vmul.f32 v21, v9  }
0x5b9: {  	v37 =	vcvt.s32.f32 v37;
	v16 =	vmul.f32 v16, v9;
	v24 =	vadd.f32 v24, v54  }
0x5ba: {  	v22 =	vmul.f32 v22, v59;
	v17 =	vadd.f32 v21, v17;
	v21 =	vmul.f32 v32, v52  }
0x5bb: {  	v13 =	vld [tilespmem:s5+$0x20];
	v23 =	vadd.f32 v23, v31;
	v37 =	vmul.f32 v37, v43;
	v24 =	vmul.f32 v24, v10  }
0x5bc: {  	v26 =	vld.idx.msk [tilespmem:v26+s26+$0x0], $0xffff;
	v22 =	vadd.f32 v22, v57;
	v15 =	vadd.f32 v15, v21;
	v21 =	vmul.f32 v25, v62  }
0x5bd: {  	v23 =	vmul.f32 v23, v10;
	v17 =	vmul.f32 v17, v5;
	v14 =	vadd.f32 v14, v24;
	v24 =	vld.idx.msk [tilespmem:v46+s26+$0x0], $0xffff  }
0x5be: {  	v62 =	vld.idx.msk [tilespmem:v47+s26+$0x0], $0xffff;
	v22 =	vmul.f32 v22, v10;
	v15 =	vmul.f32 v15, v9;
	v21 =	vadd.f32 v21, v61  }
0x5bf: {  	v28 =	vld.idx.msk [tilespmem:v28+s26+$0x0], $0xffff;
	v59 =	vsub.f32 $1.000000000e+00, v30;
	v17 =	vmul.f32 $2.550000000e+02, v17;
	v14 =	vmul.f32 v14, v5  }
0x5c0: {  	v27 =	vld.idx.msk [tilespmem:v27+s26+$0x0], $0xffff;
	v25 =	vsub.f32 $1.000000000e+00, v13;
	v21 =	vmul.f32 v21, v10;
	v15 =	vadd.f32 v15, v22  }
0x5c1: {  	v63 =	vld.idx.msk [tilespmem:v49+s26+$0x0], $0xffff;
	v14 =	vmul.f32 $2.550000000e+02, v14;
	v22 =	vmul.f32 v26, v55;
	v17 =	vmax.f32 v17, $0.0e+00  }
0x5c2: {  	v20 =	vld.idx.msk [tilespmem:v20+s26+$0x0], $0xffff;
	v24 =	vmul.f32 v24, v59;
	v17 =	vmin.f32 v17, $2.550000000e+02;
	v15 =	vmul.f32 v15, v5  }
0x5c3: {  	v26 =	vld.idx.msk [tilespmem:v48+s26+$0x0], $0xffff;
	v18 =	vadd.f32 v18, v22;
	v22 =	vmul.f32 v62, v30;
	v16 =	vadd.f32 v16, v21  }
0x5c4: {  	v21 =	vmul.f32 v28, v59;
	v14 =	vmax.f32 v14, $0.0e+00;
	v17 =	vtrunc.f32 v17  }
0x5c5: {  	v14 =	vmin.f32 v14, $2.550000000e+02;
	v15 =	vmul.f32 $2.550000000e+02, v15;
	v18 =	vmul.f32 v18, v9  }
0x5c6: {  	v16 =	vmul.f32 v16, v5;
	v19 =	vadd.f32 v19, v21;
	v21 =	vmul.f32 v63, v13  }
0x5c7: {  	v22 =	vadd.f32 v22, v24;
	v13 =	vmul.f32 v20, v13;
	v14 =	vtrunc.f32 v14  }
0x5c8: {  	v24 =	vmul.f32 v26, v25;
	v18 =	vadd.f32 v18, v23;
	v23 =	vmul.f32 v27, v25  }
0x5c9: {  	v22 =	vmul.f32 v22, v10;
	v19 =	vmul.f32 v19, v9  }
0x5ca: {  	v16 =	vmul.f32 $2.550000000e+02, v16;
	v20 =	vadd.f32 v21, v24;
	v13 =	vadd.f32 v13, v23  }
0x5cb: {  	v15 =	vmax.f32 v15, $0.0e+00;
	v18 =	vmul.f32 v18, v5;
	v19 =	vadd.f32 v19, v22  }
0x5cc: {  	v15 =	vmin.f32 v15, $2.550000000e+02;
	v20 =	vmul.f32 v20, v10;
	v13 =	vmul.f32 v13, v9  }
0x5cd: {  	v16 =	vmax.f32 v16, $0.0e+00;
	v24 =	vtrunc.f32 v15;
	v19 =	vmul.f32 v19, v5  }
0x5ce: {  	v21 =	vld [tilespmem:s11+$0xFFFFFFD0];
	v23 =	vcvt.f32.s32 v14;
	v18 =	vmul.f32 $2.550000000e+02, v18;
	v13 =	vadd.f32 v13, v20  }
0x5cf: {  	v14 =	vld [tilespmem:s11+$0x0];
	v22 =	vmin.f32 v16, $2.550000000e+02;
	v25 =	vcvt.f32.s32 v24;
	v19 =	vmul.f32 $2.550000000e+02, v19  }
0x5d0: {  	v16 =	vld [tilespmem:s11+$0xFFFFFFC0];
	v26 =	vtrunc.f32 v22;
	v18 =	vmax.f32 v18, $0.0e+00;
	v13 =	vmul.f32 v13, v5  }
0x5d1: {  	v22 =	vld [tilespmem:s11+$0xFFFFFFF0];
	v24 =	vcvt.f32.s32 v26;
	v18 =	vmin.f32 v18, $2.550000000e+02;
	v15 =	vmax.f32 v19, $0.0e+00  }
0x5d2: {  	v20 =	vld [tilespmem:s11+$0xFFFFFFE0];
	v18 =	vtrunc.f32 v18;
	v15 =	vmin.f32 v15, $2.550000000e+02;
	v27 =	vmul.f32 $2.550000000e+02, v13  }
0x5d3: {  	s28 =	sadd.s32 $0x80, s10;
	s25 =	smov.u32 s12;
	v19 =	vcvt.f32.s32 v17;
	v17 =	vtrunc.f32 v15;
	v15 =	vld [tilespmem:s11+$0x10]  }
0x5d4: {  	s4 =	smov.u32 s11;
	s6 =	smov.u32 s12;
	s3 =	simm.s32 $0x0;
	[tilespmem:s12+$0x30] =	vst v37;
	v18 =	vcvt.f32.s32 v18;
	v13 =	vld [tilespmem:s11+$0x20];
	v17 =	vcvt.f32.s32 v17;
	v26 =	vmax.f32 v27, $0.0e+00  }
.LBB2_42:
0x5d5: {  	v27 =	vld [tilespmem:s28+$0x30];
	v19 =	vcvt.s32.f32 v19;
	v23 =	vcvt.s32.f32 v23;
	v26 =	vmin.f32 v26, $2.550000000e+02  }
0x5d6: {  	v25 =	vcvt.s32.f32 v25;
	v28 =	vld [tilespmem:s28+$0xFFFFFFD0];
	v26 =	vtrunc.f32 v26  }
0x5d7: {  	v24 =	vcvt.s32.f32 v24;
	v29 =	vld [tilespmem:s28+$0xFFFFFFE0];
	v26 =	vcvt.f32.s32 v26  }
0x5d8: {  	s3 =	sadd.s32 $0x8, s3;
	s14 =	sadd.s32 $0x80, s14;
	v18 =	vcvt.s32.f32 v18;
	v17 =	vcvt.s32.f32 v17;
	v30 =	vld [tilespmem:s28+$0xFFFFFFF0]  }
0x5d9: {  	p1 =	slt.u32 s3, $0x18;
	v19 =	vmul.f32 v19, v16;
	v31 =	vld [tilespmem:s14+$0x30];
	v16 =	vcvt.s32.f32 v26  }
0x5da: {  	v21 =	vmul.f32 v23, v21;
	v20 =	vmul.f32 v25, v20;
	v26 =	vld [tilespmem:s28+$0x0];
	v27 =	vmax.f32 v27, $0.0e+00  }
0x5db: {  	v23 =	vmax.f32 v28, $0.0e+00;
	v25 =	vld [tilespmem:s28+$0x10];
	v27 =	vmin.f32 v27, $2.550000000e+02;
	[tilespmem:s25+$0xFFFFFFC0] =	vst v19;
	v19 =	vmul.f32 v24, v22  }
0x5dc: {  	v22 =	vmin.f32 v23, $2.550000000e+02;
	v23 =	vmax.f32 v29, $0.0e+00;
	v24 =	vld [tilespmem:s28+$0x20];
	v27 =	vtrunc.f32 v27;
	[tilespmem:s25+$0xFFFFFFD0] =	vst v21  }
0x5dd: {  	v21 =	vld [tilespmem:s28+$0xFFFFFFC0];
	v23 =	vmin.f32 v23, $2.550000000e+02;
	v28 =	vmax.f32 v30, $0.0e+00;
	v27 =	vcvt.f32.s32 v27;
	[tilespmem:s25+$0xFFFFFFE0] =	vst v20  }
0x5de: {  	v22 =	vtrunc.f32 v22;
	v20 =	vld [tilespmem:s14+$0xFFFFFFC0];
	v28 =	vmin.f32 v28, $2.550000000e+02;
	v29 =	vand.u32 $0xFFFF, v31;
	[tilespmem:s25+$0xFFFFFFF0] =	vst v19  }
0x5df: {  	v30 =	vshra.s32 v31, $0x10;
	v19 =	vld [tilespmem:s14+$0xFFFFFFD0];
	v26 =	vmax.f32 v26, $0.0e+00;
	v29 =	vadd.s32 v27, v29  }
0x5e0: {  	v27 =	vadd.s32 v27, v30;
	v31 =	vld [tilespmem:s14+$0xFFFFFFE0];
	v25 =	vmax.f32 v25, $0.0e+00;
	v30 =	vadd.s32 v11, v29  }
0x5e1: {  	v26 =	vmin.f32 v26, $2.550000000e+02;
	v33 =	vadd.s32 v11, v27;
	v32 =	vld [tilespmem:s14+$0xFFFFFFF0];
	v24 =	vmax.f32 v24, $0.0e+00  }
0x5e2: {  	v29 =	vadd.s32 v12, v29;
	v25 =	vmin.f32 v25, $2.550000000e+02;
	v21 =	vmax.f32 v21, $0.0e+00;
	v34 =	vld [tilespmem:s14+$0x0]  }
0x5e3: {  	s5 =	sadd.s32 $0x80, s5;
	v27 =	vadd.s32 v12, v27;
	v24 =	vmin.f32 v24, $2.550000000e+02;
	v21 =	vmin.f32 v21, $2.550000000e+02;
	v35 =	vld [tilespmem:s14+$0x10]  }
0x5e4: {  	v23 =	vtrunc.f32 v23;
	v36 =	vand.u32 $0xFFFF, v20;
	v21 =	vtrunc.f32 v21;
	v37 =	vld [tilespmem:s5+$0x30]  }
0x5e5: {  	v28 =	vtrunc.f32 v28;
	v26 =	vtrunc.f32 v26;
	v20 =	vshra.s32 v20, $0x10;
	v30 =	vld.idx.msk [tilespmem:v30+s26+$0x0], $0xffff  }
0x5e6: {  	v25 =	vtrunc.f32 v25;
	v24 =	vtrunc.f32 v24;
	v38 =	vand.u32 $0xFFFF, v19;
	v33 =	vld.idx.msk [tilespmem:v33+s26+$0x0], $0xffff  }
0x5e7: {  	v39 =	vcvt.f32.s32 v22;
	v19 =	vshra.s32 v19, $0x10;
	v21 =	vcvt.f32.s32 v21;
	v29 =	vld.idx.msk [tilespmem:v29+s26+$0x0], $0xffff  }
0x5e8: {  	v40 =	vcvt.f32.s32 v23;
	v28 =	vcvt.f32.s32 v28;
	v41 =	vand.u32 $0xFFFF, v31;
	v27 =	vld.idx.msk [tilespmem:v27+s26+$0x0], $0xffff  }
0x5e9: {  	v26 =	vcvt.f32.s32 v26;
	v25 =	vcvt.f32.s32 v25;
	v31 =	vshra.s32 v31, $0x10;
	v42 =	vld [tilespmem:s14+$0x20]  }
0x5ea: {  	v45 =	vcvt.f32.s32 v24;
	v44 =	vand.u32 $0xFFFF, v32;
	v32 =	vshra.s32 v32, $0x10;
	v43 =	vld [tilespmem:s5+$0xFFFFFFC0]  }
0x5eb: {  	v46 =	vand.u32 $0xFFFF, v34;
	v34 =	vshra.s32 v34, $0x10;
	v47 =	vsub.f32 $1.000000000e+00, v37;
	v24 =	vld [tilespmem:s5+$0xFFFFFFD0]  }
0x5ec: {  	v36 =	vadd.s32 v21, v36;
	v48 =	vand.u32 $0xFFFF, v35;
	v35 =	vshra.s32 v35, $0x10;
	v23 =	vld [tilespmem:s5+$0xFFFFFFE0]  }
0x5ed: {  	v49 =	vadd.s32 v21, v20;
	v30 =	vmul.f32 v30, v47;
	v33 =	vmul.f32 v33, v37;
	v22 =	vld [tilespmem:s5+$0xFFFFFFF0]  }
0x5ee: {  	v29 =	vmul.f32 v29, v47;
	v27 =	vmul.f32 v27, v37;
	v21 =	vld [tilespmem:s5+$0x0];
	v50 =	vand.u32 $0xFFFF, v42  }
0x5ef: {  	v37 =	vadd.s32 v39, v38;
	v38 =	vadd.s32 v39, v19;
	v39 =	vshra.s32 v42, $0x10;
	v20 =	vld [tilespmem:s5+$0x10]  }
0x5f0: {  	v41 =	vadd.s32 v40, v41;
	v30 =	vadd.f32 v33, v30;
	v27 =	vadd.f32 v27, v29;
	v19 =	vld [tilespmem:s5+$0x20]  }
0x5f1: {  	v29 =	vadd.s32 v40, v31;
	v31 =	vadd.s32 v28, v44;
	v28 =	vadd.s32 v28, v32  }
0x5f2: {  	v32 =	vadd.s32 v26, v46;
	v30 =	vmul.f32 v30, v10;
	v27 =	vmul.f32 v27, v9  }
0x5f3: {  	v33 =	vadd.s32 v25, v48;
	v25 =	vadd.s32 v25, v35;
	v26 =	vadd.s32 v26, v34  }
0x5f4: {  	v34 =	vadd.s32 v45, v50;
	v35 =	vadd.s32 v45, v39;
	v27 =	vadd.f32 v27, v30  }
0x5f5: {  	v39 =	vadd.s32 v11, v49;
	v30 =	vadd.s32 v11, v36;
	v36 =	vadd.s32 v12, v36  }
0x5f6: {  	v42 =	vadd.s32 v11, v37;
	v40 =	vadd.s32 v12, v49;
	v27 =	vmul.f32 v27, v5  }
0x5f7: {  	v37 =	vadd.s32 v12, v37;
	v44 =	vadd.s32 v11, v38;
	v38 =	vadd.s32 v12, v38  }
0x5f8: {  	v45 =	vadd.s32 v11, v41;
	v46 =	vadd.s32 v11, v29;
	v27 =	vmul.f32 $2.550000000e+02, v27  }
0x5f9: {  	v41 =	vadd.s32 v12, v41;
	v29 =	vadd.s32 v12, v29;
	v47 =	vadd.s32 v11, v31  }
0x5fa: {  	v48 =	vadd.s32 v11, v28;
	v31 =	vadd.s32 v12, v31;
	v27 =	vmax.f32 v27, $0.0e+00;
	v30 =	vld.idx.msk [tilespmem:v30+s26+$0x0], $0xffff  }
0x5fb: {  	s4 =	sadd.s32 $0x80, s4;
	v28 =	vadd.s32 v12, v28;
	v49 =	vadd.s32 v11, v32;
	v27 =	vmin.f32 v27, $2.550000000e+02;
	v39 =	vld.idx.msk [tilespmem:v39+s26+$0x0], $0xffff  }
0x5fc: {  	v50 =	vadd.s32 v11, v26;
	v32 =	vadd.s32 v12, v32;
	v27 =	vtrunc.f32 v27;
	v51 =	vld [tilespmem:s4+$0x30]  }
0x5fd: {  	v52 =	vadd.s32 v11, v33;
	v26 =	vadd.s32 v12, v26;
	v27 =	vcvt.f32.s32 v27;
	v36 =	vld.idx.msk [tilespmem:v36+s26+$0x0], $0xffff  }
0x5fe: {  	v53 =	vadd.s32 v11, v25;
	v33 =	vadd.s32 v12, v33;
	v25 =	vadd.s32 v12, v25;
	v40 =	vld.idx.msk [tilespmem:v40+s26+$0x0], $0xffff  }
0x5ff: {  	v54 =	vadd.s32 v11, v34;
	v55 =	vadd.s32 v11, v35;
	v27 =	vcvt.s32.f32 v27;
	v42 =	vld.idx.msk [tilespmem:v42+s26+$0x0], $0xffff  }
0x600: {  	v56 =	vsub.f32 $1.000000000e+00, v43;
	v34 =	vadd.s32 v12, v34;
	v35 =	vadd.s32 v12, v35;
	v44 =	vld.idx.msk [tilespmem:v44+s26+$0x0], $0xffff  }
0x601: {  	v57 =	vsub.f32 $1.000000000e+00, v24;
	v58 =	vsub.f32 $1.000000000e+00, v23;
	v37 =	vld.idx.msk [tilespmem:v37+s26+$0x0], $0xffff;
	v27 =	vmul.f32 v27, v51  }
0x602: {  	s25 =	sadd.s32 $0x80, s25;
	v59 =	vsub.f32 $1.000000000e+00, v21;
	v30 =	vmul.f32 v30, v56;
	v51 =	vsub.f32 $1.000000000e+00, v22;
	v38 =	vld.idx.msk [tilespmem:v38+s26+$0x0], $0xffff  }
0x603: {  	v60 =	vsub.f32 $1.000000000e+00, v20;
	v61 =	vsub.f32 $1.000000000e+00, v19;
	v39 =	vmul.f32 v39, v43;
	v45 =	vld.idx.msk [tilespmem:v45+s26+$0x0], $0xffff;
	[tilespmem:s25+$0x30] =	vst v27  }
0x604: {  	v27 =	vmul.f32 v36, v56;
	v36 =	vmul.f32 v40, v43;
	v40 =	vld.idx.msk [tilespmem:v46+s26+$0x0], $0xffff  }
0x605: {  	v14 =	vmul.f32 v18, v14;
	v30 =	vadd.f32 v39, v30;
	v39 =	vmul.f32 v42, v57;
	v41 =	vld.idx.msk [tilespmem:v41+s26+$0x0], $0xffff  }
0x606: {  	v15 =	vmul.f32 v17, v15;
	v18 =	vadd.f32 v36, v27;
	v27 =	vmul.f32 v44, v24;
	v29 =	vld.idx.msk [tilespmem:v29+s26+$0x0], $0xffff  }
0x607: {  	v17 =	vmul.f32 v30, v10;
	v30 =	vmul.f32 v37, v57;
	v36 =	vld.idx.msk [tilespmem:v47+s26+$0x0], $0xffff;
	[tilespmem:s6+$0x0] =	vst v14  }
0x608: {  	v14 =	vmul.f32 v18, v9;
	v18 =	vadd.f32 v27, v39;
	v24 =	vmul.f32 v38, v24;
	v27 =	vld.idx.msk [tilespmem:v48+s26+$0x0], $0xffff  }
0x609: {  	v13 =	vmul.f32 v16, v13;
	v37 =	vmul.f32 v45, v58;
	v31 =	vld.idx.msk [tilespmem:v31+s26+$0x0], $0xffff;
	[tilespmem:s6+$0x10] =	vst v15  }
0x60a: {  	v15 =	vmul.f32 v18, v10;
	v16 =	vadd.f32 v24, v30;
	v18 =	vmul.f32 v40, v23;
	v24 =	vld.idx.msk [tilespmem:v28+s26+$0x0], $0xffff  }
0x60b: {  	v14 =	vadd.f32 v14, v17;
	v17 =	vmul.f32 v41, v58;
	v28 =	vld.idx.msk [tilespmem:v49+s26+$0x0], $0xffff;
	[tilespmem:s6+$0x20] =	vst v13;
	s6 =	smov.u32 s25  }
0x60c: {  	v13 =	vmul.f32 v16, v9;
	v16 =	vadd.f32 v18, v37;
	v18 =	vmul.f32 v29, v23;
	v23 =	vld.idx.msk [tilespmem:v50+s26+$0x0], $0xffff  }
0x60d: {  	v14 =	vmul.f32 v14, v5;
	v29 =	vmul.f32 v36, v51;
	v30 =	vld.idx.msk [tilespmem:v32+s26+$0x0], $0xffff  }
0x60e: {  	v16 =	vmul.f32 v16, v10;
	v17 =	vadd.f32 v18, v17;
	v18 =	vmul.f32 v27, v22;
	v26 =	vld.idx.msk [tilespmem:v26+s26+$0x0], $0xffff  }
0x60f: {  	v14 =	vmul.f32 $2.550000000e+02, v14;
	v13 =	vadd.f32 v13, v15;
	v15 =	vmul.f32 v31, v51;
	v27 =	vld.idx.msk [tilespmem:v52+s26+$0x0], $0xffff  }
0x610: {  	v17 =	vmul.f32 v17, v9;
	v18 =	vadd.f32 v18, v29;
	v22 =	vmul.f32 v24, v22;
	v24 =	vld.idx.msk [tilespmem:v53+s26+$0x0], $0xffff  }
0x611: {  	v29 =	vmax.f32 v14, $0.0e+00;
	v13 =	vmul.f32 v13, v5;
	v14 =	vmul.f32 v28, v59;
	v28 =	vld.idx.msk [tilespmem:v33+s26+$0x0], $0xffff  }
0x612: {  	v18 =	vmul.f32 v18, v10;
	v15 =	vadd.f32 v22, v15;
	v22 =	vmul.f32 v23, v21;
	v23 =	vld.idx.msk [tilespmem:v25+s26+$0x0], $0xffff  }
0x613: {  	v13 =	vmul.f32 $2.550000000e+02, v13;
	v16 =	vadd.f32 v17, v16;
	v17 =	vmul.f32 v30, v59;
	v25 =	vld.idx.msk [tilespmem:v54+s26+$0x0], $0xffff  }
0x614: {  	v15 =	vmul.f32 v15, v9;
	v14 =	vadd.f32 v22, v14;
	v21 =	vmul.f32 v26, v21;
	v26 =	vld.idx.msk [tilespmem:v55+s26+$0x0], $0xffff  }
0x615: {  	v30 =	vmax.f32 v13, $0.0e+00;
	v13 =	vmul.f32 v16, v5;
	v22 =	vmul.f32 v27, v60;
	v27 =	vld.idx.msk [tilespmem:v34+s26+$0x0], $0xffff  }
0x616: {  	v31 =	vmul.f32 v14, v10;
	v14 =	vadd.f32 v21, v17;
	v17 =	vmul.f32 v24, v20;
	v24 =	vld.idx.msk [tilespmem:v35+s26+$0x0], $0xffff  }
0x617: {  	v13 =	vmul.f32 $2.550000000e+02, v13;
	v15 =	vadd.f32 v15, v18;
	v18 =	vmul.f32 v28, v60;
	v16 =	vld [tilespmem:s4+$0xFFFFFFC0]  }
0x618: {  	v28 =	vmul.f32 v14, v9;
	v14 =	vadd.f32 v17, v22;
	v17 =	vmul.f32 v23, v20;
	v21 =	vld [tilespmem:s4+$0xFFFFFFD0]  }
0x619: {  	v23 =	vmax.f32 v13, $0.0e+00;
	v13 =	vmul.f32 v15, v5;
	v25 =	vmul.f32 v25, v61;
	v20 =	vld [tilespmem:s4+$0xFFFFFFE0]  }
0x61a: {  	v32 =	vmul.f32 v14, v10;
	v17 =	vadd.f32 v17, v18;
	v18 =	vmul.f32 v26, v19;
	v22 =	vld [tilespmem:s4+$0xFFFFFFF0]  }
0x61b: {  	v13 =	vmul.f32 $2.550000000e+02, v13;
	v26 =	vadd.f32 v28, v31;
	v27 =	vmul.f32 v27, v61;
	v14 =	vld [tilespmem:s4+$0x0]  }
0x61c: {  	v17 =	vmul.f32 v17, v9;
	v18 =	vadd.f32 v18, v25;
	v19 =	vmul.f32 v24, v19;
	v15 =	vld [tilespmem:s4+$0x10]  }
0x61d: {  	v24 =	vmin.f32 v29, $2.550000000e+02;
	v25 =	vmax.f32 v13, $0.0e+00;
	v26 =	vmul.f32 v26, v5;
	v13 =	vld [tilespmem:s4+$0x20]  }
0x61e: {  	v17 =	vadd.f32 v17, v32;
	v18 =	vmul.f32 v18, v10;
	v19 =	vadd.f32 v19, v27  }
0x61f: {  	v23 =	vmin.f32 v23, $2.550000000e+02;
	v27 =	vmin.f32 v30, $2.550000000e+02;
	v26 =	vmul.f32 $2.550000000e+02, v26  }
0x620: {  	v25 =	vmin.f32 v25, $2.550000000e+02;
	v17 =	vmul.f32 v17, v5;
	v19 =	vmul.f32 v19, v9  }
0x621: {  	v24 =	vtrunc.f32 v24;
	v27 =	vtrunc.f32 v27;
	v26 =	vmax.f32 v26, $0.0e+00  }
0x622: {  	v26 =	vmin.f32 v26, $2.550000000e+02;
	v17 =	vmul.f32 $2.550000000e+02, v17;
	v18 =	vadd.f32 v19, v18  }
0x623: {  	v28 =	vtrunc.f32 v23;
	v29 =	vtrunc.f32 v25  }
.Ltmp20:
0x624: {  	v26 =	vtrunc.f32 v26;
	v17 =	vmax.f32 v17, $0.0e+00;
	v18 =	vmul.f32 v18, v5;
	(pc) =	sbr.rel @p1 .LBB2_42-.Ltmp20, $4  }
0x625: {  	v23 =	vcvt.f32.s32 v27;
	v19 =	vcvt.f32.s32 v24;
	v17 =	vmin.f32 v17, $2.550000000e+02  }
0x626: {  	v17 =	vtrunc.f32 v17;
	v27 =	vmul.f32 $2.550000000e+02, v18  }
0x627: {  	v25 =	vcvt.f32.s32 v28;
	v24 =	vcvt.f32.s32 v29  }
0x628: {  	s28 =	sadd.s32 $0x80, s28;
	v18 =	vcvt.f32.s32 v26;
	v17 =	vcvt.f32.s32 v17;
	v26 =	vmax.f32 v27, $0.0e+00  }
0x629: {  	v9 =	vcvt.s32.f32 v19;
	v10 =	vcvt.s32.f32 v23  }
0x62a: {  	v11 =	vmin.f32 v26, $2.550000000e+02;
	v12 =	vcvt.s32.f32 v25;
	v61 =	vcvt.s32.f32 v24  }
0x62b: {  	v11 =	vtrunc.f32 v11;
	v9 =	vmul.f32 v9, v16  }
0x62c: {  	v62 =	vcvt.s32.f32 v18;
	v10 =	vmul.f32 v10, v21  }
0x62d: {  	s9 =	sadd.s32 $0x1, s9;
	v11 =	vcvt.f32.s32 v11;
	v12 =	vmul.f32 v12, v20;
	[tilespmem:s25+$0xFFFFFFC0] =	vst v9  }
0x62e: {  	p1 =	sne.s32 s9, $0x10;
	v63 =	vmul.f32 v61, v22;
	v9 =	vcvt.s32.f32 v17;
	[tilespmem:s25+$0xFFFFFFD0] =	vst v10  }
.Ltmp21:
0x62f: {  	v10 =	vcvt.s32.f32 v11;
	[tilespmem:s25+$0xFFFFFFE0] =	vst v12;
	v11 =	vmul.f32 v62, v14;
	(pc) =	sbr.rel @p1 .LBB2_41-.Ltmp21, $4  }
0x630: {  	[tilespmem:s25+$0xFFFFFFF0] =	vst v63;
	v9 =	vmul.f32 v9, v15  }
0x631: {  	[tilespmem:s6+$0x0] =	vst v11;
	v10 =	vmul.f32 v10, v13  }
0x632: {  	[tilespmem:s6+$0x10] =	vst v9  }
0x633: {  	s10 =	sadd.s32 $0x200, s10;
	s11 =	sadd.s32 $0x200, s11;
	s12 =	sadd.s32 $0x200, s12;
	[tilespmem:s6+$0x20] =	vst v10  }
0x634: {  	s3 =	simm.s32 $0x14F80;
	s8 =	sadd.s32 $0x1, s8  }
0x635: {  	[hbm4b:s21+s2] =	stream.linear.scatter [tilespmem:s3], [sflag:$0xD], $0x2000, $0x38;
	[tilespmem:$0x19380] =	vst v63  }
0x636: {  	p1 =	sne.s32 s8, s22;
	_ =	swait.ge [sflag:s29], $0x2000  }
.Ltmp22:
0x637: {  	[sflag:s29] =	ssyncset.done $0x0;
	(pc) =	sbr.rel @p1 .LBB2_1-.Ltmp22, $4  }
.Ltmp23:
0x638: {  	[sflag:s29] =	ssyncadd.s32 $0xFFFFE000;
	(pc) =	sbr.rel @!p1 .LBB2_45-.Ltmp23, $4  }
0x639: {  	_ =	swait.ge [sflag:s1], $0x2000  }
0x63a: {  	[sflag:s1] =	ssyncset.done $0x0  }
0x63b: {  	[sflag:s1] =	ssyncadd.s32 $0xFFFFE000  }
0x63c: {  	_ = 	snop  }
.LBB2_21:
.Ltmp24:
0x63d: {  	(pc) =	sbr.rel .LBB2_25-.Ltmp24, $2  }
0x63e: {  	_ =	sdelay $0x2  }
0x63f: {  	s4 =	simm.s32 $0x9020  }
.LBB2_23:
.Ltmp25:
0x640: {  	(pc) =	sbr.rel .LBB2_25-.Ltmp25, $2  }
0x641: {  	_ =	sdelay $0x2  }
0x642: {  	s4 =	simm.s32 $0x9020  }
.LBB2_45:
0x643: {  	_ =	sfence.sel $0x180000  }
0x644: {  	[bflag:$0x0] =	sbarrier.arrive $0xFFFF  }
0x645: {  	_ =	strace $0x90000047  }
0x646: {  	s0 =	stileid.u32;
	[bflag:$0x2] =	sbarrier.arrive $0xFFFF  }
0x647: {  	p0 =	sne.s32 s0, $0x0;
	s0 =	rddreg [dreg:$0x4]  }
0x648: {  	s0 =	sadd.s32 @!p0 $0x100000, s0  }
0x649: {  	[sflag:s0] =	ssyncadd.tile.s32 @!p0 $0x1;
	_ =	shalt  }
.Lfunc_end2:
_tile_overlayer_lowered:
.L_overlay_start_2:
0x64a: {  	(tag) =	ssettag $0x2  }
0x64b: {  	s0 =	rddreg [dreg:$0x0];
	s2 =	stileid.u32  }
0x64c: {  	s1 =	rddreg [dreg:$0x1];
	p0 =	sne.s32 s2, $0x0  }
0x64d: {  	s3 =	rddreg [dreg:$0x2];
	[bflag:$0x3] =	sbarrier.arrive $0xFFFF;
	s2 =	simm.s32 @!p0 $0x1C0F  }
0x64e: {  	[timem:s3], [sflag:s2] =	dma.local @!p0 [hbm:s0], s1  }
0x64f: {  	s0 =	simm.s32 @!p0 $0xF  }
0x650: {  	_ =	swait.ge @!p0 [sflag:s0], s1  }
0x651: {  	s1 =	ssub.s32 @!p0 $0x0, s1;
	[sflag:s0] =	ssyncset.done @!p0 $0x0  }
0x652: {  	[sflag:s0] =	ssyncadd.s32 @!p0 s1  }
0x653: {  	[bflag:$0x3] =	sbarrier.arrive $0xFFFF  }
0x654: {  	_ =	shalt  }

</sc_bundles>
